<compile_context>
chip_gen: v7x
topology: tpu7x:2x2x1
jax: 0.10.2.dev20260603
libtpu: 0.0.44.dev20260713+nightly
codegen_flags: <defaults>
</compile_context>

<pallas_src>
import jax
import jax.numpy as jnp
from jax import lax
from jax.experimental import pallas as pl
from jax.experimental.pallas import tpu as pltpu
from jax.experimental.pallas import tpu_sc as plsc

N_NODES = 10000
N_EDGES = 320000
D_IN = 128
D_HID = 32
W1 = 40
W2 = 32
COFF = 64

NC, NS = 2, 16
NW = NC * NS
CH = 128
NCHUNK = N_EDGES // CH
TPW = NCHUNK // NW
NEXTRA = NCHUNK - TPW * NW
NBUF = 13
NP = 10240
RPS = NP // NS
BM = 5000



def _proj_body(x_ref, wl_ref, wr_ref, c_ref, b_ref, p_ref, r_ref):
    x = x_ref[...]
    p_ref[...] = jnp.dot(x, wl_ref[...], preferred_element_type=jnp.float32) + c_ref[...]
    r_ref[...] = jnp.dot(x, wr_ref[...], preferred_element_type=jnp.float32) + b_ref[...]


def _proj(x, wl_aug, wr, c_aug, b):
    n, d = x.shape
    h = wr.shape[1]
    return pl.pallas_call(
        _proj_body,
        grid=(n // BM,),
        in_specs=[
            pl.BlockSpec((BM, d), lambda i: (i, 0)),
            pl.BlockSpec((d, W1), lambda i: (0, 0)),
            pl.BlockSpec((d, h), lambda i: (0, 0)),
            pl.BlockSpec((1, W1), lambda i: (0, 0)),
            pl.BlockSpec((1, h), lambda i: (0, 0)),
        ],
        out_specs=[
            pl.BlockSpec((BM, W1), lambda i: (i, 0)),
            pl.BlockSpec((BM, h), lambda i: (i, 0)),
        ],
        out_shape=[
            jax.ShapeDtypeStruct((n, W1), jnp.float32),
            jax.ShapeDtypeStruct((n, h), jnp.float32),
        ],
    )(x, wl_aug, wr, c_aug, b.reshape(1, h))


def _mid_body(agg_ref, r1_ref, wl_ref, wr_ref, b_ref, p_ref, rc_ref):
    a = agg_ref[:, :W1] + agg_ref[:, COFF:COFF + W1]
    cnt = jnp.maximum(a[:, D_HID:D_HID + 1], 1.0)
    h1 = jnp.maximum(a[:, :D_HID] / cnt + r1_ref[...], 0.0)
    p_ref[...] = jnp.dot(h1, wl_ref[...], preferred_element_type=jnp.float32)
    zr = jnp.dot(h1, wr_ref[...], preferred_element_type=jnp.float32) + b_ref[...]
    lane = lax.broadcasted_iota(jnp.int32, zr.shape, 1)
    rc_ref[...] = jnp.where(lane == D_HID, cnt, zr)


def _mid(agg, r1, wr_aug, b_aug, wl):
    n, h = r1.shape
    return pl.pallas_call(
        _mid_body,
        grid=(n // BM,),
        in_specs=[
            pl.BlockSpec((BM, 128), lambda i: (i, 0)),
            pl.BlockSpec((BM, h), lambda i: (i, 0)),
            pl.BlockSpec((h, h), lambda i: (0, 0)),
            pl.BlockSpec((h, W1), lambda i: (0, 0)),
            pl.BlockSpec((1, W1), lambda i: (0, 0)),
        ],
        out_specs=[
            pl.BlockSpec((BM, h), lambda i: (i, 0)),
            pl.BlockSpec((BM, W1), lambda i: (i, 0)),
        ],
        out_shape=[
            jax.ShapeDtypeStruct((n, h), jnp.float32),
            jax.ShapeDtypeStruct((n, W1), jnp.float32),
        ],
    )(agg, r1, wl, wr_aug, b_aug)


def _fin_body(agg_ref, rc_ref, wlin_ref, blin_ref, o_ref):
    a = agg_ref[:, :W2] + agg_ref[:, COFF:COFF + W2]
    h2 = a / rc_ref[:, D_HID:D_HID + 1] + rc_ref[:, :D_HID]
    z = jnp.dot(h2, wlin_ref[...], preferred_element_type=jnp.float32) + blin_ref[...]
    o_ref[...] = jax.nn.sigmoid(z)


def _fin(agg, rc2, wlin, blin):
    n = rc2.shape[0]
    h = D_HID
    return pl.pallas_call(
        _fin_body,
        grid=(n // BM,),
        in_specs=[
            pl.BlockSpec((BM, 128), lambda i: (i, 0)),
            pl.BlockSpec((BM, W1), lambda i: (i, 0)),
            pl.BlockSpec((h, 1), lambda i: (0, 0)),
            pl.BlockSpec((1, 1), lambda i: (0, 0)),
        ],
        out_specs=pl.BlockSpec((BM, 1), lambda i: (i, 0)),
        out_shape=jax.ShapeDtypeStruct((n, 1), jnp.float32),
    )(agg, rc2, wlin, blin.reshape(1, 1))



def _make_sc_pass(width):
    out_type = jax.ShapeDtypeStruct((NP, 128), jnp.float32)
    scratch = [
        pltpu.VMEM((TPW, CH), jnp.int32),
        pltpu.VMEM((TPW, CH), jnp.int32),
        pltpu.VMEM((1, CH), jnp.int32),
        pltpu.VMEM((1, CH), jnp.int32),
        pltpu.VMEM((NBUF, CH, width), jnp.float32),
        pltpu.VMEM_SHARED((NP, width), jnp.float32),
    ] + [pltpu.SemaphoreType.DMA] * (2 * NBUF)
    mesh = plsc.VectorSubcoreMesh(core_axis_name="c", subcore_axis_name="s")

    def body(p_hbm, ei_hbm, z_hbm, agg_out,
             sbuf, dbuf, sext, dext, rows, acc, *sems):
        gsem = sems[:NBUF]
        ssem = sems[NBUF:]
        cid = lax.axis_index("c")
        sid = lax.axis_index("s")
        wid = sid * NC + cid
        base = sid * RPS

        def g_start(t, b):
            pltpu.async_copy(p_hbm.at[sbuf.at[t]], rows.at[b], gsem[b])

        def g_wait(b):
            pltpu.make_async_copy(p_hbm.at[sbuf.at[0]], rows.at[b], gsem[b]).wait()

        def s_start(t, b):
            pltpu.async_copy(rows.at[b], acc.at[dbuf.at[t]], ssem[b], add=True)

        def s_wait(b):
            pltpu.make_async_copy(rows.at[b], acc.at[dbuf.at[0]], ssem[b]).wait()

        pltpu.sync_copy(z_hbm.at[pl.ds(base, RPS)], acc.at[pl.ds(base, RPS)])
        pltpu.sync_copy(ei_hbm.at[0, pl.ds(wid * TPW, TPW)], sbuf)
        pltpu.sync_copy(ei_hbm.at[1, pl.ds(wid * TPW, TPW)], dbuf)

        @pl.when(wid < NEXTRA)
        def _():
            pltpu.sync_copy(ei_hbm.at[0, pl.ds(NW * TPW + wid, 1)], sext)
            pltpu.sync_copy(ei_hbm.at[1, pl.ds(NW * TPW + wid, 1)], dext)

        plsc.subcore_barrier()

        for b in range(NBUF):
            g_start(b, b)

        nfull = TPW // NBUF

        def round_(u, carry):
            for b in range(NBUF):
                g_wait(b)
                s_start(u * NBUF + b, b)
            for b in range(NBUF):
                s_wait(b)
                t2 = (u + 1) * NBUF + b

                @pl.when(t2 < TPW)
                def _():
                    g_start(t2, b)

            return carry

        lax.fori_loop(0, nfull, round_, 0)

        for b in range(TPW - nfull * NBUF):
            g_wait(b)
            s_start(nfull * NBUF + b, b)
            s_wait(b)

        @pl.when(wid < NEXTRA)
        def _():
            pltpu.async_copy(p_hbm.at[sext.at[0]], rows.at[0], gsem[0])
            g_wait(0)
            pltpu.async_copy(rows.at[0], acc.at[dext.at[0]], ssem[0], add=True)
            s_wait(0)

        plsc.subcore_barrier()

        pltpu.sync_copy(acc.at[pl.ds(base, RPS)],
                        agg_out.at[pl.ds(base, RPS), pl.ds(cid * COFF, width)])

    return pl.kernel(body, out_type=out_type, mesh=mesh, scratch_types=scratch,
                     compiler_params=pltpu.CompilerParams(use_tc_tiling_on_sc=False))


_sc_pass40 = _make_sc_pass(W1)
_sc_pass32 = _make_sc_pass(W2)



def kernel(x, edge_index, W1l, W1r, b1, W2l, W2r, b2, Wlin, blin):
    ei3 = edge_index.astype(jnp.int32).reshape(2, NCHUNK, CH)
    wl_aug = jnp.pad(W1l, ((0, 0), (0, W1 - D_HID)))
    c_aug = jnp.zeros((1, W1), jnp.float32).at[0, D_HID].set(1.0)
    z40 = jnp.zeros((NP, W1), jnp.float32)
    z32 = jnp.zeros((NP, W2), jnp.float32)

    w2r_aug = jnp.pad(W2r, ((0, 0), (0, W1 - D_HID)))
    b2_aug = jnp.pad(b2, (0, W1 - D_HID)).reshape(1, W1)

    p1, r1 = _proj(x, wl_aug, W1r, c_aug, b1)
    agg1 = _sc_pass40(p1, ei3, z40)
    p2, rc2 = _mid(agg1, r1, w2r_aug, b2_aug, W2l)
    agg2 = _sc_pass32(p2, ei3, z32)
    outp = _fin(agg2, rc2, Wlin, blin)
    return {"product_order": outp}

# --- scband reference (transcript-rebuilt; emitter-appended) ---
"""Pipeline reference for scband-gnn-77335181132165 (READ-ONLY COPY).

The authoritative reference and input builder live on the scoring server;
editing this copy changes nothing except your own understanding.
"""

import jax, jax.numpy as jnp
import numpy as np

N_NODES = 10000
N_EDGES = 320000
D_IN = 128
D_HID = 32
D_OUT = 1


def setup_inputs(seed: int = 0) -> dict:
    key = jax.random.key(seed)
    ks = [jax.random.fold_in(key, i) for i in range(12)]
    x = jax.random.normal(ks[0], (N_NODES, D_IN), dtype=jnp.float32)
    edge_index = jax.random.randint(ks[1], (2, N_EDGES), 0, N_NODES, dtype=jnp.int64)
    s1 = 1.0 / np.sqrt(D_IN)
    s2 = 1.0 / np.sqrt(D_HID)
    W1l = jax.random.uniform(ks[2], (D_IN, D_HID), jnp.float32, -s1, s1)
    W1r = jax.random.uniform(ks[3], (D_IN, D_HID), jnp.float32, -s1, s1)
    b1 = jax.random.uniform(ks[4], (D_HID,), jnp.float32, -s1, s1)
    W2l = jax.random.uniform(ks[5], (D_HID, D_HID), jnp.float32, -s2, s2)
    W2r = jax.random.uniform(ks[6], (D_HID, D_HID), jnp.float32, -s2, s2)
    b2 = jax.random.uniform(ks[7], (D_HID,), jnp.float32, -s2, s2)
    Wlin = jax.random.uniform(ks[8], (D_HID, D_OUT), jnp.float32, -s2, s2)
    blin = jax.random.uniform(ks[9], (D_OUT,), jnp.float32, -s2, s2)
    return {"x": x, "edge_index": edge_index, "W1l": W1l, "W1r": W1r, "b1": b1,
            "W2l": W2l, "W2r": W2r, "b2": b2, "Wlin": Wlin, "blin": blin}


def _sage_conv(x, src, dst, Wl, Wr, b, num_nodes):
    # PyG SAGEConv: mean-aggregate neighbor features, then lin_l(agg) + lin_r(root)
    msgs = jnp.take(x, src, axis=0)                      # gather [E, d]
    agg = jax.ops.segment_sum(msgs, dst, num_segments=num_nodes)
    cnt = jax.ops.segment_sum(jnp.ones((src.shape[0], 1), dtype=x.dtype), dst,
                              num_segments=num_nodes)
    mean = agg / jnp.maximum(cnt, 1.0)
    return mean @ Wl + b + x @ Wr


def reference(x, edge_index, W1l, W1r, b1, W2l, W2r, b2, Wlin, blin):
    src = edge_index[0]
    dst = edge_index[1]
    n = x.shape[0]
    h = _sage_conv(x, src, dst, W1l, W1r, b1, n)
    h = jax.nn.relu(h)
    h = _sage_conv(h, src, dst, W2l, W2r, b2, n)
    out = jax.nn.sigmoid(h @ Wlin + blin)
    return {"product_order": out}

if __name__ == "__main__":
    import jax
    _d = setup_inputs()
    print(jax.jit(kernel)(*tuple(_d.values())))

</pallas_src>

<mosaic_0001>
#map = affine_map<(d0, d1) -> (0, 0)>
#map1 = affine_map<(d0, d1) -> (0, 0, 0)>
module attributes {stable_mosaic.version = 14 : i64} {
  func.func @body(%arg0: i32, %arg1: i32, %arg2: memref<10000x40xf32, #tpu.memory_space<hbm>>, %arg3: memref<2x2500x128xi32, #tpu.memory_space<hbm>>, %arg4: memref<10240x40xf32, #tpu.memory_space<hbm>>, %arg5: memref<10240x128xf32, #tpu.memory_space<hbm>>, %arg6: memref<78x128xi32, #tpu.memory_space<vmem>>, %arg7: memref<78x128xi32, #tpu.memory_space<vmem>>, %arg8: memref<1x128xi32, #tpu.memory_space<vmem>>, %arg9: memref<1x128xi32, #tpu.memory_space<vmem>>, %arg10: memref<13x128x40xf32, #tpu.memory_space<vmem>>, %arg11: memref<10240x40xf32, #tpu.memory_space<vmem_shared>>, %arg12: memref<!tpu.dma_semaphore, #tpu.memory_space<semaphore_mem>>, %arg13: memref<!tpu.dma_semaphore, #tpu.memory_space<semaphore_mem>>, %arg14: memref<!tpu.dma_semaphore, #tpu.memory_space<semaphore_mem>>, %arg15: memref<!tpu.dma_semaphore, #tpu.memory_space<semaphore_mem>>, %arg16: memref<!tpu.dma_semaphore, #tpu.memory_space<semaphore_mem>>, %arg17: memref<!tpu.dma_semaphore, #tpu.memory_space<semaphore_mem>>, %arg18: memref<!tpu.dma_semaphore, #tpu.memory_space<semaphore_mem>>, %arg19: memref<!tpu.dma_semaphore, #tpu.memory_space<semaphore_mem>>, %arg20: memref<!tpu.dma_semaphore, #tpu.memory_space<semaphore_mem>>, %arg21: memref<!tpu.dma_semaphore, #tpu.memory_space<semaphore_mem>>, %arg22: memref<!tpu.dma_semaphore, #tpu.memory_space<semaphore_mem>>, %arg23: memref<!tpu.dma_semaphore, #tpu.memory_space<semaphore_mem>>, %arg24: memref<!tpu.dma_semaphore, #tpu.memory_space<semaphore_mem>>, %arg25: memref<!tpu.dma_semaphore, #tpu.memory_space<semaphore_mem>>, %arg26: memref<!tpu.dma_semaphore, #tpu.memory_space<semaphore_mem>>, %arg27: memref<!tpu.dma_semaphore, #tpu.memory_space<semaphore_mem>>, %arg28: memref<!tpu.dma_semaphore, #tpu.memory_space<semaphore_mem>>, %arg29: memref<!tpu.dma_semaphore, #tpu.memory_space<semaphore_mem>>, %arg30: memref<!tpu.dma_semaphore, #tpu.memory_space<semaphore_mem>>, %arg31: memref<!tpu.dma_semaphore, #tpu.memory_space<semaphore_mem>>, %arg32: memref<!tpu.dma_semaphore, #tpu.memory_space<semaphore_mem>>, %arg33: memref<!tpu.dma_semaphore, #tpu.memory_space<semaphore_mem>>, %arg34: memref<!tpu.dma_semaphore, #tpu.memory_space<semaphore_mem>>, %arg35: memref<!tpu.dma_semaphore, #tpu.memory_space<semaphore_mem>>, %arg36: memref<!tpu.dma_semaphore, #tpu.memory_space<semaphore_mem>>, %arg37: memref<!tpu.dma_semaphore, #tpu.memory_space<semaphore_mem>>) attributes {dimension_semantics = [#tpu.dimension_semantics<core_parallel>, #tpu.dimension_semantics<subcore_parallel>], iteration_bounds = array<i64: 2, 16>, scalar_prefetch = 0 : i64, scratch_operands = 32 : i64, tpu.core_type = #tpu.core_type<sc_vector_subcore>, window_params = [{transform_indices = #map}, {transform_indices = #map1}, {transform_indices = #map}, {transform_indices = #map}]} {
    %mul3A = arith.constant 2 : i32
    %mul3A_0 = arith.muli %arg1, %mul3A : i32
    %add3A = arith.addi %mul3A_0, %arg0 : i32
    %mul3A_1 = arith.constant 640 : i32
    %mul3A_2 = arith.muli %arg1, %mul3A_1 : i32
    "tpu.region"() ({
      %run_scoped3A_178 = tpu.sem_alloc : memref<!tpu.dma_semaphore, #tpu.memory_space<semaphore_mem>>
      %dma_start3A_179 = arith.constant 0 : i32
      %dma_start3A_180 = tpu.memref_slice %arg11[%mul3A_2, %dma_start3A_179] : memref<10240x40xf32, #tpu.memory_space<vmem_shared>> -> memref<640x40xf32, #tpu.memory_space<vmem_shared>>
      %dma_start3A_181 = arith.constant 0 : i32
      %dma_start3A_182 = tpu.memref_slice %arg4[%mul3A_2, %dma_start3A_181] : memref<10240x40xf32, #tpu.memory_space<hbm>> -> memref<640x40xf32, #tpu.memory_space<hbm>>
      tpu.enqueue_dma source(%dma_start3A_182 : memref<640x40xf32, #tpu.memory_space<hbm>>) target(%dma_start3A_180 : memref<640x40xf32, #tpu.memory_space<vmem_shared>>) target_semaphore(%run_scoped3A_178 : memref<!tpu.dma_semaphore, #tpu.memory_space<semaphore_mem>>)
      %dma_wait3A = arith.constant 0 : i32
      %dma_wait3A_183 = tpu.memref_slice %arg11[%mul3A_2, %dma_wait3A] : memref<10240x40xf32, #tpu.memory_space<vmem_shared>> -> memref<640x40xf32, #tpu.memory_space<vmem_shared>>
      %dma_wait3A_184 = arith.constant 0 : i32
      %dma_wait3A_185 = tpu.memref_slice %arg4[%mul3A_2, %dma_wait3A_184] : memref<10240x40xf32, #tpu.memory_space<hbm>> -> memref<640x40xf32, #tpu.memory_space<hbm>>
      tpu.wait_dma2 semaphore(%run_scoped3A_178 : memref<!tpu.dma_semaphore, #tpu.memory_space<semaphore_mem>>) src(%dma_wait3A_185 : memref<640x40xf32, #tpu.memory_space<hbm>>) dst(%dma_wait3A_183 : memref<640x40xf32, #tpu.memory_space<vmem_shared>>)
      tpu.yield
    }) : () -> ()
    %mul3A_3 = arith.constant 78 : i32
    %mul3A_4 = arith.muli %add3A, %mul3A_3 : i32
    %run_scoped3A = arith.constant 0 : i32
    "tpu.region"() ({
      %run_scoped3A_178 = tpu.sem_alloc : memref<!tpu.dma_semaphore, #tpu.memory_space<semaphore_mem>>
      %dma_start3A_179 = arith.constant 0 : i32
      %dma_start3A_180 = tpu.memref_slice %arg3[%run_scoped3A, %mul3A_4, %dma_start3A_179] : memref<2x2500x128xi32, #tpu.memory_space<hbm>> -> memref<1x78x128xi32, #tpu.memory_space<hbm>>
      %dma_start3A_181 = tpu.memref_squeeze %dma_start3A_180 : memref<1x78x128xi32, #tpu.memory_space<hbm>> -> memref<78x128xi32, #tpu.memory_space<hbm>>
      %dma_start3A_182 = arith.constant 0 : i32
      %dma_start3A_183 = tpu.memref_slice %arg3[%run_scoped3A, %mul3A_4, %dma_start3A_182] : memref<2x2500x128xi32, #tpu.memory_space<hbm>> -> memref<1x78x128xi32, #tpu.memory_space<hbm>>
      %dma_start3A_184 = tpu.memref_squeeze %dma_start3A_183 : memref<1x78x128xi32, #tpu.memory_space<hbm>> -> memref<78x128xi32, #tpu.memory_space<hbm>>
      tpu.enqueue_dma source(%dma_start3A_184 : memref<78x128xi32, #tpu.memory_space<hbm>>) target(%arg6 : memref<78x128xi32, #tpu.memory_space<vmem>>) target_semaphore(%run_scoped3A_178 : memref<!tpu.dma_semaphore, #tpu.memory_space<semaphore_mem>>)
      %dma_wait3A = arith.constant 0 : i32
      %dma_wait3A_185 = tpu.memref_slice %arg3[%run_scoped3A, %mul3A_4, %dma_wait3A] : memref<2x2500x128xi32, #tpu.memory_space<hbm>> -> memref<1x78x128xi32, #tpu.memory_space<hbm>>
      %dma_wait3A_186 = tpu.memref_squeeze %dma_wait3A_185 : memref<1x78x128xi32, #tpu.memory_space<hbm>> -> memref<78x128xi32, #tpu.memory_space<hbm>>
      %dma_wait3A_187 = arith.constant 0 : i32
      %dma_wait3A_188 = tpu.memref_slice %arg3[%run_scoped3A, %mul3A_4, %dma_wait3A_187] : memref<2x2500x128xi32, #tpu.memory_space<hbm>> -> memref<1x78x128xi32, #tpu.memory_space<hbm>>
      %dma_wait3A_189 = tpu.memref_squeeze %dma_wait3A_188 : memref<1x78x128xi32, #tpu.memory_space<hbm>> -> memref<78x128xi32, #tpu.memory_space<hbm>>
      tpu.wait_dma2 semaphore(%run_scoped3A_178 : memref<!tpu.dma_semaphore, #tpu.memory_space<semaphore_mem>>) src(%dma_wait3A_189 : memref<78x128xi32, #tpu.memory_space<hbm>>) dst(%arg6 : memref<78x128xi32, #tpu.memory_space<vmem>>)
      tpu.yield
    }) : () -> ()
    %mul3A_5 = arith.constant 78 : i32
    %mul3A_6 = arith.muli %add3A, %mul3A_5 : i32
    %run_scoped3A_7 = arith.constant 1 : i32
    "tpu.region"() ({
      %run_scoped3A_178 = tpu.sem_alloc : memref<!tpu.dma_semaphore, #tpu.memory_space<semaphore_mem>>
      %dma_start3A_179 = arith.constant 0 : i32
      %dma_start3A_180 = tpu.memref_slice %arg3[%run_scoped3A_7, %mul3A_6, %dma_start3A_179] : memref<2x2500x128xi32, #tpu.memory_space<hbm>> -> memref<1x78x128xi32, #tpu.memory_space<hbm>>
      %dma_start3A_181 = tpu.memref_squeeze %dma_start3A_180 : memref<1x78x128xi32, #tpu.memory_space<hbm>> -> memref<78x128xi32, #tpu.memory_space<hbm>>
      %dma_start3A_182 = arith.constant 0 : i32
      %dma_start3A_183 = tpu.memref_slice %arg3[%run_scoped3A_7, %mul3A_6, %dma_start3A_182] : memref<2x2500x128xi32, #tpu.memory_space<hbm>> -> memref<1x78x128xi32, #tpu.memory_space<hbm>>
      %dma_start3A_184 = tpu.memref_squeeze %dma_start3A_183 : memref<1x78x128xi32, #tpu.memory_space<hbm>> -> memref<78x128xi32, #tpu.memory_space<hbm>>
      tpu.enqueue_dma source(%dma_start3A_184 : memref<78x128xi32, #tpu.memory_space<hbm>>) target(%arg7 : memref<78x128xi32, #tpu.memory_space<vmem>>) target_semaphore(%run_scoped3A_178 : memref<!tpu.dma_semaphore, #tpu.memory_space<semaphore_mem>>)
      %dma_wait3A = arith.constant 0 : i32
      %dma_wait3A_185 = tpu.memref_slice %arg3[%run_scoped3A_7, %mul3A_6, %dma_wait3A] : memref<2x2500x128xi32, #tpu.memory_space<hbm>> -> memref<1x78x128xi32, #tpu.memory_space<hbm>>
      %dma_wait3A_186 = tpu.memref_squeeze %dma_wait3A_185 : memref<1x78x128xi32, #tpu.memory_space<hbm>> -> memref<78x128xi32, #tpu.memory_space<hbm>>
      %dma_wait3A_187 = arith.constant 0 : i32
      %dma_wait3A_188 = tpu.memref_slice %arg3[%run_scoped3A_7, %mul3A_6, %dma_wait3A_187] : memref<2x2500x128xi32, #tpu.memory_space<hbm>> -> memref<1x78x128xi32, #tpu.memory_space<hbm>>
      %dma_wait3A_189 = tpu.memref_squeeze %dma_wait3A_188 : memref<1x78x128xi32, #tpu.memory_space<hbm>> -> memref<78x128xi32, #tpu.memory_space<hbm>>
      tpu.wait_dma2 semaphore(%run_scoped3A_178 : memref<!tpu.dma_semaphore, #tpu.memory_space<semaphore_mem>>) src(%dma_wait3A_189 : memref<78x128xi32, #tpu.memory_space<hbm>>) dst(%arg7 : memref<78x128xi32, #tpu.memory_space<vmem>>)
      tpu.yield
    }) : () -> ()
    %lt3A = arith.constant 4 : i32
    %lt3A_8 = arith.cmpi slt, %add3A, %lt3A : i32
    %convert_element_type3A = arith.extui %lt3A_8 : i1 to i32
    %cond3A = arith.constant 0 : i32
    %cond3A_9 = arith.cmpi ne, %convert_element_type3A, %cond3A : i32
    scf.if %cond3A_9 {
      %add3A_178 = arith.constant 2496 : i32
      %add3A_179 = arith.addi %add3A_178, %add3A : i32
      %run_scoped3A_180 = arith.constant 0 : i32
      "tpu.region"() ({
        %run_scoped3A_184 = tpu.sem_alloc : memref<!tpu.dma_semaphore, #tpu.memory_space<semaphore_mem>>
        %dma_start3A_185 = arith.constant 0 : i32
        %dma_start3A_186 = tpu.memref_slice %arg3[%run_scoped3A_180, %add3A_179, %dma_start3A_185] : memref<2x2500x128xi32, #tpu.memory_space<hbm>> -> memref<1x1x128xi32, #tpu.memory_space<hbm>>
        %dma_start3A_187 = tpu.memref_squeeze %dma_start3A_186 : memref<1x1x128xi32, #tpu.memory_space<hbm>> -> memref<1x128xi32, #tpu.memory_space<hbm>>
        %dma_start3A_188 = arith.constant 0 : i32
        %dma_start3A_189 = tpu.memref_slice %arg3[%run_scoped3A_180, %add3A_179, %dma_start3A_188] : memref<2x2500x128xi32, #tpu.memory_space<hbm>> -> memref<1x1x128xi32, #tpu.memory_space<hbm>>
        %dma_start3A_190 = tpu.memref_squeeze %dma_start3A_189 : memref<1x1x128xi32, #tpu.memory_space<hbm>> -> memref<1x128xi32, #tpu.memory_space<hbm>>
        tpu.enqueue_dma source(%dma_start3A_190 : memref<1x128xi32, #tpu.memory_space<hbm>>) target(%arg8 : memref<1x128xi32, #tpu.memory_space<vmem>>) target_semaphore(%run_scoped3A_184 : memref<!tpu.dma_semaphore, #tpu.memory_space<semaphore_mem>>)
        %dma_wait3A = arith.constant 0 : i32
        %dma_wait3A_191 = tpu.memref_slice %arg3[%run_scoped3A_180, %add3A_179, %dma_wait3A] : memref<2x2500x128xi32, #tpu.memory_space<hbm>> -> memref<1x1x128xi32, #tpu.memory_space<hbm>>
        %dma_wait3A_192 = tpu.memref_squeeze %dma_wait3A_191 : memref<1x1x128xi32, #tpu.memory_space<hbm>> -> memref<1x128xi32, #tpu.memory_space<hbm>>
        %dma_wait3A_193 = arith.constant 0 : i32
        %dma_wait3A_194 = tpu.memref_slice %arg3[%run_scoped3A_180, %add3A_179, %dma_wait3A_193] : memref<2x2500x128xi32, #tpu.memory_space<hbm>> -> memref<1x1x128xi32, #tpu.memory_space<hbm>>
        %dma_wait3A_195 = tpu.memref_squeeze %dma_wait3A_194 : memref<1x1x128xi32, #tpu.memory_space<hbm>> -> memref<1x128xi32, #tpu.memory_space<hbm>>
        tpu.wait_dma2 semaphore(%run_scoped3A_184 : memref<!tpu.dma_semaphore, #tpu.memory_space<semaphore_mem>>) src(%dma_wait3A_195 : memref<1x128xi32, #tpu.memory_space<hbm>>) dst(%arg8 : memref<1x128xi32, #tpu.memory_space<vmem>>)
        tpu.yield
      }) : () -> ()
      %add3A_181 = arith.constant 2496 : i32
      %add3A_182 = arith.addi %add3A_181, %add3A : i32
      %run_scoped3A_183 = arith.constant 1 : i32
      "tpu.region"() ({
        %run_scoped3A_184 = tpu.sem_alloc : memref<!tpu.dma_semaphore, #tpu.memory_space<semaphore_mem>>
        %dma_start3A_185 = arith.constant 0 : i32
        %dma_start3A_186 = tpu.memref_slice %arg3[%run_scoped3A_183, %add3A_182, %dma_start3A_185] : memref<2x2500x128xi32, #tpu.memory_space<hbm>> -> memref<1x1x128xi32, #tpu.memory_space<hbm>>
        %dma_start3A_187 = tpu.memref_squeeze %dma_start3A_186 : memref<1x1x128xi32, #tpu.memory_space<hbm>> -> memref<1x128xi32, #tpu.memory_space<hbm>>
        %dma_start3A_188 = arith.constant 0 : i32
        %dma_start3A_189 = tpu.memref_slice %arg3[%run_scoped3A_183, %add3A_182, %dma_start3A_188] : memref<2x2500x128xi32, #tpu.memory_space<hbm>> -> memref<1x1x128xi32, #tpu.memory_space<hbm>>
        %dma_start3A_190 = tpu.memref_squeeze %dma_start3A_189 : memref<1x1x128xi32, #tpu.memory_space<hbm>> -> memref<1x128xi32, #tpu.memory_space<hbm>>
        tpu.enqueue_dma source(%dma_start3A_190 : memref<1x128xi32, #tpu.memory_space<hbm>>) target(%arg9 : memref<1x128xi32, #tpu.memory_space<vmem>>) target_semaphore(%run_scoped3A_184 : memref<!tpu.dma_semaphore, #tpu.memory_space<semaphore_mem>>)
        %dma_wait3A = arith.constant 0 : i32
        %dma_wait3A_191 = tpu.memref_slice %arg3[%run_scoped3A_183, %add3A_182, %dma_wait3A] : memref<2x2500x128xi32, #tpu.memory_space<hbm>> -> memref<1x1x128xi32, #tpu.memory_space<hbm>>
        %dma_wait3A_192 = tpu.memref_squeeze %dma_wait3A_191 : memref<1x1x128xi32, #tpu.memory_space<hbm>> -> memref<1x128xi32, #tpu.memory_space<hbm>>
        %dma_wait3A_193 = arith.constant 0 : i32
        %dma_wait3A_194 = tpu.memref_slice %arg3[%run_scoped3A_183, %add3A_182, %dma_wait3A_193] : memref<2x2500x128xi32, #tpu.memory_space<hbm>> -> memref<1x1x128xi32, #tpu.memory_space<hbm>>
        %dma_wait3A_195 = tpu.memref_squeeze %dma_wait3A_194 : memref<1x1x128xi32, #tpu.memory_space<hbm>> -> memref<1x128xi32, #tpu.memory_space<hbm>>
        tpu.wait_dma2 semaphore(%run_scoped3A_184 : memref<!tpu.dma_semaphore, #tpu.memory_space<semaphore_mem>>) src(%dma_wait3A_195 : memref<1x128xi32, #tpu.memory_space<hbm>>) dst(%arg9 : memref<1x128xi32, #tpu.memory_space<vmem>>)
        tpu.yield
      }) : () -> ()
    } else {
    }
    %barrier3A = arith.constant 0 : index
    tpu.barrier barrier_id(%barrier3A)
    %dma_start3A = arith.constant 0 : i32
    %dma_start3A_10 = arith.constant 0 : i32
    %dma_start3A_11 = arith.constant 0 : i32
    %dma_start3A_12 = arith.constant 0 : i32
    %dma_start3A_13 = tpu.memref_slice %arg10[%dma_start3A_10, %dma_start3A_11, %dma_start3A_12] : memref<13x128x40xf32, #tpu.memory_space<vmem>> -> memref<1x128x40xf32, #tpu.memory_space<vmem>>
    %dma_start3A_14 = tpu.memref_squeeze %dma_start3A_13 : memref<1x128x40xf32, #tpu.memory_space<vmem>> -> memref<128x40xf32, #tpu.memory_space<vmem>>
    %dma_start3A_15 = arith.constant 0 : i32
    %dma_start3A_16 = tpu.memref_slice %arg6[%dma_start3A, %dma_start3A_15] : memref<78x128xi32, #tpu.memory_space<vmem>> -> memref<1x128xi32, #tpu.memory_space<vmem>>
    %dma_start3A_17 = tpu.memref_squeeze %dma_start3A_16 : memref<1x128xi32, #tpu.memory_space<vmem>> -> memref<128xi32, #tpu.memory_space<vmem>>
    %dma_start3A_18 = arith.constant 0 : i32
    %dma_start3A_19 = arith.constant 0 : i32
    %dma_start3A_20 = tpu.memref_slice %arg2[%dma_start3A_18, %dma_start3A_19] : memref<10000x40xf32, #tpu.memory_space<hbm>> -> memref<10000x40xf32, #tpu.memory_space<hbm>>
    tpu.enqueue_indirect_dma source(%dma_start3A_20 : memref<10000x40xf32, #tpu.memory_space<hbm>>) target(%dma_start3A_14 : memref<128x40xf32, #tpu.memory_space<vmem>>) offsets(%dma_start3A_17 : memref<128xi32, #tpu.memory_space<vmem>>) semaphore(%arg12 : memref<!tpu.dma_semaphore, #tpu.memory_space<semaphore_mem>>)
    %dma_start3A_21 = arith.constant 1 : i32
    %dma_start3A_22 = arith.constant 1 : i32
    %dma_start3A_23 = arith.constant 0 : i32
    %dma_start3A_24 = arith.constant 0 : i32
    %dma_start3A_25 = tpu.memref_slice %arg10[%dma_start3A_22, %dma_start3A_23, %dma_start3A_24] : memref<13x128x40xf32, #tpu.memory_space<vmem>> -> memref<1x128x40xf32, #tpu.memory_space<vmem>>
    %dma_start3A_26 = tpu.memref_squeeze %dma_start3A_25 : memref<1x128x40xf32, #tpu.memory_space<vmem>> -> memref<128x40xf32, #tpu.memory_space<vmem>>
    %dma_start3A_27 = arith.constant 0 : i32
    %dma_start3A_28 = tpu.memref_slice %arg6[%dma_start3A_21, %dma_start3A_27] : memref<78x128xi32, #tpu.memory_space<vmem>> -> memref<1x128xi32, #tpu.memory_space<vmem>>
    %dma_start3A_29 = tpu.memref_squeeze %dma_start3A_28 : memref<1x128xi32, #tpu.memory_space<vmem>> -> memref<128xi32, #tpu.memory_space<vmem>>
    %dma_start3A_30 = arith.constant 0 : i32
    %dma_start3A_31 = arith.constant 0 : i32
    %dma_start3A_32 = tpu.memref_slice %arg2[%dma_start3A_30, %dma_start3A_31] : memref<10000x40xf32, #tpu.memory_space<hbm>> -> memref<10000x40xf32, #tpu.memory_space<hbm>>
    tpu.enqueue_indirect_dma source(%dma_start3A_32 : memref<10000x40xf32, #tpu.memory_space<hbm>>) target(%dma_start3A_26 : memref<128x40xf32, #tpu.memory_space<vmem>>) offsets(%dma_start3A_29 : memref<128xi32, #tpu.memory_space<vmem>>) semaphore(%arg13 : memref<!tpu.dma_semaphore, #tpu.memory_space<semaphore_mem>>)
    %dma_start3A_33 = arith.constant 2 : i32
    %dma_start3A_34 = arith.constant 2 : i32
    %dma_start3A_35 = arith.constant 0 : i32
    %dma_start3A_36 = arith.constant 0 : i32
    %dma_start3A_37 = tpu.memref_slice %arg10[%dma_start3A_34, %dma_start3A_35, %dma_start3A_36] : memref<13x128x40xf32, #tpu.memory_space<vmem>> -> memref<1x128x40xf32, #tpu.memory_space<vmem>>
    %dma_start3A_38 = tpu.memref_squeeze %dma_start3A_37 : memref<1x128x40xf32, #tpu.memory_space<vmem>> -> memref<128x40xf32, #tpu.memory_space<vmem>>
    %dma_start3A_39 = arith.constant 0 : i32
    %dma_start3A_40 = tpu.memref_slice %arg6[%dma_start3A_33, %dma_start3A_39] : memref<78x128xi32, #tpu.memory_space<vmem>> -> memref<1x128xi32, #tpu.memory_space<vmem>>
    %dma_start3A_41 = tpu.memref_squeeze %dma_start3A_40 : memref<1x128xi32, #tpu.memory_space<vmem>> -> memref<128xi32, #tpu.memory_space<vmem>>
    %dma_start3A_42 = arith.constant 0 : i32
    %dma_start3A_43 = arith.constant 0 : i32
    %dma_start3A_44 = tpu.memref_slice %arg2[%dma_start3A_42, %dma_start3A_43] : memref<10000x40xf32, #tpu.memory_space<hbm>> -> memref<10000x40xf32, #tpu.memory_space<hbm>>
    tpu.enqueue_indirect_dma source(%dma_start3A_44 : memref<10000x40xf32, #tpu.memory_space<hbm>>) target(%dma_start3A_38 : memref<128x40xf32, #tpu.memory_space<vmem>>) offsets(%dma_start3A_41 : memref<128xi32, #tpu.memory_space<vmem>>) semaphore(%arg14 : memref<!tpu.dma_semaphore, #tpu.memory_space<semaphore_mem>>)
    %dma_start3A_45 = arith.constant 3 : i32
    %dma_start3A_46 = arith.constant 3 : i32
    %dma_start3A_47 = arith.constant 0 : i32
    %dma_start3A_48 = arith.constant 0 : i32
    %dma_start3A_49 = tpu.memref_slice %arg10[%dma_start3A_46, %dma_start3A_47, %dma_start3A_48] : memref<13x128x40xf32, #tpu.memory_space<vmem>> -> memref<1x128x40xf32, #tpu.memory_space<vmem>>
    %dma_start3A_50 = tpu.memref_squeeze %dma_start3A_49 : memref<1x128x40xf32, #tpu.memory_space<vmem>> -> memref<128x40xf32, #tpu.memory_space<vmem>>
    %dma_start3A_51 = arith.constant 0 : i32
    %dma_start3A_52 = tpu.memref_slice %arg6[%dma_start3A_45, %dma_start3A_51] : memref<78x128xi32, #tpu.memory_space<vmem>> -> memref<1x128xi32, #tpu.memory_space<vmem>>
    %dma_start3A_53 = tpu.memref_squeeze %dma_start3A_52 : memref<1x128xi32, #tpu.memory_space<vmem>> -> memref<128xi32, #tpu.memory_space<vmem>>
    %dma_start3A_54 = arith.constant 0 : i32
    %dma_start3A_55 = arith.constant 0 : i32
    %dma_start3A_56 = tpu.memref_slice %arg2[%dma_start3A_54, %dma_start3A_55] : memref<10000x40xf32, #tpu.memory_space<hbm>> -> memref<10000x40xf32, #tpu.memory_space<hbm>>
    tpu.enqueue_indirect_dma source(%dma_start3A_56 : memref<10000x40xf32, #tpu.memory_space<hbm>>) target(%dma_start3A_50 : memref<128x40xf32, #tpu.memory_space<vmem>>) offsets(%dma_start3A_53 : memref<128xi32, #tpu.memory_space<vmem>>) semaphore(%arg15 : memref<!tpu.dma_semaphore, #tpu.memory_space<semaphore_mem>>)
    %dma_start3A_57 = arith.constant 4 : i32
    %dma_start3A_58 = arith.constant 4 : i32
    %dma_start3A_59 = arith.constant 0 : i32
    %dma_start3A_60 = arith.constant 0 : i32
    %dma_start3A_61 = tpu.memref_slice %arg10[%dma_start3A_58, %dma_start3A_59, %dma_start3A_60] : memref<13x128x40xf32, #tpu.memory_space<vmem>> -> memref<1x128x40xf32, #tpu.memory_space<vmem>>
    %dma_start3A_62 = tpu.memref_squeeze %dma_start3A_61 : memref<1x128x40xf32, #tpu.memory_space<vmem>> -> memref<128x40xf32, #tpu.memory_space<vmem>>
    %dma_start3A_63 = arith.constant 0 : i32
    %dma_start3A_64 = tpu.memref_slice %arg6[%dma_start3A_57, %dma_start3A_63] : memref<78x128xi32, #tpu.memory_space<vmem>> -> memref<1x128xi32, #tpu.memory_space<vmem>>
    %dma_start3A_65 = tpu.memref_squeeze %dma_start3A_64 : memref<1x128xi32, #tpu.memory_space<vmem>> -> memref<128xi32, #tpu.memory_space<vmem>>
    %dma_start3A_66 = arith.constant 0 : i32
    %dma_start3A_67 = arith.constant 0 : i32
    %dma_start3A_68 = tpu.memref_slice %arg2[%dma_start3A_66, %dma_start3A_67] : memref<10000x40xf32, #tpu.memory_space<hbm>> -> memref<10000x40xf32, #tpu.memory_space<hbm>>
    tpu.enqueue_indirect_dma source(%dma_start3A_68 : memref<10000x40xf32, #tpu.memory_space<hbm>>) target(%dma_start3A_62 : memref<128x40xf32, #tpu.memory_space<vmem>>) offsets(%dma_start3A_65 : memref<128xi32, #tpu.memory_space<vmem>>) semaphore(%arg16 : memref<!tpu.dma_semaphore, #tpu.memory_space<semaphore_mem>>)
    %dma_start3A_69 = arith.constant 5 : i32
    %dma_start3A_70 = arith.constant 5 : i32
    %dma_start3A_71 = arith.constant 0 : i32
    %dma_start3A_72 = arith.constant 0 : i32
    %dma_start3A_73 = tpu.memref_slice %arg10[%dma_start3A_70, %dma_start3A_71, %dma_start3A_72] : memref<13x128x40xf32, #tpu.memory_space<vmem>> -> memref<1x128x40xf32, #tpu.memory_space<vmem>>
    %dma_start3A_74 = tpu.memref_squeeze %dma_start3A_73 : memref<1x128x40xf32, #tpu.memory_space<vmem>> -> memref<128x40xf32, #tpu.memory_space<vmem>>
    %dma_start3A_75 = arith.constant 0 : i32
    %dma_start3A_76 = tpu.memref_slice %arg6[%dma_start3A_69, %dma_start3A_75] : memref<78x128xi32, #tpu.memory_space<vmem>> -> memref<1x128xi32, #tpu.memory_space<vmem>>
    %dma_start3A_77 = tpu.memref_squeeze %dma_start3A_76 : memref<1x128xi32, #tpu.memory_space<vmem>> -> memref<128xi32, #tpu.memory_space<vmem>>
    %dma_start3A_78 = arith.constant 0 : i32
    %dma_start3A_79 = arith.constant 0 : i32
    %dma_start3A_80 = tpu.memref_slice %arg2[%dma_start3A_78, %dma_start3A_79] : memref<10000x40xf32, #tpu.memory_space<hbm>> -> memref<10000x40xf32, #tpu.memory_space<hbm>>
    tpu.enqueue_indirect_dma source(%dma_start3A_80 : memref<10000x40xf32, #tpu.memory_space<hbm>>) target(%dma_start3A_74 : memref<128x40xf32, #tpu.memory_space<vmem>>) offsets(%dma_start3A_77 : memref<128xi32, #tpu.memory_space<vmem>>) semaphore(%arg17 : memref<!tpu.dma_semaphore, #tpu.memory_space<semaphore_mem>>)
    %dma_start3A_81 = arith.constant 6 : i32
    %dma_start3A_82 = arith.constant 6 : i32
    %dma_start3A_83 = arith.constant 0 : i32
    %dma_start3A_84 = arith.constant 0 : i32
    %dma_start3A_85 = tpu.memref_slice %arg10[%dma_start3A_82, %dma_start3A_83, %dma_start3A_84] : memref<13x128x40xf32, #tpu.memory_space<vmem>> -> memref<1x128x40xf32, #tpu.memory_space<vmem>>
    %dma_start3A_86 = tpu.memref_squeeze %dma_start3A_85 : memref<1x128x40xf32, #tpu.memory_space<vmem>> -> memref<128x40xf32, #tpu.memory_space<vmem>>
    %dma_start3A_87 = arith.constant 0 : i32
    %dma_start3A_88 = tpu.memref_slice %arg6[%dma_start3A_81, %dma_start3A_87] : memref<78x128xi32, #tpu.memory_space<vmem>> -> memref<1x128xi32, #tpu.memory_space<vmem>>
    %dma_start3A_89 = tpu.memref_squeeze %dma_start3A_88 : memref<1x128xi32, #tpu.memory_space<vmem>> -> memref<128xi32, #tpu.memory_space<vmem>>
    %dma_start3A_90 = arith.constant 0 : i32
    %dma_start3A_91 = arith.constant 0 : i32
    %dma_start3A_92 = tpu.memref_slice %arg2[%dma_start3A_90, %dma_start3A_91] : memref<10000x40xf32, #tpu.memory_space<hbm>> -> memref<10000x40xf32, #tpu.memory_space<hbm>>
    tpu.enqueue_indirect_dma source(%dma_start3A_92 : memref<10000x40xf32, #tpu.memory_space<hbm>>) target(%dma_start3A_86 : memref<128x40xf32, #tpu.memory_space<vmem>>) offsets(%dma_start3A_89 : memref<128xi32, #tpu.memory_space<vmem>>) semaphore(%arg18 : memref<!tpu.dma_semaphore, #tpu.memory_space<semaphore_mem>>)
    %dma_start3A_93 = arith.constant 7 : i32
    %dma_start3A_94 = arith.constant 7 : i32
    %dma_start3A_95 = arith.constant 0 : i32
    %dma_start3A_96 = arith.constant 0 : i32
    %dma_start3A_97 = tpu.memref_slice %arg10[%dma_start3A_94, %dma_start3A_95, %dma_start3A_96] : memref<13x128x40xf32, #tpu.memory_space<vmem>> -> memref<1x128x40xf32, #tpu.memory_space<vmem>>
    %dma_start3A_98 = tpu.memref_squeeze %dma_start3A_97 : memref<1x128x40xf32, #tpu.memory_space<vmem>> -> memref<128x40xf32, #tpu.memory_space<vmem>>
    %dma_start3A_99 = arith.constant 0 : i32
    %dma_start3A_100 = tpu.memref_slice %arg6[%dma_start3A_93, %dma_start3A_99] : memref<78x128xi32, #tpu.memory_space<vmem>> -> memref<1x128xi32, #tpu.memory_space<vmem>>
    %dma_start3A_101 = tpu.memref_squeeze %dma_start3A_100 : memref<1x128xi32, #tpu.memory_space<vmem>> -> memref<128xi32, #tpu.memory_space<vmem>>
    %dma_start3A_102 = arith.constant 0 : i32
    %dma_start3A_103 = arith.constant 0 : i32
    %dma_start3A_104 = tpu.memref_slice %arg2[%dma_start3A_102, %dma_start3A_103] : memref<10000x40xf32, #tpu.memory_space<hbm>> -> memref<10000x40xf32, #tpu.memory_space<hbm>>
    tpu.enqueue_indirect_dma source(%dma_start3A_104 : memref<10000x40xf32, #tpu.memory_space<hbm>>) target(%dma_start3A_98 : memref<128x40xf32, #tpu.memory_space<vmem>>) offsets(%dma_start3A_101 : memref<128xi32, #tpu.memory_space<vmem>>) semaphore(%arg19 : memref<!tpu.dma_semaphore, #tpu.memory_space<semaphore_mem>>)
    %dma_start3A_105 = arith.constant 8 : i32
    %dma_start3A_106 = arith.constant 8 : i32
    %dma_start3A_107 = arith.constant 0 : i32
    %dma_start3A_108 = arith.constant 0 : i32
    %dma_start3A_109 = tpu.memref_slice %arg10[%dma_start3A_106, %dma_start3A_107, %dma_start3A_108] : memref<13x128x40xf32, #tpu.memory_space<vmem>> -> memref<1x128x40xf32, #tpu.memory_space<vmem>>
    %dma_start3A_110 = tpu.memref_squeeze %dma_start3A_109 : memref<1x128x40xf32, #tpu.memory_space<vmem>> -> memref<128x40xf32, #tpu.memory_space<vmem>>
    %dma_start3A_111 = arith.constant 0 : i32
    %dma_start3A_112 = tpu.memref_slice %arg6[%dma_start3A_105, %dma_start3A_111] : memref<78x128xi32, #tpu.memory_space<vmem>> -> memref<1x128xi32, #tpu.memory_space<vmem>>
    %dma_start3A_113 = tpu.memref_squeeze %dma_start3A_112 : memref<1x128xi32, #tpu.memory_space<vmem>> -> memref<128xi32, #tpu.memory_space<vmem>>
    %dma_start3A_114 = arith.constant 0 : i32
    %dma_start3A_115 = arith.constant 0 : i32
    %dma_start3A_116 = tpu.memref_slice %arg2[%dma_start3A_114, %dma_start3A_115] : memref<10000x40xf32, #tpu.memory_space<hbm>> -> memref<10000x40xf32, #tpu.memory_space<hbm>>
    tpu.enqueue_indirect_dma source(%dma_start3A_116 : memref<10000x40xf32, #tpu.memory_space<hbm>>) target(%dma_start3A_110 : memref<128x40xf32, #tpu.memory_space<vmem>>) offsets(%dma_start3A_113 : memref<128xi32, #tpu.memory_space<vmem>>) semaphore(%arg20 : memref<!tpu.dma_semaphore, #tpu.memory_space<semaphore_mem>>)
    %dma_start3A_117 = arith.constant 9 : i32
    %dma_start3A_118 = arith.constant 9 : i32
    %dma_start3A_119 = arith.constant 0 : i32
    %dma_start3A_120 = arith.constant 0 : i32
    %dma_start3A_121 = tpu.memref_slice %arg10[%dma_start3A_118, %dma_start3A_119, %dma_start3A_120] : memref<13x128x40xf32, #tpu.memory_space<vmem>> -> memref<1x128x40xf32, #tpu.memory_space<vmem>>
    %dma_start3A_122 = tpu.memref_squeeze %dma_start3A_121 : memref<1x128x40xf32, #tpu.memory_space<vmem>> -> memref<128x40xf32, #tpu.memory_space<vmem>>
    %dma_start3A_123 = arith.constant 0 : i32
    %dma_start3A_124 = tpu.memref_slice %arg6[%dma_start3A_117, %dma_start3A_123] : memref<78x128xi32, #tpu.memory_space<vmem>> -> memref<1x128xi32, #tpu.memory_space<vmem>>
    %dma_start3A_125 = tpu.memref_squeeze %dma_start3A_124 : memref<1x128xi32, #tpu.memory_space<vmem>> -> memref<128xi32, #tpu.memory_space<vmem>>
    %dma_start3A_126 = arith.constant 0 : i32
    %dma_start3A_127 = arith.constant 0 : i32
    %dma_start3A_128 = tpu.memref_slice %arg2[%dma_start3A_126, %dma_start3A_127] : memref<10000x40xf32, #tpu.memory_space<hbm>> -> memref<10000x40xf32, #tpu.memory_space<hbm>>
    tpu.enqueue_indirect_dma source(%dma_start3A_128 : memref<10000x40xf32, #tpu.memory_space<hbm>>) target(%dma_start3A_122 : memref<128x40xf32, #tpu.memory_space<vmem>>) offsets(%dma_start3A_125 : memref<128xi32, #tpu.memory_space<vmem>>) semaphore(%arg21 : memref<!tpu.dma_semaphore, #tpu.memory_space<semaphore_mem>>)
    %dma_start3A_129 = arith.constant 10 : i32
    %dma_start3A_130 = arith.constant 10 : i32
    %dma_start3A_131 = arith.constant 0 : i32
    %dma_start3A_132 = arith.constant 0 : i32
    %dma_start3A_133 = tpu.memref_slice %arg10[%dma_start3A_130, %dma_start3A_131, %dma_start3A_132] : memref<13x128x40xf32, #tpu.memory_space<vmem>> -> memref<1x128x40xf32, #tpu.memory_space<vmem>>
    %dma_start3A_134 = tpu.memref_squeeze %dma_start3A_133 : memref<1x128x40xf32, #tpu.memory_space<vmem>> -> memref<128x40xf32, #tpu.memory_space<vmem>>
    %dma_start3A_135 = arith.constant 0 : i32
    %dma_start3A_136 = tpu.memref_slice %arg6[%dma_start3A_129, %dma_start3A_135] : memref<78x128xi32, #tpu.memory_space<vmem>> -> memref<1x128xi32, #tpu.memory_space<vmem>>
    %dma_start3A_137 = tpu.memref_squeeze %dma_start3A_136 : memref<1x128xi32, #tpu.memory_space<vmem>> -> memref<128xi32, #tpu.memory_space<vmem>>
    %dma_start3A_138 = arith.constant 0 : i32
    %dma_start3A_139 = arith.constant 0 : i32
    %dma_start3A_140 = tpu.memref_slice %arg2[%dma_start3A_138, %dma_start3A_139] : memref<10000x40xf32, #tpu.memory_space<hbm>> -> memref<10000x40xf32, #tpu.memory_space<hbm>>
    tpu.enqueue_indirect_dma source(%dma_start3A_140 : memref<10000x40xf32, #tpu.memory_space<hbm>>) target(%dma_start3A_134 : memref<128x40xf32, #tpu.memory_space<vmem>>) offsets(%dma_start3A_137 : memref<128xi32, #tpu.memory_space<vmem>>) semaphore(%arg22 : memref<!tpu.dma_semaphore, #tpu.memory_space<semaphore_mem>>)
    %dma_start3A_141 = arith.constant 11 : i32
    %dma_start3A_142 = arith.constant 11 : i32
    %dma_start3A_143 = arith.constant 0 : i32
    %dma_start3A_144 = arith.constant 0 : i32
    %dma_start3A_145 = tpu.memref_slice %arg10[%dma_start3A_142, %dma_start3A_143, %dma_start3A_144] : memref<13x128x40xf32, #tpu.memory_space<vmem>> -> memref<1x128x40xf32, #tpu.memory_space<vmem>>
    %dma_start3A_146 = tpu.memref_squeeze %dma_start3A_145 : memref<1x128x40xf32, #tpu.memory_space<vmem>> -> memref<128x40xf32, #tpu.memory_space<vmem>>
    %dma_start3A_147 = arith.constant 0 : i32
    %dma_start3A_148 = tpu.memref_slice %arg6[%dma_start3A_141, %dma_start3A_147] : memref<78x128xi32, #tpu.memory_space<vmem>> -> memref<1x128xi32, #tpu.memory_space<vmem>>
    %dma_start3A_149 = tpu.memref_squeeze %dma_start3A_148 : memref<1x128xi32, #tpu.memory_space<vmem>> -> memref<128xi32, #tpu.memory_space<vmem>>
    %dma_start3A_150 = arith.constant 0 : i32
    %dma_start3A_151 = arith.constant 0 : i32
    %dma_start3A_152 = tpu.memref_slice %arg2[%dma_start3A_150, %dma_start3A_151] : memref<10000x40xf32, #tpu.memory_space<hbm>> -> memref<10000x40xf32, #tpu.memory_space<hbm>>
    tpu.enqueue_indirect_dma source(%dma_start3A_152 : memref<10000x40xf32, #tpu.memory_space<hbm>>) target(%dma_start3A_146 : memref<128x40xf32, #tpu.memory_space<vmem>>) offsets(%dma_start3A_149 : memref<128xi32, #tpu.memory_space<vmem>>) semaphore(%arg23 : memref<!tpu.dma_semaphore, #tpu.memory_space<semaphore_mem>>)
    %dma_start3A_153 = arith.constant 12 : i32
    %dma_start3A_154 = arith.constant 12 : i32
    %dma_start3A_155 = arith.constant 0 : i32
    %dma_start3A_156 = arith.constant 0 : i32
    %dma_start3A_157 = tpu.memref_slice %arg10[%dma_start3A_154, %dma_start3A_155, %dma_start3A_156] : memref<13x128x40xf32, #tpu.memory_space<vmem>> -> memref<1x128x40xf32, #tpu.memory_space<vmem>>
    %dma_start3A_158 = tpu.memref_squeeze %dma_start3A_157 : memref<1x128x40xf32, #tpu.memory_space<vmem>> -> memref<128x40xf32, #tpu.memory_space<vmem>>
    %dma_start3A_159 = arith.constant 0 : i32
    %dma_start3A_160 = tpu.memref_slice %arg6[%dma_start3A_153, %dma_start3A_159] : memref<78x128xi32, #tpu.memory_space<vmem>> -> memref<1x128xi32, #tpu.memory_space<vmem>>
    %dma_start3A_161 = tpu.memref_squeeze %dma_start3A_160 : memref<1x128xi32, #tpu.memory_space<vmem>> -> memref<128xi32, #tpu.memory_space<vmem>>
    %dma_start3A_162 = arith.constant 0 : i32
    %dma_start3A_163 = arith.constant 0 : i32
    %dma_start3A_164 = tpu.memref_slice %arg2[%dma_start3A_162, %dma_start3A_163] : memref<10000x40xf32, #tpu.memory_space<hbm>> -> memref<10000x40xf32, #tpu.memory_space<hbm>>
    tpu.enqueue_indirect_dma source(%dma_start3A_164 : memref<10000x40xf32, #tpu.memory_space<hbm>>) target(%dma_start3A_158 : memref<128x40xf32, #tpu.memory_space<vmem>>) offsets(%dma_start3A_161 : memref<128xi32, #tpu.memory_space<vmem>>) semaphore(%arg24 : memref<!tpu.dma_semaphore, #tpu.memory_space<semaphore_mem>>)
    %scan3A = arith.constant 0 : i32
    %scan3A_165 = arith.constant 0 : i32
    %scan3A_166 = arith.constant 6 : i32
    %scan3A_167 = arith.addi %scan3A_165, %scan3A_166 : i32
    %scan3A_168 = arith.constant 1 : i32
    scf.for %scan3A_178 = %scan3A_165 to %scan3A_167 step %scan3A_168  : i32 {
      %dma_wait3A = arith.constant 0 : i32
      %dma_wait3A_179 = arith.constant 0 : i32
      %dma_wait3A_180 = arith.constant 0 : i32
      %dma_wait3A_181 = arith.constant 0 : i32
      %dma_wait3A_182 = tpu.memref_slice %arg10[%dma_wait3A_179, %dma_wait3A_180, %dma_wait3A_181] : memref<13x128x40xf32, #tpu.memory_space<vmem>> -> memref<1x128x40xf32, #tpu.memory_space<vmem>>
      %dma_wait3A_183 = tpu.memref_squeeze %dma_wait3A_182 : memref<1x128x40xf32, #tpu.memory_space<vmem>> -> memref<128x40xf32, #tpu.memory_space<vmem>>
      %dma_wait3A_184 = arith.constant 0 : i32
      %dma_wait3A_185 = tpu.memref_slice %arg6[%dma_wait3A, %dma_wait3A_184] : memref<78x128xi32, #tpu.memory_space<vmem>> -> memref<1x128xi32, #tpu.memory_space<vmem>>
      %dma_wait3A_186 = tpu.memref_squeeze %dma_wait3A_185 : memref<1x128xi32, #tpu.memory_space<vmem>> -> memref<128xi32, #tpu.memory_space<vmem>>
      %dma_wait3A_187 = arith.constant 0 : i32
      %dma_wait3A_188 = arith.constant 0 : i32
      %dma_wait3A_189 = tpu.memref_slice %arg2[%dma_wait3A_187, %dma_wait3A_188] : memref<10000x40xf32, #tpu.memory_space<hbm>> -> memref<10000x40xf32, #tpu.memory_space<hbm>>
      tpu.wait_indirect_dma semaphore(%arg12 : memref<!tpu.dma_semaphore, #tpu.memory_space<semaphore_mem>>) src(%dma_wait3A_189 : memref<10000x40xf32, #tpu.memory_space<hbm>>) dst(%dma_wait3A_183 : memref<128x40xf32, #tpu.memory_space<vmem>>)
      %mul3A_190 = arith.constant 13 : i32
      %mul3A_191 = arith.muli %scan3A_178, %mul3A_190 : i32
      %add3A_192 = arith.constant 0 : i32
      %add3A_193 = arith.addi %mul3A_191, %add3A_192 : i32
      %dma_start3A_194 = arith.constant 0 : i32
      %dma_start3A_195 = arith.constant 0 : i32
      %dma_start3A_196 = arith.constant 0 : i32
      %dma_start3A_197 = tpu.memref_slice %arg10[%dma_start3A_194, %dma_start3A_195, %dma_start3A_196] : memref<13x128x40xf32, #tpu.memory_space<vmem>> -> memref<1x128x40xf32, #tpu.memory_space<vmem>>
      %dma_start3A_198 = tpu.memref_squeeze %dma_start3A_197 : memref<1x128x40xf32, #tpu.memory_space<vmem>> -> memref<128x40xf32, #tpu.memory_space<vmem>>
      %dma_start3A_199 = arith.constant 0 : i32
      %dma_start3A_200 = tpu.memref_slice %arg7[%add3A_193, %dma_start3A_199] : memref<78x128xi32, #tpu.memory_space<vmem>> -> memref<1x128xi32, #tpu.memory_space<vmem>>
      %dma_start3A_201 = tpu.memref_squeeze %dma_start3A_200 : memref<1x128xi32, #tpu.memory_space<vmem>> -> memref<128xi32, #tpu.memory_space<vmem>>
      %dma_start3A_202 = arith.constant 0 : i32
      %dma_start3A_203 = arith.constant 0 : i32
      %dma_start3A_204 = tpu.memref_slice %arg11[%dma_start3A_202, %dma_start3A_203] : memref<10240x40xf32, #tpu.memory_space<vmem_shared>> -> memref<10240x40xf32, #tpu.memory_space<vmem_shared>>
      tpu.enqueue_indirect_dma source(%dma_start3A_198 : memref<128x40xf32, #tpu.memory_space<vmem>>) target(%dma_start3A_204 : memref<10240x40xf32, #tpu.memory_space<vmem_shared>>) offsets(%dma_start3A_201 : memref<128xi32, #tpu.memory_space<vmem>>) semaphore(%arg25 : memref<!tpu.dma_semaphore, #tpu.memory_space<semaphore_mem>>) {add = true}
      %dma_wait3A_205 = arith.constant 0 : i32
      %dma_wait3A_206 = arith.constant 1 : i32
      %dma_wait3A_207 = arith.constant 0 : i32
      %dma_wait3A_208 = arith.constant 0 : i32
      %dma_wait3A_209 = tpu.memref_slice %arg10[%dma_wait3A_206, %dma_wait3A_207, %dma_wait3A_208] : memref<13x128x40xf32, #tpu.memory_space<vmem>> -> memref<1x128x40xf32, #tpu.memory_space<vmem>>
      %dma_wait3A_210 = tpu.memref_squeeze %dma_wait3A_209 : memref<1x128x40xf32, #tpu.memory_space<vmem>> -> memref<128x40xf32, #tpu.memory_space<vmem>>
      %dma_wait3A_211 = arith.constant 0 : i32
      %dma_wait3A_212 = tpu.memref_slice %arg6[%dma_wait3A_205, %dma_wait3A_211] : memref<78x128xi32, #tpu.memory_space<vmem>> -> memref<1x128xi32, #tpu.memory_space<vmem>>
      %dma_wait3A_213 = tpu.memref_squeeze %dma_wait3A_212 : memref<1x128xi32, #tpu.memory_space<vmem>> -> memref<128xi32, #tpu.memory_space<vmem>>
      %dma_wait3A_214 = arith.constant 0 : i32
      %dma_wait3A_215 = arith.constant 0 : i32
      %dma_wait3A_216 = tpu.memref_slice %arg2[%dma_wait3A_214, %dma_wait3A_215] : memref<10000x40xf32, #tpu.memory_space<hbm>> -> memref<10000x40xf32, #tpu.memory_space<hbm>>
      tpu.wait_indirect_dma semaphore(%arg13 : memref<!tpu.dma_semaphore, #tpu.memory_space<semaphore_mem>>) src(%dma_wait3A_216 : memref<10000x40xf32, #tpu.memory_space<hbm>>) dst(%dma_wait3A_210 : memref<128x40xf32, #tpu.memory_space<vmem>>)
      %mul3A_217 = arith.constant 13 : i32
      %mul3A_218 = arith.muli %scan3A_178, %mul3A_217 : i32
      %add3A_219 = arith.constant 1 : i32
      %add3A_220 = arith.addi %mul3A_218, %add3A_219 : i32
      %dma_start3A_221 = arith.constant 1 : i32
      %dma_start3A_222 = arith.constant 0 : i32
      %dma_start3A_223 = arith.constant 0 : i32
      %dma_start3A_224 = tpu.memref_slice %arg10[%dma_start3A_221, %dma_start3A_222, %dma_start3A_223] : memref<13x128x40xf32, #tpu.memory_space<vmem>> -> memref<1x128x40xf32, #tpu.memory_space<vmem>>
      %dma_start3A_225 = tpu.memref_squeeze %dma_start3A_224 : memref<1x128x40xf32, #tpu.memory_space<vmem>> -> memref<128x40xf32, #tpu.memory_space<vmem>>
      %dma_start3A_226 = arith.constant 0 : i32
      %dma_start3A_227 = tpu.memref_slice %arg7[%add3A_220, %dma_start3A_226] : memref<78x128xi32, #tpu.memory_space<vmem>> -> memref<1x128xi32, #tpu.memory_space<vmem>>
      %dma_start3A_228 = tpu.memref_squeeze %dma_start3A_227 : memref<1x128xi32, #tpu.memory_space<vmem>> -> memref<128xi32, #tpu.memory_space<vmem>>
      %dma_start3A_229 = arith.constant 0 : i32
      %dma_start3A_230 = arith.constant 0 : i32
      %dma_start3A_231 = tpu.memref_slice %arg11[%dma_start3A_229, %dma_start3A_230] : memref<10240x40xf32, #tpu.memory_space<vmem_shared>> -> memref<10240x40xf32, #tpu.memory_space<vmem_shared>>
      tpu.enqueue_indirect_dma source(%dma_start3A_225 : memref<128x40xf32, #tpu.memory_space<vmem>>) target(%dma_start3A_231 : memref<10240x40xf32, #tpu.memory_space<vmem_shared>>) offsets(%dma_start3A_228 : memref<128xi32, #tpu.memory_space<vmem>>) semaphore(%arg26 : memref<!tpu.dma_semaphore, #tpu.memory_space<semaphore_mem>>) {add = true}
      %dma_wait3A_232 = arith.constant 0 : i32
      %dma_wait3A_233 = arith.constant 2 : i32
      %dma_wait3A_234 = arith.constant 0 : i32
      %dma_wait3A_235 = arith.constant 0 : i32
      %dma_wait3A_236 = tpu.memref_slice %arg10[%dma_wait3A_233, %dma_wait3A_234, %dma_wait3A_235] : memref<13x128x40xf32, #tpu.memory_space<vmem>> -> memref<1x128x40xf32, #tpu.memory_space<vmem>>
      %dma_wait3A_237 = tpu.memref_squeeze %dma_wait3A_236 : memref<1x128x40xf32, #tpu.memory_space<vmem>> -> memref<128x40xf32, #tpu.memory_space<vmem>>
      %dma_wait3A_238 = arith.constant 0 : i32
      %dma_wait3A_239 = tpu.memref_slice %arg6[%dma_wait3A_232, %dma_wait3A_238] : memref<78x128xi32, #tpu.memory_space<vmem>> -> memref<1x128xi32, #tpu.memory_space<vmem>>
      %dma_wait3A_240 = tpu.memref_squeeze %dma_wait3A_239 : memref<1x128xi32, #tpu.memory_space<vmem>> -> memref<128xi32, #tpu.memory_space<vmem>>
      %dma_wait3A_241 = arith.constant 0 : i32
      %dma_wait3A_242 = arith.constant 0 : i32
      %dma_wait3A_243 = tpu.memref_slice %arg2[%dma_wait3A_241, %dma_wait3A_242] : memref<10000x40xf32, #tpu.memory_space<hbm>> -> memref<10000x40xf32, #tpu.memory_space<hbm>>
      tpu.wait_indirect_dma semaphore(%arg14 : memref<!tpu.dma_semaphore, #tpu.memory_space<semaphore_mem>>) src(%dma_wait3A_243 : memref<10000x40xf32, #tpu.memory_space<hbm>>) dst(%dma_wait3A_237 : memref<128x40xf32, #tpu.memory_space<vmem>>)
      %mul3A_244 = arith.constant 13 : i32
      %mul3A_245 = arith.muli %scan3A_178, %mul3A_244 : i32
      %add3A_246 = arith.constant 2 : i32
      %add3A_247 = arith.addi %mul3A_245, %add3A_246 : i32
      %dma_start3A_248 = arith.constant 2 : i32
      %dma_start3A_249 = arith.constant 0 : i32
      %dma_start3A_250 = arith.constant 0 : i32
      %dma_start3A_251 = tpu.memref_slice %arg10[%dma_start3A_248, %dma_start3A_249, %dma_start3A_250] : memref<13x128x40xf32, #tpu.memory_space<vmem>> -> memref<1x128x40xf32, #tpu.memory_space<vmem>>
      %dma_start3A_252 = tpu.memref_squeeze %dma_start3A_251 : memref<1x128x40xf32, #tpu.memory_space<vmem>> -> memref<128x40xf32, #tpu.memory_space<vmem>>
      %dma_start3A_253 = arith.constant 0 : i32
      %dma_start3A_254 = tpu.memref_slice %arg7[%add3A_247, %dma_start3A_253] : memref<78x128xi32, #tpu.memory_space<vmem>> -> memref<1x128xi32, #tpu.memory_space<vmem>>
      %dma_start3A_255 = tpu.memref_squeeze %dma_start3A_254 : memref<1x128xi32, #tpu.memory_space<vmem>> -> memref<128xi32, #tpu.memory_space<vmem>>
      %dma_start3A_256 = arith.constant 0 : i32
      %dma_start3A_257 = arith.constant 0 : i32
      %dma_start3A_258 = tpu.memref_slice %arg11[%dma_start3A_256, %dma_start3A_257] : memref<10240x40xf32, #tpu.memory_space<vmem_shared>> -> memref<10240x40xf32, #tpu.memory_space<vmem_shared>>
      tpu.enqueue_indirect_dma source(%dma_start3A_252 : memref<128x40xf32, #tpu.memory_space<vmem>>) target(%dma_start3A_258 : memref<10240x40xf32, #tpu.memory_space<vmem_shared>>) offsets(%dma_start3A_255 : memref<128xi32, #tpu.memory_space<vmem>>) semaphore(%arg27 : memref<!tpu.dma_semaphore, #tpu.memory_space<semaphore_mem>>) {add = true}
      %dma_wait3A_259 = arith.constant 0 : i32
      %dma_wait3A_260 = arith.constant 3 : i32
      %dma_wait3A_261 = arith.constant 0 : i32
      %dma_wait3A_262 = arith.constant 0 : i32
      %dma_wait3A_263 = tpu.memref_slice %arg10[%dma_wait3A_260, %dma_wait3A_261, %dma_wait3A_262] : memref<13x128x40xf32, #tpu.memory_space<vmem>> -> memref<1x128x40xf32, #tpu.memory_space<vmem>>
      %dma_wait3A_264 = tpu.memref_squeeze %dma_wait3A_263 : memref<1x128x40xf32, #tpu.memory_space<vmem>> -> memref<128x40xf32, #tpu.memory_space<vmem>>
      %dma_wait3A_265 = arith.constant 0 : i32
      %dma_wait3A_266 = tpu.memref_slice %arg6[%dma_wait3A_259, %dma_wait3A_265] : memref<78x128xi32, #tpu.memory_space<vmem>> -> memref<1x128xi32, #tpu.memory_space<vmem>>
      %dma_wait3A_267 = tpu.memref_squeeze %dma_wait3A_266 : memref<1x128xi32, #tpu.memory_space<vmem>> -> memref<128xi32, #tpu.memory_space<vmem>>
      %dma_wait3A_268 = arith.constant 0 : i32
      %dma_wait3A_269 = arith.constant 0 : i32
      %dma_wait3A_270 = tpu.memref_slice %arg2[%dma_wait3A_268, %dma_wait3A_269] : memref<10000x40xf32, #tpu.memory_space<hbm>> -> memref<10000x40xf32, #tpu.memory_space<hbm>>
      tpu.wait_indirect_dma semaphore(%arg15 : memref<!tpu.dma_semaphore, #tpu.memory_space<semaphore_mem>>) src(%dma_wait3A_270 : memref<10000x40xf32, #tpu.memory_space<hbm>>) dst(%dma_wait3A_264 : memref<128x40xf32, #tpu.memory_space<vmem>>)
      %mul3A_271 = arith.constant 13 : i32
      %mul3A_272 = arith.muli %scan3A_178, %mul3A_271 : i32
      %add3A_273 = arith.constant 3 : i32
      %add3A_274 = arith.addi %mul3A_272, %add3A_273 : i32
      %dma_start3A_275 = arith.constant 3 : i32
      %dma_start3A_276 = arith.constant 0 : i32
      %dma_start3A_277 = arith.constant 0 : i32
      %dma_start3A_278 = tpu.memref_slice %arg10[%dma_start3A_275, %dma_start3A_276, %dma_start3A_277] : memref<13x128x40xf32, #tpu.memory_space<vmem>> -> memref<1x128x40xf32, #tpu.memory_space<vmem>>
      %dma_start3A_279 = tpu.memref_squeeze %dma_start3A_278 : memref<1x128x40xf32, #tpu.memory_space<vmem>> -> memref<128x40xf32, #tpu.memory_space<vmem>>
      %dma_start3A_280 = arith.constant 0 : i32
      %dma_start3A_281 = tpu.memref_slice %arg7[%add3A_274, %dma_start3A_280] : memref<78x128xi32, #tpu.memory_space<vmem>> -> memref<1x128xi32, #tpu.memory_space<vmem>>
      %dma_start3A_282 = tpu.memref_squeeze %dma_start3A_281 : memref<1x128xi32, #tpu.memory_space<vmem>> -> memref<128xi32, #tpu.memory_space<vmem>>
      %dma_start3A_283 = arith.constant 0 : i32
      %dma_start3A_284 = arith.constant 0 : i32
      %dma_start3A_285 = tpu.memref_slice %arg11[%dma_start3A_283, %dma_start3A_284] : memref<10240x40xf32, #tpu.memory_space<vmem_shared>> -> memref<10240x40xf32, #tpu.memory_space<vmem_shared>>
      tpu.enqueue_indirect_dma source(%dma_start3A_279 : memref<128x40xf32, #tpu.memory_space<vmem>>) target(%dma_start3A_285 : memref<10240x40xf32, #tpu.memory_space<vmem_shared>>) offsets(%dma_start3A_282 : memref<128xi32, #tpu.memory_space<vmem>>) semaphore(%arg28 : memref<!tpu.dma_semaphore, #tpu.memory_space<semaphore_mem>>) {add = true}
      %dma_wait3A_286 = arith.constant 0 : i32
      %dma_wait3A_287 = arith.constant 4 : i32
      %dma_wait3A_288 = arith.constant 0 : i32
      %dma_wait3A_289 = arith.constant 0 : i32
      %dma_wait3A_290 = tpu.memref_slice %arg10[%dma_wait3A_287, %dma_wait3A_288, %dma_wait3A_289] : memref<13x128x40xf32, #tpu.memory_space<vmem>> -> memref<1x128x40xf32, #tpu.memory_space<vmem>>
      %dma_wait3A_291 = tpu.memref_squeeze %dma_wait3A_290 : memref<1x128x40xf32, #tpu.memory_space<vmem>> -> memref<128x40xf32, #tpu.memory_space<vmem>>
      %dma_wait3A_292 = arith.constant 0 : i32
      %dma_wait3A_293 = tpu.memref_slice %arg6[%dma_wait3A_286, %dma_wait3A_292] : memref<78x128xi32, #tpu.memory_space<vmem>> -> memref<1x128xi32, #tpu.memory_space<vmem>>
      %dma_wait3A_294 = tpu.memref_squeeze %dma_wait3A_293 : memref<1x128xi32, #tpu.memory_space<vmem>> -> memref<128xi32, #tpu.memory_space<vmem>>
      %dma_wait3A_295 = arith.constant 0 : i32
      %dma_wait3A_296 = arith.constant 0 : i32
      %dma_wait3A_297 = tpu.memref_slice %arg2[%dma_wait3A_295, %dma_wait3A_296] : memref<10000x40xf32, #tpu.memory_space<hbm>> -> memref<10000x40xf32, #tpu.memory_space<hbm>>
      tpu.wait_indirect_dma semaphore(%arg16 : memref<!tpu.dma_semaphore, #tpu.memory_space<semaphore_mem>>) src(%dma_wait3A_297 : memref<10000x40xf32, #tpu.memory_space<hbm>>) dst(%dma_wait3A_291 : memref<128x40xf32, #tpu.memory_space<vmem>>)
      %mul3A_298 = arith.constant 13 : i32
      %mul3A_299 = arith.muli %scan3A_178, %mul3A_298 : i32
      %add3A_300 = arith.constant 4 : i32
      %add3A_301 = arith.addi %mul3A_299, %add3A_300 : i32
      %dma_start3A_302 = arith.constant 4 : i32
      %dma_start3A_303 = arith.constant 0 : i32
      %dma_start3A_304 = arith.constant 0 : i32
      %dma_start3A_305 = tpu.memref_slice %arg10[%dma_start3A_302, %dma_start3A_303, %dma_start3A_304] : memref<13x128x40xf32, #tpu.memory_space<vmem>> -> memref<1x128x40xf32, #tpu.memory_space<vmem>>
      %dma_start3A_306 = tpu.memref_squeeze %dma_start3A_305 : memref<1x128x40xf32, #tpu.memory_space<vmem>> -> memref<128x40xf32, #tpu.memory_space<vmem>>
      %dma_start3A_307 = arith.constant 0 : i32
      %dma_start3A_308 = tpu.memref_slice %arg7[%add3A_301, %dma_start3A_307] : memref<78x128xi32, #tpu.memory_space<vmem>> -> memref<1x128xi32, #tpu.memory_space<vmem>>
      %dma_start3A_309 = tpu.memref_squeeze %dma_start3A_308 : memref<1x128xi32, #tpu.memory_space<vmem>> -> memref<128xi32, #tpu.memory_space<vmem>>
      %dma_start3A_310 = arith.constant 0 : i32
      %dma_start3A_311 = arith.constant 0 : i32
      %dma_start3A_312 = tpu.memref_slice %arg11[%dma_start3A_310, %dma_start3A_311] : memref<10240x40xf32, #tpu.memory_space<vmem_shared>> -> memref<10240x40xf32, #tpu.memory_space<vmem_shared>>
      tpu.enqueue_indirect_dma source(%dma_start3A_306 : memref<128x40xf32, #tpu.memory_space<vmem>>) target(%dma_start3A_312 : memref<10240x40xf32, #tpu.memory_space<vmem_shared>>) offsets(%dma_start3A_309 : memref<128xi32, #tpu.memory_space<vmem>>) semaphore(%arg29 : memref<!tpu.dma_semaphore, #tpu.memory_space<semaphore_mem>>) {add = true}
      %dma_wait3A_313 = arith.constant 0 : i32
      %dma_wait3A_314 = arith.constant 5 : i32
      %dma_wait3A_315 = arith.constant 0 : i32
      %dma_wait3A_316 = arith.constant 0 : i32
      %dma_wait3A_317 = tpu.memref_slice %arg10[%dma_wait3A_314, %dma_wait3A_315, %dma_wait3A_316] : memref<13x128x40xf32, #tpu.memory_space<vmem>> -> memref<1x128x40xf32, #tpu.memory_space<vmem>>
      %dma_wait3A_318 = tpu.memref_squeeze %dma_wait3A_317 : memref<1x128x40xf32, #tpu.memory_space<vmem>> -> memref<128x40xf32, #tpu.memory_space<vmem>>
      %dma_wait3A_319 = arith.constant 0 : i32
      %dma_wait3A_320 = tpu.memref_slice %arg6[%dma_wait3A_313, %dma_wait3A_319] : memref<78x128xi32, #tpu.memory_space<vmem>> -> memref<1x128xi32, #tpu.memory_space<vmem>>
      %dma_wait3A_321 = tpu.memref_squeeze %dma_wait3A_320 : memref<1x128xi32, #tpu.memory_space<vmem>> -> memref<128xi32, #tpu.memory_space<vmem>>
      %dma_wait3A_322 = arith.constant 0 : i32
      %dma_wait3A_323 = arith.constant 0 : i32
      %dma_wait3A_324 = tpu.memref_slice %arg2[%dma_wait3A_322, %dma_wait3A_323] : memref<10000x40xf32, #tpu.memory_space<hbm>> -> memref<10000x40xf32, #tpu.memory_space<hbm>>
      tpu.wait_indirect_dma semaphore(%arg17 : memref<!tpu.dma_semaphore, #tpu.memory_space<semaphore_mem>>) src(%dma_wait3A_324 : memref<10000x40xf32, #tpu.memory_space<hbm>>) dst(%dma_wait3A_318 : memref<128x40xf32, #tpu.memory_space<vmem>>)
      %mul3A_325 = arith.constant 13 : i32
      %mul3A_326 = arith.muli %scan3A_178, %mul3A_325 : i32
      %add3A_327 = arith.constant 5 : i32
      %add3A_328 = arith.addi %mul3A_326, %add3A_327 : i32
      %dma_start3A_329 = arith.constant 5 : i32
      %dma_start3A_330 = arith.constant 0 : i32
      %dma_start3A_331 = arith.constant 0 : i32
      %dma_start3A_332 = tpu.memref_slice %arg10[%dma_start3A_329, %dma_start3A_330, %dma_start3A_331] : memref<13x128x40xf32, #tpu.memory_space<vmem>> -> memref<1x128x40xf32, #tpu.memory_space<vmem>>
      %dma_start3A_333 = tpu.memref_squeeze %dma_start3A_332 : memref<1x128x40xf32, #tpu.memory_space<vmem>> -> memref<128x40xf32, #tpu.memory_space<vmem>>
      %dma_start3A_334 = arith.constant 0 : i32
      %dma_start3A_335 = tpu.memref_slice %arg7[%add3A_328, %dma_start3A_334] : memref<78x128xi32, #tpu.memory_space<vmem>> -> memref<1x128xi32, #tpu.memory_space<vmem>>
      %dma_start3A_336 = tpu.memref_squeeze %dma_start3A_335 : memref<1x128xi32, #tpu.memory_space<vmem>> -> memref<128xi32, #tpu.memory_space<vmem>>
      %dma_start3A_337 = arith.constant 0 : i32
      %dma_start3A_338 = arith.constant 0 : i32
      %dma_start3A_339 = tpu.memref_slice %arg11[%dma_start3A_337, %dma_start3A_338] : memref<10240x40xf32, #tpu.memory_space<vmem_shared>> -> memref<10240x40xf32, #tpu.memory_space<vmem_shared>>
      tpu.enqueue_indirect_dma source(%dma_start3A_333 : memref<128x40xf32, #tpu.memory_space<vmem>>) target(%dma_start3A_339 : memref<10240x40xf32, #tpu.memory_space<vmem_shared>>) offsets(%dma_start3A_336 : memref<128xi32, #tpu.memory_space<vmem>>) semaphore(%arg30 : memref<!tpu.dma_semaphore, #tpu.memory_space<semaphore_mem>>) {add = true}
      %dma_wait3A_340 = arith.constant 0 : i32
      %dma_wait3A_341 = arith.constant 6 : i32
      %dma_wait3A_342 = arith.constant 0 : i32
      %dma_wait3A_343 = arith.constant 0 : i32
      %dma_wait3A_344 = tpu.memref_slice %arg10[%dma_wait3A_341, %dma_wait3A_342, %dma_wait3A_343] : memref<13x128x40xf32, #tpu.memory_space<vmem>> -> memref<1x128x40xf32, #tpu.memory_space<vmem>>
      %dma_wait3A_345 = tpu.memref_squeeze %dma_wait3A_344 : memref<1x128x40xf32, #tpu.memory_space<vmem>> -> memref<128x40xf32, #tpu.memory_space<vmem>>
      %dma_wait3A_346 = arith.constant 0 : i32
      %dma_wait3A_347 = tpu.memref_slice %arg6[%dma_wait3A_340, %dma_wait3A_346] : memref<78x128xi32, #tpu.memory_space<vmem>> -> memref<1x128xi32, #tpu.memory_space<vmem>>
      %dma_wait3A_348 = tpu.memref_squeeze %dma_wait3A_347 : memref<1x128xi32, #tpu.memory_space<vmem>> -> memref<128xi32, #tpu.memory_space<vmem>>
      %dma_wait3A_349 = arith.constant 0 : i32
      %dma_wait3A_350 = arith.constant 0 : i32
      %dma_wait3A_351 = tpu.memref_slice %arg2[%dma_wait3A_349, %dma_wait3A_350] : memref<10000x40xf32, #tpu.memory_space<hbm>> -> memref<10000x40xf32, #tpu.memory_space<hbm>>
      tpu.wait_indirect_dma semaphore(%arg18 : memref<!tpu.dma_semaphore, #tpu.memory_space<semaphore_mem>>) src(%dma_wait3A_351 : memref<10000x40xf32, #tpu.memory_space<hbm>>) dst(%dma_wait3A_345 : memref<128x40xf32, #tpu.memory_space<vmem>>)
      %mul3A_352 = arith.constant 13 : i32
      %mul3A_353 = arith.muli %scan3A_178, %mul3A_352 : i32
      %add3A_354 = arith.constant 6 : i32
      %add3A_355 = arith.addi %mul3A_353, %add3A_354 : i32
      %dma_start3A_356 = arith.constant 6 : i32
      %dma_start3A_357 = arith.constant 0 : i32
      %dma_start3A_358 = arith.constant 0 : i32
      %dma_start3A_359 = tpu.memref_slice %arg10[%dma_start3A_356, %dma_start3A_357, %dma_start3A_358] : memref<13x128x40xf32, #tpu.memory_space<vmem>> -> memref<1x128x40xf32, #tpu.memory_space<vmem>>
      %dma_start3A_360 = tpu.memref_squeeze %dma_start3A_359 : memref<1x128x40xf32, #tpu.memory_space<vmem>> -> memref<128x40xf32, #tpu.memory_space<vmem>>
      %dma_start3A_361 = arith.constant 0 : i32
      %dma_start3A_362 = tpu.memref_slice %arg7[%add3A_355, %dma_start3A_361] : memref<78x128xi32, #tpu.memory_space<vmem>> -> memref<1x128xi32, #tpu.memory_space<vmem>>
      %dma_start3A_363 = tpu.memref_squeeze %dma_start3A_362 : memref<1x128xi32, #tpu.memory_space<vmem>> -> memref<128xi32, #tpu.memory_space<vmem>>
      %dma_start3A_364 = arith.constant 0 : i32
      %dma_start3A_365 = arith.constant 0 : i32
      %dma_start3A_366 = tpu.memref_slice %arg11[%dma_start3A_364, %dma_start3A_365] : memref<10240x40xf32, #tpu.memory_space<vmem_shared>> -> memref<10240x40xf32, #tpu.memory_space<vmem_shared>>
      tpu.enqueue_indirect_dma source(%dma_start3A_360 : memref<128x40xf32, #tpu.memory_space<vmem>>) target(%dma_start3A_366 : memref<10240x40xf32, #tpu.memory_space<vmem_shared>>) offsets(%dma_start3A_363 : memref<128xi32, #tpu.memory_space<vmem>>) semaphore(%arg31 : memref<!tpu.dma_semaphore, #tpu.memory_space<semaphore_mem>>) {add = true}
      %dma_wait3A_367 = arith.constant 0 : i32
      %dma_wait3A_368 = arith.constant 7 : i32
      %dma_wait3A_369 = arith.constant 0 : i32
      %dma_wait3A_370 = arith.constant 0 : i32
      %dma_wait3A_371 = tpu.memref_slice %arg10[%dma_wait3A_368, %dma_wait3A_369, %dma_wait3A_370] : memref<13x128x40xf32, #tpu.memory_space<vmem>> -> memref<1x128x40xf32, #tpu.memory_space<vmem>>
      %dma_wait3A_372 = tpu.memref_squeeze %dma_wait3A_371 : memref<1x128x40xf32, #tpu.memory_space<vmem>> -> memref<128x40xf32, #tpu.memory_space<vmem>>
      %dma_wait3A_373 = arith.constant 0 : i32
      %dma_wait3A_374 = tpu.memref_slice %arg6[%dma_wait3A_367, %dma_wait3A_373] : memref<78x128xi32, #tpu.memory_space<vmem>> -> memref<1x128xi32, #tpu.memory_space<vmem>>
      %dma_wait3A_375 = tpu.memref_squeeze %dma_wait3A_374 : memref<1x128xi32, #tpu.memory_space<vmem>> -> memref<128xi32, #tpu.memory_space<vmem>>
      %dma_wait3A_376 = arith.constant 0 : i32
      %dma_wait3A_377 = arith.constant 0 : i32
      %dma_wait3A_378 = tpu.memref_slice %arg2[%dma_wait3A_376, %dma_wait3A_377] : memref<10000x40xf32, #tpu.memory_space<hbm>> -> memref<10000x40xf32, #tpu.memory_space<hbm>>
      tpu.wait_indirect_dma semaphore(%arg19 : memref<!tpu.dma_semaphore, #tpu.memory_space<semaphore_mem>>) src(%dma_wait3A_378 : memref<10000x40xf32, #tpu.memory_space<hbm>>) dst(%dma_wait3A_372 : memref<128x40xf32, #tpu.memory_space<vmem>>)
      %mul3A_379 = arith.constant 13 : i32
      %mul3A_380 = arith.muli %scan3A_178, %mul3A_379 : i32
      %add3A_381 = arith.constant 7 : i32
      %add3A_382 = arith.addi %mul3A_380, %add3A_381 : i32
      %dma_start3A_383 = arith.constant 7 : i32
      %dma_start3A_384 = arith.constant 0 : i32
      %dma_start3A_385 = arith.constant 0 : i32
      %dma_start3A_386 = tpu.memref_slice %arg10[%dma_start3A_383, %dma_start3A_384, %dma_start3A_385] : memref<13x128x40xf32, #tpu.memory_space<vmem>> -> memref<1x128x40xf32, #tpu.memory_space<vmem>>
      %dma_start3A_387 = tpu.memref_squeeze %dma_start3A_386 : memref<1x128x40xf32, #tpu.memory_space<vmem>> -> memref<128x40xf32, #tpu.memory_space<vmem>>
      %dma_start3A_388 = arith.constant 0 : i32
      %dma_start3A_389 = tpu.memref_slice %arg7[%add3A_382, %dma_start3A_388] : memref<78x128xi32, #tpu.memory_space<vmem>> -> memref<1x128xi32, #tpu.memory_space<vmem>>
      %dma_start3A_390 = tpu.memref_squeeze %dma_start3A_389 : memref<1x128xi32, #tpu.memory_space<vmem>> -> memref<128xi32, #tpu.memory_space<vmem>>
      %dma_start3A_391 = arith.constant 0 : i32
      %dma_start3A_392 = arith.constant 0 : i32
      %dma_start3A_393 = tpu.memref_slice %arg11[%dma_start3A_391, %dma_start3A_392] : memref<10240x40xf32, #tpu.memory_space<vmem_shared>> -> memref<10240x40xf32, #tpu.memory_space<vmem_shared>>
      tpu.enqueue_indirect_dma source(%dma_start3A_387 : memref<128x40xf32, #tpu.memory_space<vmem>>) target(%dma_start3A_393 : memref<10240x40xf32, #tpu.memory_space<vmem_shared>>) offsets(%dma_start3A_390 : memref<128xi32, #tpu.memory_space<vmem>>) semaphore(%arg32 : memref<!tpu.dma_semaphore, #tpu.memory_space<semaphore_mem>>) {add = true}
      %dma_wait3A_394 = arith.constant 0 : i32
      %dma_wait3A_395 = arith.constant 8 : i32
      %dma_wait3A_396 = arith.constant 0 : i32
      %dma_wait3A_397 = arith.constant 0 : i32
      %dma_wait3A_398 = tpu.memref_slice %arg10[%dma_wait3A_395, %dma_wait3A_396, %dma_wait3A_397] : memref<13x128x40xf32, #tpu.memory_space<vmem>> -> memref<1x128x40xf32, #tpu.memory_space<vmem>>
      %dma_wait3A_399 = tpu.memref_squeeze %dma_wait3A_398 : memref<1x128x40xf32, #tpu.memory_space<vmem>> -> memref<128x40xf32, #tpu.memory_space<vmem>>
      %dma_wait3A_400 = arith.constant 0 : i32
      %dma_wait3A_401 = tpu.memref_slice %arg6[%dma_wait3A_394, %dma_wait3A_400] : memref<78x128xi32, #tpu.memory_space<vmem>> -> memref<1x128xi32, #tpu.memory_space<vmem>>
      %dma_wait3A_402 = tpu.memref_squeeze %dma_wait3A_401 : memref<1x128xi32, #tpu.memory_space<vmem>> -> memref<128xi32, #tpu.memory_space<vmem>>
      %dma_wait3A_403 = arith.constant 0 : i32
      %dma_wait3A_404 = arith.constant 0 : i32
      %dma_wait3A_405 = tpu.memref_slice %arg2[%dma_wait3A_403, %dma_wait3A_404] : memref<10000x40xf32, #tpu.memory_space<hbm>> -> memref<10000x40xf32, #tpu.memory_space<hbm>>
      tpu.wait_indirect_dma semaphore(%arg20 : memref<!tpu.dma_semaphore, #tpu.memory_space<semaphore_mem>>) src(%dma_wait3A_405 : memref<10000x40xf32, #tpu.memory_space<hbm>>) dst(%dma_wait3A_399 : memref<128x40xf32, #tpu.memory_space<vmem>>)
      %mul3A_406 = arith.constant 13 : i32
      %mul3A_407 = arith.muli %scan3A_178, %mul3A_406 : i32
      %add3A_408 = arith.constant 8 : i32
      %add3A_409 = arith.addi %mul3A_407, %add3A_408 : i32
      %dma_start3A_410 = arith.constant 8 : i32
      %dma_start3A_411 = arith.constant 0 : i32
      %dma_start3A_412 = arith.constant 0 : i32
      %dma_start3A_413 = tpu.memref_slice %arg10[%dma_start3A_410, %dma_start3A_411, %dma_start3A_412] : memref<13x128x40xf32, #tpu.memory_space<vmem>> -> memref<1x128x40xf32, #tpu.memory_space<vmem>>
      %dma_start3A_414 = tpu.memref_squeeze %dma_start3A_413 : memref<1x128x40xf32, #tpu.memory_space<vmem>> -> memref<128x40xf32, #tpu.memory_space<vmem>>
      %dma_start3A_415 = arith.constant 0 : i32
      %dma_start3A_416 = tpu.memref_slice %arg7[%add3A_409, %dma_start3A_415] : memref<78x128xi32, #tpu.memory_space<vmem>> -> memref<1x128xi32, #tpu.memory_space<vmem>>
      %dma_start3A_417 = tpu.memref_squeeze %dma_start3A_416 : memref<1x128xi32, #tpu.memory_space<vmem>> -> memref<128xi32, #tpu.memory_space<vmem>>
      %dma_start3A_418 = arith.constant 0 : i32
      %dma_start3A_419 = arith.constant 0 : i32
      %dma_start3A_420 = tpu.memref_slice %arg11[%dma_start3A_418, %dma_start3A_419] : memref<10240x40xf32, #tpu.memory_space<vmem_shared>> -> memref<10240x40xf32, #tpu.memory_space<vmem_shared>>
      tpu.enqueue_indirect_dma source(%dma_start3A_414 : memref<128x40xf32, #tpu.memory_space<vmem>>) target(%dma_start3A_420 : memref<10240x40xf32, #tpu.memory_space<vmem_shared>>) offsets(%dma_start3A_417 : memref<128xi32, #tpu.memory_space<vmem>>) semaphore(%arg33 : memref<!tpu.dma_semaphore, #tpu.memory_space<semaphore_mem>>) {add = true}
      %dma_wait3A_421 = arith.constant 0 : i32
      %dma_wait3A_422 = arith.constant 9 : i32
      %dma_wait3A_423 = arith.constant 0 : i32
      %dma_wait3A_424 = arith.constant 0 : i32
      %dma_wait3A_425 = tpu.memref_slice %arg10[%dma_wait3A_422, %dma_wait3A_423, %dma_wait3A_424] : memref<13x128x40xf32, #tpu.memory_space<vmem>> -> memref<1x128x40xf32, #tpu.memory_space<vmem>>
      %dma_wait3A_426 = tpu.memref_squeeze %dma_wait3A_425 : memref<1x128x40xf32, #tpu.memory_space<vmem>> -> memref<128x40xf32, #tpu.memory_space<vmem>>
      %dma_wait3A_427 = arith.constant 0 : i32
      %dma_wait3A_428 = tpu.memref_slice %arg6[%dma_wait3A_421, %dma_wait3A_427] : memref<78x128xi32, #tpu.memory_space<vmem>> -> memref<1x128xi32, #tpu.memory_space<vmem>>
      %dma_wait3A_429 = tpu.memref_squeeze %dma_wait3A_428 : memref<1x128xi32, #tpu.memory_space<vmem>> -> memref<128xi32, #tpu.memory_space<vmem>>
      %dma_wait3A_430 = arith.constant 0 : i32
      %dma_wait3A_431 = arith.constant 0 : i32
      %dma_wait3A_432 = tpu.memref_slice %arg2[%dma_wait3A_430, %dma_wait3A_431] : memref<10000x40xf32, #tpu.memory_space<hbm>> -> memref<10000x40xf32, #tpu.memory_space<hbm>>
      tpu.wait_indirect_dma semaphore(%arg21 : memref<!tpu.dma_semaphore, #tpu.memory_space<semaphore_mem>>) src(%dma_wait3A_432 : memref<10000x40xf32, #tpu.memory_space<hbm>>) dst(%dma_wait3A_426 : memref<128x40xf32, #tpu.memory_space<vmem>>)
      %mul3A_433 = arith.constant 13 : i32
      %mul3A_434 = arith.muli %scan3A_178, %mul3A_433 : i32
      %add3A_435 = arith.constant 9 : i32
      %add3A_436 = arith.addi %mul3A_434, %add3A_435 : i32
      %dma_start3A_437 = arith.constant 9 : i32
      %dma_start3A_438 = arith.constant 0 : i32
      %dma_start3A_439 = arith.constant 0 : i32
      %dma_start3A_440 = tpu.memref_slice %arg10[%dma_start3A_437, %dma_start3A_438, %dma_start3A_439] : memref<13x128x40xf32, #tpu.memory_space<vmem>> -> memref<1x128x40xf32, #tpu.memory_space<vmem>>
      %dma_start3A_441 = tpu.memref_squeeze %dma_start3A_440 : memref<1x128x40xf32, #tpu.memory_space<vmem>> -> memref<128x40xf32, #tpu.memory_space<vmem>>
      %dma_start3A_442 = arith.constant 0 : i32
      %dma_start3A_443 = tpu.memref_slice %arg7[%add3A_436, %dma_start3A_442] : memref<78x128xi32, #tpu.memory_space<vmem>> -> memref<1x128xi32, #tpu.memory_space<vmem>>
      %dma_start3A_444 = tpu.memref_squeeze %dma_start3A_443 : memref<1x128xi32, #tpu.memory_space<vmem>> -> memref<128xi32, #tpu.memory_space<vmem>>
      %dma_start3A_445 = arith.constant 0 : i32
      %dma_start3A_446 = arith.constant 0 : i32
      %dma_start3A_447 = tpu.memref_slice %arg11[%dma_start3A_445, %dma_start3A_446] : memref<10240x40xf32, #tpu.memory_space<vmem_shared>> -> memref<10240x40xf32, #tpu.memory_space<vmem_shared>>
      tpu.enqueue_indirect_dma source(%dma_start3A_441 : memref<128x40xf32, #tpu.memory_space<vmem>>) target(%dma_start3A_447 : memref<10240x40xf32, #tpu.memory_space<vmem_shared>>) offsets(%dma_start3A_444 : memref<128xi32, #tpu.memory_space<vmem>>) semaphore(%arg34 : memref<!tpu.dma_semaphore, #tpu.memory_space<semaphore_mem>>) {add = true}
      %dma_wait3A_448 = arith.constant 0 : i32
      %dma_wait3A_449 = arith.constant 10 : i32
      %dma_wait3A_450 = arith.constant 0 : i32
      %dma_wait3A_451 = arith.constant 0 : i32
      %dma_wait3A_452 = tpu.memref_slice %arg10[%dma_wait3A_449, %dma_wait3A_450, %dma_wait3A_451] : memref<13x128x40xf32, #tpu.memory_space<vmem>> -> memref<1x128x40xf32, #tpu.memory_space<vmem>>
      %dma_wait3A_453 = tpu.memref_squeeze %dma_wait3A_452 : memref<1x128x40xf32, #tpu.memory_space<vmem>> -> memref<128x40xf32, #tpu.memory_space<vmem>>
      %dma_wait3A_454 = arith.constant 0 : i32
      %dma_wait3A_455 = tpu.memref_slice %arg6[%dma_wait3A_448, %dma_wait3A_454] : memref<78x128xi32, #tpu.memory_space<vmem>> -> memref<1x128xi32, #tpu.memory_space<vmem>>
      %dma_wait3A_456 = tpu.memref_squeeze %dma_wait3A_455 : memref<1x128xi32, #tpu.memory_space<vmem>> -> memref<128xi32, #tpu.memory_space<vmem>>
      %dma_wait3A_457 = arith.constant 0 : i32
      %dma_wait3A_458 = arith.constant 0 : i32
      %dma_wait3A_459 = tpu.memref_slice %arg2[%dma_wait3A_457, %dma_wait3A_458] : memref<10000x40xf32, #tpu.memory_space<hbm>> -> memref<10000x40xf32, #tpu.memory_space<hbm>>
      tpu.wait_indirect_dma semaphore(%arg22 : memref<!tpu.dma_semaphore, #tpu.memory_space<semaphore_mem>>) src(%dma_wait3A_459 : memref<10000x40xf32, #tpu.memory_space<hbm>>) dst(%dma_wait3A_453 : memref<128x40xf32, #tpu.memory_space<vmem>>)
      %mul3A_460 = arith.constant 13 : i32
      %mul3A_461 = arith.muli %scan3A_178, %mul3A_460 : i32
      %add3A_462 = arith.constant 10 : i32
      %add3A_463 = arith.addi %mul3A_461, %add3A_462 : i32
      %dma_start3A_464 = arith.constant 10 : i32
      %dma_start3A_465 = arith.constant 0 : i32
      %dma_start3A_466 = arith.constant 0 : i32
      %dma_start3A_467 = tpu.memref_slice %arg10[%dma_start3A_464, %dma_start3A_465, %dma_start3A_466] : memref<13x128x40xf32, #tpu.memory_space<vmem>> -> memref<1x128x40xf32, #tpu.memory_space<vmem>>
      %dma_start3A_468 = tpu.memref_squeeze %dma_start3A_467 : memref<1x128x40xf32, #tpu.memory_space<vmem>> -> memref<128x40xf32, #tpu.memory_space<vmem>>
      %dma_start3A_469 = arith.constant 0 : i32
      %dma_start3A_470 = tpu.memref_slice %arg7[%add3A_463, %dma_start3A_469] : memref<78x128xi32, #tpu.memory_space<vmem>> -> memref<1x128xi32, #tpu.memory_space<vmem>>
      %dma_start3A_471 = tpu.memref_squeeze %dma_start3A_470 : memref<1x128xi32, #tpu.memory_space<vmem>> -> memref<128xi32, #tpu.memory_space<vmem>>
      %dma_start3A_472 = arith.constant 0 : i32
      %dma_start3A_473 = arith.constant 0 : i32
      %dma_start3A_474 = tpu.memref_slice %arg11[%dma_start3A_472, %dma_start3A_473] : memref<10240x40xf32, #tpu.memory_space<vmem_shared>> -> memref<10240x40xf32, #tpu.memory_space<vmem_shared>>
      tpu.enqueue_indirect_dma source(%dma_start3A_468 : memref<128x40xf32, #tpu.memory_space<vmem>>) target(%dma_start3A_474 : memref<10240x40xf32, #tpu.memory_space<vmem_shared>>) offsets(%dma_start3A_471 : memref<128xi32, #tpu.memory_space<vmem>>) semaphore(%arg35 : memref<!tpu.dma_semaphore, #tpu.memory_space<semaphore_mem>>) {add = true}
      %dma_wait3A_475 = arith.constant 0 : i32
      %dma_wait3A_476 = arith.constant 11 : i32
      %dma_wait3A_477 = arith.constant 0 : i32
      %dma_wait3A_478 = arith.constant 0 : i32
      %dma_wait3A_479 = tpu.memref_slice %arg10[%dma_wait3A_476, %dma_wait3A_477, %dma_wait3A_478] : memref<13x128x40xf32, #tpu.memory_space<vmem>> -> memref<1x128x40xf32, #tpu.memory_space<vmem>>
      %dma_wait3A_480 = tpu.memref_squeeze %dma_wait3A_479 : memref<1x128x40xf32, #tpu.memory_space<vmem>> -> memref<128x40xf32, #tpu.memory_space<vmem>>
      %dma_wait3A_481 = arith.constant 0 : i32
      %dma_wait3A_482 = tpu.memref_slice %arg6[%dma_wait3A_475, %dma_wait3A_481] : memref<78x128xi32, #tpu.memory_space<vmem>> -> memref<1x128xi32, #tpu.memory_space<vmem>>
      %dma_wait3A_483 = tpu.memref_squeeze %dma_wait3A_482 : memref<1x128xi32, #tpu.memory_space<vmem>> -> memref<128xi32, #tpu.memory_space<vmem>>
      %dma_wait3A_484 = arith.constant 0 : i32
      %dma_wait3A_485 = arith.constant 0 : i32
      %dma_wait3A_486 = tpu.memref_slice %arg2[%dma_wait3A_484, %dma_wait3A_485] : memref<10000x40xf32, #tpu.memory_space<hbm>> -> memref<10000x40xf32, #tpu.memory_space<hbm>>
      tpu.wait_indirect_dma semaphore(%arg23 : memref<!tpu.dma_semaphore, #tpu.memory_space<semaphore_mem>>) src(%dma_wait3A_486 : memref<10000x40xf32, #tpu.memory_space<hbm>>) dst(%dma_wait3A_480 : memref<128x40xf32, #tpu.memory_space<vmem>>)
      %mul3A_487 = arith.constant 13 : i32
      %mul3A_488 = arith.muli %scan3A_178, %mul3A_487 : i32
      %add3A_489 = arith.constant 11 : i32
      %add3A_490 = arith.addi %mul3A_488, %add3A_489 : i32
      %dma_start3A_491 = arith.constant 11 : i32
      %dma_start3A_492 = arith.constant 0 : i32
      %dma_start3A_493 = arith.constant 0 : i32
      %dma_start3A_494 = tpu.memref_slice %arg10[%dma_start3A_491, %dma_start3A_492, %dma_start3A_493] : memref<13x128x40xf32, #tpu.memory_space<vmem>> -> memref<1x128x40xf32, #tpu.memory_space<vmem>>
      %dma_start3A_495 = tpu.memref_squeeze %dma_start3A_494 : memref<1x128x40xf32, #tpu.memory_space<vmem>> -> memref<128x40xf32, #tpu.memory_space<vmem>>
      %dma_start3A_496 = arith.constant 0 : i32
      %dma_start3A_497 = tpu.memref_slice %arg7[%add3A_490, %dma_start3A_496] : memref<78x128xi32, #tpu.memory_space<vmem>> -> memref<1x128xi32, #tpu.memory_space<vmem>>
      %dma_start3A_498 = tpu.memref_squeeze %dma_start3A_497 : memref<1x128xi32, #tpu.memory_space<vmem>> -> memref<128xi32, #tpu.memory_space<vmem>>
      %dma_start3A_499 = arith.constant 0 : i32
      %dma_start3A_500 = arith.constant 0 : i32
      %dma_start3A_501 = tpu.memref_slice %arg11[%dma_start3A_499, %dma_start3A_500] : memref<10240x40xf32, #tpu.memory_space<vmem_shared>> -> memref<10240x40xf32, #tpu.memory_space<vmem_shared>>
      tpu.enqueue_indirect_dma source(%dma_start3A_495 : memref<128x40xf32, #tpu.memory_space<vmem>>) target(%dma_start3A_501 : memref<10240x40xf32, #tpu.memory_space<vmem_shared>>) offsets(%dma_start3A_498 : memref<128xi32, #tpu.memory_space<vmem>>) semaphore(%arg36 : memref<!tpu.dma_semaphore, #tpu.memory_space<semaphore_mem>>) {add = true}
      %dma_wait3A_502 = arith.constant 0 : i32
      %dma_wait3A_503 = arith.constant 12 : i32
      %dma_wait3A_504 = arith.constant 0 : i32
      %dma_wait3A_505 = arith.constant 0 : i32
      %dma_wait3A_506 = tpu.memref_slice %arg10[%dma_wait3A_503, %dma_wait3A_504, %dma_wait3A_505] : memref<13x128x40xf32, #tpu.memory_space<vmem>> -> memref<1x128x40xf32, #tpu.memory_space<vmem>>
      %dma_wait3A_507 = tpu.memref_squeeze %dma_wait3A_506 : memref<1x128x40xf32, #tpu.memory_space<vmem>> -> memref<128x40xf32, #tpu.memory_space<vmem>>
      %dma_wait3A_508 = arith.constant 0 : i32
      %dma_wait3A_509 = tpu.memref_slice %arg6[%dma_wait3A_502, %dma_wait3A_508] : memref<78x128xi32, #tpu.memory_space<vmem>> -> memref<1x128xi32, #tpu.memory_space<vmem>>
      %dma_wait3A_510 = tpu.memref_squeeze %dma_wait3A_509 : memref<1x128xi32, #tpu.memory_space<vmem>> -> memref<128xi32, #tpu.memory_space<vmem>>
      %dma_wait3A_511 = arith.constant 0 : i32
      %dma_wait3A_512 = arith.constant 0 : i32
      %dma_wait3A_513 = tpu.memref_slice %arg2[%dma_wait3A_511, %dma_wait3A_512] : memref<10000x40xf32, #tpu.memory_space<hbm>> -> memref<10000x40xf32, #tpu.memory_space<hbm>>
      tpu.wait_indirect_dma semaphore(%arg24 : memref<!tpu.dma_semaphore, #tpu.memory_space<semaphore_mem>>) src(%dma_wait3A_513 : memref<10000x40xf32, #tpu.memory_space<hbm>>) dst(%dma_wait3A_507 : memref<128x40xf32, #tpu.memory_space<vmem>>)
      %mul3A_514 = arith.constant 13 : i32
      %mul3A_515 = arith.muli %scan3A_178, %mul3A_514 : i32
      %add3A_516 = arith.constant 12 : i32
      %add3A_517 = arith.addi %mul3A_515, %add3A_516 : i32
      %dma_start3A_518 = arith.constant 12 : i32
      %dma_start3A_519 = arith.constant 0 : i32
      %dma_start3A_520 = arith.constant 0 : i32
      %dma_start3A_521 = tpu.memref_slice %arg10[%dma_start3A_518, %dma_start3A_519, %dma_start3A_520] : memref<13x128x40xf32, #tpu.memory_space<vmem>> -> memref<1x128x40xf32, #tpu.memory_space<vmem>>
      %dma_start3A_522 = tpu.memref_squeeze %dma_start3A_521 : memref<1x128x40xf32, #tpu.memory_space<vmem>> -> memref<128x40xf32, #tpu.memory_space<vmem>>
      %dma_start3A_523 = arith.constant 0 : i32
      %dma_start3A_524 = tpu.memref_slice %arg7[%add3A_517, %dma_start3A_523] : memref<78x128xi32, #tpu.memory_space<vmem>> -> memref<1x128xi32, #tpu.memory_space<vmem>>
      %dma_start3A_525 = tpu.memref_squeeze %dma_start3A_524 : memref<1x128xi32, #tpu.memory_space<vmem>> -> memref<128xi32, #tpu.memory_space<vmem>>
      %dma_start3A_526 = arith.constant 0 : i32
      %dma_start3A_527 = arith.constant 0 : i32
      %dma_start3A_528 = tpu.memref_slice %arg11[%dma_start3A_526, %dma_start3A_527] : memref<10240x40xf32, #tpu.memory_space<vmem_shared>> -> memref<10240x40xf32, #tpu.memory_space<vmem_shared>>
      tpu.enqueue_indirect_dma source(%dma_start3A_522 : memref<128x40xf32, #tpu.memory_space<vmem>>) target(%dma_start3A_528 : memref<10240x40xf32, #tpu.memory_space<vmem_shared>>) offsets(%dma_start3A_525 : memref<128xi32, #tpu.memory_space<vmem>>) semaphore(%arg37 : memref<!tpu.dma_semaphore, #tpu.memory_space<semaphore_mem>>) {add = true}
      %dma_wait3A_529 = arith.constant 0 : i32
      %dma_wait3A_530 = arith.constant 0 : i32
      %dma_wait3A_531 = arith.constant 0 : i32
      %dma_wait3A_532 = arith.constant 0 : i32
      %dma_wait3A_533 = tpu.memref_slice %arg10[%dma_wait3A_529, %dma_wait3A_531, %dma_wait3A_532] : memref<13x128x40xf32, #tpu.memory_space<vmem>> -> memref<1x128x40xf32, #tpu.memory_space<vmem>>
      %dma_wait3A_534 = tpu.memref_squeeze %dma_wait3A_533 : memref<1x128x40xf32, #tpu.memory_space<vmem>> -> memref<128x40xf32, #tpu.memory_space<vmem>>
      %dma_wait3A_535 = arith.constant 0 : i32
      %dma_wait3A_536 = tpu.memref_slice %arg7[%dma_wait3A_530, %dma_wait3A_535] : memref<78x128xi32, #tpu.memory_space<vmem>> -> memref<1x128xi32, #tpu.memory_space<vmem>>
      %dma_wait3A_537 = tpu.memref_squeeze %dma_wait3A_536 : memref<1x128xi32, #tpu.memory_space<vmem>> -> memref<128xi32, #tpu.memory_space<vmem>>
      %dma_wait3A_538 = arith.constant 0 : i32
      %dma_wait3A_539 = arith.constant 0 : i32
      %dma_wait3A_540 = tpu.memref_slice %arg11[%dma_wait3A_538, %dma_wait3A_539] : memref<10240x40xf32, #tpu.memory_space<vmem_shared>> -> memref<10240x40xf32, #tpu.memory_space<vmem_shared>>
      tpu.wait_indirect_dma semaphore(%arg25 : memref<!tpu.dma_semaphore, #tpu.memory_space<semaphore_mem>>) src(%dma_wait3A_534 : memref<128x40xf32, #tpu.memory_space<vmem>>) dst(%dma_wait3A_540 : memref<10240x40xf32, #tpu.memory_space<vmem_shared>>)
      %add3A_541 = arith.constant 1 : i32
      %add3A_542 = arith.addi %scan3A_178, %add3A_541 : i32
      %mul3A_543 = arith.constant 13 : i32
      %mul3A_544 = arith.muli %add3A_542, %mul3A_543 : i32
      %add3A_545 = arith.constant 0 : i32
      %add3A_546 = arith.addi %mul3A_544, %add3A_545 : i32
      %lt3A_547 = arith.constant 78 : i32
      %lt3A_548 = arith.cmpi slt, %add3A_546, %lt3A_547 : i32
      %convert_element_type3A_549 = arith.extui %lt3A_548 : i1 to i32
      %cond3A_550 = arith.constant 0 : i32
      %cond3A_551 = arith.cmpi ne, %convert_element_type3A_549, %cond3A_550 : i32
      scf.if %cond3A_551 {
        %dma_start3A_828 = arith.constant 0 : i32
        %dma_start3A_829 = arith.constant 0 : i32
        %dma_start3A_830 = arith.constant 0 : i32
        %dma_start3A_831 = tpu.memref_slice %arg10[%dma_start3A_828, %dma_start3A_829, %dma_start3A_830] : memref<13x128x40xf32, #tpu.memory_space<vmem>> -> memref<1x128x40xf32, #tpu.memory_space<vmem>>
        %dma_start3A_832 = tpu.memref_squeeze %dma_start3A_831 : memref<1x128x40xf32, #tpu.memory_space<vmem>> -> memref<128x40xf32, #tpu.memory_space<vmem>>
        %dma_start3A_833 = arith.constant 0 : i32
        %dma_start3A_834 = tpu.memref_slice %arg6[%add3A_546, %dma_start3A_833] : memref<78x128xi32, #tpu.memory_space<vmem>> -> memref<1x128xi32, #tpu.memory_space<vmem>>
        %dma_start3A_835 = tpu.memref_squeeze %dma_start3A_834 : memref<1x128xi32, #tpu.memory_space<vmem>> -> memref<128xi32, #tpu.memory_space<vmem>>
        %dma_start3A_836 = arith.constant 0 : i32
        %dma_start3A_837 = arith.constant 0 : i32
        %dma_start3A_838 = tpu.memref_slice %arg2[%dma_start3A_836, %dma_start3A_837] : memref<10000x40xf32, #tpu.memory_space<hbm>> -> memref<10000x40xf32, #tpu.memory_space<hbm>>
        tpu.enqueue_indirect_dma source(%dma_start3A_838 : memref<10000x40xf32, #tpu.memory_space<hbm>>) target(%dma_start3A_832 : memref<128x40xf32, #tpu.memory_space<vmem>>) offsets(%dma_start3A_835 : memref<128xi32, #tpu.memory_space<vmem>>) semaphore(%arg12 : memref<!tpu.dma_semaphore, #tpu.memory_space<semaphore_mem>>)
      } else {
      }
      %dma_wait3A_552 = arith.constant 1 : i32
      %dma_wait3A_553 = arith.constant 0 : i32
      %dma_wait3A_554 = arith.constant 0 : i32
      %dma_wait3A_555 = arith.constant 0 : i32
      %dma_wait3A_556 = tpu.memref_slice %arg10[%dma_wait3A_552, %dma_wait3A_554, %dma_wait3A_555] : memref<13x128x40xf32, #tpu.memory_space<vmem>> -> memref<1x128x40xf32, #tpu.memory_space<vmem>>
      %dma_wait3A_557 = tpu.memref_squeeze %dma_wait3A_556 : memref<1x128x40xf32, #tpu.memory_space<vmem>> -> memref<128x40xf32, #tpu.memory_space<vmem>>
      %dma_wait3A_558 = arith.constant 0 : i32
      %dma_wait3A_559 = tpu.memref_slice %arg7[%dma_wait3A_553, %dma_wait3A_558] : memref<78x128xi32, #tpu.memory_space<vmem>> -> memref<1x128xi32, #tpu.memory_space<vmem>>
      %dma_wait3A_560 = tpu.memref_squeeze %dma_wait3A_559 : memref<1x128xi32, #tpu.memory_space<vmem>> -> memref<128xi32, #tpu.memory_space<vmem>>
      %dma_wait3A_561 = arith.constant 0 : i32
      %dma_wait3A_562 = arith.constant 0 : i32
      %dma_wait3A_563 = tpu.memref_slice %arg11[%dma_wait3A_561, %dma_wait3A_562] : memref<10240x40xf32, #tpu.memory_space<vmem_shared>> -> memref<10240x40xf32, #tpu.memory_space<vmem_shared>>
      tpu.wait_indirect_dma semaphore(%arg26 : memref<!tpu.dma_semaphore, #tpu.memory_space<semaphore_mem>>) src(%dma_wait3A_557 : memref<128x40xf32, #tpu.memory_space<vmem>>) dst(%dma_wait3A_563 : memref<10240x40xf32, #tpu.memory_space<vmem_shared>>)
      %add3A_564 = arith.constant 1 : i32
      %add3A_565 = arith.addi %scan3A_178, %add3A_564 : i32
      %mul3A_566 = arith.constant 13 : i32
      %mul3A_567 = arith.muli %add3A_565, %mul3A_566 : i32
      %add3A_568 = arith.constant 1 : i32
      %add3A_569 = arith.addi %mul3A_567, %add3A_568 : i32
      %lt3A_570 = arith.constant 78 : i32
      %lt3A_571 = arith.cmpi slt, %add3A_569, %lt3A_570 : i32
      %convert_element_type3A_572 = arith.extui %lt3A_571 : i1 to i32
      %cond3A_573 = arith.constant 0 : i32
      %cond3A_574 = arith.cmpi ne, %convert_element_type3A_572, %cond3A_573 : i32
      scf.if %cond3A_574 {
        %dma_start3A_828 = arith.constant 1 : i32
        %dma_start3A_829 = arith.constant 0 : i32
        %dma_start3A_830 = arith.constant 0 : i32
        %dma_start3A_831 = tpu.memref_slice %arg10[%dma_start3A_828, %dma_start3A_829, %dma_start3A_830] : memref<13x128x40xf32, #tpu.memory_space<vmem>> -> memref<1x128x40xf32, #tpu.memory_space<vmem>>
        %dma_start3A_832 = tpu.memref_squeeze %dma_start3A_831 : memref<1x128x40xf32, #tpu.memory_space<vmem>> -> memref<128x40xf32, #tpu.memory_space<vmem>>
        %dma_start3A_833 = arith.constant 0 : i32
        %dma_start3A_834 = tpu.memref_slice %arg6[%add3A_569, %dma_start3A_833] : memref<78x128xi32, #tpu.memory_space<vmem>> -> memref<1x128xi32, #tpu.memory_space<vmem>>
        %dma_start3A_835 = tpu.memref_squeeze %dma_start3A_834 : memref<1x128xi32, #tpu.memory_space<vmem>> -> memref<128xi32, #tpu.memory_space<vmem>>
        %dma_start3A_836 = arith.constant 0 : i32
        %dma_start3A_837 = arith.constant 0 : i32
        %dma_start3A_838 = tpu.memref_slice %arg2[%dma_start3A_836, %dma_start3A_837] : memref<10000x40xf32, #tpu.memory_space<hbm>> -> memref<10000x40xf32, #tpu.memory_space<hbm>>
        tpu.enqueue_indirect_dma source(%dma_start3A_838 : memref<10000x40xf32, #tpu.memory_space<hbm>>) target(%dma_start3A_832 : memref<128x40xf32, #tpu.memory_space<vmem>>) offsets(%dma_start3A_835 : memref<128xi32, #tpu.memory_space<vmem>>) semaphore(%arg13 : memref<!tpu.dma_semaphore, #tpu.memory_space<semaphore_mem>>)
      } else {
      }
      %dma_wait3A_575 = arith.constant 2 : i32
      %dma_wait3A_576 = arith.constant 0 : i32
      %dma_wait3A_577 = arith.constant 0 : i32
      %dma_wait3A_578 = arith.constant 0 : i32
      %dma_wait3A_579 = tpu.memref_slice %arg10[%dma_wait3A_575, %dma_wait3A_577, %dma_wait3A_578] : memref<13x128x40xf32, #tpu.memory_space<vmem>> -> memref<1x128x40xf32, #tpu.memory_space<vmem>>
      %dma_wait3A_580 = tpu.memref_squeeze %dma_wait3A_579 : memref<1x128x40xf32, #tpu.memory_space<vmem>> -> memref<128x40xf32, #tpu.memory_space<vmem>>
      %dma_wait3A_581 = arith.constant 0 : i32
      %dma_wait3A_582 = tpu.memref_slice %arg7[%dma_wait3A_576, %dma_wait3A_581] : memref<78x128xi32, #tpu.memory_space<vmem>> -> memref<1x128xi32, #tpu.memory_space<vmem>>
      %dma_wait3A_583 = tpu.memref_squeeze %dma_wait3A_582 : memref<1x128xi32, #tpu.memory_space<vmem>> -> memref<128xi32, #tpu.memory_space<vmem>>
      %dma_wait3A_584 = arith.constant 0 : i32
      %dma_wait3A_585 = arith.constant 0 : i32
      %dma_wait3A_586 = tpu.memref_slice %arg11[%dma_wait3A_584, %dma_wait3A_585] : memref<10240x40xf32, #tpu.memory_space<vmem_shared>> -> memref<10240x40xf32, #tpu.memory_space<vmem_shared>>
      tpu.wait_indirect_dma semaphore(%arg27 : memref<!tpu.dma_semaphore, #tpu.memory_space<semaphore_mem>>) src(%dma_wait3A_580 : memref<128x40xf32, #tpu.memory_space<vmem>>) dst(%dma_wait3A_586 : memref<10240x40xf32, #tpu.memory_space<vmem_shared>>)
      %add3A_587 = arith.constant 1 : i32
      %add3A_588 = arith.addi %scan3A_178, %add3A_587 : i32
      %mul3A_589 = arith.constant 13 : i32
      %mul3A_590 = arith.muli %add3A_588, %mul3A_589 : i32
      %add3A_591 = arith.constant 2 : i32
      %add3A_592 = arith.addi %mul3A_590, %add3A_591 : i32
      %lt3A_593 = arith.constant 78 : i32
      %lt3A_594 = arith.cmpi slt, %add3A_592, %lt3A_593 : i32
      %convert_element_type3A_595 = arith.extui %lt3A_594 : i1 to i32
      %cond3A_596 = arith.constant 0 : i32
      %cond3A_597 = arith.cmpi ne, %convert_element_type3A_595, %cond3A_596 : i32
      scf.if %cond3A_597 {
        %dma_start3A_828 = arith.constant 2 : i32
        %dma_start3A_829 = arith.constant 0 : i32
        %dma_start3A_830 = arith.constant 0 : i32
        %dma_start3A_831 = tpu.memref_slice %arg10[%dma_start3A_828, %dma_start3A_829, %dma_start3A_830] : memref<13x128x40xf32, #tpu.memory_space<vmem>> -> memref<1x128x40xf32, #tpu.memory_space<vmem>>
        %dma_start3A_832 = tpu.memref_squeeze %dma_start3A_831 : memref<1x128x40xf32, #tpu.memory_space<vmem>> -> memref<128x40xf32, #tpu.memory_space<vmem>>
        %dma_start3A_833 = arith.constant 0 : i32
        %dma_start3A_834 = tpu.memref_slice %arg6[%add3A_592, %dma_start3A_833] : memref<78x128xi32, #tpu.memory_space<vmem>> -> memref<1x128xi32, #tpu.memory_space<vmem>>
        %dma_start3A_835 = tpu.memref_squeeze %dma_start3A_834 : memref<1x128xi32, #tpu.memory_space<vmem>> -> memref<128xi32, #tpu.memory_space<vmem>>
        %dma_start3A_836 = arith.constant 0 : i32
        %dma_start3A_837 = arith.constant 0 : i32
        %dma_start3A_838 = tpu.memref_slice %arg2[%dma_start3A_836, %dma_start3A_837] : memref<10000x40xf32, #tpu.memory_space<hbm>> -> memref<10000x40xf32, #tpu.memory_space<hbm>>
        tpu.enqueue_indirect_dma source(%dma_start3A_838 : memref<10000x40xf32, #tpu.memory_space<hbm>>) target(%dma_start3A_832 : memref<128x40xf32, #tpu.memory_space<vmem>>) offsets(%dma_start3A_835 : memref<128xi32, #tpu.memory_space<vmem>>) semaphore(%arg14 : memref<!tpu.dma_semaphore, #tpu.memory_space<semaphore_mem>>)
      } else {
      }
      %dma_wait3A_598 = arith.constant 3 : i32
      %dma_wait3A_599 = arith.constant 0 : i32
      %dma_wait3A_600 = arith.constant 0 : i32
      %dma_wait3A_601 = arith.constant 0 : i32
      %dma_wait3A_602 = tpu.memref_slice %arg10[%dma_wait3A_598, %dma_wait3A_600, %dma_wait3A_601] : memref<13x128x40xf32, #tpu.memory_space<vmem>> -> memref<1x128x40xf32, #tpu.memory_space<vmem>>
      %dma_wait3A_603 = tpu.memref_squeeze %dma_wait3A_602 : memref<1x128x40xf32, #tpu.memory_space<vmem>> -> memref<128x40xf32, #tpu.memory_space<vmem>>
      %dma_wait3A_604 = arith.constant 0 : i32
      %dma_wait3A_605 = tpu.memref_slice %arg7[%dma_wait3A_599, %dma_wait3A_604] : memref<78x128xi32, #tpu.memory_space<vmem>> -> memref<1x128xi32, #tpu.memory_space<vmem>>
      %dma_wait3A_606 = tpu.memref_squeeze %dma_wait3A_605 : memref<1x128xi32, #tpu.memory_space<vmem>> -> memref<128xi32, #tpu.memory_space<vmem>>
      %dma_wait3A_607 = arith.constant 0 : i32
      %dma_wait3A_608 = arith.constant 0 : i32
      %dma_wait3A_609 = tpu.memref_slice %arg11[%dma_wait3A_607, %dma_wait3A_608] : memref<10240x40xf32, #tpu.memory_space<vmem_shared>> -> memref<10240x40xf32, #tpu.memory_space<vmem_shared>>
      tpu.wait_indirect_dma semaphore(%arg28 : memref<!tpu.dma_semaphore, #tpu.memory_space<semaphore_mem>>) src(%dma_wait3A_603 : memref<128x40xf32, #tpu.memory_space<vmem>>) dst(%dma_wait3A_609 : memref<10240x40xf32, #tpu.memory_space<vmem_shared>>)
      %add3A_610 = arith.constant 1 : i32
      %add3A_611 = arith.addi %scan3A_178, %add3A_610 : i32
      %mul3A_612 = arith.constant 13 : i32
      %mul3A_613 = arith.muli %add3A_611, %mul3A_612 : i32
      %add3A_614 = arith.constant 3 : i32
      %add3A_615 = arith.addi %mul3A_613, %add3A_614 : i32
      %lt3A_616 = arith.constant 78 : i32
      %lt3A_617 = arith.cmpi slt, %add3A_615, %lt3A_616 : i32
      %convert_element_type3A_618 = arith.extui %lt3A_617 : i1 to i32
      %cond3A_619 = arith.constant 0 : i32
      %cond3A_620 = arith.cmpi ne, %convert_element_type3A_618, %cond3A_619 : i32
      scf.if %cond3A_620 {
        %dma_start3A_828 = arith.constant 3 : i32
        %dma_start3A_829 = arith.constant 0 : i32
        %dma_start3A_830 = arith.constant 0 : i32
        %dma_start3A_831 = tpu.memref_slice %arg10[%dma_start3A_828, %dma_start3A_829, %dma_start3A_830] : memref<13x128x40xf32, #tpu.memory_space<vmem>> -> memref<1x128x40xf32, #tpu.memory_space<vmem>>
        %dma_start3A_832 = tpu.memref_squeeze %dma_start3A_831 : memref<1x128x40xf32, #tpu.memory_space<vmem>> -> memref<128x40xf32, #tpu.memory_space<vmem>>
        %dma_start3A_833 = arith.constant 0 : i32
        %dma_start3A_834 = tpu.memref_slice %arg6[%add3A_615, %dma_start3A_833] : memref<78x128xi32, #tpu.memory_space<vmem>> -> memref<1x128xi32, #tpu.memory_space<vmem>>
        %dma_start3A_835 = tpu.memref_squeeze %dma_start3A_834 : memref<1x128xi32, #tpu.memory_space<vmem>> -> memref<128xi32, #tpu.memory_space<vmem>>
        %dma_start3A_836 = arith.constant 0 : i32
        %dma_start3A_837 = arith.constant 0 : i32
        %dma_start3A_838 = tpu.memref_slice %arg2[%dma_start3A_836, %dma_start3A_837] : memref<10000x40xf32, #tpu.memory_space<hbm>> -> memref<10000x40xf32, #tpu.memory_space<hbm>>
        tpu.enqueue_indirect_dma source(%dma_start3A_838 : memref<10000x40xf32, #tpu.memory_space<hbm>>) target(%dma_start3A_832 : memref<128x40xf32, #tpu.memory_space<vmem>>) offsets(%dma_start3A_835 : memref<128xi32, #tpu.memory_space<vmem>>) semaphore(%arg15 : memref<!tpu.dma_semaphore, #tpu.memory_space<semaphore_mem>>)
      } else {
      }
      %dma_wait3A_621 = arith.constant 4 : i32
      %dma_wait3A_622 = arith.constant 0 : i32
      %dma_wait3A_623 = arith.constant 0 : i32
      %dma_wait3A_624 = arith.constant 0 : i32
      %dma_wait3A_625 = tpu.memref_slice %arg10[%dma_wait3A_621, %dma_wait3A_623, %dma_wait3A_624] : memref<13x128x40xf32, #tpu.memory_space<vmem>> -> memref<1x128x40xf32, #tpu.memory_space<vmem>>
      %dma_wait3A_626 = tpu.memref_squeeze %dma_wait3A_625 : memref<1x128x40xf32, #tpu.memory_space<vmem>> -> memref<128x40xf32, #tpu.memory_space<vmem>>
      %dma_wait3A_627 = arith.constant 0 : i32
      %dma_wait3A_628 = tpu.memref_slice %arg7[%dma_wait3A_622, %dma_wait3A_627] : memref<78x128xi32, #tpu.memory_space<vmem>> -> memref<1x128xi32, #tpu.memory_space<vmem>>
      %dma_wait3A_629 = tpu.memref_squeeze %dma_wait3A_628 : memref<1x128xi32, #tpu.memory_space<vmem>> -> memref<128xi32, #tpu.memory_space<vmem>>
      %dma_wait3A_630 = arith.constant 0 : i32
      %dma_wait3A_631 = arith.constant 0 : i32
      %dma_wait3A_632 = tpu.memref_slice %arg11[%dma_wait3A_630, %dma_wait3A_631] : memref<10240x40xf32, #tpu.memory_space<vmem_shared>> -> memref<10240x40xf32, #tpu.memory_space<vmem_shared>>
      tpu.wait_indirect_dma semaphore(%arg29 : memref<!tpu.dma_semaphore, #tpu.memory_space<semaphore_mem>>) src(%dma_wait3A_626 : memref<128x40xf32, #tpu.memory_space<vmem>>) dst(%dma_wait3A_632 : memref<10240x40xf32, #tpu.memory_space<vmem_shared>>)
      %add3A_633 = arith.constant 1 : i32
      %add3A_634 = arith.addi %scan3A_178, %add3A_633 : i32
      %mul3A_635 = arith.constant 13 : i32
      %mul3A_636 = arith.muli %add3A_634, %mul3A_635 : i32
      %add3A_637 = arith.constant 4 : i32
      %add3A_638 = arith.addi %mul3A_636, %add3A_637 : i32
      %lt3A_639 = arith.constant 78 : i32
      %lt3A_640 = arith.cmpi slt, %add3A_638, %lt3A_639 : i32
      %convert_element_type3A_641 = arith.extui %lt3A_640 : i1 to i32
      %cond3A_642 = arith.constant 0 : i32
      %cond3A_643 = arith.cmpi ne, %convert_element_type3A_641, %cond3A_642 : i32
      scf.if %cond3A_643 {
        %dma_start3A_828 = arith.constant 4 : i32
        %dma_start3A_829 = arith.constant 0 : i32
        %dma_start3A_830 = arith.constant 0 : i32
        %dma_start3A_831 = tpu.memref_slice %arg10[%dma_start3A_828, %dma_start3A_829, %dma_start3A_830] : memref<13x128x40xf32, #tpu.memory_space<vmem>> -> memref<1x128x40xf32, #tpu.memory_space<vmem>>
        %dma_start3A_832 = tpu.memref_squeeze %dma_start3A_831 : memref<1x128x40xf32, #tpu.memory_space<vmem>> -> memref<128x40xf32, #tpu.memory_space<vmem>>
        %dma_start3A_833 = arith.constant 0 : i32
        %dma_start3A_834 = tpu.memref_slice %arg6[%add3A_638, %dma_start3A_833] : memref<78x128xi32, #tpu.memory_space<vmem>> -> memref<1x128xi32, #tpu.memory_space<vmem>>
        %dma_start3A_835 = tpu.memref_squeeze %dma_start3A_834 : memref<1x128xi32, #tpu.memory_space<vmem>> -> memref<128xi32, #tpu.memory_space<vmem>>
        %dma_start3A_836 = arith.constant 0 : i32
        %dma_start3A_837 = arith.constant 0 : i32
        %dma_start3A_838 = tpu.memref_slice %arg2[%dma_start3A_836, %dma_start3A_837] : memref<10000x40xf32, #tpu.memory_space<hbm>> -> memref<10000x40xf32, #tpu.memory_space<hbm>>
        tpu.enqueue_indirect_dma source(%dma_start3A_838 : memref<10000x40xf32, #tpu.memory_space<hbm>>) target(%dma_start3A_832 : memref<128x40xf32, #tpu.memory_space<vmem>>) offsets(%dma_start3A_835 : memref<128xi32, #tpu.memory_space<vmem>>) semaphore(%arg16 : memref<!tpu.dma_semaphore, #tpu.memory_space<semaphore_mem>>)
      } else {
      }
      %dma_wait3A_644 = arith.constant 5 : i32
      %dma_wait3A_645 = arith.constant 0 : i32
      %dma_wait3A_646 = arith.constant 0 : i32
      %dma_wait3A_647 = arith.constant 0 : i32
      %dma_wait3A_648 = tpu.memref_slice %arg10[%dma_wait3A_644, %dma_wait3A_646, %dma_wait3A_647] : memref<13x128x40xf32, #tpu.memory_space<vmem>> -> memref<1x128x40xf32, #tpu.memory_space<vmem>>
      %dma_wait3A_649 = tpu.memref_squeeze %dma_wait3A_648 : memref<1x128x40xf32, #tpu.memory_space<vmem>> -> memref<128x40xf32, #tpu.memory_space<vmem>>
      %dma_wait3A_650 = arith.constant 0 : i32
      %dma_wait3A_651 = tpu.memref_slice %arg7[%dma_wait3A_645, %dma_wait3A_650] : memref<78x128xi32, #tpu.memory_space<vmem>> -> memref<1x128xi32, #tpu.memory_space<vmem>>
      %dma_wait3A_652 = tpu.memref_squeeze %dma_wait3A_651 : memref<1x128xi32, #tpu.memory_space<vmem>> -> memref<128xi32, #tpu.memory_space<vmem>>
      %dma_wait3A_653 = arith.constant 0 : i32
      %dma_wait3A_654 = arith.constant 0 : i32
      %dma_wait3A_655 = tpu.memref_slice %arg11[%dma_wait3A_653, %dma_wait3A_654] : memref<10240x40xf32, #tpu.memory_space<vmem_shared>> -> memref<10240x40xf32, #tpu.memory_space<vmem_shared>>
      tpu.wait_indirect_dma semaphore(%arg30 : memref<!tpu.dma_semaphore, #tpu.memory_space<semaphore_mem>>) src(%dma_wait3A_649 : memref<128x40xf32, #tpu.memory_space<vmem>>) dst(%dma_wait3A_655 : memref<10240x40xf32, #tpu.memory_space<vmem_shared>>)
      %add3A_656 = arith.constant 1 : i32
      %add3A_657 = arith.addi %scan3A_178, %add3A_656 : i32
      %mul3A_658 = arith.constant 13 : i32
      %mul3A_659 = arith.muli %add3A_657, %mul3A_658 : i32
      %add3A_660 = arith.constant 5 : i32
      %add3A_661 = arith.addi %mul3A_659, %add3A_660 : i32
      %lt3A_662 = arith.constant 78 : i32
      %lt3A_663 = arith.cmpi slt, %add3A_661, %lt3A_662 : i32
      %convert_element_type3A_664 = arith.extui %lt3A_663 : i1 to i32
      %cond3A_665 = arith.constant 0 : i32
      %cond3A_666 = arith.cmpi ne, %convert_element_type3A_664, %cond3A_665 : i32
      scf.if %cond3A_666 {
        %dma_start3A_828 = arith.constant 5 : i32
        %dma_start3A_829 = arith.constant 0 : i32
        %dma_start3A_830 = arith.constant 0 : i32
        %dma_start3A_831 = tpu.memref_slice %arg10[%dma_start3A_828, %dma_start3A_829, %dma_start3A_830] : memref<13x128x40xf32, #tpu.memory_space<vmem>> -> memref<1x128x40xf32, #tpu.memory_space<vmem>>
        %dma_start3A_832 = tpu.memref_squeeze %dma_start3A_831 : memref<1x128x40xf32, #tpu.memory_space<vmem>> -> memref<128x40xf32, #tpu.memory_space<vmem>>
        %dma_start3A_833 = arith.constant 0 : i32
        %dma_start3A_834 = tpu.memref_slice %arg6[%add3A_661, %dma_start3A_833] : memref<78x128xi32, #tpu.memory_space<vmem>> -> memref<1x128xi32, #tpu.memory_space<vmem>>
        %dma_start3A_835 = tpu.memref_squeeze %dma_start3A_834 : memref<1x128xi32, #tpu.memory_space<vmem>> -> memref<128xi32, #tpu.memory_space<vmem>>
        %dma_start3A_836 = arith.constant 0 : i32
        %dma_start3A_837 = arith.constant 0 : i32
        %dma_start3A_838 = tpu.memref_slice %arg2[%dma_start3A_836, %dma_start3A_837] : memref<10000x40xf32, #tpu.memory_space<hbm>> -> memref<10000x40xf32, #tpu.memory_space<hbm>>
        tpu.enqueue_indirect_dma source(%dma_start3A_838 : memref<10000x40xf32, #tpu.memory_space<hbm>>) target(%dma_start3A_832 : memref<128x40xf32, #tpu.memory_space<vmem>>) offsets(%dma_start3A_835 : memref<128xi32, #tpu.memory_space<vmem>>) semaphore(%arg17 : memref<!tpu.dma_semaphore, #tpu.memory_space<semaphore_mem>>)
      } else {
      }
      %dma_wait3A_667 = arith.constant 6 : i32
      %dma_wait3A_668 = arith.constant 0 : i32
      %dma_wait3A_669 = arith.constant 0 : i32
      %dma_wait3A_670 = arith.constant 0 : i32
      %dma_wait3A_671 = tpu.memref_slice %arg10[%dma_wait3A_667, %dma_wait3A_669, %dma_wait3A_670] : memref<13x128x40xf32, #tpu.memory_space<vmem>> -> memref<1x128x40xf32, #tpu.memory_space<vmem>>
      %dma_wait3A_672 = tpu.memref_squeeze %dma_wait3A_671 : memref<1x128x40xf32, #tpu.memory_space<vmem>> -> memref<128x40xf32, #tpu.memory_space<vmem>>
      %dma_wait3A_673 = arith.constant 0 : i32
      %dma_wait3A_674 = tpu.memref_slice %arg7[%dma_wait3A_668, %dma_wait3A_673] : memref<78x128xi32, #tpu.memory_space<vmem>> -> memref<1x128xi32, #tpu.memory_space<vmem>>
      %dma_wait3A_675 = tpu.memref_squeeze %dma_wait3A_674 : memref<1x128xi32, #tpu.memory_space<vmem>> -> memref<128xi32, #tpu.memory_space<vmem>>
      %dma_wait3A_676 = arith.constant 0 : i32
      %dma_wait3A_677 = arith.constant 0 : i32
      %dma_wait3A_678 = tpu.memref_slice %arg11[%dma_wait3A_676, %dma_wait3A_677] : memref<10240x40xf32, #tpu.memory_space<vmem_shared>> -> memref<10240x40xf32, #tpu.memory_space<vmem_shared>>
      tpu.wait_indirect_dma semaphore(%arg31 : memref<!tpu.dma_semaphore, #tpu.memory_space<semaphore_mem>>) src(%dma_wait3A_672 : memref<128x40xf32, #tpu.memory_space<vmem>>) dst(%dma_wait3A_678 : memref<10240x40xf32, #tpu.memory_space<vmem_shared>>)
      %add3A_679 = arith.constant 1 : i32
      %add3A_680 = arith.addi %scan3A_178, %add3A_679 : i32
      %mul3A_681 = arith.constant 13 : i32
      %mul3A_682 = arith.muli %add3A_680, %mul3A_681 : i32
      %add3A_683 = arith.constant 6 : i32
      %add3A_684 = arith.addi %mul3A_682, %add3A_683 : i32
      %lt3A_685 = arith.constant 78 : i32
      %lt3A_686 = arith.cmpi slt, %add3A_684, %lt3A_685 : i32
      %convert_element_type3A_687 = arith.extui %lt3A_686 : i1 to i32
      %cond3A_688 = arith.constant 0 : i32
      %cond3A_689 = arith.cmpi ne, %convert_element_type3A_687, %cond3A_688 : i32
      scf.if %cond3A_689 {
        %dma_start3A_828 = arith.constant 6 : i32
        %dma_start3A_829 = arith.constant 0 : i32
        %dma_start3A_830 = arith.constant 0 : i32
        %dma_start3A_831 = tpu.memref_slice %arg10[%dma_start3A_828, %dma_start3A_829, %dma_start3A_830] : memref<13x128x40xf32, #tpu.memory_space<vmem>> -> memref<1x128x40xf32, #tpu.memory_space<vmem>>
        %dma_start3A_832 = tpu.memref_squeeze %dma_start3A_831 : memref<1x128x40xf32, #tpu.memory_space<vmem>> -> memref<128x40xf32, #tpu.memory_space<vmem>>
        %dma_start3A_833 = arith.constant 0 : i32
        %dma_start3A_834 = tpu.memref_slice %arg6[%add3A_684, %dma_start3A_833] : memref<78x128xi32, #tpu.memory_space<vmem>> -> memref<1x128xi32, #tpu.memory_space<vmem>>
        %dma_start3A_835 = tpu.memref_squeeze %dma_start3A_834 : memref<1x128xi32, #tpu.memory_space<vmem>> -> memref<128xi32, #tpu.memory_space<vmem>>
        %dma_start3A_836 = arith.constant 0 : i32
        %dma_start3A_837 = arith.constant 0 : i32
        %dma_start3A_838 = tpu.memref_slice %arg2[%dma_start3A_836, %dma_start3A_837] : memref<10000x40xf32, #tpu.memory_space<hbm>> -> memref<10000x40xf32, #tpu.memory_space<hbm>>
        tpu.enqueue_indirect_dma source(%dma_start3A_838 : memref<10000x40xf32, #tpu.memory_space<hbm>>) target(%dma_start3A_832 : memref<128x40xf32, #tpu.memory_space<vmem>>) offsets(%dma_start3A_835 : memref<128xi32, #tpu.memory_space<vmem>>) semaphore(%arg18 : memref<!tpu.dma_semaphore, #tpu.memory_space<semaphore_mem>>)
      } else {
      }
      %dma_wait3A_690 = arith.constant 7 : i32
      %dma_wait3A_691 = arith.constant 0 : i32
      %dma_wait3A_692 = arith.constant 0 : i32
      %dma_wait3A_693 = arith.constant 0 : i32
      %dma_wait3A_694 = tpu.memref_slice %arg10[%dma_wait3A_690, %dma_wait3A_692, %dma_wait3A_693] : memref<13x128x40xf32, #tpu.memory_space<vmem>> -> memref<1x128x40xf32, #tpu.memory_space<vmem>>
      %dma_wait3A_695 = tpu.memref_squeeze %dma_wait3A_694 : memref<1x128x40xf32, #tpu.memory_space<vmem>> -> memref<128x40xf32, #tpu.memory_space<vmem>>
      %dma_wait3A_696 = arith.constant 0 : i32
      %dma_wait3A_697 = tpu.memref_slice %arg7[%dma_wait3A_691, %dma_wait3A_696] : memref<78x128xi32, #tpu.memory_space<vmem>> -> memref<1x128xi32, #tpu.memory_space<vmem>>
      %dma_wait3A_698 = tpu.memref_squeeze %dma_wait3A_697 : memref<1x128xi32, #tpu.memory_space<vmem>> -> memref<128xi32, #tpu.memory_space<vmem>>
      %dma_wait3A_699 = arith.constant 0 : i32
      %dma_wait3A_700 = arith.constant 0 : i32
      %dma_wait3A_701 = tpu.memref_slice %arg11[%dma_wait3A_699, %dma_wait3A_700] : memref<10240x40xf32, #tpu.memory_space<vmem_shared>> -> memref<10240x40xf32, #tpu.memory_space<vmem_shared>>
      tpu.wait_indirect_dma semaphore(%arg32 : memref<!tpu.dma_semaphore, #tpu.memory_space<semaphore_mem>>) src(%dma_wait3A_695 : memref<128x40xf32, #tpu.memory_space<vmem>>) dst(%dma_wait3A_701 : memref<10240x40xf32, #tpu.memory_space<vmem_shared>>)
      %add3A_702 = arith.constant 1 : i32
      %add3A_703 = arith.addi %scan3A_178, %add3A_702 : i32
      %mul3A_704 = arith.constant 13 : i32
      %mul3A_705 = arith.muli %add3A_703, %mul3A_704 : i32
      %add3A_706 = arith.constant 7 : i32
      %add3A_707 = arith.addi %mul3A_705, %add3A_706 : i32
      %lt3A_708 = arith.constant 78 : i32
      %lt3A_709 = arith.cmpi slt, %add3A_707, %lt3A_708 : i32
      %convert_element_type3A_710 = arith.extui %lt3A_709 : i1 to i32
      %cond3A_711 = arith.constant 0 : i32
      %cond3A_712 = arith.cmpi ne, %convert_element_type3A_710, %cond3A_711 : i32
      scf.if %cond3A_712 {
        %dma_start3A_828 = arith.constant 7 : i32
        %dma_start3A_829 = arith.constant 0 : i32
        %dma_start3A_830 = arith.constant 0 : i32
        %dma_start3A_831 = tpu.memref_slice %arg10[%dma_start3A_828, %dma_start3A_829, %dma_start3A_830] : memref<13x128x40xf32, #tpu.memory_space<vmem>> -> memref<1x128x40xf32, #tpu.memory_space<vmem>>
        %dma_start3A_832 = tpu.memref_squeeze %dma_start3A_831 : memref<1x128x40xf32, #tpu.memory_space<vmem>> -> memref<128x40xf32, #tpu.memory_space<vmem>>
        %dma_start3A_833 = arith.constant 0 : i32
        %dma_start3A_834 = tpu.memref_slice %arg6[%add3A_707, %dma_start3A_833] : memref<78x128xi32, #tpu.memory_space<vmem>> -> memref<1x128xi32, #tpu.memory_space<vmem>>
        %dma_start3A_835 = tpu.memref_squeeze %dma_start3A_834 : memref<1x128xi32, #tpu.memory_space<vmem>> -> memref<128xi32, #tpu.memory_space<vmem>>
        %dma_start3A_836 = arith.constant 0 : i32
        %dma_start3A_837 = arith.constant 0 : i32
        %dma_start3A_838 = tpu.memref_slice %arg2[%dma_start3A_836, %dma_start3A_837] : memref<10000x40xf32, #tpu.memory_space<hbm>> -> memref<10000x40xf32, #tpu.memory_space<hbm>>
        tpu.enqueue_indirect_dma source(%dma_start3A_838 : memref<10000x40xf32, #tpu.memory_space<hbm>>) target(%dma_start3A_832 : memref<128x40xf32, #tpu.memory_space<vmem>>) offsets(%dma_start3A_835 : memref<128xi32, #tpu.memory_space<vmem>>) semaphore(%arg19 : memref<!tpu.dma_semaphore, #tpu.memory_space<semaphore_mem>>)
      } else {
      }
      %dma_wait3A_713 = arith.constant 8 : i32
      %dma_wait3A_714 = arith.constant 0 : i32
      %dma_wait3A_715 = arith.constant 0 : i32
      %dma_wait3A_716 = arith.constant 0 : i32
      %dma_wait3A_717 = tpu.memref_slice %arg10[%dma_wait3A_713, %dma_wait3A_715, %dma_wait3A_716] : memref<13x128x40xf32, #tpu.memory_space<vmem>> -> memref<1x128x40xf32, #tpu.memory_space<vmem>>
      %dma_wait3A_718 = tpu.memref_squeeze %dma_wait3A_717 : memref<1x128x40xf32, #tpu.memory_space<vmem>> -> memref<128x40xf32, #tpu.memory_space<vmem>>
      %dma_wait3A_719 = arith.constant 0 : i32
      %dma_wait3A_720 = tpu.memref_slice %arg7[%dma_wait3A_714, %dma_wait3A_719] : memref<78x128xi32, #tpu.memory_space<vmem>> -> memref<1x128xi32, #tpu.memory_space<vmem>>
      %dma_wait3A_721 = tpu.memref_squeeze %dma_wait3A_720 : memref<1x128xi32, #tpu.memory_space<vmem>> -> memref<128xi32, #tpu.memory_space<vmem>>
      %dma_wait3A_722 = arith.constant 0 : i32
      %dma_wait3A_723 = arith.constant 0 : i32
      %dma_wait3A_724 = tpu.memref_slice %arg11[%dma_wait3A_722, %dma_wait3A_723] : memref<10240x40xf32, #tpu.memory_space<vmem_shared>> -> memref<10240x40xf32, #tpu.memory_space<vmem_shared>>
      tpu.wait_indirect_dma semaphore(%arg33 : memref<!tpu.dma_semaphore, #tpu.memory_space<semaphore_mem>>) src(%dma_wait3A_718 : memref<128x40xf32, #tpu.memory_space<vmem>>) dst(%dma_wait3A_724 : memref<10240x40xf32, #tpu.memory_space<vmem_shared>>)
      %add3A_725 = arith.constant 1 : i32
      %add3A_726 = arith.addi %scan3A_178, %add3A_725 : i32
      %mul3A_727 = arith.constant 13 : i32
      %mul3A_728 = arith.muli %add3A_726, %mul3A_727 : i32
      %add3A_729 = arith.constant 8 : i32
      %add3A_730 = arith.addi %mul3A_728, %add3A_729 : i32
      %lt3A_731 = arith.constant 78 : i32
      %lt3A_732 = arith.cmpi slt, %add3A_730, %lt3A_731 : i32
      %convert_element_type3A_733 = arith.extui %lt3A_732 : i1 to i32
      %cond3A_734 = arith.constant 0 : i32
      %cond3A_735 = arith.cmpi ne, %convert_element_type3A_733, %cond3A_734 : i32
      scf.if %cond3A_735 {
        %dma_start3A_828 = arith.constant 8 : i32
        %dma_start3A_829 = arith.constant 0 : i32
        %dma_start3A_830 = arith.constant 0 : i32
        %dma_start3A_831 = tpu.memref_slice %arg10[%dma_start3A_828, %dma_start3A_829, %dma_start3A_830] : memref<13x128x40xf32, #tpu.memory_space<vmem>> -> memref<1x128x40xf32, #tpu.memory_space<vmem>>
        %dma_start3A_832 = tpu.memref_squeeze %dma_start3A_831 : memref<1x128x40xf32, #tpu.memory_space<vmem>> -> memref<128x40xf32, #tpu.memory_space<vmem>>
        %dma_start3A_833 = arith.constant 0 : i32
        %dma_start3A_834 = tpu.memref_slice %arg6[%add3A_730, %dma_start3A_833] : memref<78x128xi32, #tpu.memory_space<vmem>> -> memref<1x128xi32, #tpu.memory_space<vmem>>
        %dma_start3A_835 = tpu.memref_squeeze %dma_start3A_834 : memref<1x128xi32, #tpu.memory_space<vmem>> -> memref<128xi32, #tpu.memory_space<vmem>>
        %dma_start3A_836 = arith.constant 0 : i32
        %dma_start3A_837 = arith.constant 0 : i32
        %dma_start3A_838 = tpu.memref_slice %arg2[%dma_start3A_836, %dma_start3A_837] : memref<10000x40xf32, #tpu.memory_space<hbm>> -> memref<10000x40xf32, #tpu.memory_space<hbm>>
        tpu.enqueue_indirect_dma source(%dma_start3A_838 : memref<10000x40xf32, #tpu.memory_space<hbm>>) target(%dma_start3A_832 : memref<128x40xf32, #tpu.memory_space<vmem>>) offsets(%dma_start3A_835 : memref<128xi32, #tpu.memory_space<vmem>>) semaphore(%arg20 : memref<!tpu.dma_semaphore, #tpu.memory_space<semaphore_mem>>)
      } else {
      }
      %dma_wait3A_736 = arith.constant 9 : i32
      %dma_wait3A_737 = arith.constant 0 : i32
      %dma_wait3A_738 = arith.constant 0 : i32
      %dma_wait3A_739 = arith.constant 0 : i32
      %dma_wait3A_740 = tpu.memref_slice %arg10[%dma_wait3A_736, %dma_wait3A_738, %dma_wait3A_739] : memref<13x128x40xf32, #tpu.memory_space<vmem>> -> memref<1x128x40xf32, #tpu.memory_space<vmem>>
      %dma_wait3A_741 = tpu.memref_squeeze %dma_wait3A_740 : memref<1x128x40xf32, #tpu.memory_space<vmem>> -> memref<128x40xf32, #tpu.memory_space<vmem>>
      %dma_wait3A_742 = arith.constant 0 : i32
      %dma_wait3A_743 = tpu.memref_slice %arg7[%dma_wait3A_737, %dma_wait3A_742] : memref<78x128xi32, #tpu.memory_space<vmem>> -> memref<1x128xi32, #tpu.memory_space<vmem>>
      %dma_wait3A_744 = tpu.memref_squeeze %dma_wait3A_743 : memref<1x128xi32, #tpu.memory_space<vmem>> -> memref<128xi32, #tpu.memory_space<vmem>>
      %dma_wait3A_745 = arith.constant 0 : i32
      %dma_wait3A_746 = arith.constant 0 : i32
      %dma_wait3A_747 = tpu.memref_slice %arg11[%dma_wait3A_745, %dma_wait3A_746] : memref<10240x40xf32, #tpu.memory_space<vmem_shared>> -> memref<10240x40xf32, #tpu.memory_space<vmem_shared>>
      tpu.wait_indirect_dma semaphore(%arg34 : memref<!tpu.dma_semaphore, #tpu.memory_space<semaphore_mem>>) src(%dma_wait3A_741 : memref<128x40xf32, #tpu.memory_space<vmem>>) dst(%dma_wait3A_747 : memref<10240x40xf32, #tpu.memory_space<vmem_shared>>)
      %add3A_748 = arith.constant 1 : i32
      %add3A_749 = arith.addi %scan3A_178, %add3A_748 : i32
      %mul3A_750 = arith.constant 13 : i32
      %mul3A_751 = arith.muli %add3A_749, %mul3A_750 : i32
      %add3A_752 = arith.constant 9 : i32
      %add3A_753 = arith.addi %mul3A_751, %add3A_752 : i32
      %lt3A_754 = arith.constant 78 : i32
      %lt3A_755 = arith.cmpi slt, %add3A_753, %lt3A_754 : i32
      %convert_element_type3A_756 = arith.extui %lt3A_755 : i1 to i32
      %cond3A_757 = arith.constant 0 : i32
      %cond3A_758 = arith.cmpi ne, %convert_element_type3A_756, %cond3A_757 : i32
      scf.if %cond3A_758 {
        %dma_start3A_828 = arith.constant 9 : i32
        %dma_start3A_829 = arith.constant 0 : i32
        %dma_start3A_830 = arith.constant 0 : i32
        %dma_start3A_831 = tpu.memref_slice %arg10[%dma_start3A_828, %dma_start3A_829, %dma_start3A_830] : memref<13x128x40xf32, #tpu.memory_space<vmem>> -> memref<1x128x40xf32, #tpu.memory_space<vmem>>
        %dma_start3A_832 = tpu.memref_squeeze %dma_start3A_831 : memref<1x128x40xf32, #tpu.memory_space<vmem>> -> memref<128x40xf32, #tpu.memory_space<vmem>>
        %dma_start3A_833 = arith.constant 0 : i32
        %dma_start3A_834 = tpu.memref_slice %arg6[%add3A_753, %dma_start3A_833] : memref<78x128xi32, #tpu.memory_space<vmem>> -> memref<1x128xi32, #tpu.memory_space<vmem>>
        %dma_start3A_835 = tpu.memref_squeeze %dma_start3A_834 : memref<1x128xi32, #tpu.memory_space<vmem>> -> memref<128xi32, #tpu.memory_space<vmem>>
        %dma_start3A_836 = arith.constant 0 : i32
        %dma_start3A_837 = arith.constant 0 : i32
        %dma_start3A_838 = tpu.memref_slice %arg2[%dma_start3A_836, %dma_start3A_837] : memref<10000x40xf32, #tpu.memory_space<hbm>> -> memref<10000x40xf32, #tpu.memory_space<hbm>>
        tpu.enqueue_indirect_dma source(%dma_start3A_838 : memref<10000x40xf32, #tpu.memory_space<hbm>>) target(%dma_start3A_832 : memref<128x40xf32, #tpu.memory_space<vmem>>) offsets(%dma_start3A_835 : memref<128xi32, #tpu.memory_space<vmem>>) semaphore(%arg21 : memref<!tpu.dma_semaphore, #tpu.memory_space<semaphore_mem>>)
      } else {
      }
      %dma_wait3A_759 = arith.constant 10 : i32
      %dma_wait3A_760 = arith.constant 0 : i32
      %dma_wait3A_761 = arith.constant 0 : i32
      %dma_wait3A_762 = arith.constant 0 : i32
      %dma_wait3A_763 = tpu.memref_slice %arg10[%dma_wait3A_759, %dma_wait3A_761, %dma_wait3A_762] : memref<13x128x40xf32, #tpu.memory_space<vmem>> -> memref<1x128x40xf32, #tpu.memory_space<vmem>>
      %dma_wait3A_764 = tpu.memref_squeeze %dma_wait3A_763 : memref<1x128x40xf32, #tpu.memory_space<vmem>> -> memref<128x40xf32, #tpu.memory_space<vmem>>
      %dma_wait3A_765 = arith.constant 0 : i32
      %dma_wait3A_766 = tpu.memref_slice %arg7[%dma_wait3A_760, %dma_wait3A_765] : memref<78x128xi32, #tpu.memory_space<vmem>> -> memref<1x128xi32, #tpu.memory_space<vmem>>
      %dma_wait3A_767 = tpu.memref_squeeze %dma_wait3A_766 : memref<1x128xi32, #tpu.memory_space<vmem>> -> memref<128xi32, #tpu.memory_space<vmem>>
      %dma_wait3A_768 = arith.constant 0 : i32
      %dma_wait3A_769 = arith.constant 0 : i32
      %dma_wait3A_770 = tpu.memref_slice %arg11[%dma_wait3A_768, %dma_wait3A_769] : memref<10240x40xf32, #tpu.memory_space<vmem_shared>> -> memref<10240x40xf32, #tpu.memory_space<vmem_shared>>
      tpu.wait_indirect_dma semaphore(%arg35 : memref<!tpu.dma_semaphore, #tpu.memory_space<semaphore_mem>>) src(%dma_wait3A_764 : memref<128x40xf32, #tpu.memory_space<vmem>>) dst(%dma_wait3A_770 : memref<10240x40xf32, #tpu.memory_space<vmem_shared>>)
      %add3A_771 = arith.constant 1 : i32
      %add3A_772 = arith.addi %scan3A_178, %add3A_771 : i32
      %mul3A_773 = arith.constant 13 : i32
      %mul3A_774 = arith.muli %add3A_772, %mul3A_773 : i32
      %add3A_775 = arith.constant 10 : i32
      %add3A_776 = arith.addi %mul3A_774, %add3A_775 : i32
      %lt3A_777 = arith.constant 78 : i32
      %lt3A_778 = arith.cmpi slt, %add3A_776, %lt3A_777 : i32
      %convert_element_type3A_779 = arith.extui %lt3A_778 : i1 to i32
      %cond3A_780 = arith.constant 0 : i32
      %cond3A_781 = arith.cmpi ne, %convert_element_type3A_779, %cond3A_780 : i32
      scf.if %cond3A_781 {
        %dma_start3A_828 = arith.constant 10 : i32
        %dma_start3A_829 = arith.constant 0 : i32
        %dma_start3A_830 = arith.constant 0 : i32
        %dma_start3A_831 = tpu.memref_slice %arg10[%dma_start3A_828, %dma_start3A_829, %dma_start3A_830] : memref<13x128x40xf32, #tpu.memory_space<vmem>> -> memref<1x128x40xf32, #tpu.memory_space<vmem>>
        %dma_start3A_832 = tpu.memref_squeeze %dma_start3A_831 : memref<1x128x40xf32, #tpu.memory_space<vmem>> -> memref<128x40xf32, #tpu.memory_space<vmem>>
        %dma_start3A_833 = arith.constant 0 : i32
        %dma_start3A_834 = tpu.memref_slice %arg6[%add3A_776, %dma_start3A_833] : memref<78x128xi32, #tpu.memory_space<vmem>> -> memref<1x128xi32, #tpu.memory_space<vmem>>
        %dma_start3A_835 = tpu.memref_squeeze %dma_start3A_834 : memref<1x128xi32, #tpu.memory_space<vmem>> -> memref<128xi32, #tpu.memory_space<vmem>>
        %dma_start3A_836 = arith.constant 0 : i32
        %dma_start3A_837 = arith.constant 0 : i32
        %dma_start3A_838 = tpu.memref_slice %arg2[%dma_start3A_836, %dma_start3A_837] : memref<10000x40xf32, #tpu.memory_space<hbm>> -> memref<10000x40xf32, #tpu.memory_space<hbm>>
        tpu.enqueue_indirect_dma source(%dma_start3A_838 : memref<10000x40xf32, #tpu.memory_space<hbm>>) target(%dma_start3A_832 : memref<128x40xf32, #tpu.memory_space<vmem>>) offsets(%dma_start3A_835 : memref<128xi32, #tpu.memory_space<vmem>>) semaphore(%arg22 : memref<!tpu.dma_semaphore, #tpu.memory_space<semaphore_mem>>)
      } else {
      }
      %dma_wait3A_782 = arith.constant 11 : i32
      %dma_wait3A_783 = arith.constant 0 : i32
      %dma_wait3A_784 = arith.constant 0 : i32
      %dma_wait3A_785 = arith.constant 0 : i32
      %dma_wait3A_786 = tpu.memref_slice %arg10[%dma_wait3A_782, %dma_wait3A_784, %dma_wait3A_785] : memref<13x128x40xf32, #tpu.memory_space<vmem>> -> memref<1x128x40xf32, #tpu.memory_space<vmem>>
      %dma_wait3A_787 = tpu.memref_squeeze %dma_wait3A_786 : memref<1x128x40xf32, #tpu.memory_space<vmem>> -> memref<128x40xf32, #tpu.memory_space<vmem>>
      %dma_wait3A_788 = arith.constant 0 : i32
      %dma_wait3A_789 = tpu.memref_slice %arg7[%dma_wait3A_783, %dma_wait3A_788] : memref<78x128xi32, #tpu.memory_space<vmem>> -> memref<1x128xi32, #tpu.memory_space<vmem>>
      %dma_wait3A_790 = tpu.memref_squeeze %dma_wait3A_789 : memref<1x128xi32, #tpu.memory_space<vmem>> -> memref<128xi32, #tpu.memory_space<vmem>>
      %dma_wait3A_791 = arith.constant 0 : i32
      %dma_wait3A_792 = arith.constant 0 : i32
      %dma_wait3A_793 = tpu.memref_slice %arg11[%dma_wait3A_791, %dma_wait3A_792] : memref<10240x40xf32, #tpu.memory_space<vmem_shared>> -> memref<10240x40xf32, #tpu.memory_space<vmem_shared>>
      tpu.wait_indirect_dma semaphore(%arg36 : memref<!tpu.dma_semaphore, #tpu.memory_space<semaphore_mem>>) src(%dma_wait3A_787 : memref<128x40xf32, #tpu.memory_space<vmem>>) dst(%dma_wait3A_793 : memref<10240x40xf32, #tpu.memory_space<vmem_shared>>)
      %add3A_794 = arith.constant 1 : i32
      %add3A_795 = arith.addi %scan3A_178, %add3A_794 : i32
      %mul3A_796 = arith.constant 13 : i32
      %mul3A_797 = arith.muli %add3A_795, %mul3A_796 : i32
      %add3A_798 = arith.constant 11 : i32
      %add3A_799 = arith.addi %mul3A_797, %add3A_798 : i32
      %lt3A_800 = arith.constant 78 : i32
      %lt3A_801 = arith.cmpi slt, %add3A_799, %lt3A_800 : i32
      %convert_element_type3A_802 = arith.extui %lt3A_801 : i1 to i32
      %cond3A_803 = arith.constant 0 : i32
      %cond3A_804 = arith.cmpi ne, %convert_element_type3A_802, %cond3A_803 : i32
      scf.if %cond3A_804 {
        %dma_start3A_828 = arith.constant 11 : i32
        %dma_start3A_829 = arith.constant 0 : i32
        %dma_start3A_830 = arith.constant 0 : i32
        %dma_start3A_831 = tpu.memref_slice %arg10[%dma_start3A_828, %dma_start3A_829, %dma_start3A_830] : memref<13x128x40xf32, #tpu.memory_space<vmem>> -> memref<1x128x40xf32, #tpu.memory_space<vmem>>
        %dma_start3A_832 = tpu.memref_squeeze %dma_start3A_831 : memref<1x128x40xf32, #tpu.memory_space<vmem>> -> memref<128x40xf32, #tpu.memory_space<vmem>>
        %dma_start3A_833 = arith.constant 0 : i32
        %dma_start3A_834 = tpu.memref_slice %arg6[%add3A_799, %dma_start3A_833] : memref<78x128xi32, #tpu.memory_space<vmem>> -> memref<1x128xi32, #tpu.memory_space<vmem>>
        %dma_start3A_835 = tpu.memref_squeeze %dma_start3A_834 : memref<1x128xi32, #tpu.memory_space<vmem>> -> memref<128xi32, #tpu.memory_space<vmem>>
        %dma_start3A_836 = arith.constant 0 : i32
        %dma_start3A_837 = arith.constant 0 : i32
        %dma_start3A_838 = tpu.memref_slice %arg2[%dma_start3A_836, %dma_start3A_837] : memref<10000x40xf32, #tpu.memory_space<hbm>> -> memref<10000x40xf32, #tpu.memory_space<hbm>>
        tpu.enqueue_indirect_dma source(%dma_start3A_838 : memref<10000x40xf32, #tpu.memory_space<hbm>>) target(%dma_start3A_832 : memref<128x40xf32, #tpu.memory_space<vmem>>) offsets(%dma_start3A_835 : memref<128xi32, #tpu.memory_space<vmem>>) semaphore(%arg23 : memref<!tpu.dma_semaphore, #tpu.memory_space<semaphore_mem>>)
      } else {
      }
      %dma_wait3A_805 = arith.constant 12 : i32
      %dma_wait3A_806 = arith.constant 0 : i32
      %dma_wait3A_807 = arith.constant 0 : i32
      %dma_wait3A_808 = arith.constant 0 : i32
      %dma_wait3A_809 = tpu.memref_slice %arg10[%dma_wait3A_805, %dma_wait3A_807, %dma_wait3A_808] : memref<13x128x40xf32, #tpu.memory_space<vmem>> -> memref<1x128x40xf32, #tpu.memory_space<vmem>>
      %dma_wait3A_810 = tpu.memref_squeeze %dma_wait3A_809 : memref<1x128x40xf32, #tpu.memory_space<vmem>> -> memref<128x40xf32, #tpu.memory_space<vmem>>
      %dma_wait3A_811 = arith.constant 0 : i32
      %dma_wait3A_812 = tpu.memref_slice %arg7[%dma_wait3A_806, %dma_wait3A_811] : memref<78x128xi32, #tpu.memory_space<vmem>> -> memref<1x128xi32, #tpu.memory_space<vmem>>
      %dma_wait3A_813 = tpu.memref_squeeze %dma_wait3A_812 : memref<1x128xi32, #tpu.memory_space<vmem>> -> memref<128xi32, #tpu.memory_space<vmem>>
      %dma_wait3A_814 = arith.constant 0 : i32
      %dma_wait3A_815 = arith.constant 0 : i32
      %dma_wait3A_816 = tpu.memref_slice %arg11[%dma_wait3A_814, %dma_wait3A_815] : memref<10240x40xf32, #tpu.memory_space<vmem_shared>> -> memref<10240x40xf32, #tpu.memory_space<vmem_shared>>
      tpu.wait_indirect_dma semaphore(%arg37 : memref<!tpu.dma_semaphore, #tpu.memory_space<semaphore_mem>>) src(%dma_wait3A_810 : memref<128x40xf32, #tpu.memory_space<vmem>>) dst(%dma_wait3A_816 : memref<10240x40xf32, #tpu.memory_space<vmem_shared>>)
      %add3A_817 = arith.constant 1 : i32
      %add3A_818 = arith.addi %scan3A_178, %add3A_817 : i32
      %mul3A_819 = arith.constant 13 : i32
      %mul3A_820 = arith.muli %add3A_818, %mul3A_819 : i32
      %add3A_821 = arith.constant 12 : i32
      %add3A_822 = arith.addi %mul3A_820, %add3A_821 : i32
      %lt3A_823 = arith.constant 78 : i32
      %lt3A_824 = arith.cmpi slt, %add3A_822, %lt3A_823 : i32
      %convert_element_type3A_825 = arith.extui %lt3A_824 : i1 to i32
      %cond3A_826 = arith.constant 0 : i32
      %cond3A_827 = arith.cmpi ne, %convert_element_type3A_825, %cond3A_826 : i32
      scf.if %cond3A_827 {
        %dma_start3A_828 = arith.constant 12 : i32
        %dma_start3A_829 = arith.constant 0 : i32
        %dma_start3A_830 = arith.constant 0 : i32
        %dma_start3A_831 = tpu.memref_slice %arg10[%dma_start3A_828, %dma_start3A_829, %dma_start3A_830] : memref<13x128x40xf32, #tpu.memory_space<vmem>> -> memref<1x128x40xf32, #tpu.memory_space<vmem>>
        %dma_start3A_832 = tpu.memref_squeeze %dma_start3A_831 : memref<1x128x40xf32, #tpu.memory_space<vmem>> -> memref<128x40xf32, #tpu.memory_space<vmem>>
        %dma_start3A_833 = arith.constant 0 : i32
        %dma_start3A_834 = tpu.memref_slice %arg6[%add3A_822, %dma_start3A_833] : memref<78x128xi32, #tpu.memory_space<vmem>> -> memref<1x128xi32, #tpu.memory_space<vmem>>
        %dma_start3A_835 = tpu.memref_squeeze %dma_start3A_834 : memref<1x128xi32, #tpu.memory_space<vmem>> -> memref<128xi32, #tpu.memory_space<vmem>>
        %dma_start3A_836 = arith.constant 0 : i32
        %dma_start3A_837 = arith.constant 0 : i32
        %dma_start3A_838 = tpu.memref_slice %arg2[%dma_start3A_836, %dma_start3A_837] : memref<10000x40xf32, #tpu.memory_space<hbm>> -> memref<10000x40xf32, #tpu.memory_space<hbm>>
        tpu.enqueue_indirect_dma source(%dma_start3A_838 : memref<10000x40xf32, #tpu.memory_space<hbm>>) target(%dma_start3A_832 : memref<128x40xf32, #tpu.memory_space<vmem>>) offsets(%dma_start3A_835 : memref<128xi32, #tpu.memory_space<vmem>>) semaphore(%arg24 : memref<!tpu.dma_semaphore, #tpu.memory_space<semaphore_mem>>)
      } else {
      }
    }
    %scan3A_169 = arith.constant 6 : i32
    %lt3A_170 = arith.constant 4 : i32
    %lt3A_171 = arith.cmpi slt, %add3A, %lt3A_170 : i32
    %convert_element_type3A_172 = arith.extui %lt3A_171 : i1 to i32
    %cond3A_173 = arith.constant 0 : i32
    %cond3A_174 = arith.cmpi ne, %convert_element_type3A_172, %cond3A_173 : i32
    scf.if %cond3A_174 {
      %dma_start3A_178 = arith.constant 0 : i32
      %dma_start3A_179 = arith.constant 0 : i32
      %dma_start3A_180 = arith.constant 0 : i32
      %dma_start3A_181 = arith.constant 0 : i32
      %dma_start3A_182 = tpu.memref_slice %arg10[%dma_start3A_179, %dma_start3A_180, %dma_start3A_181] : memref<13x128x40xf32, #tpu.memory_space<vmem>> -> memref<1x128x40xf32, #tpu.memory_space<vmem>>
      %dma_start3A_183 = tpu.memref_squeeze %dma_start3A_182 : memref<1x128x40xf32, #tpu.memory_space<vmem>> -> memref<128x40xf32, #tpu.memory_space<vmem>>
      %dma_start3A_184 = arith.constant 0 : i32
      %dma_start3A_185 = tpu.memref_slice %arg8[%dma_start3A_178, %dma_start3A_184] : memref<1x128xi32, #tpu.memory_space<vmem>> -> memref<1x128xi32, #tpu.memory_space<vmem>>
      %dma_start3A_186 = tpu.memref_squeeze %dma_start3A_185 : memref<1x128xi32, #tpu.memory_space<vmem>> -> memref<128xi32, #tpu.memory_space<vmem>>
      %dma_start3A_187 = arith.constant 0 : i32
      %dma_start3A_188 = arith.constant 0 : i32
      %dma_start3A_189 = tpu.memref_slice %arg2[%dma_start3A_187, %dma_start3A_188] : memref<10000x40xf32, #tpu.memory_space<hbm>> -> memref<10000x40xf32, #tpu.memory_space<hbm>>
      tpu.enqueue_indirect_dma source(%dma_start3A_189 : memref<10000x40xf32, #tpu.memory_space<hbm>>) target(%dma_start3A_183 : memref<128x40xf32, #tpu.memory_space<vmem>>) offsets(%dma_start3A_186 : memref<128xi32, #tpu.memory_space<vmem>>) semaphore(%arg12 : memref<!tpu.dma_semaphore, #tpu.memory_space<semaphore_mem>>)
      %dma_wait3A = arith.constant 0 : i32
      %dma_wait3A_190 = arith.constant 0 : i32
      %dma_wait3A_191 = arith.constant 0 : i32
      %dma_wait3A_192 = arith.constant 0 : i32
      %dma_wait3A_193 = tpu.memref_slice %arg10[%dma_wait3A_190, %dma_wait3A_191, %dma_wait3A_192] : memref<13x128x40xf32, #tpu.memory_space<vmem>> -> memref<1x128x40xf32, #tpu.memory_space<vmem>>
      %dma_wait3A_194 = tpu.memref_squeeze %dma_wait3A_193 : memref<1x128x40xf32, #tpu.memory_space<vmem>> -> memref<128x40xf32, #tpu.memory_space<vmem>>
      %dma_wait3A_195 = arith.constant 0 : i32
      %dma_wait3A_196 = tpu.memref_slice %arg6[%dma_wait3A, %dma_wait3A_195] : memref<78x128xi32, #tpu.memory_space<vmem>> -> memref<1x128xi32, #tpu.memory_space<vmem>>
      %dma_wait3A_197 = tpu.memref_squeeze %dma_wait3A_196 : memref<1x128xi32, #tpu.memory_space<vmem>> -> memref<128xi32, #tpu.memory_space<vmem>>
      %dma_wait3A_198 = arith.constant 0 : i32
      %dma_wait3A_199 = arith.constant 0 : i32
      %dma_wait3A_200 = tpu.memref_slice %arg2[%dma_wait3A_198, %dma_wait3A_199] : memref<10000x40xf32, #tpu.memory_space<hbm>> -> memref<10000x40xf32, #tpu.memory_space<hbm>>
      tpu.wait_indirect_dma semaphore(%arg12 : memref<!tpu.dma_semaphore, #tpu.memory_space<semaphore_mem>>) src(%dma_wait3A_200 : memref<10000x40xf32, #tpu.memory_space<hbm>>) dst(%dma_wait3A_194 : memref<128x40xf32, #tpu.memory_space<vmem>>)
      %dma_start3A_201 = arith.constant 0 : i32
      %dma_start3A_202 = arith.constant 0 : i32
      %dma_start3A_203 = arith.constant 0 : i32
      %dma_start3A_204 = arith.constant 0 : i32
      %dma_start3A_205 = tpu.memref_slice %arg10[%dma_start3A_201, %dma_start3A_203, %dma_start3A_204] : memref<13x128x40xf32, #tpu.memory_space<vmem>> -> memref<1x128x40xf32, #tpu.memory_space<vmem>>
      %dma_start3A_206 = tpu.memref_squeeze %dma_start3A_205 : memref<1x128x40xf32, #tpu.memory_space<vmem>> -> memref<128x40xf32, #tpu.memory_space<vmem>>
      %dma_start3A_207 = arith.constant 0 : i32
      %dma_start3A_208 = tpu.memref_slice %arg9[%dma_start3A_202, %dma_start3A_207] : memref<1x128xi32, #tpu.memory_space<vmem>> -> memref<1x128xi32, #tpu.memory_space<vmem>>
      %dma_start3A_209 = tpu.memref_squeeze %dma_start3A_208 : memref<1x128xi32, #tpu.memory_space<vmem>> -> memref<128xi32, #tpu.memory_space<vmem>>
      %dma_start3A_210 = arith.constant 0 : i32
      %dma_start3A_211 = arith.constant 0 : i32
      %dma_start3A_212 = tpu.memref_slice %arg11[%dma_start3A_210, %dma_start3A_211] : memref<10240x40xf32, #tpu.memory_space<vmem_shared>> -> memref<10240x40xf32, #tpu.memory_space<vmem_shared>>
      tpu.enqueue_indirect_dma source(%dma_start3A_206 : memref<128x40xf32, #tpu.memory_space<vmem>>) target(%dma_start3A_212 : memref<10240x40xf32, #tpu.memory_space<vmem_shared>>) offsets(%dma_start3A_209 : memref<128xi32, #tpu.memory_space<vmem>>) semaphore(%arg25 : memref<!tpu.dma_semaphore, #tpu.memory_space<semaphore_mem>>) {add = true}
      %dma_wait3A_213 = arith.constant 0 : i32
      %dma_wait3A_214 = arith.constant 0 : i32
      %dma_wait3A_215 = arith.constant 0 : i32
      %dma_wait3A_216 = arith.constant 0 : i32
      %dma_wait3A_217 = tpu.memref_slice %arg10[%dma_wait3A_213, %dma_wait3A_215, %dma_wait3A_216] : memref<13x128x40xf32, #tpu.memory_space<vmem>> -> memref<1x128x40xf32, #tpu.memory_space<vmem>>
      %dma_wait3A_218 = tpu.memref_squeeze %dma_wait3A_217 : memref<1x128x40xf32, #tpu.memory_space<vmem>> -> memref<128x40xf32, #tpu.memory_space<vmem>>
      %dma_wait3A_219 = arith.constant 0 : i32
      %dma_wait3A_220 = tpu.memref_slice %arg7[%dma_wait3A_214, %dma_wait3A_219] : memref<78x128xi32, #tpu.memory_space<vmem>> -> memref<1x128xi32, #tpu.memory_space<vmem>>
      %dma_wait3A_221 = tpu.memref_squeeze %dma_wait3A_220 : memref<1x128xi32, #tpu.memory_space<vmem>> -> memref<128xi32, #tpu.memory_space<vmem>>
      %dma_wait3A_222 = arith.constant 0 : i32
      %dma_wait3A_223 = arith.constant 0 : i32
      %dma_wait3A_224 = tpu.memref_slice %arg11[%dma_wait3A_222, %dma_wait3A_223] : memref<10240x40xf32, #tpu.memory_space<vmem_shared>> -> memref<10240x40xf32, #tpu.memory_space<vmem_shared>>
      tpu.wait_indirect_dma semaphore(%arg25 : memref<!tpu.dma_semaphore, #tpu.memory_space<semaphore_mem>>) src(%dma_wait3A_218 : memref<128x40xf32, #tpu.memory_space<vmem>>) dst(%dma_wait3A_224 : memref<10240x40xf32, #tpu.memory_space<vmem_shared>>)
    } else {
    }
    %barrier3A_175 = arith.constant 0 : index
    tpu.barrier barrier_id(%barrier3A_175)
    %mul3A_176 = arith.constant 64 : i32
    %mul3A_177 = arith.muli %arg0, %mul3A_176 : i32
    "tpu.region"() ({
      %run_scoped3A_178 = tpu.sem_alloc : memref<!tpu.dma_semaphore, #tpu.memory_space<semaphore_mem>>
      %dma_start3A_179 = tpu.memref_slice %arg5[%mul3A_2, %mul3A_177] : memref<10240x128xf32, #tpu.memory_space<hbm>> -> memref<640x40xf32, #tpu.memory_space<hbm>>
      %dma_start3A_180 = arith.constant 0 : i32
      %dma_start3A_181 = tpu.memref_slice %arg11[%mul3A_2, %dma_start3A_180] : memref<10240x40xf32, #tpu.memory_space<vmem_shared>> -> memref<640x40xf32, #tpu.memory_space<vmem_shared>>
      tpu.enqueue_dma source(%dma_start3A_181 : memref<640x40xf32, #tpu.memory_space<vmem_shared>>) target(%dma_start3A_179 : memref<640x40xf32, #tpu.memory_space<hbm>>) target_semaphore(%run_scoped3A_178 : memref<!tpu.dma_semaphore, #tpu.memory_space<semaphore_mem>>)
      %dma_wait3A = tpu.memref_slice %arg5[%mul3A_2, %mul3A_177] : memref<10240x128xf32, #tpu.memory_space<hbm>> -> memref<640x40xf32, #tpu.memory_space<hbm>>
      %dma_wait3A_182 = arith.constant 0 : i32
      %dma_wait3A_183 = tpu.memref_slice %arg11[%mul3A_2, %dma_wait3A_182] : memref<10240x40xf32, #tpu.memory_space<vmem_shared>> -> memref<640x40xf32, #tpu.memory_space<vmem_shared>>
      tpu.wait_dma2 semaphore(%run_scoped3A_178 : memref<!tpu.dma_semaphore, #tpu.memory_space<semaphore_mem>>) src(%dma_wait3A_183 : memref<640x40xf32, #tpu.memory_space<vmem_shared>>) dst(%dma_wait3A : memref<640x40xf32, #tpu.memory_space<hbm>>)
      tpu.yield
    }) : () -> ()
    return
  }
}

#map = affine_map<(d0, d1) -> (0, 0)>
#map1 = affine_map<(d0, d1) -> (0, 0, 0)>
module attributes {stable_mosaic.version = 14 : i64} {
  func.func @body(%arg0: i32, %arg1: i32, %arg2: memref<10000x32xf32, #tpu.memory_space<hbm>>, %arg3: memref<2x2500x128xi32, #tpu.memory_space<hbm>>, %arg4: memref<10240x32xf32, #tpu.memory_space<hbm>>, %arg5: memref<10240x128xf32, #tpu.memory_space<hbm>>, %arg6: memref<78x128xi32, #tpu.memory_space<vmem>>, %arg7: memref<78x128xi32, #tpu.memory_space<vmem>>, %arg8: memref<1x128xi32, #tpu.memory_space<vmem>>, %arg9: memref<1x128xi32, #tpu.memory_space<vmem>>, %arg10: memref<13x128x32xf32, #tpu.memory_space<vmem>>, %arg11: memref<10240x32xf32, #tpu.memory_space<vmem_shared>>, %arg12: memref<!tpu.dma_semaphore, #tpu.memory_space<semaphore_mem>>, %arg13: memref<!tpu.dma_semaphore, #tpu.memory_space<semaphore_mem>>, %arg14: memref<!tpu.dma_semaphore, #tpu.memory_space<semaphore_mem>>, %arg15: memref<!tpu.dma_semaphore, #tpu.memory_space<semaphore_mem>>, %arg16: memref<!tpu.dma_semaphore, #tpu.memory_space<semaphore_mem>>, %arg17: memref<!tpu.dma_semaphore, #tpu.memory_space<semaphore_mem>>, %arg18: memref<!tpu.dma_semaphore, #tpu.memory_space<semaphore_mem>>, %arg19: memref<!tpu.dma_semaphore, #tpu.memory_space<semaphore_mem>>, %arg20: memref<!tpu.dma_semaphore, #tpu.memory_space<semaphore_mem>>, %arg21: memref<!tpu.dma_semaphore, #tpu.memory_space<semaphore_mem>>, %arg22: memref<!tpu.dma_semaphore, #tpu.memory_space<semaphore_mem>>, %arg23: memref<!tpu.dma_semaphore, #tpu.memory_space<semaphore_mem>>, %arg24: memref<!tpu.dma_semaphore, #tpu.memory_space<semaphore_mem>>, %arg25: memref<!tpu.dma_semaphore, #tpu.memory_space<semaphore_mem>>, %arg26: memref<!tpu.dma_semaphore, #tpu.memory_space<semaphore_mem>>, %arg27: memref<!tpu.dma_semaphore, #tpu.memory_space<semaphore_mem>>, %arg28: memref<!tpu.dma_semaphore, #tpu.memory_space<semaphore_mem>>, %arg29: memref<!tpu.dma_semaphore, #tpu.memory_space<semaphore_mem>>, %arg30: memref<!tpu.dma_semaphore, #tpu.memory_space<semaphore_mem>>, %arg31: memref<!tpu.dma_semaphore, #tpu.memory_space<semaphore_mem>>, %arg32: memref<!tpu.dma_semaphore, #tpu.memory_space<semaphore_mem>>, %arg33: memref<!tpu.dma_semaphore, #tpu.memory_space<semaphore_mem>>, %arg34: memref<!tpu.dma_semaphore, #tpu.memory_space<semaphore_mem>>, %arg35: memref<!tpu.dma_semaphore, #tpu.memory_space<semaphore_mem>>, %arg36: memref<!tpu.dma_semaphore, #tpu.memory_space<semaphore_mem>>, %arg37: memref<!tpu.dma_semaphore, #tpu.memory_space<semaphore_mem>>) attributes {dimension_semantics = [#tpu.dimension_semantics<core_parallel>, #tpu.dimension_semantics<subcore_parallel>], iteration_bounds = array<i64: 2, 16>, scalar_prefetch = 0 : i64, scratch_operands = 32 : i64, tpu.core_type = #tpu.core_type<sc_vector_subcore>, window_params = [{transform_indices = #map}, {transform_indices = #map1}, {transform_indices = #map}, {transform_indices = #map}]} {
    %mul3A = arith.constant 2 : i32
    %mul3A_0 = arith.muli %arg1, %mul3A : i32
    %add3A = arith.addi %mul3A_0, %arg0 : i32
    %mul3A_1 = arith.constant 640 : i32
    %mul3A_2 = arith.muli %arg1, %mul3A_1 : i32
    "tpu.region"() ({
      %run_scoped3A_178 = tpu.sem_alloc : memref<!tpu.dma_semaphore, #tpu.memory_space<semaphore_mem>>
      %dma_start3A_179 = arith.constant 0 : i32
      %dma_start3A_180 = tpu.memref_slice %arg11[%mul3A_2, %dma_start3A_179] : memref<10240x32xf32, #tpu.memory_space<vmem_shared>> -> memref<640x32xf32, #tpu.memory_space<vmem_shared>>
      %dma_start3A_181 = arith.constant 0 : i32
      %dma_start3A_182 = tpu.memref_slice %arg4[%mul3A_2, %dma_start3A_181] : memref<10240x32xf32, #tpu.memory_space<hbm>> -> memref<640x32xf32, #tpu.memory_space<hbm>>
      tpu.enqueue_dma source(%dma_start3A_182 : memref<640x32xf32, #tpu.memory_space<hbm>>) target(%dma_start3A_180 : memref<640x32xf32, #tpu.memory_space<vmem_shared>>) target_semaphore(%run_scoped3A_178 : memref<!tpu.dma_semaphore, #tpu.memory_space<semaphore_mem>>)
      %dma_wait3A = arith.constant 0 : i32
      %dma_wait3A_183 = tpu.memref_slice %arg11[%mul3A_2, %dma_wait3A] : memref<10240x32xf32, #tpu.memory_space<vmem_shared>> -> memref<640x32xf32, #tpu.memory_space<vmem_shared>>
      %dma_wait3A_184 = arith.constant 0 : i32
      %dma_wait3A_185 = tpu.memref_slice %arg4[%mul3A_2, %dma_wait3A_184] : memref<10240x32xf32, #tpu.memory_space<hbm>> -> memref<640x32xf32, #tpu.memory_space<hbm>>
      tpu.wait_dma2 semaphore(%run_scoped3A_178 : memref<!tpu.dma_semaphore, #tpu.memory_space<semaphore_mem>>) src(%dma_wait3A_185 : memref<640x32xf32, #tpu.memory_space<hbm>>) dst(%dma_wait3A_183 : memref<640x32xf32, #tpu.memory_space<vmem_shared>>)
      tpu.yield
    }) : () -> ()
    %mul3A_3 = arith.constant 78 : i32
    %mul3A_4 = arith.muli %add3A, %mul3A_3 : i32
    %run_scoped3A = arith.constant 0 : i32
    "tpu.region"() ({
      %run_scoped3A_178 = tpu.sem_alloc : memref<!tpu.dma_semaphore, #tpu.memory_space<semaphore_mem>>
      %dma_start3A_179 = arith.constant 0 : i32
      %dma_start3A_180 = tpu.memref_slice %arg3[%run_scoped3A, %mul3A_4, %dma_start3A_179] : memref<2x2500x128xi32, #tpu.memory_space<hbm>> -> memref<1x78x128xi32, #tpu.memory_space<hbm>>
      %dma_start3A_181 = tpu.memref_squeeze %dma_start3A_180 : memref<1x78x128xi32, #tpu.memory_space<hbm>> -> memref<78x128xi32, #tpu.memory_space<hbm>>
      %dma_start3A_182 = arith.constant 0 : i32
      %dma_start3A_183 = tpu.memref_slice %arg3[%run_scoped3A, %mul3A_4, %dma_start3A_182] : memref<2x2500x128xi32, #tpu.memory_space<hbm>> -> memref<1x78x128xi32, #tpu.memory_space<hbm>>
      %dma_start3A_184 = tpu.memref_squeeze %dma_start3A_183 : memref<1x78x128xi32, #tpu.memory_space<hbm>> -> memref<78x128xi32, #tpu.memory_space<hbm>>
      tpu.enqueue_dma source(%dma_start3A_184 : memref<78x128xi32, #tpu.memory_space<hbm>>) target(%arg6 : memref<78x128xi32, #tpu.memory_space<vmem>>) target_semaphore(%run_scoped3A_178 : memref<!tpu.dma_semaphore, #tpu.memory_space<semaphore_mem>>)
      %dma_wait3A = arith.constant 0 : i32
      %dma_wait3A_185 = tpu.memref_slice %arg3[%run_scoped3A, %mul3A_4, %dma_wait3A] : memref<2x2500x128xi32, #tpu.memory_space<hbm>> -> memref<1x78x128xi32, #tpu.memory_space<hbm>>
      %dma_wait3A_186 = tpu.memref_squeeze %dma_wait3A_185 : memref<1x78x128xi32, #tpu.memory_space<hbm>> -> memref<78x128xi32, #tpu.memory_space<hbm>>
      %dma_wait3A_187 = arith.constant 0 : i32
      %dma_wait3A_188 = tpu.memref_slice %arg3[%run_scoped3A, %mul3A_4, %dma_wait3A_187] : memref<2x2500x128xi32, #tpu.memory_space<hbm>> -> memref<1x78x128xi32, #tpu.memory_space<hbm>>
      %dma_wait3A_189 = tpu.memref_squeeze %dma_wait3A_188 : memref<1x78x128xi32, #tpu.memory_space<hbm>> -> memref<78x128xi32, #tpu.memory_space<hbm>>
      tpu.wait_dma2 semaphore(%run_scoped3A_178 : memref<!tpu.dma_semaphore, #tpu.memory_space<semaphore_mem>>) src(%dma_wait3A_189 : memref<78x128xi32, #tpu.memory_space<hbm>>) dst(%arg6 : memref<78x128xi32, #tpu.memory_space<vmem>>)
      tpu.yield
    }) : () -> ()
    %mul3A_5 = arith.constant 78 : i32
    %mul3A_6 = arith.muli %add3A, %mul3A_5 : i32
    %run_scoped3A_7 = arith.constant 1 : i32
    "tpu.region"() ({
      %run_scoped3A_178 = tpu.sem_alloc : memref<!tpu.dma_semaphore, #tpu.memory_space<semaphore_mem>>
      %dma_start3A_179 = arith.constant 0 : i32
      %dma_start3A_180 = tpu.memref_slice %arg3[%run_scoped3A_7, %mul3A_6, %dma_start3A_179] : memref<2x2500x128xi32, #tpu.memory_space<hbm>> -> memref<1x78x128xi32, #tpu.memory_space<hbm>>
      %dma_start3A_181 = tpu.memref_squeeze %dma_start3A_180 : memref<1x78x128xi32, #tpu.memory_space<hbm>> -> memref<78x128xi32, #tpu.memory_space<hbm>>
      %dma_start3A_182 = arith.constant 0 : i32
      %dma_start3A_183 = tpu.memref_slice %arg3[%run_scoped3A_7, %mul3A_6, %dma_start3A_182] : memref<2x2500x128xi32, #tpu.memory_space<hbm>> -> memref<1x78x128xi32, #tpu.memory_space<hbm>>
      %dma_start3A_184 = tpu.memref_squeeze %dma_start3A_183 : memref<1x78x128xi32, #tpu.memory_space<hbm>> -> memref<78x128xi32, #tpu.memory_space<hbm>>
      tpu.enqueue_dma source(%dma_start3A_184 : memref<78x128xi32, #tpu.memory_space<hbm>>) target(%arg7 : memref<78x128xi32, #tpu.memory_space<vmem>>) target_semaphore(%run_scoped3A_178 : memref<!tpu.dma_semaphore, #tpu.memory_space<semaphore_mem>>)
      %dma_wait3A = arith.constant 0 : i32
      %dma_wait3A_185 = tpu.memref_slice %arg3[%run_scoped3A_7, %mul3A_6, %dma_wait3A] : memref<2x2500x128xi32, #tpu.memory_space<hbm>> -> memref<1x78x128xi32, #tpu.memory_space<hbm>>
      %dma_wait3A_186 = tpu.memref_squeeze %dma_wait3A_185 : memref<1x78x128xi32, #tpu.memory_space<hbm>> -> memref<78x128xi32, #tpu.memory_space<hbm>>
      %dma_wait3A_187 = arith.constant 0 : i32
      %dma_wait3A_188 = tpu.memref_slice %arg3[%run_scoped3A_7, %mul3A_6, %dma_wait3A_187] : memref<2x2500x128xi32, #tpu.memory_space<hbm>> -> memref<1x78x128xi32, #tpu.memory_space<hbm>>
      %dma_wait3A_189 = tpu.memref_squeeze %dma_wait3A_188 : memref<1x78x128xi32, #tpu.memory_space<hbm>> -> memref<78x128xi32, #tpu.memory_space<hbm>>
      tpu.wait_dma2 semaphore(%run_scoped3A_178 : memref<!tpu.dma_semaphore, #tpu.memory_space<semaphore_mem>>) src(%dma_wait3A_189 : memref<78x128xi32, #tpu.memory_space<hbm>>) dst(%arg7 : memref<78x128xi32, #tpu.memory_space<vmem>>)
      tpu.yield
    }) : () -> ()
    %lt3A = arith.constant 4 : i32
    %lt3A_8 = arith.cmpi slt, %add3A, %lt3A : i32
    %convert_element_type3A = arith.extui %lt3A_8 : i1 to i32
    %cond3A = arith.constant 0 : i32
    %cond3A_9 = arith.cmpi ne, %convert_element_type3A, %cond3A : i32
    scf.if %cond3A_9 {
      %add3A_178 = arith.constant 2496 : i32
      %add3A_179 = arith.addi %add3A_178, %add3A : i32
      %run_scoped3A_180 = arith.constant 0 : i32
      "tpu.region"() ({
        %run_scoped3A_184 = tpu.sem_alloc : memref<!tpu.dma_semaphore, #tpu.memory_space<semaphore_mem>>
        %dma_start3A_185 = arith.constant 0 : i32
        %dma_start3A_186 = tpu.memref_slice %arg3[%run_scoped3A_180, %add3A_179, %dma_start3A_185] : memref<2x2500x128xi32, #tpu.memory_space<hbm>> -> memref<1x1x128xi32, #tpu.memory_space<hbm>>
        %dma_start3A_187 = tpu.memref_squeeze %dma_start3A_186 : memref<1x1x128xi32, #tpu.memory_space<hbm>> -> memref<1x128xi32, #tpu.memory_space<hbm>>
        %dma_start3A_188 = arith.constant 0 : i32
        %dma_start3A_189 = tpu.memref_slice %arg3[%run_scoped3A_180, %add3A_179, %dma_start3A_188] : memref<2x2500x128xi32, #tpu.memory_space<hbm>> -> memref<1x1x128xi32, #tpu.memory_space<hbm>>
        %dma_start3A_190 = tpu.memref_squeeze %dma_start3A_189 : memref<1x1x128xi32, #tpu.memory_space<hbm>> -> memref<1x128xi32, #tpu.memory_space<hbm>>
        tpu.enqueue_dma source(%dma_start3A_190 : memref<1x128xi32, #tpu.memory_space<hbm>>) target(%arg8 : memref<1x128xi32, #tpu.memory_space<vmem>>) target_semaphore(%run_scoped3A_184 : memref<!tpu.dma_semaphore, #tpu.memory_space<semaphore_mem>>)
        %dma_wait3A = arith.constant 0 : i32
        %dma_wait3A_191 = tpu.memref_slice %arg3[%run_scoped3A_180, %add3A_179, %dma_wait3A] : memref<2x2500x128xi32, #tpu.memory_space<hbm>> -> memref<1x1x128xi32, #tpu.memory_space<hbm>>
        %dma_wait3A_192 = tpu.memref_squeeze %dma_wait3A_191 : memref<1x1x128xi32, #tpu.memory_space<hbm>> -> memref<1x128xi32, #tpu.memory_space<hbm>>
        %dma_wait3A_193 = arith.constant 0 : i32
        %dma_wait3A_194 = tpu.memref_slice %arg3[%run_scoped3A_180, %add3A_179, %dma_wait3A_193] : memref<2x2500x128xi32, #tpu.memory_space<hbm>> -> memref<1x1x128xi32, #tpu.memory_space<hbm>>
        %dma_wait3A_195 = tpu.memref_squeeze %dma_wait3A_194 : memref<1x1x128xi32, #tpu.memory_space<hbm>> -> memref<1x128xi32, #tpu.memory_space<hbm>>
        tpu.wait_dma2 semaphore(%run_scoped3A_184 : memref<!tpu.dma_semaphore, #tpu.memory_space<semaphore_mem>>) src(%dma_wait3A_195 : memref<1x128xi32, #tpu.memory_space<hbm>>) dst(%arg8 : memref<1x128xi32, #tpu.memory_space<vmem>>)
        tpu.yield
      }) : () -> ()
      %add3A_181 = arith.constant 2496 : i32
      %add3A_182 = arith.addi %add3A_181, %add3A : i32
      %run_scoped3A_183 = arith.constant 1 : i32
      "tpu.region"() ({
        %run_scoped3A_184 = tpu.sem_alloc : memref<!tpu.dma_semaphore, #tpu.memory_space<semaphore_mem>>
        %dma_start3A_185 = arith.constant 0 : i32
        %dma_start3A_186 = tpu.memref_slice %arg3[%run_scoped3A_183, %add3A_182, %dma_start3A_185] : memref<2x2500x128xi32, #tpu.memory_space<hbm>> -> memref<1x1x128xi32, #tpu.memory_space<hbm>>
        %dma_start3A_187 = tpu.memref_squeeze %dma_start3A_186 : memref<1x1x128xi32, #tpu.memory_space<hbm>> -> memref<1x128xi32, #tpu.memory_space<hbm>>
        %dma_start3A_188 = arith.constant 0 : i32
        %dma_start3A_189 = tpu.memref_slice %arg3[%run_scoped3A_183, %add3A_182, %dma_start3A_188] : memref<2x2500x128xi32, #tpu.memory_space<hbm>> -> memref<1x1x128xi32, #tpu.memory_space<hbm>>
        %dma_start3A_190 = tpu.memref_squeeze %dma_start3A_189 : memref<1x1x128xi32, #tpu.memory_space<hbm>> -> memref<1x128xi32, #tpu.memory_space<hbm>>
        tpu.enqueue_dma source(%dma_start3A_190 : memref<1x128xi32, #tpu.memory_space<hbm>>) target(%arg9 : memref<1x128xi32, #tpu.memory_space<vmem>>) target_semaphore(%run_scoped3A_184 : memref<!tpu.dma_semaphore, #tpu.memory_space<semaphore_mem>>)
        %dma_wait3A = arith.constant 0 : i32
        %dma_wait3A_191 = tpu.memref_slice %arg3[%run_scoped3A_183, %add3A_182, %dma_wait3A] : memref<2x2500x128xi32, #tpu.memory_space<hbm>> -> memref<1x1x128xi32, #tpu.memory_space<hbm>>
        %dma_wait3A_192 = tpu.memref_squeeze %dma_wait3A_191 : memref<1x1x128xi32, #tpu.memory_space<hbm>> -> memref<1x128xi32, #tpu.memory_space<hbm>>
        %dma_wait3A_193 = arith.constant 0 : i32
        %dma_wait3A_194 = tpu.memref_slice %arg3[%run_scoped3A_183, %add3A_182, %dma_wait3A_193] : memref<2x2500x128xi32, #tpu.memory_space<hbm>> -> memref<1x1x128xi32, #tpu.memory_space<hbm>>
        %dma_wait3A_195 = tpu.memref_squeeze %dma_wait3A_194 : memref<1x1x128xi32, #tpu.memory_space<hbm>> -> memref<1x128xi32, #tpu.memory_space<hbm>>
        tpu.wait_dma2 semaphore(%run_scoped3A_184 : memref<!tpu.dma_semaphore, #tpu.memory_space<semaphore_mem>>) src(%dma_wait3A_195 : memref<1x128xi32, #tpu.memory_space<hbm>>) dst(%arg9 : memref<1x128xi32, #tpu.memory_space<vmem>>)
        tpu.yield
      }) : () -> ()
    } else {
    }
    %barrier3A = arith.constant 0 : index
    tpu.barrier barrier_id(%barrier3A)
    %dma_start3A = arith.constant 0 : i32
    %dma_start3A_10 = arith.constant 0 : i32
    %dma_start3A_11 = arith.constant 0 : i32
    %dma_start3A_12 = arith.constant 0 : i32
    %dma_start3A_13 = tpu.memref_slice %arg10[%dma_start3A_10, %dma_start3A_11, %dma_start3A_12] : memref<13x128x32xf32, #tpu.memory_space<vmem>> -> memref<1x128x32xf32, #tpu.memory_space<vmem>>
    %dma_start3A_14 = tpu.memref_squeeze %dma_start3A_13 : memref<1x128x32xf32, #tpu.memory_space<vmem>> -> memref<128x32xf32, #tpu.memory_space<vmem>>
    %dma_start3A_15 = arith.constant 0 : i32
    %dma_start3A_16 = tpu.memref_slice %arg6[%dma_start3A, %dma_start3A_15] : memref<78x128xi32, #tpu.memory_space<vmem>> -> memref<1x128xi32, #tpu.memory_space<vmem>>
    %dma_start3A_17 = tpu.memref_squeeze %dma_start3A_16 : memref<1x128xi32, #tpu.memory_space<vmem>> -> memref<128xi32, #tpu.memory_space<vmem>>
    %dma_start3A_18 = arith.constant 0 : i32
    %dma_start3A_19 = arith.constant 0 : i32
    %dma_start3A_20 = tpu.memref_slice %arg2[%dma_start3A_18, %dma_start3A_19] : memref<10000x32xf32, #tpu.memory_space<hbm>> -> memref<10000x32xf32, #tpu.memory_space<hbm>>
    tpu.enqueue_indirect_dma source(%dma_start3A_20 : memref<10000x32xf32, #tpu.memory_space<hbm>>) target(%dma_start3A_14 : memref<128x32xf32, #tpu.memory_space<vmem>>) offsets(%dma_start3A_17 : memref<128xi32, #tpu.memory_space<vmem>>) semaphore(%arg12 : memref<!tpu.dma_semaphore, #tpu.memory_space<semaphore_mem>>)
    %dma_start3A_21 = arith.constant 1 : i32
    %dma_start3A_22 = arith.constant 1 : i32
    %dma_start3A_23 = arith.constant 0 : i32
    %dma_start3A_24 = arith.constant 0 : i32
    %dma_start3A_25 = tpu.memref_slice %arg10[%dma_start3A_22, %dma_start3A_23, %dma_start3A_24] : memref<13x128x32xf32, #tpu.memory_space<vmem>> -> memref<1x128x32xf32, #tpu.memory_space<vmem>>
    %dma_start3A_26 = tpu.memref_squeeze %dma_start3A_25 : memref<1x128x32xf32, #tpu.memory_space<vmem>> -> memref<128x32xf32, #tpu.memory_space<vmem>>
    %dma_start3A_27 = arith.constant 0 : i32
    %dma_start3A_28 = tpu.memref_slice %arg6[%dma_start3A_21, %dma_start3A_27] : memref<78x128xi32, #tpu.memory_space<vmem>> -> memref<1x128xi32, #tpu.memory_space<vmem>>
    %dma_start3A_29 = tpu.memref_squeeze %dma_start3A_28 : memref<1x128xi32, #tpu.memory_space<vmem>> -> memref<128xi32, #tpu.memory_space<vmem>>
    %dma_start3A_30 = arith.constant 0 : i32
    %dma_start3A_31 = arith.constant 0 : i32
    %dma_start3A_32 = tpu.memref_slice %arg2[%dma_start3A_30, %dma_start3A_31] : memref<10000x32xf32, #tpu.memory_space<hbm>> -> memref<10000x32xf32, #tpu.memory_space<hbm>>
    tpu.enqueue_indirect_dma source(%dma_start3A_32 : memref<10000x32xf32, #tpu.memory_space<hbm>>) target(%dma_start3A_26 : memref<128x32xf32, #tpu.memory_space<vmem>>) offsets(%dma_start3A_29 : memref<128xi32, #tpu.memory_space<vmem>>) semaphore(%arg13 : memref<!tpu.dma_semaphore, #tpu.memory_space<semaphore_mem>>)
    %dma_start3A_33 = arith.constant 2 : i32
    %dma_start3A_34 = arith.constant 2 : i32
    %dma_start3A_35 = arith.constant 0 : i32
    %dma_start3A_36 = arith.constant 0 : i32
    %dma_start3A_37 = tpu.memref_slice %arg10[%dma_start3A_34, %dma_start3A_35, %dma_start3A_36] : memref<13x128x32xf32, #tpu.memory_space<vmem>> -> memref<1x128x32xf32, #tpu.memory_space<vmem>>
    %dma_start3A_38 = tpu.memref_squeeze %dma_start3A_37 : memref<1x128x32xf32, #tpu.memory_space<vmem>> -> memref<128x32xf32, #tpu.memory_space<vmem>>
    %dma_start3A_39 = arith.constant 0 : i32
    %dma_start3A_40 = tpu.memref_slice %arg6[%dma_start3A_33, %dma_start3A_39] : memref<78x128xi32, #tpu.memory_space<vmem>> -> memref<1x128xi32, #tpu.memory_space<vmem>>
    %dma_start3A_41 = tpu.memref_squeeze %dma_start3A_40 : memref<1x128xi32, #tpu.memory_space<vmem>> -> memref<128xi32, #tpu.memory_space<vmem>>
    %dma_start3A_42 = arith.constant 0 : i32
    %dma_start3A_43 = arith.constant 0 : i32
    %dma_start3A_44 = tpu.memref_slice %arg2[%dma_start3A_42, %dma_start3A_43] : memref<10000x32xf32, #tpu.memory_space<hbm>> -> memref<10000x32xf32, #tpu.memory_space<hbm>>
    tpu.enqueue_indirect_dma source(%dma_start3A_44 : memref<10000x32xf32, #tpu.memory_space<hbm>>) target(%dma_start3A_38 : memref<128x32xf32, #tpu.memory_space<vmem>>) offsets(%dma_start3A_41 : memref<128xi32, #tpu.memory_space<vmem>>) semaphore(%arg14 : memref<!tpu.dma_semaphore, #tpu.memory_space<semaphore_mem>>)
    %dma_start3A_45 = arith.constant 3 : i32
    %dma_start3A_46 = arith.constant 3 : i32
    %dma_start3A_47 = arith.constant 0 : i32
    %dma_start3A_48 = arith.constant 0 : i32
    %dma_start3A_49 = tpu.memref_slice %arg10[%dma_start3A_46, %dma_start3A_47, %dma_start3A_48] : memref<13x128x32xf32, #tpu.memory_space<vmem>> -> memref<1x128x32xf32, #tpu.memory_space<vmem>>
    %dma_start3A_50 = tpu.memref_squeeze %dma_start3A_49 : memref<1x128x32xf32, #tpu.memory_space<vmem>> -> memref<128x32xf32, #tpu.memory_space<vmem>>
    %dma_start3A_51 = arith.constant 0 : i32
    %dma_start3A_52 = tpu.memref_slice %arg6[%dma_start3A_45, %dma_start3A_51] : memref<78x128xi32, #tpu.memory_space<vmem>> -> memref<1x128xi32, #tpu.memory_space<vmem>>
    %dma_start3A_53 = tpu.memref_squeeze %dma_start3A_52 : memref<1x128xi32, #tpu.memory_space<vmem>> -> memref<128xi32, #tpu.memory_space<vmem>>
    %dma_start3A_54 = arith.constant 0 : i32
    %dma_start3A_55 = arith.constant 0 : i32
    %dma_start3A_56 = tpu.memref_slice %arg2[%dma_start3A_54, %dma_start3A_55] : memref<10000x32xf32, #tpu.memory_space<hbm>> -> memref<10000x32xf32, #tpu.memory_space<hbm>>
    tpu.enqueue_indirect_dma source(%dma_start3A_56 : memref<10000x32xf32, #tpu.memory_space<hbm>>) target(%dma_start3A_50 : memref<128x32xf32, #tpu.memory_space<vmem>>) offsets(%dma_start3A_53 : memref<128xi32, #tpu.memory_space<vmem>>) semaphore(%arg15 : memref<!tpu.dma_semaphore, #tpu.memory_space<semaphore_mem>>)
    %dma_start3A_57 = arith.constant 4 : i32
    %dma_start3A_58 = arith.constant 4 : i32
    %dma_start3A_59 = arith.constant 0 : i32
    %dma_start3A_60 = arith.constant 0 : i32
    %dma_start3A_61 = tpu.memref_slice %arg10[%dma_start3A_58, %dma_start3A_59, %dma_start3A_60] : memref<13x128x32xf32, #tpu.memory_space<vmem>> -> memref<1x128x32xf32, #tpu.memory_space<vmem>>
    %dma_start3A_62 = tpu.memref_squeeze %dma_start3A_61 : memref<1x128x32xf32, #tpu.memory_space<vmem>> -> memref<128x32xf32, #tpu.memory_space<vmem>>
    %dma_start3A_63 = arith.constant 0 : i32
    %dma_start3A_64 = tpu.memref_slice %arg6[%dma_start3A_57, %dma_start3A_63] : memref<78x128xi32, #tpu.memory_space<vmem>> -> memref<1x128xi32, #tpu.memory_space<vmem>>
    %dma_start3A_65 = tpu.memref_squeeze %dma_start3A_64 : memref<1x128xi32, #tpu.memory_space<vmem>> -> memref<128xi32, #tpu.memory_space<vmem>>
    %dma_start3A_66 = arith.constant 0 : i32
    %dma_start3A_67 = arith.constant 0 : i32
    %dma_start3A_68 = tpu.memref_slice %arg2[%dma_start3A_66, %dma_start3A_67] : memref<10000x32xf32, #tpu.memory_space<hbm>> -> memref<10000x32xf32, #tpu.memory_space<hbm>>
    tpu.enqueue_indirect_dma source(%dma_start3A_68 : memref<10000x32xf32, #tpu.memory_space<hbm>>) target(%dma_start3A_62 : memref<128x32xf32, #tpu.memory_space<vmem>>) offsets(%dma_start3A_65 : memref<128xi32, #tpu.memory_space<vmem>>) semaphore(%arg16 : memref<!tpu.dma_semaphore, #tpu.memory_space<semaphore_mem>>)
    %dma_start3A_69 = arith.constant 5 : i32
    %dma_start3A_70 = arith.constant 5 : i32
    %dma_start3A_71 = arith.constant 0 : i32
    %dma_start3A_72 = arith.constant 0 : i32
    %dma_start3A_73 = tpu.memref_slice %arg10[%dma_start3A_70, %dma_start3A_71, %dma_start3A_72] : memref<13x128x32xf32, #tpu.memory_space<vmem>> -> memref<1x128x32xf32, #tpu.memory_space<vmem>>
    %dma_start3A_74 = tpu.memref_squeeze %dma_start3A_73 : memref<1x128x32xf32, #tpu.memory_space<vmem>> -> memref<128x32xf32, #tpu.memory_space<vmem>>
    %dma_start3A_75 = arith.constant 0 : i32
    %dma_start3A_76 = tpu.memref_slice %arg6[%dma_start3A_69, %dma_start3A_75] : memref<78x128xi32, #tpu.memory_space<vmem>> -> memref<1x128xi32, #tpu.memory_space<vmem>>
    %dma_start3A_77 = tpu.memref_squeeze %dma_start3A_76 : memref<1x128xi32, #tpu.memory_space<vmem>> -> memref<128xi32, #tpu.memory_space<vmem>>
    %dma_start3A_78 = arith.constant 0 : i32
    %dma_start3A_79 = arith.constant 0 : i32
    %dma_start3A_80 = tpu.memref_slice %arg2[%dma_start3A_78, %dma_start3A_79] : memref<10000x32xf32, #tpu.memory_space<hbm>> -> memref<10000x32xf32, #tpu.memory_space<hbm>>
    tpu.enqueue_indirect_dma source(%dma_start3A_80 : memref<10000x32xf32, #tpu.memory_space<hbm>>) target(%dma_start3A_74 : memref<128x32xf32, #tpu.memory_space<vmem>>) offsets(%dma_start3A_77 : memref<128xi32, #tpu.memory_space<vmem>>) semaphore(%arg17 : memref<!tpu.dma_semaphore, #tpu.memory_space<semaphore_mem>>)
    %dma_start3A_81 = arith.constant 6 : i32
    %dma_start3A_82 = arith.constant 6 : i32
    %dma_start3A_83 = arith.constant 0 : i32
    %dma_start3A_84 = arith.constant 0 : i32
    %dma_start3A_85 = tpu.memref_slice %arg10[%dma_start3A_82, %dma_start3A_83, %dma_start3A_84] : memref<13x128x32xf32, #tpu.memory_space<vmem>> -> memref<1x128x32xf32, #tpu.memory_space<vmem>>
    %dma_start3A_86 = tpu.memref_squeeze %dma_start3A_85 : memref<1x128x32xf32, #tpu.memory_space<vmem>> -> memref<128x32xf32, #tpu.memory_space<vmem>>
    %dma_start3A_87 = arith.constant 0 : i32
    %dma_start3A_88 = tpu.memref_slice %arg6[%dma_start3A_81, %dma_start3A_87] : memref<78x128xi32, #tpu.memory_space<vmem>> -> memref<1x128xi32, #tpu.memory_space<vmem>>
    %dma_start3A_89 = tpu.memref_squeeze %dma_start3A_88 : memref<1x128xi32, #tpu.memory_space<vmem>> -> memref<128xi32, #tpu.memory_space<vmem>>
    %dma_start3A_90 = arith.constant 0 : i32
    %dma_start3A_91 = arith.constant 0 : i32
    %dma_start3A_92 = tpu.memref_slice %arg2[%dma_start3A_90, %dma_start3A_91] : memref<10000x32xf32, #tpu.memory_space<hbm>> -> memref<10000x32xf32, #tpu.memory_space<hbm>>
    tpu.enqueue_indirect_dma source(%dma_start3A_92 : memref<10000x32xf32, #tpu.memory_space<hbm>>) target(%dma_start3A_86 : memref<128x32xf32, #tpu.memory_space<vmem>>) offsets(%dma_start3A_89 : memref<128xi32, #tpu.memory_space<vmem>>) semaphore(%arg18 : memref<!tpu.dma_semaphore, #tpu.memory_space<semaphore_mem>>)
    %dma_start3A_93 = arith.constant 7 : i32
    %dma_start3A_94 = arith.constant 7 : i32
    %dma_start3A_95 = arith.constant 0 : i32
    %dma_start3A_96 = arith.constant 0 : i32
    %dma_start3A_97 = tpu.memref_slice %arg10[%dma_start3A_94, %dma_start3A_95, %dma_start3A_96] : memref<13x128x32xf32, #tpu.memory_space<vmem>> -> memref<1x128x32xf32, #tpu.memory_space<vmem>>
    %dma_start3A_98 = tpu.memref_squeeze %dma_start3A_97 : memref<1x128x32xf32, #tpu.memory_space<vmem>> -> memref<128x32xf32, #tpu.memory_space<vmem>>
    %dma_start3A_99 = arith.constant 0 : i32
    %dma_start3A_100 = tpu.memref_slice %arg6[%dma_start3A_93, %dma_start3A_99] : memref<78x128xi32, #tpu.memory_space<vmem>> -> memref<1x128xi32, #tpu.memory_space<vmem>>
    %dma_start3A_101 = tpu.memref_squeeze %dma_start3A_100 : memref<1x128xi32, #tpu.memory_space<vmem>> -> memref<128xi32, #tpu.memory_space<vmem>>
    %dma_start3A_102 = arith.constant 0 : i32
    %dma_start3A_103 = arith.constant 0 : i32
    %dma_start3A_104 = tpu.memref_slice %arg2[%dma_start3A_102, %dma_start3A_103] : memref<10000x32xf32, #tpu.memory_space<hbm>> -> memref<10000x32xf32, #tpu.memory_space<hbm>>
    tpu.enqueue_indirect_dma source(%dma_start3A_104 : memref<10000x32xf32, #tpu.memory_space<hbm>>) target(%dma_start3A_98 : memref<128x32xf32, #tpu.memory_space<vmem>>) offsets(%dma_start3A_101 : memref<128xi32, #tpu.memory_space<vmem>>) semaphore(%arg19 : memref<!tpu.dma_semaphore, #tpu.memory_space<semaphore_mem>>)
    %dma_start3A_105 = arith.constant 8 : i32
    %dma_start3A_106 = arith.constant 8 : i32
    %dma_start3A_107 = arith.constant 0 : i32
    %dma_start3A_108 = arith.constant 0 : i32
    %dma_start3A_109 = tpu.memref_slice %arg10[%dma_start3A_106, %dma_start3A_107, %dma_start3A_108] : memref<13x128x32xf32, #tpu.memory_space<vmem>> -> memref<1x128x32xf32, #tpu.memory_space<vmem>>
    %dma_start3A_110 = tpu.memref_squeeze %dma_start3A_109 : memref<1x128x32xf32, #tpu.memory_space<vmem>> -> memref<128x32xf32, #tpu.memory_space<vmem>>
    %dma_start3A_111 = arith.constant 0 : i32
    %dma_start3A_112 = tpu.memref_slice %arg6[%dma_start3A_105, %dma_start3A_111] : memref<78x128xi32, #tpu.memory_space<vmem>> -> memref<1x128xi32, #tpu.memory_space<vmem>>
    %dma_start3A_113 = tpu.memref_squeeze %dma_start3A_112 : memref<1x128xi32, #tpu.memory_space<vmem>> -> memref<128xi32, #tpu.memory_space<vmem>>
    %dma_start3A_114 = arith.constant 0 : i32
    %dma_start3A_115 = arith.constant 0 : i32
    %dma_start3A_116 = tpu.memref_slice %arg2[%dma_start3A_114, %dma_start3A_115] : memref<10000x32xf32, #tpu.memory_space<hbm>> -> memref<10000x32xf32, #tpu.memory_space<hbm>>
    tpu.enqueue_indirect_dma source(%dma_start3A_116 : memref<10000x32xf32, #tpu.memory_space<hbm>>) target(%dma_start3A_110 : memref<128x32xf32, #tpu.memory_space<vmem>>) offsets(%dma_start3A_113 : memref<128xi32, #tpu.memory_space<vmem>>) semaphore(%arg20 : memref<!tpu.dma_semaphore, #tpu.memory_space<semaphore_mem>>)
    %dma_start3A_117 = arith.constant 9 : i32
    %dma_start3A_118 = arith.constant 9 : i32
    %dma_start3A_119 = arith.constant 0 : i32
    %dma_start3A_120 = arith.constant 0 : i32
    %dma_start3A_121 = tpu.memref_slice %arg10[%dma_start3A_118, %dma_start3A_119, %dma_start3A_120] : memref<13x128x32xf32, #tpu.memory_space<vmem>> -> memref<1x128x32xf32, #tpu.memory_space<vmem>>
    %dma_start3A_122 = tpu.memref_squeeze %dma_start3A_121 : memref<1x128x32xf32, #tpu.memory_space<vmem>> -> memref<128x32xf32, #tpu.memory_space<vmem>>
    %dma_start3A_123 = arith.constant 0 : i32
    %dma_start3A_124 = tpu.memref_slice %arg6[%dma_start3A_117, %dma_start3A_123] : memref<78x128xi32, #tpu.memory_space<vmem>> -> memref<1x128xi32, #tpu.memory_space<vmem>>
    %dma_start3A_125 = tpu.memref_squeeze %dma_start3A_124 : memref<1x128xi32, #tpu.memory_space<vmem>> -> memref<128xi32, #tpu.memory_space<vmem>>
    %dma_start3A_126 = arith.constant 0 : i32
    %dma_start3A_127 = arith.constant 0 : i32
    %dma_start3A_128 = tpu.memref_slice %arg2[%dma_start3A_126, %dma_start3A_127] : memref<10000x32xf32, #tpu.memory_space<hbm>> -> memref<10000x32xf32, #tpu.memory_space<hbm>>
    tpu.enqueue_indirect_dma source(%dma_start3A_128 : memref<10000x32xf32, #tpu.memory_space<hbm>>) target(%dma_start3A_122 : memref<128x32xf32, #tpu.memory_space<vmem>>) offsets(%dma_start3A_125 : memref<128xi32, #tpu.memory_space<vmem>>) semaphore(%arg21 : memref<!tpu.dma_semaphore, #tpu.memory_space<semaphore_mem>>)
    %dma_start3A_129 = arith.constant 10 : i32
    %dma_start3A_130 = arith.constant 10 : i32
    %dma_start3A_131 = arith.constant 0 : i32
    %dma_start3A_132 = arith.constant 0 : i32
    %dma_start3A_133 = tpu.memref_slice %arg10[%dma_start3A_130, %dma_start3A_131, %dma_start3A_132] : memref<13x128x32xf32, #tpu.memory_space<vmem>> -> memref<1x128x32xf32, #tpu.memory_space<vmem>>
    %dma_start3A_134 = tpu.memref_squeeze %dma_start3A_133 : memref<1x128x32xf32, #tpu.memory_space<vmem>> -> memref<128x32xf32, #tpu.memory_space<vmem>>
    %dma_start3A_135 = arith.constant 0 : i32
    %dma_start3A_136 = tpu.memref_slice %arg6[%dma_start3A_129, %dma_start3A_135] : memref<78x128xi32, #tpu.memory_space<vmem>> -> memref<1x128xi32, #tpu.memory_space<vmem>>
    %dma_start3A_137 = tpu.memref_squeeze %dma_start3A_136 : memref<1x128xi32, #tpu.memory_space<vmem>> -> memref<128xi32, #tpu.memory_space<vmem>>
    %dma_start3A_138 = arith.constant 0 : i32
    %dma_start3A_139 = arith.constant 0 : i32
    %dma_start3A_140 = tpu.memref_slice %arg2[%dma_start3A_138, %dma_start3A_139] : memref<10000x32xf32, #tpu.memory_space<hbm>> -> memref<10000x32xf32, #tpu.memory_space<hbm>>
    tpu.enqueue_indirect_dma source(%dma_start3A_140 : memref<10000x32xf32, #tpu.memory_space<hbm>>) target(%dma_start3A_134 : memref<128x32xf32, #tpu.memory_space<vmem>>) offsets(%dma_start3A_137 : memref<128xi32, #tpu.memory_space<vmem>>) semaphore(%arg22 : memref<!tpu.dma_semaphore, #tpu.memory_space<semaphore_mem>>)
    %dma_start3A_141 = arith.constant 11 : i32
    %dma_start3A_142 = arith.constant 11 : i32
    %dma_start3A_143 = arith.constant 0 : i32
    %dma_start3A_144 = arith.constant 0 : i32
    %dma_start3A_145 = tpu.memref_slice %arg10[%dma_start3A_142, %dma_start3A_143, %dma_start3A_144] : memref<13x128x32xf32, #tpu.memory_space<vmem>> -> memref<1x128x32xf32, #tpu.memory_space<vmem>>
    %dma_start3A_146 = tpu.memref_squeeze %dma_start3A_145 : memref<1x128x32xf32, #tpu.memory_space<vmem>> -> memref<128x32xf32, #tpu.memory_space<vmem>>
    %dma_start3A_147 = arith.constant 0 : i32
    %dma_start3A_148 = tpu.memref_slice %arg6[%dma_start3A_141, %dma_start3A_147] : memref<78x128xi32, #tpu.memory_space<vmem>> -> memref<1x128xi32, #tpu.memory_space<vmem>>
    %dma_start3A_149 = tpu.memref_squeeze %dma_start3A_148 : memref<1x128xi32, #tpu.memory_space<vmem>> -> memref<128xi32, #tpu.memory_space<vmem>>
    %dma_start3A_150 = arith.constant 0 : i32
    %dma_start3A_151 = arith.constant 0 : i32
    %dma_start3A_152 = tpu.memref_slice %arg2[%dma_start3A_150, %dma_start3A_151] : memref<10000x32xf32, #tpu.memory_space<hbm>> -> memref<10000x32xf32, #tpu.memory_space<hbm>>
    tpu.enqueue_indirect_dma source(%dma_start3A_152 : memref<10000x32xf32, #tpu.memory_space<hbm>>) target(%dma_start3A_146 : memref<128x32xf32, #tpu.memory_space<vmem>>) offsets(%dma_start3A_149 : memref<128xi32, #tpu.memory_space<vmem>>) semaphore(%arg23 : memref<!tpu.dma_semaphore, #tpu.memory_space<semaphore_mem>>)
    %dma_start3A_153 = arith.constant 12 : i32
    %dma_start3A_154 = arith.constant 12 : i32
    %dma_start3A_155 = arith.constant 0 : i32
    %dma_start3A_156 = arith.constant 0 : i32
    %dma_start3A_157 = tpu.memref_slice %arg10[%dma_start3A_154, %dma_start3A_155, %dma_start3A_156] : memref<13x128x32xf32, #tpu.memory_space<vmem>> -> memref<1x128x32xf32, #tpu.memory_space<vmem>>
    %dma_start3A_158 = tpu.memref_squeeze %dma_start3A_157 : memref<1x128x32xf32, #tpu.memory_space<vmem>> -> memref<128x32xf32, #tpu.memory_space<vmem>>
    %dma_start3A_159 = arith.constant 0 : i32
    %dma_start3A_160 = tpu.memref_slice %arg6[%dma_start3A_153, %dma_start3A_159] : memref<78x128xi32, #tpu.memory_space<vmem>> -> memref<1x128xi32, #tpu.memory_space<vmem>>
    %dma_start3A_161 = tpu.memref_squeeze %dma_start3A_160 : memref<1x128xi32, #tpu.memory_space<vmem>> -> memref<128xi32, #tpu.memory_space<vmem>>
    %dma_start3A_162 = arith.constant 0 : i32
    %dma_start3A_163 = arith.constant 0 : i32
    %dma_start3A_164 = tpu.memref_slice %arg2[%dma_start3A_162, %dma_start3A_163] : memref<10000x32xf32, #tpu.memory_space<hbm>> -> memref<10000x32xf32, #tpu.memory_space<hbm>>
    tpu.enqueue_indirect_dma source(%dma_start3A_164 : memref<10000x32xf32, #tpu.memory_space<hbm>>) target(%dma_start3A_158 : memref<128x32xf32, #tpu.memory_space<vmem>>) offsets(%dma_start3A_161 : memref<128xi32, #tpu.memory_space<vmem>>) semaphore(%arg24 : memref<!tpu.dma_semaphore, #tpu.memory_space<semaphore_mem>>)
    %scan3A = arith.constant 0 : i32
    %scan3A_165 = arith.constant 0 : i32
    %scan3A_166 = arith.constant 6 : i32
    %scan3A_167 = arith.addi %scan3A_165, %scan3A_166 : i32
    %scan3A_168 = arith.constant 1 : i32
    scf.for %scan3A_178 = %scan3A_165 to %scan3A_167 step %scan3A_168  : i32 {
      %dma_wait3A = arith.constant 0 : i32
      %dma_wait3A_179 = arith.constant 0 : i32
      %dma_wait3A_180 = arith.constant 0 : i32
      %dma_wait3A_181 = arith.constant 0 : i32
      %dma_wait3A_182 = tpu.memref_slice %arg10[%dma_wait3A_179, %dma_wait3A_180, %dma_wait3A_181] : memref<13x128x32xf32, #tpu.memory_space<vmem>> -> memref<1x128x32xf32, #tpu.memory_space<vmem>>
      %dma_wait3A_183 = tpu.memref_squeeze %dma_wait3A_182 : memref<1x128x32xf32, #tpu.memory_space<vmem>> -> memref<128x32xf32, #tpu.memory_space<vmem>>
      %dma_wait3A_184 = arith.constant 0 : i32
      %dma_wait3A_185 = tpu.memref_slice %arg6[%dma_wait3A, %dma_wait3A_184] : memref<78x128xi32, #tpu.memory_space<vmem>> -> memref<1x128xi32, #tpu.memory_space<vmem>>
      %dma_wait3A_186 = tpu.memref_squeeze %dma_wait3A_185 : memref<1x128xi32, #tpu.memory_space<vmem>> -> memref<128xi32, #tpu.memory_space<vmem>>
      %dma_wait3A_187 = arith.constant 0 : i32
      %dma_wait3A_188 = arith.constant 0 : i32
      %dma_wait3A_189 = tpu.memref_slice %arg2[%dma_wait3A_187, %dma_wait3A_188] : memref<10000x32xf32, #tpu.memory_space<hbm>> -> memref<10000x32xf32, #tpu.memory_space<hbm>>
      tpu.wait_indirect_dma semaphore(%arg12 : memref<!tpu.dma_semaphore, #tpu.memory_space<semaphore_mem>>) src(%dma_wait3A_189 : memref<10000x32xf32, #tpu.memory_space<hbm>>) dst(%dma_wait3A_183 : memref<128x32xf32, #tpu.memory_space<vmem>>)
      %mul3A_190 = arith.constant 13 : i32
      %mul3A_191 = arith.muli %scan3A_178, %mul3A_190 : i32
      %add3A_192 = arith.constant 0 : i32
      %add3A_193 = arith.addi %mul3A_191, %add3A_192 : i32
      %dma_start3A_194 = arith.constant 0 : i32
      %dma_start3A_195 = arith.constant 0 : i32
      %dma_start3A_196 = arith.constant 0 : i32
      %dma_start3A_197 = tpu.memref_slice %arg10[%dma_start3A_194, %dma_start3A_195, %dma_start3A_196] : memref<13x128x32xf32, #tpu.memory_space<vmem>> -> memref<1x128x32xf32, #tpu.memory_space<vmem>>
      %dma_start3A_198 = tpu.memref_squeeze %dma_start3A_197 : memref<1x128x32xf32, #tpu.memory_space<vmem>> -> memref<128x32xf32, #tpu.memory_space<vmem>>
      %dma_start3A_199 = arith.constant 0 : i32
      %dma_start3A_200 = tpu.memref_slice %arg7[%add3A_193, %dma_start3A_199] : memref<78x128xi32, #tpu.memory_space<vmem>> -> memref<1x128xi32, #tpu.memory_space<vmem>>
      %dma_start3A_201 = tpu.memref_squeeze %dma_start3A_200 : memref<1x128xi32, #tpu.memory_space<vmem>> -> memref<128xi32, #tpu.memory_space<vmem>>
      %dma_start3A_202 = arith.constant 0 : i32
      %dma_start3A_203 = arith.constant 0 : i32
      %dma_start3A_204 = tpu.memref_slice %arg11[%dma_start3A_202, %dma_start3A_203] : memref<10240x32xf32, #tpu.memory_space<vmem_shared>> -> memref<10240x32xf32, #tpu.memory_space<vmem_shared>>
      tpu.enqueue_indirect_dma source(%dma_start3A_198 : memref<128x32xf32, #tpu.memory_space<vmem>>) target(%dma_start3A_204 : memref<10240x32xf32, #tpu.memory_space<vmem_shared>>) offsets(%dma_start3A_201 : memref<128xi32, #tpu.memory_space<vmem>>) semaphore(%arg25 : memref<!tpu.dma_semaphore, #tpu.memory_space<semaphore_mem>>) {add = true}
      %dma_wait3A_205 = arith.constant 0 : i32
      %dma_wait3A_206 = arith.constant 1 : i32
      %dma_wait3A_207 = arith.constant 0 : i32
      %dma_wait3A_208 = arith.constant 0 : i32
      %dma_wait3A_209 = tpu.memref_slice %arg10[%dma_wait3A_206, %dma_wait3A_207, %dma_wait3A_208] : memref<13x128x32xf32, #tpu.memory_space<vmem>> -> memref<1x128x32xf32, #tpu.memory_space<vmem>>
      %dma_wait3A_210 = tpu.memref_squeeze %dma_wait3A_209 : memref<1x128x32xf32, #tpu.memory_space<vmem>> -> memref<128x32xf32, #tpu.memory_space<vmem>>
      %dma_wait3A_211 = arith.constant 0 : i32
      %dma_wait3A_212 = tpu.memref_slice %arg6[%dma_wait3A_205, %dma_wait3A_211] : memref<78x128xi32, #tpu.memory_space<vmem>> -> memref<1x128xi32, #tpu.memory_space<vmem>>
      %dma_wait3A_213 = tpu.memref_squeeze %dma_wait3A_212 : memref<1x128xi32, #tpu.memory_space<vmem>> -> memref<128xi32, #tpu.memory_space<vmem>>
      %dma_wait3A_214 = arith.constant 0 : i32
      %dma_wait3A_215 = arith.constant 0 : i32
      %dma_wait3A_216 = tpu.memref_slice %arg2[%dma_wait3A_214, %dma_wait3A_215] : memref<10000x32xf32, #tpu.memory_space<hbm>> -> memref<10000x32xf32, #tpu.memory_space<hbm>>
      tpu.wait_indirect_dma semaphore(%arg13 : memref<!tpu.dma_semaphore, #tpu.memory_space<semaphore_mem>>) src(%dma_wait3A_216 : memref<10000x32xf32, #tpu.memory_space<hbm>>) dst(%dma_wait3A_210 : memref<128x32xf32, #tpu.memory_space<vmem>>)
      %mul3A_217 = arith.constant 13 : i32
      %mul3A_218 = arith.muli %scan3A_178, %mul3A_217 : i32
      %add3A_219 = arith.constant 1 : i32
      %add3A_220 = arith.addi %mul3A_218, %add3A_219 : i32
      %dma_start3A_221 = arith.constant 1 : i32
      %dma_start3A_222 = arith.constant 0 : i32
      %dma_start3A_223 = arith.constant 0 : i32
      %dma_start3A_224 = tpu.memref_slice %arg10[%dma_start3A_221, %dma_start3A_222, %dma_start3A_223] : memref<13x128x32xf32, #tpu.memory_space<vmem>> -> memref<1x128x32xf32, #tpu.memory_space<vmem>>
      %dma_start3A_225 = tpu.memref_squeeze %dma_start3A_224 : memref<1x128x32xf32, #tpu.memory_space<vmem>> -> memref<128x32xf32, #tpu.memory_space<vmem>>
      %dma_start3A_226 = arith.constant 0 : i32
      %dma_start3A_227 = tpu.memref_slice %arg7[%add3A_220, %dma_start3A_226] : memref<78x128xi32, #tpu.memory_space<vmem>> -> memref<1x128xi32, #tpu.memory_space<vmem>>
      %dma_start3A_228 = tpu.memref_squeeze %dma_start3A_227 : memref<1x128xi32, #tpu.memory_space<vmem>> -> memref<128xi32, #tpu.memory_space<vmem>>
      %dma_start3A_229 = arith.constant 0 : i32
      %dma_start3A_230 = arith.constant 0 : i32
      %dma_start3A_231 = tpu.memref_slice %arg11[%dma_start3A_229, %dma_start3A_230] : memref<10240x32xf32, #tpu.memory_space<vmem_shared>> -> memref<10240x32xf32, #tpu.memory_space<vmem_shared>>
      tpu.enqueue_indirect_dma source(%dma_start3A_225 : memref<128x32xf32, #tpu.memory_space<vmem>>) target(%dma_start3A_231 : memref<10240x32xf32, #tpu.memory_space<vmem_shared>>) offsets(%dma_start3A_228 : memref<128xi32, #tpu.memory_space<vmem>>) semaphore(%arg26 : memref<!tpu.dma_semaphore, #tpu.memory_space<semaphore_mem>>) {add = true}
      %dma_wait3A_232 = arith.constant 0 : i32
      %dma_wait3A_233 = arith.constant 2 : i32
      %dma_wait3A_234 = arith.constant 0 : i32
      %dma_wait3A_235 = arith.constant 0 : i32
      %dma_wait3A_236 = tpu.memref_slice %arg10[%dma_wait3A_233, %dma_wait3A_234, %dma_wait3A_235] : memref<13x128x32xf32, #tpu.memory_space<vmem>> -> memref<1x128x32xf32, #tpu.memory_space<vmem>>
      %dma_wait3A_237 = tpu.memref_squeeze %dma_wait3A_236 : memref<1x128x32xf32, #tpu.memory_space<vmem>> -> memref<128x32xf32, #tpu.memory_space<vmem>>
      %dma_wait3A_238 = arith.constant 0 : i32
      %dma_wait3A_239 = tpu.memref_slice %arg6[%dma_wait3A_232, %dma_wait3A_238] : memref<78x128xi32, #tpu.memory_space<vmem>> -> memref<1x128xi32, #tpu.memory_space<vmem>>
      %dma_wait3A_240 = tpu.memref_squeeze %dma_wait3A_239 : memref<1x128xi32, #tpu.memory_space<vmem>> -> memref<128xi32, #tpu.memory_space<vmem>>
      %dma_wait3A_241 = arith.constant 0 : i32
      %dma_wait3A_242 = arith.constant 0 : i32
      %dma_wait3A_243 = tpu.memref_slice %arg2[%dma_wait3A_241, %dma_wait3A_242] : memref<10000x32xf32, #tpu.memory_space<hbm>> -> memref<10000x32xf32, #tpu.memory_space<hbm>>
      tpu.wait_indirect_dma semaphore(%arg14 : memref<!tpu.dma_semaphore, #tpu.memory_space<semaphore_mem>>) src(%dma_wait3A_243 : memref<10000x32xf32, #tpu.memory_space<hbm>>) dst(%dma_wait3A_237 : memref<128x32xf32, #tpu.memory_space<vmem>>)
      %mul3A_244 = arith.constant 13 : i32
      %mul3A_245 = arith.muli %scan3A_178, %mul3A_244 : i32
      %add3A_246 = arith.constant 2 : i32
      %add3A_247 = arith.addi %mul3A_245, %add3A_246 : i32
      %dma_start3A_248 = arith.constant 2 : i32
      %dma_start3A_249 = arith.constant 0 : i32
      %dma_start3A_250 = arith.constant 0 : i32
      %dma_start3A_251 = tpu.memref_slice %arg10[%dma_start3A_248, %dma_start3A_249, %dma_start3A_250] : memref<13x128x32xf32, #tpu.memory_space<vmem>> -> memref<1x128x32xf32, #tpu.memory_space<vmem>>
      %dma_start3A_252 = tpu.memref_squeeze %dma_start3A_251 : memref<1x128x32xf32, #tpu.memory_space<vmem>> -> memref<128x32xf32, #tpu.memory_space<vmem>>
      %dma_start3A_253 = arith.constant 0 : i32
      %dma_start3A_254 = tpu.memref_slice %arg7[%add3A_247, %dma_start3A_253] : memref<78x128xi32, #tpu.memory_space<vmem>> -> memref<1x128xi32, #tpu.memory_space<vmem>>
      %dma_start3A_255 = tpu.memref_squeeze %dma_start3A_254 : memref<1x128xi32, #tpu.memory_space<vmem>> -> memref<128xi32, #tpu.memory_space<vmem>>
      %dma_start3A_256 = arith.constant 0 : i32
      %dma_start3A_257 = arith.constant 0 : i32
      %dma_start3A_258 = tpu.memref_slice %arg11[%dma_start3A_256, %dma_start3A_257] : memref<10240x32xf32, #tpu.memory_space<vmem_shared>> -> memref<10240x32xf32, #tpu.memory_space<vmem_shared>>
      tpu.enqueue_indirect_dma source(%dma_start3A_252 : memref<128x32xf32, #tpu.memory_space<vmem>>) target(%dma_start3A_258 : memref<10240x32xf32, #tpu.memory_space<vmem_shared>>) offsets(%dma_start3A_255 : memref<128xi32, #tpu.memory_space<vmem>>) semaphore(%arg27 : memref<!tpu.dma_semaphore, #tpu.memory_space<semaphore_mem>>) {add = true}
      %dma_wait3A_259 = arith.constant 0 : i32
      %dma_wait3A_260 = arith.constant 3 : i32
      %dma_wait3A_261 = arith.constant 0 : i32
      %dma_wait3A_262 = arith.constant 0 : i32
      %dma_wait3A_263 = tpu.memref_slice %arg10[%dma_wait3A_260, %dma_wait3A_261, %dma_wait3A_262] : memref<13x128x32xf32, #tpu.memory_space<vmem>> -> memref<1x128x32xf32, #tpu.memory_space<vmem>>
      %dma_wait3A_264 = tpu.memref_squeeze %dma_wait3A_263 : memref<1x128x32xf32, #tpu.memory_space<vmem>> -> memref<128x32xf32, #tpu.memory_space<vmem>>
      %dma_wait3A_265 = arith.constant 0 : i32
      %dma_wait3A_266 = tpu.memref_slice %arg6[%dma_wait3A_259, %dma_wait3A_265] : memref<78x128xi32, #tpu.memory_space<vmem>> -> memref<1x128xi32, #tpu.memory_space<vmem>>
      %dma_wait3A_267 = tpu.memref_squeeze %dma_wait3A_266 : memref<1x128xi32, #tpu.memory_space<vmem>> -> memref<128xi32, #tpu.memory_space<vmem>>
      %dma_wait3A_268 = arith.constant 0 : i32
      %dma_wait3A_269 = arith.constant 0 : i32
      %dma_wait3A_270 = tpu.memref_slice %arg2[%dma_wait3A_268, %dma_wait3A_269] : memref<10000x32xf32, #tpu.memory_space<hbm>> -> memref<10000x32xf32, #tpu.memory_space<hbm>>
      tpu.wait_indirect_dma semaphore(%arg15 : memref<!tpu.dma_semaphore, #tpu.memory_space<semaphore_mem>>) src(%dma_wait3A_270 : memref<10000x32xf32, #tpu.memory_space<hbm>>) dst(%dma_wait3A_264 : memref<128x32xf32, #tpu.memory_space<vmem>>)
      %mul3A_271 = arith.constant 13 : i32
      %mul3A_272 = arith.muli %scan3A_178, %mul3A_271 : i32
      %add3A_273 = arith.constant 3 : i32
      %add3A_274 = arith.addi %mul3A_272, %add3A_273 : i32
      %dma_start3A_275 = arith.constant 3 : i32
      %dma_start3A_276 = arith.constant 0 : i32
      %dma_start3A_277 = arith.constant 0 : i32
      %dma_start3A_278 = tpu.memref_slice %arg10[%dma_start3A_275, %dma_start3A_276, %dma_start3A_277] : memref<13x128x32xf32, #tpu.memory_space<vmem>> -> memref<1x128x32xf32, #tpu.memory_space<vmem>>
      %dma_start3A_279 = tpu.memref_squeeze %dma_start3A_278 : memref<1x128x32xf32, #tpu.memory_space<vmem>> -> memref<128x32xf32, #tpu.memory_space<vmem>>
      %dma_start3A_280 = arith.constant 0 : i32
      %dma_start3A_281 = tpu.memref_slice %arg7[%add3A_274, %dma_start3A_280] : memref<78x128xi32, #tpu.memory_space<vmem>> -> memref<1x128xi32, #tpu.memory_space<vmem>>
      %dma_start3A_282 = tpu.memref_squeeze %dma_start3A_281 : memref<1x128xi32, #tpu.memory_space<vmem>> -> memref<128xi32, #tpu.memory_space<vmem>>
      %dma_start3A_283 = arith.constant 0 : i32
      %dma_start3A_284 = arith.constant 0 : i32
      %dma_start3A_285 = tpu.memref_slice %arg11[%dma_start3A_283, %dma_start3A_284] : memref<10240x32xf32, #tpu.memory_space<vmem_shared>> -> memref<10240x32xf32, #tpu.memory_space<vmem_shared>>
      tpu.enqueue_indirect_dma source(%dma_start3A_279 : memref<128x32xf32, #tpu.memory_space<vmem>>) target(%dma_start3A_285 : memref<10240x32xf32, #tpu.memory_space<vmem_shared>>) offsets(%dma_start3A_282 : memref<128xi32, #tpu.memory_space<vmem>>) semaphore(%arg28 : memref<!tpu.dma_semaphore, #tpu.memory_space<semaphore_mem>>) {add = true}
      %dma_wait3A_286 = arith.constant 0 : i32
      %dma_wait3A_287 = arith.constant 4 : i32
      %dma_wait3A_288 = arith.constant 0 : i32
      %dma_wait3A_289 = arith.constant 0 : i32
      %dma_wait3A_290 = tpu.memref_slice %arg10[%dma_wait3A_287, %dma_wait3A_288, %dma_wait3A_289] : memref<13x128x32xf32, #tpu.memory_space<vmem>> -> memref<1x128x32xf32, #tpu.memory_space<vmem>>
      %dma_wait3A_291 = tpu.memref_squeeze %dma_wait3A_290 : memref<1x128x32xf32, #tpu.memory_space<vmem>> -> memref<128x32xf32, #tpu.memory_space<vmem>>
      %dma_wait3A_292 = arith.constant 0 : i32
      %dma_wait3A_293 = tpu.memref_slice %arg6[%dma_wait3A_286, %dma_wait3A_292] : memref<78x128xi32, #tpu.memory_space<vmem>> -> memref<1x128xi32, #tpu.memory_space<vmem>>
      %dma_wait3A_294 = tpu.memref_squeeze %dma_wait3A_293 : memref<1x128xi32, #tpu.memory_space<vmem>> -> memref<128xi32, #tpu.memory_space<vmem>>
      %dma_wait3A_295 = arith.constant 0 : i32
      %dma_wait3A_296 = arith.constant 0 : i32
      %dma_wait3A_297 = tpu.memref_slice %arg2[%dma_wait3A_295, %dma_wait3A_296] : memref<10000x32xf32, #tpu.memory_space<hbm>> -> memref<10000x32xf32, #tpu.memory_space<hbm>>
      tpu.wait_indirect_dma semaphore(%arg16 : memref<!tpu.dma_semaphore, #tpu.memory_space<semaphore_mem>>) src(%dma_wait3A_297 : memref<10000x32xf32, #tpu.memory_space<hbm>>) dst(%dma_wait3A_291 : memref<128x32xf32, #tpu.memory_space<vmem>>)
      %mul3A_298 = arith.constant 13 : i32
      %mul3A_299 = arith.muli %scan3A_178, %mul3A_298 : i32
      %add3A_300 = arith.constant 4 : i32
      %add3A_301 = arith.addi %mul3A_299, %add3A_300 : i32
      %dma_start3A_302 = arith.constant 4 : i32
      %dma_start3A_303 = arith.constant 0 : i32
      %dma_start3A_304 = arith.constant 0 : i32
      %dma_start3A_305 = tpu.memref_slice %arg10[%dma_start3A_302, %dma_start3A_303, %dma_start3A_304] : memref<13x128x32xf32, #tpu.memory_space<vmem>> -> memref<1x128x32xf32, #tpu.memory_space<vmem>>
      %dma_start3A_306 = tpu.memref_squeeze %dma_start3A_305 : memref<1x128x32xf32, #tpu.memory_space<vmem>> -> memref<128x32xf32, #tpu.memory_space<vmem>>
      %dma_start3A_307 = arith.constant 0 : i32
      %dma_start3A_308 = tpu.memref_slice %arg7[%add3A_301, %dma_start3A_307] : memref<78x128xi32, #tpu.memory_space<vmem>> -> memref<1x128xi32, #tpu.memory_space<vmem>>
      %dma_start3A_309 = tpu.memref_squeeze %dma_start3A_308 : memref<1x128xi32, #tpu.memory_space<vmem>> -> memref<128xi32, #tpu.memory_space<vmem>>
      %dma_start3A_310 = arith.constant 0 : i32
      %dma_start3A_311 = arith.constant 0 : i32
      %dma_start3A_312 = tpu.memref_slice %arg11[%dma_start3A_310, %dma_start3A_311] : memref<10240x32xf32, #tpu.memory_space<vmem_shared>> -> memref<10240x32xf32, #tpu.memory_space<vmem_shared>>
      tpu.enqueue_indirect_dma source(%dma_start3A_306 : memref<128x32xf32, #tpu.memory_space<vmem>>) target(%dma_start3A_312 : memref<10240x32xf32, #tpu.memory_space<vmem_shared>>) offsets(%dma_start3A_309 : memref<128xi32, #tpu.memory_space<vmem>>) semaphore(%arg29 : memref<!tpu.dma_semaphore, #tpu.memory_space<semaphore_mem>>) {add = true}
      %dma_wait3A_313 = arith.constant 0 : i32
      %dma_wait3A_314 = arith.constant 5 : i32
      %dma_wait3A_315 = arith.constant 0 : i32
      %dma_wait3A_316 = arith.constant 0 : i32
      %dma_wait3A_317 = tpu.memref_slice %arg10[%dma_wait3A_314, %dma_wait3A_315, %dma_wait3A_316] : memref<13x128x32xf32, #tpu.memory_space<vmem>> -> memref<1x128x32xf32, #tpu.memory_space<vmem>>
      %dma_wait3A_318 = tpu.memref_squeeze %dma_wait3A_317 : memref<1x128x32xf32, #tpu.memory_space<vmem>> -> memref<128x32xf32, #tpu.memory_space<vmem>>
      %dma_wait3A_319 = arith.constant 0 : i32
      %dma_wait3A_320 = tpu.memref_slice %arg6[%dma_wait3A_313, %dma_wait3A_319] : memref<78x128xi32, #tpu.memory_space<vmem>> -> memref<1x128xi32, #tpu.memory_space<vmem>>
      %dma_wait3A_321 = tpu.memref_squeeze %dma_wait3A_320 : memref<1x128xi32, #tpu.memory_space<vmem>> -> memref<128xi32, #tpu.memory_space<vmem>>
      %dma_wait3A_322 = arith.constant 0 : i32
      %dma_wait3A_323 = arith.constant 0 : i32
      %dma_wait3A_324 = tpu.memref_slice %arg2[%dma_wait3A_322, %dma_wait3A_323] : memref<10000x32xf32, #tpu.memory_space<hbm>> -> memref<10000x32xf32, #tpu.memory_space<hbm>>
      tpu.wait_indirect_dma semaphore(%arg17 : memref<!tpu.dma_semaphore, #tpu.memory_space<semaphore_mem>>) src(%dma_wait3A_324 : memref<10000x32xf32, #tpu.memory_space<hbm>>) dst(%dma_wait3A_318 : memref<128x32xf32, #tpu.memory_space<vmem>>)
      %mul3A_325 = arith.constant 13 : i32
      %mul3A_326 = arith.muli %scan3A_178, %mul3A_325 : i32
      %add3A_327 = arith.constant 5 : i32
      %add3A_328 = arith.addi %mul3A_326, %add3A_327 : i32
      %dma_start3A_329 = arith.constant 5 : i32
      %dma_start3A_330 = arith.constant 0 : i32
      %dma_start3A_331 = arith.constant 0 : i32
      %dma_start3A_332 = tpu.memref_slice %arg10[%dma_start3A_329, %dma_start3A_330, %dma_start3A_331] : memref<13x128x32xf32, #tpu.memory_space<vmem>> -> memref<1x128x32xf32, #tpu.memory_space<vmem>>
      %dma_start3A_333 = tpu.memref_squeeze %dma_start3A_332 : memref<1x128x32xf32, #tpu.memory_space<vmem>> -> memref<128x32xf32, #tpu.memory_space<vmem>>
      %dma_start3A_334 = arith.constant 0 : i32
      %dma_start3A_335 = tpu.memref_slice %arg7[%add3A_328, %dma_start3A_334] : memref<78x128xi32, #tpu.memory_space<vmem>> -> memref<1x128xi32, #tpu.memory_space<vmem>>
      %dma_start3A_336 = tpu.memref_squeeze %dma_start3A_335 : memref<1x128xi32, #tpu.memory_space<vmem>> -> memref<128xi32, #tpu.memory_space<vmem>>
      %dma_start3A_337 = arith.constant 0 : i32
      %dma_start3A_338 = arith.constant 0 : i32
      %dma_start3A_339 = tpu.memref_slice %arg11[%dma_start3A_337, %dma_start3A_338] : memref<10240x32xf32, #tpu.memory_space<vmem_shared>> -> memref<10240x32xf32, #tpu.memory_space<vmem_shared>>
      tpu.enqueue_indirect_dma source(%dma_start3A_333 : memref<128x32xf32, #tpu.memory_space<vmem>>) target(%dma_start3A_339 : memref<10240x32xf32, #tpu.memory_space<vmem_shared>>) offsets(%dma_start3A_336 : memref<128xi32, #tpu.memory_space<vmem>>) semaphore(%arg30 : memref<!tpu.dma_semaphore, #tpu.memory_space<semaphore_mem>>) {add = true}
      %dma_wait3A_340 = arith.constant 0 : i32
      %dma_wait3A_341 = arith.constant 6 : i32
      %dma_wait3A_342 = arith.constant 0 : i32
      %dma_wait3A_343 = arith.constant 0 : i32
      %dma_wait3A_344 = tpu.memref_slice %arg10[%dma_wait3A_341, %dma_wait3A_342, %dma_wait3A_343] : memref<13x128x32xf32, #tpu.memory_space<vmem>> -> memref<1x128x32xf32, #tpu.memory_space<vmem>>
      %dma_wait3A_345 = tpu.memref_squeeze %dma_wait3A_344 : memref<1x128x32xf32, #tpu.memory_space<vmem>> -> memref<128x32xf32, #tpu.memory_space<vmem>>
      %dma_wait3A_346 = arith.constant 0 : i32
      %dma_wait3A_347 = tpu.memref_slice %arg6[%dma_wait3A_340, %dma_wait3A_346] : memref<78x128xi32, #tpu.memory_space<vmem>> -> memref<1x128xi32, #tpu.memory_space<vmem>>
      %dma_wait3A_348 = tpu.memref_squeeze %dma_wait3A_347 : memref<1x128xi32, #tpu.memory_space<vmem>> -> memref<128xi32, #tpu.memory_space<vmem>>
      %dma_wait3A_349 = arith.constant 0 : i32
      %dma_wait3A_350 = arith.constant 0 : i32
      %dma_wait3A_351 = tpu.memref_slice %arg2[%dma_wait3A_349, %dma_wait3A_350] : memref<10000x32xf32, #tpu.memory_space<hbm>> -> memref<10000x32xf32, #tpu.memory_space<hbm>>
      tpu.wait_indirect_dma semaphore(%arg18 : memref<!tpu.dma_semaphore, #tpu.memory_space<semaphore_mem>>) src(%dma_wait3A_351 : memref<10000x32xf32, #tpu.memory_space<hbm>>) dst(%dma_wait3A_345 : memref<128x32xf32, #tpu.memory_space<vmem>>)
      %mul3A_352 = arith.constant 13 : i32
      %mul3A_353 = arith.muli %scan3A_178, %mul3A_352 : i32
      %add3A_354 = arith.constant 6 : i32
      %add3A_355 = arith.addi %mul3A_353, %add3A_354 : i32
      %dma_start3A_356 = arith.constant 6 : i32
      %dma_start3A_357 = arith.constant 0 : i32
      %dma_start3A_358 = arith.constant 0 : i32
      %dma_start3A_359 = tpu.memref_slice %arg10[%dma_start3A_356, %dma_start3A_357, %dma_start3A_358] : memref<13x128x32xf32, #tpu.memory_space<vmem>> -> memref<1x128x32xf32, #tpu.memory_space<vmem>>
      %dma_start3A_360 = tpu.memref_squeeze %dma_start3A_359 : memref<1x128x32xf32, #tpu.memory_space<vmem>> -> memref<128x32xf32, #tpu.memory_space<vmem>>
      %dma_start3A_361 = arith.constant 0 : i32
      %dma_start3A_362 = tpu.memref_slice %arg7[%add3A_355, %dma_start3A_361] : memref<78x128xi32, #tpu.memory_space<vmem>> -> memref<1x128xi32, #tpu.memory_space<vmem>>
      %dma_start3A_363 = tpu.memref_squeeze %dma_start3A_362 : memref<1x128xi32, #tpu.memory_space<vmem>> -> memref<128xi32, #tpu.memory_space<vmem>>
      %dma_start3A_364 = arith.constant 0 : i32
      %dma_start3A_365 = arith.constant 0 : i32
      %dma_start3A_366 = tpu.memref_slice %arg11[%dma_start3A_364, %dma_start3A_365] : memref<10240x32xf32, #tpu.memory_space<vmem_shared>> -> memref<10240x32xf32, #tpu.memory_space<vmem_shared>>
      tpu.enqueue_indirect_dma source(%dma_start3A_360 : memref<128x32xf32, #tpu.memory_space<vmem>>) target(%dma_start3A_366 : memref<10240x32xf32, #tpu.memory_space<vmem_shared>>) offsets(%dma_start3A_363 : memref<128xi32, #tpu.memory_space<vmem>>) semaphore(%arg31 : memref<!tpu.dma_semaphore, #tpu.memory_space<semaphore_mem>>) {add = true}
      %dma_wait3A_367 = arith.constant 0 : i32
      %dma_wait3A_368 = arith.constant 7 : i32
      %dma_wait3A_369 = arith.constant 0 : i32
      %dma_wait3A_370 = arith.constant 0 : i32
      %dma_wait3A_371 = tpu.memref_slice %arg10[%dma_wait3A_368, %dma_wait3A_369, %dma_wait3A_370] : memref<13x128x32xf32, #tpu.memory_space<vmem>> -> memref<1x128x32xf32, #tpu.memory_space<vmem>>
      %dma_wait3A_372 = tpu.memref_squeeze %dma_wait3A_371 : memref<1x128x32xf32, #tpu.memory_space<vmem>> -> memref<128x32xf32, #tpu.memory_space<vmem>>
      %dma_wait3A_373 = arith.constant 0 : i32
      %dma_wait3A_374 = tpu.memref_slice %arg6[%dma_wait3A_367, %dma_wait3A_373] : memref<78x128xi32, #tpu.memory_space<vmem>> -> memref<1x128xi32, #tpu.memory_space<vmem>>
      %dma_wait3A_375 = tpu.memref_squeeze %dma_wait3A_374 : memref<1x128xi32, #tpu.memory_space<vmem>> -> memref<128xi32, #tpu.memory_space<vmem>>
      %dma_wait3A_376 = arith.constant 0 : i32
      %dma_wait3A_377 = arith.constant 0 : i32
      %dma_wait3A_378 = tpu.memref_slice %arg2[%dma_wait3A_376, %dma_wait3A_377] : memref<10000x32xf32, #tpu.memory_space<hbm>> -> memref<10000x32xf32, #tpu.memory_space<hbm>>
      tpu.wait_indirect_dma semaphore(%arg19 : memref<!tpu.dma_semaphore, #tpu.memory_space<semaphore_mem>>) src(%dma_wait3A_378 : memref<10000x32xf32, #tpu.memory_space<hbm>>) dst(%dma_wait3A_372 : memref<128x32xf32, #tpu.memory_space<vmem>>)
      %mul3A_379 = arith.constant 13 : i32
      %mul3A_380 = arith.muli %scan3A_178, %mul3A_379 : i32
      %add3A_381 = arith.constant 7 : i32
      %add3A_382 = arith.addi %mul3A_380, %add3A_381 : i32
      %dma_start3A_383 = arith.constant 7 : i32
      %dma_start3A_384 = arith.constant 0 : i32
      %dma_start3A_385 = arith.constant 0 : i32
      %dma_start3A_386 = tpu.memref_slice %arg10[%dma_start3A_383, %dma_start3A_384, %dma_start3A_385] : memref<13x128x32xf32, #tpu.memory_space<vmem>> -> memref<1x128x32xf32, #tpu.memory_space<vmem>>
      %dma_start3A_387 = tpu.memref_squeeze %dma_start3A_386 : memref<1x128x32xf32, #tpu.memory_space<vmem>> -> memref<128x32xf32, #tpu.memory_space<vmem>>
      %dma_start3A_388 = arith.constant 0 : i32
      %dma_start3A_389 = tpu.memref_slice %arg7[%add3A_382, %dma_start3A_388] : memref<78x128xi32, #tpu.memory_space<vmem>> -> memref<1x128xi32, #tpu.memory_space<vmem>>
      %dma_start3A_390 = tpu.memref_squeeze %dma_start3A_389 : memref<1x128xi32, #tpu.memory_space<vmem>> -> memref<128xi32, #tpu.memory_space<vmem>>
      %dma_start3A_391 = arith.constant 0 : i32
      %dma_start3A_392 = arith.constant 0 : i32
      %dma_start3A_393 = tpu.memref_slice %arg11[%dma_start3A_391, %dma_start3A_392] : memref<10240x32xf32, #tpu.memory_space<vmem_shared>> -> memref<10240x32xf32, #tpu.memory_space<vmem_shared>>
      tpu.enqueue_indirect_dma source(%dma_start3A_387 : memref<128x32xf32, #tpu.memory_space<vmem>>) target(%dma_start3A_393 : memref<10240x32xf32, #tpu.memory_space<vmem_shared>>) offsets(%dma_start3A_390 : memref<128xi32, #tpu.memory_space<vmem>>) semaphore(%arg32 : memref<!tpu.dma_semaphore, #tpu.memory_space<semaphore_mem>>) {add = true}
      %dma_wait3A_394 = arith.constant 0 : i32
      %dma_wait3A_395 = arith.constant 8 : i32
      %dma_wait3A_396 = arith.constant 0 : i32
      %dma_wait3A_397 = arith.constant 0 : i32
      %dma_wait3A_398 = tpu.memref_slice %arg10[%dma_wait3A_395, %dma_wait3A_396, %dma_wait3A_397] : memref<13x128x32xf32, #tpu.memory_space<vmem>> -> memref<1x128x32xf32, #tpu.memory_space<vmem>>
      %dma_wait3A_399 = tpu.memref_squeeze %dma_wait3A_398 : memref<1x128x32xf32, #tpu.memory_space<vmem>> -> memref<128x32xf32, #tpu.memory_space<vmem>>
      %dma_wait3A_400 = arith.constant 0 : i32
      %dma_wait3A_401 = tpu.memref_slice %arg6[%dma_wait3A_394, %dma_wait3A_400] : memref<78x128xi32, #tpu.memory_space<vmem>> -> memref<1x128xi32, #tpu.memory_space<vmem>>
      %dma_wait3A_402 = tpu.memref_squeeze %dma_wait3A_401 : memref<1x128xi32, #tpu.memory_space<vmem>> -> memref<128xi32, #tpu.memory_space<vmem>>
      %dma_wait3A_403 = arith.constant 0 : i32
      %dma_wait3A_404 = arith.constant 0 : i32
      %dma_wait3A_405 = tpu.memref_slice %arg2[%dma_wait3A_403, %dma_wait3A_404] : memref<10000x32xf32, #tpu.memory_space<hbm>> -> memref<10000x32xf32, #tpu.memory_space<hbm>>
      tpu.wait_indirect_dma semaphore(%arg20 : memref<!tpu.dma_semaphore, #tpu.memory_space<semaphore_mem>>) src(%dma_wait3A_405 : memref<10000x32xf32, #tpu.memory_space<hbm>>) dst(%dma_wait3A_399 : memref<128x32xf32, #tpu.memory_space<vmem>>)
      %mul3A_406 = arith.constant 13 : i32
      %mul3A_407 = arith.muli %scan3A_178, %mul3A_406 : i32
      %add3A_408 = arith.constant 8 : i32
      %add3A_409 = arith.addi %mul3A_407, %add3A_408 : i32
      %dma_start3A_410 = arith.constant 8 : i32
      %dma_start3A_411 = arith.constant 0 : i32
      %dma_start3A_412 = arith.constant 0 : i32
      %dma_start3A_413 = tpu.memref_slice %arg10[%dma_start3A_410, %dma_start3A_411, %dma_start3A_412] : memref<13x128x32xf32, #tpu.memory_space<vmem>> -> memref<1x128x32xf32, #tpu.memory_space<vmem>>
      %dma_start3A_414 = tpu.memref_squeeze %dma_start3A_413 : memref<1x128x32xf32, #tpu.memory_space<vmem>> -> memref<128x32xf32, #tpu.memory_space<vmem>>
      %dma_start3A_415 = arith.constant 0 : i32
      %dma_start3A_416 = tpu.memref_slice %arg7[%add3A_409, %dma_start3A_415] : memref<78x128xi32, #tpu.memory_space<vmem>> -> memref<1x128xi32, #tpu.memory_space<vmem>>
      %dma_start3A_417 = tpu.memref_squeeze %dma_start3A_416 : memref<1x128xi32, #tpu.memory_space<vmem>> -> memref<128xi32, #tpu.memory_space<vmem>>
      %dma_start3A_418 = arith.constant 0 : i32
      %dma_start3A_419 = arith.constant 0 : i32
      %dma_start3A_420 = tpu.memref_slice %arg11[%dma_start3A_418, %dma_start3A_419] : memref<10240x32xf32, #tpu.memory_space<vmem_shared>> -> memref<10240x32xf32, #tpu.memory_space<vmem_shared>>
      tpu.enqueue_indirect_dma source(%dma_start3A_414 : memref<128x32xf32, #tpu.memory_space<vmem>>) target(%dma_start3A_420 : memref<10240x32xf32, #tpu.memory_space<vmem_shared>>) offsets(%dma_start3A_417 : memref<128xi32, #tpu.memory_space<vmem>>) semaphore(%arg33 : memref<!tpu.dma_semaphore, #tpu.memory_space<semaphore_mem>>) {add = true}
      %dma_wait3A_421 = arith.constant 0 : i32
      %dma_wait3A_422 = arith.constant 9 : i32
      %dma_wait3A_423 = arith.constant 0 : i32
      %dma_wait3A_424 = arith.constant 0 : i32
      %dma_wait3A_425 = tpu.memref_slice %arg10[%dma_wait3A_422, %dma_wait3A_423, %dma_wait3A_424] : memref<13x128x32xf32, #tpu.memory_space<vmem>> -> memref<1x128x32xf32, #tpu.memory_space<vmem>>
      %dma_wait3A_426 = tpu.memref_squeeze %dma_wait3A_425 : memref<1x128x32xf32, #tpu.memory_space<vmem>> -> memref<128x32xf32, #tpu.memory_space<vmem>>
      %dma_wait3A_427 = arith.constant 0 : i32
      %dma_wait3A_428 = tpu.memref_slice %arg6[%dma_wait3A_421, %dma_wait3A_427] : memref<78x128xi32, #tpu.memory_space<vmem>> -> memref<1x128xi32, #tpu.memory_space<vmem>>
      %dma_wait3A_429 = tpu.memref_squeeze %dma_wait3A_428 : memref<1x128xi32, #tpu.memory_space<vmem>> -> memref<128xi32, #tpu.memory_space<vmem>>
      %dma_wait3A_430 = arith.constant 0 : i32
      %dma_wait3A_431 = arith.constant 0 : i32
      %dma_wait3A_432 = tpu.memref_slice %arg2[%dma_wait3A_430, %dma_wait3A_431] : memref<10000x32xf32, #tpu.memory_space<hbm>> -> memref<10000x32xf32, #tpu.memory_space<hbm>>
      tpu.wait_indirect_dma semaphore(%arg21 : memref<!tpu.dma_semaphore, #tpu.memory_space<semaphore_mem>>) src(%dma_wait3A_432 : memref<10000x32xf32, #tpu.memory_space<hbm>>) dst(%dma_wait3A_426 : memref<128x32xf32, #tpu.memory_space<vmem>>)
      %mul3A_433 = arith.constant 13 : i32
      %mul3A_434 = arith.muli %scan3A_178, %mul3A_433 : i32
      %add3A_435 = arith.constant 9 : i32
      %add3A_436 = arith.addi %mul3A_434, %add3A_435 : i32
      %dma_start3A_437 = arith.constant 9 : i32
      %dma_start3A_438 = arith.constant 0 : i32
      %dma_start3A_439 = arith.constant 0 : i32
      %dma_start3A_440 = tpu.memref_slice %arg10[%dma_start3A_437, %dma_start3A_438, %dma_start3A_439] : memref<13x128x32xf32, #tpu.memory_space<vmem>> -> memref<1x128x32xf32, #tpu.memory_space<vmem>>
      %dma_start3A_441 = tpu.memref_squeeze %dma_start3A_440 : memref<1x128x32xf32, #tpu.memory_space<vmem>> -> memref<128x32xf32, #tpu.memory_space<vmem>>
      %dma_start3A_442 = arith.constant 0 : i32
      %dma_start3A_443 = tpu.memref_slice %arg7[%add3A_436, %dma_start3A_442] : memref<78x128xi32, #tpu.memory_space<vmem>> -> memref<1x128xi32, #tpu.memory_space<vmem>>
      %dma_start3A_444 = tpu.memref_squeeze %dma_start3A_443 : memref<1x128xi32, #tpu.memory_space<vmem>> -> memref<128xi32, #tpu.memory_space<vmem>>
      %dma_start3A_445 = arith.constant 0 : i32
      %dma_start3A_446 = arith.constant 0 : i32
      %dma_start3A_447 = tpu.memref_slice %arg11[%dma_start3A_445, %dma_start3A_446] : memref<10240x32xf32, #tpu.memory_space<vmem_shared>> -> memref<10240x32xf32, #tpu.memory_space<vmem_shared>>
      tpu.enqueue_indirect_dma source(%dma_start3A_441 : memref<128x32xf32, #tpu.memory_space<vmem>>) target(%dma_start3A_447 : memref<10240x32xf32, #tpu.memory_space<vmem_shared>>) offsets(%dma_start3A_444 : memref<128xi32, #tpu.memory_space<vmem>>) semaphore(%arg34 : memref<!tpu.dma_semaphore, #tpu.memory_space<semaphore_mem>>) {add = true}
      %dma_wait3A_448 = arith.constant 0 : i32
      %dma_wait3A_449 = arith.constant 10 : i32
      %dma_wait3A_450 = arith.constant 0 : i32
      %dma_wait3A_451 = arith.constant 0 : i32
      %dma_wait3A_452 = tpu.memref_slice %arg10[%dma_wait3A_449, %dma_wait3A_450, %dma_wait3A_451] : memref<13x128x32xf32, #tpu.memory_space<vmem>> -> memref<1x128x32xf32, #tpu.memory_space<vmem>>
      %dma_wait3A_453 = tpu.memref_squeeze %dma_wait3A_452 : memref<1x128x32xf32, #tpu.memory_space<vmem>> -> memref<128x32xf32, #tpu.memory_space<vmem>>
      %dma_wait3A_454 = arith.constant 0 : i32
      %dma_wait3A_455 = tpu.memref_slice %arg6[%dma_wait3A_448, %dma_wait3A_454] : memref<78x128xi32, #tpu.memory_space<vmem>> -> memref<1x128xi32, #tpu.memory_space<vmem>>
      %dma_wait3A_456 = tpu.memref_squeeze %dma_wait3A_455 : memref<1x128xi32, #tpu.memory_space<vmem>> -> memref<128xi32, #tpu.memory_space<vmem>>
      %dma_wait3A_457 = arith.constant 0 : i32
      %dma_wait3A_458 = arith.constant 0 : i32
      %dma_wait3A_459 = tpu.memref_slice %arg2[%dma_wait3A_457, %dma_wait3A_458] : memref<10000x32xf32, #tpu.memory_space<hbm>> -> memref<10000x32xf32, #tpu.memory_space<hbm>>
      tpu.wait_indirect_dma semaphore(%arg22 : memref<!tpu.dma_semaphore, #tpu.memory_space<semaphore_mem>>) src(%dma_wait3A_459 : memref<10000x32xf32, #tpu.memory_space<hbm>>) dst(%dma_wait3A_453 : memref<128x32xf32, #tpu.memory_space<vmem>>)
      %mul3A_460 = arith.constant 13 : i32
      %mul3A_461 = arith.muli %scan3A_178, %mul3A_460 : i32
      %add3A_462 = arith.constant 10 : i32
      %add3A_463 = arith.addi %mul3A_461, %add3A_462 : i32
      %dma_start3A_464 = arith.constant 10 : i32
      %dma_start3A_465 = arith.constant 0 : i32
      %dma_start3A_466 = arith.constant 0 : i32
      %dma_start3A_467 = tpu.memref_slice %arg10[%dma_start3A_464, %dma_start3A_465, %dma_start3A_466] : memref<13x128x32xf32, #tpu.memory_space<vmem>> -> memref<1x128x32xf32, #tpu.memory_space<vmem>>
      %dma_start3A_468 = tpu.memref_squeeze %dma_start3A_467 : memref<1x128x32xf32, #tpu.memory_space<vmem>> -> memref<128x32xf32, #tpu.memory_space<vmem>>
      %dma_start3A_469 = arith.constant 0 : i32
      %dma_start3A_470 = tpu.memref_slice %arg7[%add3A_463, %dma_start3A_469] : memref<78x128xi32, #tpu.memory_space<vmem>> -> memref<1x128xi32, #tpu.memory_space<vmem>>
      %dma_start3A_471 = tpu.memref_squeeze %dma_start3A_470 : memref<1x128xi32, #tpu.memory_space<vmem>> -> memref<128xi32, #tpu.memory_space<vmem>>
      %dma_start3A_472 = arith.constant 0 : i32
      %dma_start3A_473 = arith.constant 0 : i32
      %dma_start3A_474 = tpu.memref_slice %arg11[%dma_start3A_472, %dma_start3A_473] : memref<10240x32xf32, #tpu.memory_space<vmem_shared>> -> memref<10240x32xf32, #tpu.memory_space<vmem_shared>>
      tpu.enqueue_indirect_dma source(%dma_start3A_468 : memref<128x32xf32, #tpu.memory_space<vmem>>) target(%dma_start3A_474 : memref<10240x32xf32, #tpu.memory_space<vmem_shared>>) offsets(%dma_start3A_471 : memref<128xi32, #tpu.memory_space<vmem>>) semaphore(%arg35 : memref<!tpu.dma_semaphore, #tpu.memory_space<semaphore_mem>>) {add = true}
      %dma_wait3A_475 = arith.constant 0 : i32
      %dma_wait3A_476 = arith.constant 11 : i32
      %dma_wait3A_477 = arith.constant 0 : i32
      %dma_wait3A_478 = arith.constant 0 : i32
      %dma_wait3A_479 = tpu.memref_slice %arg10[%dma_wait3A_476, %dma_wait3A_477, %dma_wait3A_478] : memref<13x128x32xf32, #tpu.memory_space<vmem>> -> memref<1x128x32xf32, #tpu.memory_space<vmem>>
      %dma_wait3A_480 = tpu.memref_squeeze %dma_wait3A_479 : memref<1x128x32xf32, #tpu.memory_space<vmem>> -> memref<128x32xf32, #tpu.memory_space<vmem>>
      %dma_wait3A_481 = arith.constant 0 : i32
      %dma_wait3A_482 = tpu.memref_slice %arg6[%dma_wait3A_475, %dma_wait3A_481] : memref<78x128xi32, #tpu.memory_space<vmem>> -> memref<1x128xi32, #tpu.memory_space<vmem>>
      %dma_wait3A_483 = tpu.memref_squeeze %dma_wait3A_482 : memref<1x128xi32, #tpu.memory_space<vmem>> -> memref<128xi32, #tpu.memory_space<vmem>>
      %dma_wait3A_484 = arith.constant 0 : i32
      %dma_wait3A_485 = arith.constant 0 : i32
      %dma_wait3A_486 = tpu.memref_slice %arg2[%dma_wait3A_484, %dma_wait3A_485] : memref<10000x32xf32, #tpu.memory_space<hbm>> -> memref<10000x32xf32, #tpu.memory_space<hbm>>
      tpu.wait_indirect_dma semaphore(%arg23 : memref<!tpu.dma_semaphore, #tpu.memory_space<semaphore_mem>>) src(%dma_wait3A_486 : memref<10000x32xf32, #tpu.memory_space<hbm>>) dst(%dma_wait3A_480 : memref<128x32xf32, #tpu.memory_space<vmem>>)
      %mul3A_487 = arith.constant 13 : i32
      %mul3A_488 = arith.muli %scan3A_178, %mul3A_487 : i32
      %add3A_489 = arith.constant 11 : i32
      %add3A_490 = arith.addi %mul3A_488, %add3A_489 : i32
      %dma_start3A_491 = arith.constant 11 : i32
      %dma_start3A_492 = arith.constant 0 : i32
      %dma_start3A_493 = arith.constant 0 : i32
      %dma_start3A_494 = tpu.memref_slice %arg10[%dma_start3A_491, %dma_start3A_492, %dma_start3A_493] : memref<13x128x32xf32, #tpu.memory_space<vmem>> -> memref<1x128x32xf32, #tpu.memory_space<vmem>>
      %dma_start3A_495 = tpu.memref_squeeze %dma_start3A_494 : memref<1x128x32xf32, #tpu.memory_space<vmem>> -> memref<128x32xf32, #tpu.memory_space<vmem>>
      %dma_start3A_496 = arith.constant 0 : i32
      %dma_start3A_497 = tpu.memref_slice %arg7[%add3A_490, %dma_start3A_496] : memref<78x128xi32, #tpu.memory_space<vmem>> -> memref<1x128xi32, #tpu.memory_space<vmem>>
      %dma_start3A_498 = tpu.memref_squeeze %dma_start3A_497 : memref<1x128xi32, #tpu.memory_space<vmem>> -> memref<128xi32, #tpu.memory_space<vmem>>
      %dma_start3A_499 = arith.constant 0 : i32
      %dma_start3A_500 = arith.constant 0 : i32
      %dma_start3A_501 = tpu.memref_slice %arg11[%dma_start3A_499, %dma_start3A_500] : memref<10240x32xf32, #tpu.memory_space<vmem_shared>> -> memref<10240x32xf32, #tpu.memory_space<vmem_shared>>
      tpu.enqueue_indirect_dma source(%dma_start3A_495 : memref<128x32xf32, #tpu.memory_space<vmem>>) target(%dma_start3A_501 : memref<10240x32xf32, #tpu.memory_space<vmem_shared>>) offsets(%dma_start3A_498 : memref<128xi32, #tpu.memory_space<vmem>>) semaphore(%arg36 : memref<!tpu.dma_semaphore, #tpu.memory_space<semaphore_mem>>) {add = true}
      %dma_wait3A_502 = arith.constant 0 : i32
      %dma_wait3A_503 = arith.constant 12 : i32
      %dma_wait3A_504 = arith.constant 0 : i32
      %dma_wait3A_505 = arith.constant 0 : i32
      %dma_wait3A_506 = tpu.memref_slice %arg10[%dma_wait3A_503, %dma_wait3A_504, %dma_wait3A_505] : memref<13x128x32xf32, #tpu.memory_space<vmem>> -> memref<1x128x32xf32, #tpu.memory_space<vmem>>
      %dma_wait3A_507 = tpu.memref_squeeze %dma_wait3A_506 : memref<1x128x32xf32, #tpu.memory_space<vmem>> -> memref<128x32xf32, #tpu.memory_space<vmem>>
      %dma_wait3A_508 = arith.constant 0 : i32
      %dma_wait3A_509 = tpu.memref_slice %arg6[%dma_wait3A_502, %dma_wait3A_508] : memref<78x128xi32, #tpu.memory_space<vmem>> -> memref<1x128xi32, #tpu.memory_space<vmem>>
      %dma_wait3A_510 = tpu.memref_squeeze %dma_wait3A_509 : memref<1x128xi32, #tpu.memory_space<vmem>> -> memref<128xi32, #tpu.memory_space<vmem>>
      %dma_wait3A_511 = arith.constant 0 : i32
      %dma_wait3A_512 = arith.constant 0 : i32
      %dma_wait3A_513 = tpu.memref_slice %arg2[%dma_wait3A_511, %dma_wait3A_512] : memref<10000x32xf32, #tpu.memory_space<hbm>> -> memref<10000x32xf32, #tpu.memory_space<hbm>>
      tpu.wait_indirect_dma semaphore(%arg24 : memref<!tpu.dma_semaphore, #tpu.memory_space<semaphore_mem>>) src(%dma_wait3A_513 : memref<10000x32xf32, #tpu.memory_space<hbm>>) dst(%dma_wait3A_507 : memref<128x32xf32, #tpu.memory_space<vmem>>)
      %mul3A_514 = arith.constant 13 : i32
      %mul3A_515 = arith.muli %scan3A_178, %mul3A_514 : i32
      %add3A_516 = arith.constant 12 : i32
      %add3A_517 = arith.addi %mul3A_515, %add3A_516 : i32
      %dma_start3A_518 = arith.constant 12 : i32
      %dma_start3A_519 = arith.constant 0 : i32
      %dma_start3A_520 = arith.constant 0 : i32
      %dma_start3A_521 = tpu.memref_slice %arg10[%dma_start3A_518, %dma_start3A_519, %dma_start3A_520] : memref<13x128x32xf32, #tpu.memory_space<vmem>> -> memref<1x128x32xf32, #tpu.memory_space<vmem>>
      %dma_start3A_522 = tpu.memref_squeeze %dma_start3A_521 : memref<1x128x32xf32, #tpu.memory_space<vmem>> -> memref<128x32xf32, #tpu.memory_space<vmem>>
      %dma_start3A_523 = arith.constant 0 : i32
      %dma_start3A_524 = tpu.memref_slice %arg7[%add3A_517, %dma_start3A_523] : memref<78x128xi32, #tpu.memory_space<vmem>> -> memref<1x128xi32, #tpu.memory_space<vmem>>
      %dma_start3A_525 = tpu.memref_squeeze %dma_start3A_524 : memref<1x128xi32, #tpu.memory_space<vmem>> -> memref<128xi32, #tpu.memory_space<vmem>>
      %dma_start3A_526 = arith.constant 0 : i32
      %dma_start3A_527 = arith.constant 0 : i32
      %dma_start3A_528 = tpu.memref_slice %arg11[%dma_start3A_526, %dma_start3A_527] : memref<10240x32xf32, #tpu.memory_space<vmem_shared>> -> memref<10240x32xf32, #tpu.memory_space<vmem_shared>>
      tpu.enqueue_indirect_dma source(%dma_start3A_522 : memref<128x32xf32, #tpu.memory_space<vmem>>) target(%dma_start3A_528 : memref<10240x32xf32, #tpu.memory_space<vmem_shared>>) offsets(%dma_start3A_525 : memref<128xi32, #tpu.memory_space<vmem>>) semaphore(%arg37 : memref<!tpu.dma_semaphore, #tpu.memory_space<semaphore_mem>>) {add = true}
      %dma_wait3A_529 = arith.constant 0 : i32
      %dma_wait3A_530 = arith.constant 0 : i32
      %dma_wait3A_531 = arith.constant 0 : i32
      %dma_wait3A_532 = arith.constant 0 : i32
      %dma_wait3A_533 = tpu.memref_slice %arg10[%dma_wait3A_529, %dma_wait3A_531, %dma_wait3A_532] : memref<13x128x32xf32, #tpu.memory_space<vmem>> -> memref<1x128x32xf32, #tpu.memory_space<vmem>>
      %dma_wait3A_534 = tpu.memref_squeeze %dma_wait3A_533 : memref<1x128x32xf32, #tpu.memory_space<vmem>> -> memref<128x32xf32, #tpu.memory_space<vmem>>
      %dma_wait3A_535 = arith.constant 0 : i32
      %dma_wait3A_536 = tpu.memref_slice %arg7[%dma_wait3A_530, %dma_wait3A_535] : memref<78x128xi32, #tpu.memory_space<vmem>> -> memref<1x128xi32, #tpu.memory_space<vmem>>
      %dma_wait3A_537 = tpu.memref_squeeze %dma_wait3A_536 : memref<1x128xi32, #tpu.memory_space<vmem>> -> memref<128xi32, #tpu.memory_space<vmem>>
      %dma_wait3A_538 = arith.constant 0 : i32
      %dma_wait3A_539 = arith.constant 0 : i32
      %dma_wait3A_540 = tpu.memref_slice %arg11[%dma_wait3A_538, %dma_wait3A_539] : memref<10240x32xf32, #tpu.memory_space<vmem_shared>> -> memref<10240x32xf32, #tpu.memory_space<vmem_shared>>
      tpu.wait_indirect_dma semaphore(%arg25 : memref<!tpu.dma_semaphore, #tpu.memory_space<semaphore_mem>>) src(%dma_wait3A_534 : memref<128x32xf32, #tpu.memory_space<vmem>>) dst(%dma_wait3A_540 : memref<10240x32xf32, #tpu.memory_space<vmem_shared>>)
      %add3A_541 = arith.constant 1 : i32
      %add3A_542 = arith.addi %scan3A_178, %add3A_541 : i32
      %mul3A_543 = arith.constant 13 : i32
      %mul3A_544 = arith.muli %add3A_542, %mul3A_543 : i32
      %add3A_545 = arith.constant 0 : i32
      %add3A_546 = arith.addi %mul3A_544, %add3A_545 : i32
      %lt3A_547 = arith.constant 78 : i32
      %lt3A_548 = arith.cmpi slt, %add3A_546, %lt3A_547 : i32
      %convert_element_type3A_549 = arith.extui %lt3A_548 : i1 to i32
      %cond3A_550 = arith.constant 0 : i32
      %cond3A_551 = arith.cmpi ne, %convert_element_type3A_549, %cond3A_550 : i32
      scf.if %cond3A_551 {
        %dma_start3A_828 = arith.constant 0 : i32
        %dma_start3A_829 = arith.constant 0 : i32
        %dma_start3A_830 = arith.constant 0 : i32
        %dma_start3A_831 = tpu.memref_slice %arg10[%dma_start3A_828, %dma_start3A_829, %dma_start3A_830] : memref<13x128x32xf32, #tpu.memory_space<vmem>> -> memref<1x128x32xf32, #tpu.memory_space<vmem>>
        %dma_start3A_832 = tpu.memref_squeeze %dma_start3A_831 : memref<1x128x32xf32, #tpu.memory_space<vmem>> -> memref<128x32xf32, #tpu.memory_space<vmem>>
        %dma_start3A_833 = arith.constant 0 : i32
        %dma_start3A_834 = tpu.memref_slice %arg6[%add3A_546, %dma_start3A_833] : memref<78x128xi32, #tpu.memory_space<vmem>> -> memref<1x128xi32, #tpu.memory_space<vmem>>
        %dma_start3A_835 = tpu.memref_squeeze %dma_start3A_834 : memref<1x128xi32, #tpu.memory_space<vmem>> -> memref<128xi32, #tpu.memory_space<vmem>>
        %dma_start3A_836 = arith.constant 0 : i32
        %dma_start3A_837 = arith.constant 0 : i32
        %dma_start3A_838 = tpu.memref_slice %arg2[%dma_start3A_836, %dma_start3A_837] : memref<10000x32xf32, #tpu.memory_space<hbm>> -> memref<10000x32xf32, #tpu.memory_space<hbm>>
        tpu.enqueue_indirect_dma source(%dma_start3A_838 : memref<10000x32xf32, #tpu.memory_space<hbm>>) target(%dma_start3A_832 : memref<128x32xf32, #tpu.memory_space<vmem>>) offsets(%dma_start3A_835 : memref<128xi32, #tpu.memory_space<vmem>>) semaphore(%arg12 : memref<!tpu.dma_semaphore, #tpu.memory_space<semaphore_mem>>)
      } else {
      }
      %dma_wait3A_552 = arith.constant 1 : i32
      %dma_wait3A_553 = arith.constant 0 : i32
      %dma_wait3A_554 = arith.constant 0 : i32
      %dma_wait3A_555 = arith.constant 0 : i32
      %dma_wait3A_556 = tpu.memref_slice %arg10[%dma_wait3A_552, %dma_wait3A_554, %dma_wait3A_555] : memref<13x128x32xf32, #tpu.memory_space<vmem>> -> memref<1x128x32xf32, #tpu.memory_space<vmem>>
      %dma_wait3A_557 = tpu.memref_squeeze %dma_wait3A_556 : memref<1x128x32xf32, #tpu.memory_space<vmem>> -> memref<128x32xf32, #tpu.memory_space<vmem>>
      %dma_wait3A_558 = arith.constant 0 : i32
      %dma_wait3A_559 = tpu.memref_slice %arg7[%dma_wait3A_553, %dma_wait3A_558] : memref<78x128xi32, #tpu.memory_space<vmem>> -> memref<1x128xi32, #tpu.memory_space<vmem>>
      %dma_wait3A_560 = tpu.memref_squeeze %dma_wait3A_559 : memref<1x128xi32, #tpu.memory_space<vmem>> -> memref<128xi32, #tpu.memory_space<vmem>>
      %dma_wait3A_561 = arith.constant 0 : i32
      %dma_wait3A_562 = arith.constant 0 : i32
      %dma_wait3A_563 = tpu.memref_slice %arg11[%dma_wait3A_561, %dma_wait3A_562] : memref<10240x32xf32, #tpu.memory_space<vmem_shared>> -> memref<10240x32xf32, #tpu.memory_space<vmem_shared>>
      tpu.wait_indirect_dma semaphore(%arg26 : memref<!tpu.dma_semaphore, #tpu.memory_space<semaphore_mem>>) src(%dma_wait3A_557 : memref<128x32xf32, #tpu.memory_space<vmem>>) dst(%dma_wait3A_563 : memref<10240x32xf32, #tpu.memory_space<vmem_shared>>)
      %add3A_564 = arith.constant 1 : i32
      %add3A_565 = arith.addi %scan3A_178, %add3A_564 : i32
      %mul3A_566 = arith.constant 13 : i32
      %mul3A_567 = arith.muli %add3A_565, %mul3A_566 : i32
      %add3A_568 = arith.constant 1 : i32
      %add3A_569 = arith.addi %mul3A_567, %add3A_568 : i32
      %lt3A_570 = arith.constant 78 : i32
      %lt3A_571 = arith.cmpi slt, %add3A_569, %lt3A_570 : i32
      %convert_element_type3A_572 = arith.extui %lt3A_571 : i1 to i32
      %cond3A_573 = arith.constant 0 : i32
      %cond3A_574 = arith.cmpi ne, %convert_element_type3A_572, %cond3A_573 : i32
      scf.if %cond3A_574 {
        %dma_start3A_828 = arith.constant 1 : i32
        %dma_start3A_829 = arith.constant 0 : i32
        %dma_start3A_830 = arith.constant 0 : i32
        %dma_start3A_831 = tpu.memref_slice %arg10[%dma_start3A_828, %dma_start3A_829, %dma_start3A_830] : memref<13x128x32xf32, #tpu.memory_space<vmem>> -> memref<1x128x32xf32, #tpu.memory_space<vmem>>
        %dma_start3A_832 = tpu.memref_squeeze %dma_start3A_831 : memref<1x128x32xf32, #tpu.memory_space<vmem>> -> memref<128x32xf32, #tpu.memory_space<vmem>>
        %dma_start3A_833 = arith.constant 0 : i32
        %dma_start3A_834 = tpu.memref_slice %arg6[%add3A_569, %dma_start3A_833] : memref<78x128xi32, #tpu.memory_space<vmem>> -> memref<1x128xi32, #tpu.memory_space<vmem>>
        %dma_start3A_835 = tpu.memref_squeeze %dma_start3A_834 : memref<1x128xi32, #tpu.memory_space<vmem>> -> memref<128xi32, #tpu.memory_space<vmem>>
        %dma_start3A_836 = arith.constant 0 : i32
        %dma_start3A_837 = arith.constant 0 : i32
        %dma_start3A_838 = tpu.memref_slice %arg2[%dma_start3A_836, %dma_start3A_837] : memref<10000x32xf32, #tpu.memory_space<hbm>> -> memref<10000x32xf32, #tpu.memory_space<hbm>>
        tpu.enqueue_indirect_dma source(%dma_start3A_838 : memref<10000x32xf32, #tpu.memory_space<hbm>>) target(%dma_start3A_832 : memref<128x32xf32, #tpu.memory_space<vmem>>) offsets(%dma_start3A_835 : memref<128xi32, #tpu.memory_space<vmem>>) semaphore(%arg13 : memref<!tpu.dma_semaphore, #tpu.memory_space<semaphore_mem>>)
      } else {
      }
      %dma_wait3A_575 = arith.constant 2 : i32
      %dma_wait3A_576 = arith.constant 0 : i32
      %dma_wait3A_577 = arith.constant 0 : i32
      %dma_wait3A_578 = arith.constant 0 : i32
      %dma_wait3A_579 = tpu.memref_slice %arg10[%dma_wait3A_575, %dma_wait3A_577, %dma_wait3A_578] : memref<13x128x32xf32, #tpu.memory_space<vmem>> -> memref<1x128x32xf32, #tpu.memory_space<vmem>>
      %dma_wait3A_580 = tpu.memref_squeeze %dma_wait3A_579 : memref<1x128x32xf32, #tpu.memory_space<vmem>> -> memref<128x32xf32, #tpu.memory_space<vmem>>
      %dma_wait3A_581 = arith.constant 0 : i32
      %dma_wait3A_582 = tpu.memref_slice %arg7[%dma_wait3A_576, %dma_wait3A_581] : memref<78x128xi32, #tpu.memory_space<vmem>> -> memref<1x128xi32, #tpu.memory_space<vmem>>
      %dma_wait3A_583 = tpu.memref_squeeze %dma_wait3A_582 : memref<1x128xi32, #tpu.memory_space<vmem>> -> memref<128xi32, #tpu.memory_space<vmem>>
      %dma_wait3A_584 = arith.constant 0 : i32
      %dma_wait3A_585 = arith.constant 0 : i32
      %dma_wait3A_586 = tpu.memref_slice %arg11[%dma_wait3A_584, %dma_wait3A_585] : memref<10240x32xf32, #tpu.memory_space<vmem_shared>> -> memref<10240x32xf32, #tpu.memory_space<vmem_shared>>
      tpu.wait_indirect_dma semaphore(%arg27 : memref<!tpu.dma_semaphore, #tpu.memory_space<semaphore_mem>>) src(%dma_wait3A_580 : memref<128x32xf32, #tpu.memory_space<vmem>>) dst(%dma_wait3A_586 : memref<10240x32xf32, #tpu.memory_space<vmem_shared>>)
      %add3A_587 = arith.constant 1 : i32
      %add3A_588 = arith.addi %scan3A_178, %add3A_587 : i32
      %mul3A_589 = arith.constant 13 : i32
      %mul3A_590 = arith.muli %add3A_588, %mul3A_589 : i32
      %add3A_591 = arith.constant 2 : i32
      %add3A_592 = arith.addi %mul3A_590, %add3A_591 : i32
      %lt3A_593 = arith.constant 78 : i32
      %lt3A_594 = arith.cmpi slt, %add3A_592, %lt3A_593 : i32
      %convert_element_type3A_595 = arith.extui %lt3A_594 : i1 to i32
      %cond3A_596 = arith.constant 0 : i32
      %cond3A_597 = arith.cmpi ne, %convert_element_type3A_595, %cond3A_596 : i32
      scf.if %cond3A_597 {
        %dma_start3A_828 = arith.constant 2 : i32
        %dma_start3A_829 = arith.constant 0 : i32
        %dma_start3A_830 = arith.constant 0 : i32
        %dma_start3A_831 = tpu.memref_slice %arg10[%dma_start3A_828, %dma_start3A_829, %dma_start3A_830] : memref<13x128x32xf32, #tpu.memory_space<vmem>> -> memref<1x128x32xf32, #tpu.memory_space<vmem>>
        %dma_start3A_832 = tpu.memref_squeeze %dma_start3A_831 : memref<1x128x32xf32, #tpu.memory_space<vmem>> -> memref<128x32xf32, #tpu.memory_space<vmem>>
        %dma_start3A_833 = arith.constant 0 : i32
        %dma_start3A_834 = tpu.memref_slice %arg6[%add3A_592, %dma_start3A_833] : memref<78x128xi32, #tpu.memory_space<vmem>> -> memref<1x128xi32, #tpu.memory_space<vmem>>
        %dma_start3A_835 = tpu.memref_squeeze %dma_start3A_834 : memref<1x128xi32, #tpu.memory_space<vmem>> -> memref<128xi32, #tpu.memory_space<vmem>>
        %dma_start3A_836 = arith.constant 0 : i32
        %dma_start3A_837 = arith.constant 0 : i32
        %dma_start3A_838 = tpu.memref_slice %arg2[%dma_start3A_836, %dma_start3A_837] : memref<10000x32xf32, #tpu.memory_space<hbm>> -> memref<10000x32xf32, #tpu.memory_space<hbm>>
        tpu.enqueue_indirect_dma source(%dma_start3A_838 : memref<10000x32xf32, #tpu.memory_space<hbm>>) target(%dma_start3A_832 : memref<128x32xf32, #tpu.memory_space<vmem>>) offsets(%dma_start3A_835 : memref<128xi32, #tpu.memory_space<vmem>>) semaphore(%arg14 : memref<!tpu.dma_semaphore, #tpu.memory_space<semaphore_mem>>)
      } else {
      }
      %dma_wait3A_598 = arith.constant 3 : i32
      %dma_wait3A_599 = arith.constant 0 : i32
      %dma_wait3A_600 = arith.constant 0 : i32
      %dma_wait3A_601 = arith.constant 0 : i32
      %dma_wait3A_602 = tpu.memref_slice %arg10[%dma_wait3A_598, %dma_wait3A_600, %dma_wait3A_601] : memref<13x128x32xf32, #tpu.memory_space<vmem>> -> memref<1x128x32xf32, #tpu.memory_space<vmem>>
      %dma_wait3A_603 = tpu.memref_squeeze %dma_wait3A_602 : memref<1x128x32xf32, #tpu.memory_space<vmem>> -> memref<128x32xf32, #tpu.memory_space<vmem>>
      %dma_wait3A_604 = arith.constant 0 : i32
      %dma_wait3A_605 = tpu.memref_slice %arg7[%dma_wait3A_599, %dma_wait3A_604] : memref<78x128xi32, #tpu.memory_space<vmem>> -> memref<1x128xi32, #tpu.memory_space<vmem>>
      %dma_wait3A_606 = tpu.memref_squeeze %dma_wait3A_605 : memref<1x128xi32, #tpu.memory_space<vmem>> -> memref<128xi32, #tpu.memory_space<vmem>>
      %dma_wait3A_607 = arith.constant 0 : i32
      %dma_wait3A_608 = arith.constant 0 : i32
      %dma_wait3A_609 = tpu.memref_slice %arg11[%dma_wait3A_607, %dma_wait3A_608] : memref<10240x32xf32, #tpu.memory_space<vmem_shared>> -> memref<10240x32xf32, #tpu.memory_space<vmem_shared>>
      tpu.wait_indirect_dma semaphore(%arg28 : memref<!tpu.dma_semaphore, #tpu.memory_space<semaphore_mem>>) src(%dma_wait3A_603 : memref<128x32xf32, #tpu.memory_space<vmem>>) dst(%dma_wait3A_609 : memref<10240x32xf32, #tpu.memory_space<vmem_shared>>)
      %add3A_610 = arith.constant 1 : i32
      %add3A_611 = arith.addi %scan3A_178, %add3A_610 : i32
      %mul3A_612 = arith.constant 13 : i32
      %mul3A_613 = arith.muli %add3A_611, %mul3A_612 : i32
      %add3A_614 = arith.constant 3 : i32
      %add3A_615 = arith.addi %mul3A_613, %add3A_614 : i32
      %lt3A_616 = arith.constant 78 : i32
      %lt3A_617 = arith.cmpi slt, %add3A_615, %lt3A_616 : i32
      %convert_element_type3A_618 = arith.extui %lt3A_617 : i1 to i32
      %cond3A_619 = arith.constant 0 : i32
      %cond3A_620 = arith.cmpi ne, %convert_element_type3A_618, %cond3A_619 : i32
      scf.if %cond3A_620 {
        %dma_start3A_828 = arith.constant 3 : i32
        %dma_start3A_829 = arith.constant 0 : i32
        %dma_start3A_830 = arith.constant 0 : i32
        %dma_start3A_831 = tpu.memref_slice %arg10[%dma_start3A_828, %dma_start3A_829, %dma_start3A_830] : memref<13x128x32xf32, #tpu.memory_space<vmem>> -> memref<1x128x32xf32, #tpu.memory_space<vmem>>
        %dma_start3A_832 = tpu.memref_squeeze %dma_start3A_831 : memref<1x128x32xf32, #tpu.memory_space<vmem>> -> memref<128x32xf32, #tpu.memory_space<vmem>>
        %dma_start3A_833 = arith.constant 0 : i32
        %dma_start3A_834 = tpu.memref_slice %arg6[%add3A_615, %dma_start3A_833] : memref<78x128xi32, #tpu.memory_space<vmem>> -> memref<1x128xi32, #tpu.memory_space<vmem>>
        %dma_start3A_835 = tpu.memref_squeeze %dma_start3A_834 : memref<1x128xi32, #tpu.memory_space<vmem>> -> memref<128xi32, #tpu.memory_space<vmem>>
        %dma_start3A_836 = arith.constant 0 : i32
        %dma_start3A_837 = arith.constant 0 : i32
        %dma_start3A_838 = tpu.memref_slice %arg2[%dma_start3A_836, %dma_start3A_837] : memref<10000x32xf32, #tpu.memory_space<hbm>> -> memref<10000x32xf32, #tpu.memory_space<hbm>>
        tpu.enqueue_indirect_dma source(%dma_start3A_838 : memref<10000x32xf32, #tpu.memory_space<hbm>>) target(%dma_start3A_832 : memref<128x32xf32, #tpu.memory_space<vmem>>) offsets(%dma_start3A_835 : memref<128xi32, #tpu.memory_space<vmem>>) semaphore(%arg15 : memref<!tpu.dma_semaphore, #tpu.memory_space<semaphore_mem>>)
      } else {
      }
      %dma_wait3A_621 = arith.constant 4 : i32
      %dma_wait3A_622 = arith.constant 0 : i32
      %dma_wait3A_623 = arith.constant 0 : i32
      %dma_wait3A_624 = arith.constant 0 : i32
      %dma_wait3A_625 = tpu.memref_slice %arg10[%dma_wait3A_621, %dma_wait3A_623, %dma_wait3A_624] : memref<13x128x32xf32, #tpu.memory_space<vmem>> -> memref<1x128x32xf32, #tpu.memory_space<vmem>>
      %dma_wait3A_626 = tpu.memref_squeeze %dma_wait3A_625 : memref<1x128x32xf32, #tpu.memory_space<vmem>> -> memref<128x32xf32, #tpu.memory_space<vmem>>
      %dma_wait3A_627 = arith.constant 0 : i32
      %dma_wait3A_628 = tpu.memref_slice %arg7[%dma_wait3A_622, %dma_wait3A_627] : memref<78x128xi32, #tpu.memory_space<vmem>> -> memref<1x128xi32, #tpu.memory_space<vmem>>
      %dma_wait3A_629 = tpu.memref_squeeze %dma_wait3A_628 : memref<1x128xi32, #tpu.memory_space<vmem>> -> memref<128xi32, #tpu.memory_space<vmem>>
      %dma_wait3A_630 = arith.constant 0 : i32
      %dma_wait3A_631 = arith.constant 0 : i32
      %dma_wait3A_632 = tpu.memref_slice %arg11[%dma_wait3A_630, %dma_wait3A_631] : memref<10240x32xf32, #tpu.memory_space<vmem_shared>> -> memref<10240x32xf32, #tpu.memory_space<vmem_shared>>
      tpu.wait_indirect_dma semaphore(%arg29 : memref<!tpu.dma_semaphore, #tpu.memory_space<semaphore_mem>>) src(%dma_wait3A_626 : memref<128x32xf32, #tpu.memory_space<vmem>>) dst(%dma_wait3A_632 : memref<10240x32xf32, #tpu.memory_space<vmem_shared>>)
      %add3A_633 = arith.constant 1 : i32
      %add3A_634 = arith.addi %scan3A_178, %add3A_633 : i32
      %mul3A_635 = arith.constant 13 : i32
      %mul3A_636 = arith.muli %add3A_634, %mul3A_635 : i32
      %add3A_637 = arith.constant 4 : i32
      %add3A_638 = arith.addi %mul3A_636, %add3A_637 : i32
      %lt3A_639 = arith.constant 78 : i32
      %lt3A_640 = arith.cmpi slt, %add3A_638, %lt3A_639 : i32
      %convert_element_type3A_641 = arith.extui %lt3A_640 : i1 to i32
      %cond3A_642 = arith.constant 0 : i32
      %cond3A_643 = arith.cmpi ne, %convert_element_type3A_641, %cond3A_642 : i32
      scf.if %cond3A_643 {
        %dma_start3A_828 = arith.constant 4 : i32
        %dma_start3A_829 = arith.constant 0 : i32
        %dma_start3A_830 = arith.constant 0 : i32
        %dma_start3A_831 = tpu.memref_slice %arg10[%dma_start3A_828, %dma_start3A_829, %dma_start3A_830] : memref<13x128x32xf32, #tpu.memory_space<vmem>> -> memref<1x128x32xf32, #tpu.memory_space<vmem>>
        %dma_start3A_832 = tpu.memref_squeeze %dma_start3A_831 : memref<1x128x32xf32, #tpu.memory_space<vmem>> -> memref<128x32xf32, #tpu.memory_space<vmem>>
        %dma_start3A_833 = arith.constant 0 : i32
        %dma_start3A_834 = tpu.memref_slice %arg6[%add3A_638, %dma_start3A_833] : memref<78x128xi32, #tpu.memory_space<vmem>> -> memref<1x128xi32, #tpu.memory_space<vmem>>
        %dma_start3A_835 = tpu.memref_squeeze %dma_start3A_834 : memref<1x128xi32, #tpu.memory_space<vmem>> -> memref<128xi32, #tpu.memory_space<vmem>>
        %dma_start3A_836 = arith.constant 0 : i32
        %dma_start3A_837 = arith.constant 0 : i32
        %dma_start3A_838 = tpu.memref_slice %arg2[%dma_start3A_836, %dma_start3A_837] : memref<10000x32xf32, #tpu.memory_space<hbm>> -> memref<10000x32xf32, #tpu.memory_space<hbm>>
        tpu.enqueue_indirect_dma source(%dma_start3A_838 : memref<10000x32xf32, #tpu.memory_space<hbm>>) target(%dma_start3A_832 : memref<128x32xf32, #tpu.memory_space<vmem>>) offsets(%dma_start3A_835 : memref<128xi32, #tpu.memory_space<vmem>>) semaphore(%arg16 : memref<!tpu.dma_semaphore, #tpu.memory_space<semaphore_mem>>)
      } else {
      }
      %dma_wait3A_644 = arith.constant 5 : i32
      %dma_wait3A_645 = arith.constant 0 : i32
      %dma_wait3A_646 = arith.constant 0 : i32
      %dma_wait3A_647 = arith.constant 0 : i32
      %dma_wait3A_648 = tpu.memref_slice %arg10[%dma_wait3A_644, %dma_wait3A_646, %dma_wait3A_647] : memref<13x128x32xf32, #tpu.memory_space<vmem>> -> memref<1x128x32xf32, #tpu.memory_space<vmem>>
      %dma_wait3A_649 = tpu.memref_squeeze %dma_wait3A_648 : memref<1x128x32xf32, #tpu.memory_space<vmem>> -> memref<128x32xf32, #tpu.memory_space<vmem>>
      %dma_wait3A_650 = arith.constant 0 : i32
      %dma_wait3A_651 = tpu.memref_slice %arg7[%dma_wait3A_645, %dma_wait3A_650] : memref<78x128xi32, #tpu.memory_space<vmem>> -> memref<1x128xi32, #tpu.memory_space<vmem>>
      %dma_wait3A_652 = tpu.memref_squeeze %dma_wait3A_651 : memref<1x128xi32, #tpu.memory_space<vmem>> -> memref<128xi32, #tpu.memory_space<vmem>>
      %dma_wait3A_653 = arith.constant 0 : i32
      %dma_wait3A_654 = arith.constant 0 : i32
      %dma_wait3A_655 = tpu.memref_slice %arg11[%dma_wait3A_653, %dma_wait3A_654] : memref<10240x32xf32, #tpu.memory_space<vmem_shared>> -> memref<10240x32xf32, #tpu.memory_space<vmem_shared>>
      tpu.wait_indirect_dma semaphore(%arg30 : memref<!tpu.dma_semaphore, #tpu.memory_space<semaphore_mem>>) src(%dma_wait3A_649 : memref<128x32xf32, #tpu.memory_space<vmem>>) dst(%dma_wait3A_655 : memref<10240x32xf32, #tpu.memory_space<vmem_shared>>)
      %add3A_656 = arith.constant 1 : i32
      %add3A_657 = arith.addi %scan3A_178, %add3A_656 : i32
      %mul3A_658 = arith.constant 13 : i32
      %mul3A_659 = arith.muli %add3A_657, %mul3A_658 : i32
      %add3A_660 = arith.constant 5 : i32
      %add3A_661 = arith.addi %mul3A_659, %add3A_660 : i32
      %lt3A_662 = arith.constant 78 : i32
      %lt3A_663 = arith.cmpi slt, %add3A_661, %lt3A_662 : i32
      %convert_element_type3A_664 = arith.extui %lt3A_663 : i1 to i32
      %cond3A_665 = arith.constant 0 : i32
      %cond3A_666 = arith.cmpi ne, %convert_element_type3A_664, %cond3A_665 : i32
      scf.if %cond3A_666 {
        %dma_start3A_828 = arith.constant 5 : i32
        %dma_start3A_829 = arith.constant 0 : i32
        %dma_start3A_830 = arith.constant 0 : i32
        %dma_start3A_831 = tpu.memref_slice %arg10[%dma_start3A_828, %dma_start3A_829, %dma_start3A_830] : memref<13x128x32xf32, #tpu.memory_space<vmem>> -> memref<1x128x32xf32, #tpu.memory_space<vmem>>
        %dma_start3A_832 = tpu.memref_squeeze %dma_start3A_831 : memref<1x128x32xf32, #tpu.memory_space<vmem>> -> memref<128x32xf32, #tpu.memory_space<vmem>>
        %dma_start3A_833 = arith.constant 0 : i32
        %dma_start3A_834 = tpu.memref_slice %arg6[%add3A_661, %dma_start3A_833] : memref<78x128xi32, #tpu.memory_space<vmem>> -> memref<1x128xi32, #tpu.memory_space<vmem>>
        %dma_start3A_835 = tpu.memref_squeeze %dma_start3A_834 : memref<1x128xi32, #tpu.memory_space<vmem>> -> memref<128xi32, #tpu.memory_space<vmem>>
        %dma_start3A_836 = arith.constant 0 : i32
        %dma_start3A_837 = arith.constant 0 : i32
        %dma_start3A_838 = tpu.memref_slice %arg2[%dma_start3A_836, %dma_start3A_837] : memref<10000x32xf32, #tpu.memory_space<hbm>> -> memref<10000x32xf32, #tpu.memory_space<hbm>>
        tpu.enqueue_indirect_dma source(%dma_start3A_838 : memref<10000x32xf32, #tpu.memory_space<hbm>>) target(%dma_start3A_832 : memref<128x32xf32, #tpu.memory_space<vmem>>) offsets(%dma_start3A_835 : memref<128xi32, #tpu.memory_space<vmem>>) semaphore(%arg17 : memref<!tpu.dma_semaphore, #tpu.memory_space<semaphore_mem>>)
      } else {
      }
      %dma_wait3A_667 = arith.constant 6 : i32
      %dma_wait3A_668 = arith.constant 0 : i32
      %dma_wait3A_669 = arith.constant 0 : i32
      %dma_wait3A_670 = arith.constant 0 : i32
      %dma_wait3A_671 = tpu.memref_slice %arg10[%dma_wait3A_667, %dma_wait3A_669, %dma_wait3A_670] : memref<13x128x32xf32, #tpu.memory_space<vmem>> -> memref<1x128x32xf32, #tpu.memory_space<vmem>>
      %dma_wait3A_672 = tpu.memref_squeeze %dma_wait3A_671 : memref<1x128x32xf32, #tpu.memory_space<vmem>> -> memref<128x32xf32, #tpu.memory_space<vmem>>
      %dma_wait3A_673 = arith.constant 0 : i32
      %dma_wait3A_674 = tpu.memref_slice %arg7[%dma_wait3A_668, %dma_wait3A_673] : memref<78x128xi32, #tpu.memory_space<vmem>> -> memref<1x128xi32, #tpu.memory_space<vmem>>
      %dma_wait3A_675 = tpu.memref_squeeze %dma_wait3A_674 : memref<1x128xi32, #tpu.memory_space<vmem>> -> memref<128xi32, #tpu.memory_space<vmem>>
      %dma_wait3A_676 = arith.constant 0 : i32
      %dma_wait3A_677 = arith.constant 0 : i32
      %dma_wait3A_678 = tpu.memref_slice %arg11[%dma_wait3A_676, %dma_wait3A_677] : memref<10240x32xf32, #tpu.memory_space<vmem_shared>> -> memref<10240x32xf32, #tpu.memory_space<vmem_shared>>
      tpu.wait_indirect_dma semaphore(%arg31 : memref<!tpu.dma_semaphore, #tpu.memory_space<semaphore_mem>>) src(%dma_wait3A_672 : memref<128x32xf32, #tpu.memory_space<vmem>>) dst(%dma_wait3A_678 : memref<10240x32xf32, #tpu.memory_space<vmem_shared>>)
      %add3A_679 = arith.constant 1 : i32
      %add3A_680 = arith.addi %scan3A_178, %add3A_679 : i32
      %mul3A_681 = arith.constant 13 : i32
      %mul3A_682 = arith.muli %add3A_680, %mul3A_681 : i32
      %add3A_683 = arith.constant 6 : i32
      %add3A_684 = arith.addi %mul3A_682, %add3A_683 : i32
      %lt3A_685 = arith.constant 78 : i32
      %lt3A_686 = arith.cmpi slt, %add3A_684, %lt3A_685 : i32
      %convert_element_type3A_687 = arith.extui %lt3A_686 : i1 to i32
      %cond3A_688 = arith.constant 0 : i32
      %cond3A_689 = arith.cmpi ne, %convert_element_type3A_687, %cond3A_688 : i32
      scf.if %cond3A_689 {
        %dma_start3A_828 = arith.constant 6 : i32
        %dma_start3A_829 = arith.constant 0 : i32
        %dma_start3A_830 = arith.constant 0 : i32
        %dma_start3A_831 = tpu.memref_slice %arg10[%dma_start3A_828, %dma_start3A_829, %dma_start3A_830] : memref<13x128x32xf32, #tpu.memory_space<vmem>> -> memref<1x128x32xf32, #tpu.memory_space<vmem>>
        %dma_start3A_832 = tpu.memref_squeeze %dma_start3A_831 : memref<1x128x32xf32, #tpu.memory_space<vmem>> -> memref<128x32xf32, #tpu.memory_space<vmem>>
        %dma_start3A_833 = arith.constant 0 : i32
        %dma_start3A_834 = tpu.memref_slice %arg6[%add3A_684, %dma_start3A_833] : memref<78x128xi32, #tpu.memory_space<vmem>> -> memref<1x128xi32, #tpu.memory_space<vmem>>
        %dma_start3A_835 = tpu.memref_squeeze %dma_start3A_834 : memref<1x128xi32, #tpu.memory_space<vmem>> -> memref<128xi32, #tpu.memory_space<vmem>>
        %dma_start3A_836 = arith.constant 0 : i32
        %dma_start3A_837 = arith.constant 0 : i32
        %dma_start3A_838 = tpu.memref_slice %arg2[%dma_start3A_836, %dma_start3A_837] : memref<10000x32xf32, #tpu.memory_space<hbm>> -> memref<10000x32xf32, #tpu.memory_space<hbm>>
        tpu.enqueue_indirect_dma source(%dma_start3A_838 : memref<10000x32xf32, #tpu.memory_space<hbm>>) target(%dma_start3A_832 : memref<128x32xf32, #tpu.memory_space<vmem>>) offsets(%dma_start3A_835 : memref<128xi32, #tpu.memory_space<vmem>>) semaphore(%arg18 : memref<!tpu.dma_semaphore, #tpu.memory_space<semaphore_mem>>)
      } else {
      }
      %dma_wait3A_690 = arith.constant 7 : i32
      %dma_wait3A_691 = arith.constant 0 : i32
      %dma_wait3A_692 = arith.constant 0 : i32
      %dma_wait3A_693 = arith.constant 0 : i32
      %dma_wait3A_694 = tpu.memref_slice %arg10[%dma_wait3A_690, %dma_wait3A_692, %dma_wait3A_693] : memref<13x128x32xf32, #tpu.memory_space<vmem>> -> memref<1x128x32xf32, #tpu.memory_space<vmem>>
      %dma_wait3A_695 = tpu.memref_squeeze %dma_wait3A_694 : memref<1x128x32xf32, #tpu.memory_space<vmem>> -> memref<128x32xf32, #tpu.memory_space<vmem>>
      %dma_wait3A_696 = arith.constant 0 : i32
      %dma_wait3A_697 = tpu.memref_slice %arg7[%dma_wait3A_691, %dma_wait3A_696] : memref<78x128xi32, #tpu.memory_space<vmem>> -> memref<1x128xi32, #tpu.memory_space<vmem>>
      %dma_wait3A_698 = tpu.memref_squeeze %dma_wait3A_697 : memref<1x128xi32, #tpu.memory_space<vmem>> -> memref<128xi32, #tpu.memory_space<vmem>>
      %dma_wait3A_699 = arith.constant 0 : i32
      %dma_wait3A_700 = arith.constant 0 : i32
      %dma_wait3A_701 = tpu.memref_slice %arg11[%dma_wait3A_699, %dma_wait3A_700] : memref<10240x32xf32, #tpu.memory_space<vmem_shared>> -> memref<10240x32xf32, #tpu.memory_space<vmem_shared>>
      tpu.wait_indirect_dma semaphore(%arg32 : memref<!tpu.dma_semaphore, #tpu.memory_space<semaphore_mem>>) src(%dma_wait3A_695 : memref<128x32xf32, #tpu.memory_space<vmem>>) dst(%dma_wait3A_701 : memref<10240x32xf32, #tpu.memory_space<vmem_shared>>)
      %add3A_702 = arith.constant 1 : i32
      %add3A_703 = arith.addi %scan3A_178, %add3A_702 : i32
      %mul3A_704 = arith.constant 13 : i32
      %mul3A_705 = arith.muli %add3A_703, %mul3A_704 : i32
      %add3A_706 = arith.constant 7 : i32
      %add3A_707 = arith.addi %mul3A_705, %add3A_706 : i32
      %lt3A_708 = arith.constant 78 : i32
      %lt3A_709 = arith.cmpi slt, %add3A_707, %lt3A_708 : i32
      %convert_element_type3A_710 = arith.extui %lt3A_709 : i1 to i32
      %cond3A_711 = arith.constant 0 : i32
      %cond3A_712 = arith.cmpi ne, %convert_element_type3A_710, %cond3A_711 : i32
      scf.if %cond3A_712 {
        %dma_start3A_828 = arith.constant 7 : i32
        %dma_start3A_829 = arith.constant 0 : i32
        %dma_start3A_830 = arith.constant 0 : i32
        %dma_start3A_831 = tpu.memref_slice %arg10[%dma_start3A_828, %dma_start3A_829, %dma_start3A_830] : memref<13x128x32xf32, #tpu.memory_space<vmem>> -> memref<1x128x32xf32, #tpu.memory_space<vmem>>
        %dma_start3A_832 = tpu.memref_squeeze %dma_start3A_831 : memref<1x128x32xf32, #tpu.memory_space<vmem>> -> memref<128x32xf32, #tpu.memory_space<vmem>>
        %dma_start3A_833 = arith.constant 0 : i32
        %dma_start3A_834 = tpu.memref_slice %arg6[%add3A_707, %dma_start3A_833] : memref<78x128xi32, #tpu.memory_space<vmem>> -> memref<1x128xi32, #tpu.memory_space<vmem>>
        %dma_start3A_835 = tpu.memref_squeeze %dma_start3A_834 : memref<1x128xi32, #tpu.memory_space<vmem>> -> memref<128xi32, #tpu.memory_space<vmem>>
        %dma_start3A_836 = arith.constant 0 : i32
        %dma_start3A_837 = arith.constant 0 : i32
        %dma_start3A_838 = tpu.memref_slice %arg2[%dma_start3A_836, %dma_start3A_837] : memref<10000x32xf32, #tpu.memory_space<hbm>> -> memref<10000x32xf32, #tpu.memory_space<hbm>>
        tpu.enqueue_indirect_dma source(%dma_start3A_838 : memref<10000x32xf32, #tpu.memory_space<hbm>>) target(%dma_start3A_832 : memref<128x32xf32, #tpu.memory_space<vmem>>) offsets(%dma_start3A_835 : memref<128xi32, #tpu.memory_space<vmem>>) semaphore(%arg19 : memref<!tpu.dma_semaphore, #tpu.memory_space<semaphore_mem>>)
      } else {
      }
      %dma_wait3A_713 = arith.constant 8 : i32
      %dma_wait3A_714 = arith.constant 0 : i32
      %dma_wait3A_715 = arith.constant 0 : i32
      %dma_wait3A_716 = arith.constant 0 : i32
      %dma_wait3A_717 = tpu.memref_slice %arg10[%dma_wait3A_713, %dma_wait3A_715, %dma_wait3A_716] : memref<13x128x32xf32, #tpu.memory_space<vmem>> -> memref<1x128x32xf32, #tpu.memory_space<vmem>>
      %dma_wait3A_718 = tpu.memref_squeeze %dma_wait3A_717 : memref<1x128x32xf32, #tpu.memory_space<vmem>> -> memref<128x32xf32, #tpu.memory_space<vmem>>
      %dma_wait3A_719 = arith.constant 0 : i32
      %dma_wait3A_720 = tpu.memref_slice %arg7[%dma_wait3A_714, %dma_wait3A_719] : memref<78x128xi32, #tpu.memory_space<vmem>> -> memref<1x128xi32, #tpu.memory_space<vmem>>
      %dma_wait3A_721 = tpu.memref_squeeze %dma_wait3A_720 : memref<1x128xi32, #tpu.memory_space<vmem>> -> memref<128xi32, #tpu.memory_space<vmem>>
      %dma_wait3A_722 = arith.constant 0 : i32
      %dma_wait3A_723 = arith.constant 0 : i32
      %dma_wait3A_724 = tpu.memref_slice %arg11[%dma_wait3A_722, %dma_wait3A_723] : memref<10240x32xf32, #tpu.memory_space<vmem_shared>> -> memref<10240x32xf32, #tpu.memory_space<vmem_shared>>
      tpu.wait_indirect_dma semaphore(%arg33 : memref<!tpu.dma_semaphore, #tpu.memory_space<semaphore_mem>>) src(%dma_wait3A_718 : memref<128x32xf32, #tpu.memory_space<vmem>>) dst(%dma_wait3A_724 : memref<10240x32xf32, #tpu.memory_space<vmem_shared>>)
      %add3A_725 = arith.constant 1 : i32
      %add3A_726 = arith.addi %scan3A_178, %add3A_725 : i32
      %mul3A_727 = arith.constant 13 : i32
      %mul3A_728 = arith.muli %add3A_726, %mul3A_727 : i32
      %add3A_729 = arith.constant 8 : i32
      %add3A_730 = arith.addi %mul3A_728, %add3A_729 : i32
      %lt3A_731 = arith.constant 78 : i32
      %lt3A_732 = arith.cmpi slt, %add3A_730, %lt3A_731 : i32
      %convert_element_type3A_733 = arith.extui %lt3A_732 : i1 to i32
      %cond3A_734 = arith.constant 0 : i32
      %cond3A_735 = arith.cmpi ne, %convert_element_type3A_733, %cond3A_734 : i32
      scf.if %cond3A_735 {
        %dma_start3A_828 = arith.constant 8 : i32
        %dma_start3A_829 = arith.constant 0 : i32
        %dma_start3A_830 = arith.constant 0 : i32
        %dma_start3A_831 = tpu.memref_slice %arg10[%dma_start3A_828, %dma_start3A_829, %dma_start3A_830] : memref<13x128x32xf32, #tpu.memory_space<vmem>> -> memref<1x128x32xf32, #tpu.memory_space<vmem>>
        %dma_start3A_832 = tpu.memref_squeeze %dma_start3A_831 : memref<1x128x32xf32, #tpu.memory_space<vmem>> -> memref<128x32xf32, #tpu.memory_space<vmem>>
        %dma_start3A_833 = arith.constant 0 : i32
        %dma_start3A_834 = tpu.memref_slice %arg6[%add3A_730, %dma_start3A_833] : memref<78x128xi32, #tpu.memory_space<vmem>> -> memref<1x128xi32, #tpu.memory_space<vmem>>
        %dma_start3A_835 = tpu.memref_squeeze %dma_start3A_834 : memref<1x128xi32, #tpu.memory_space<vmem>> -> memref<128xi32, #tpu.memory_space<vmem>>
        %dma_start3A_836 = arith.constant 0 : i32
        %dma_start3A_837 = arith.constant 0 : i32
        %dma_start3A_838 = tpu.memref_slice %arg2[%dma_start3A_836, %dma_start3A_837] : memref<10000x32xf32, #tpu.memory_space<hbm>> -> memref<10000x32xf32, #tpu.memory_space<hbm>>
        tpu.enqueue_indirect_dma source(%dma_start3A_838 : memref<10000x32xf32, #tpu.memory_space<hbm>>) target(%dma_start3A_832 : memref<128x32xf32, #tpu.memory_space<vmem>>) offsets(%dma_start3A_835 : memref<128xi32, #tpu.memory_space<vmem>>) semaphore(%arg20 : memref<!tpu.dma_semaphore, #tpu.memory_space<semaphore_mem>>)
      } else {
      }
      %dma_wait3A_736 = arith.constant 9 : i32
      %dma_wait3A_737 = arith.constant 0 : i32
      %dma_wait3A_738 = arith.constant 0 : i32
      %dma_wait3A_739 = arith.constant 0 : i32
      %dma_wait3A_740 = tpu.memref_slice %arg10[%dma_wait3A_736, %dma_wait3A_738, %dma_wait3A_739] : memref<13x128x32xf32, #tpu.memory_space<vmem>> -> memref<1x128x32xf32, #tpu.memory_space<vmem>>
      %dma_wait3A_741 = tpu.memref_squeeze %dma_wait3A_740 : memref<1x128x32xf32, #tpu.memory_space<vmem>> -> memref<128x32xf32, #tpu.memory_space<vmem>>
      %dma_wait3A_742 = arith.constant 0 : i32
      %dma_wait3A_743 = tpu.memref_slice %arg7[%dma_wait3A_737, %dma_wait3A_742] : memref<78x128xi32, #tpu.memory_space<vmem>> -> memref<1x128xi32, #tpu.memory_space<vmem>>
      %dma_wait3A_744 = tpu.memref_squeeze %dma_wait3A_743 : memref<1x128xi32, #tpu.memory_space<vmem>> -> memref<128xi32, #tpu.memory_space<vmem>>
      %dma_wait3A_745 = arith.constant 0 : i32
      %dma_wait3A_746 = arith.constant 0 : i32
      %dma_wait3A_747 = tpu.memref_slice %arg11[%dma_wait3A_745, %dma_wait3A_746] : memref<10240x32xf32, #tpu.memory_space<vmem_shared>> -> memref<10240x32xf32, #tpu.memory_space<vmem_shared>>
      tpu.wait_indirect_dma semaphore(%arg34 : memref<!tpu.dma_semaphore, #tpu.memory_space<semaphore_mem>>) src(%dma_wait3A_741 : memref<128x32xf32, #tpu.memory_space<vmem>>) dst(%dma_wait3A_747 : memref<10240x32xf32, #tpu.memory_space<vmem_shared>>)
      %add3A_748 = arith.constant 1 : i32
      %add3A_749 = arith.addi %scan3A_178, %add3A_748 : i32
      %mul3A_750 = arith.constant 13 : i32
      %mul3A_751 = arith.muli %add3A_749, %mul3A_750 : i32
      %add3A_752 = arith.constant 9 : i32
      %add3A_753 = arith.addi %mul3A_751, %add3A_752 : i32
      %lt3A_754 = arith.constant 78 : i32
      %lt3A_755 = arith.cmpi slt, %add3A_753, %lt3A_754 : i32
      %convert_element_type3A_756 = arith.extui %lt3A_755 : i1 to i32
      %cond3A_757 = arith.constant 0 : i32
      %cond3A_758 = arith.cmpi ne, %convert_element_type3A_756, %cond3A_757 : i32
      scf.if %cond3A_758 {
        %dma_start3A_828 = arith.constant 9 : i32
        %dma_start3A_829 = arith.constant 0 : i32
        %dma_start3A_830 = arith.constant 0 : i32
        %dma_start3A_831 = tpu.memref_slice %arg10[%dma_start3A_828, %dma_start3A_829, %dma_start3A_830] : memref<13x128x32xf32, #tpu.memory_space<vmem>> -> memref<1x128x32xf32, #tpu.memory_space<vmem>>
        %dma_start3A_832 = tpu.memref_squeeze %dma_start3A_831 : memref<1x128x32xf32, #tpu.memory_space<vmem>> -> memref<128x32xf32, #tpu.memory_space<vmem>>
        %dma_start3A_833 = arith.constant 0 : i32
        %dma_start3A_834 = tpu.memref_slice %arg6[%add3A_753, %dma_start3A_833] : memref<78x128xi32, #tpu.memory_space<vmem>> -> memref<1x128xi32, #tpu.memory_space<vmem>>
        %dma_start3A_835 = tpu.memref_squeeze %dma_start3A_834 : memref<1x128xi32, #tpu.memory_space<vmem>> -> memref<128xi32, #tpu.memory_space<vmem>>
        %dma_start3A_836 = arith.constant 0 : i32
        %dma_start3A_837 = arith.constant 0 : i32
        %dma_start3A_838 = tpu.memref_slice %arg2[%dma_start3A_836, %dma_start3A_837] : memref<10000x32xf32, #tpu.memory_space<hbm>> -> memref<10000x32xf32, #tpu.memory_space<hbm>>
        tpu.enqueue_indirect_dma source(%dma_start3A_838 : memref<10000x32xf32, #tpu.memory_space<hbm>>) target(%dma_start3A_832 : memref<128x32xf32, #tpu.memory_space<vmem>>) offsets(%dma_start3A_835 : memref<128xi32, #tpu.memory_space<vmem>>) semaphore(%arg21 : memref<!tpu.dma_semaphore, #tpu.memory_space<semaphore_mem>>)
      } else {
      }
      %dma_wait3A_759 = arith.constant 10 : i32
      %dma_wait3A_760 = arith.constant 0 : i32
      %dma_wait3A_761 = arith.constant 0 : i32
      %dma_wait3A_762 = arith.constant 0 : i32
      %dma_wait3A_763 = tpu.memref_slice %arg10[%dma_wait3A_759, %dma_wait3A_761, %dma_wait3A_762] : memref<13x128x32xf32, #tpu.memory_space<vmem>> -> memref<1x128x32xf32, #tpu.memory_space<vmem>>
      %dma_wait3A_764 = tpu.memref_squeeze %dma_wait3A_763 : memref<1x128x32xf32, #tpu.memory_space<vmem>> -> memref<128x32xf32, #tpu.memory_space<vmem>>
      %dma_wait3A_765 = arith.constant 0 : i32
      %dma_wait3A_766 = tpu.memref_slice %arg7[%dma_wait3A_760, %dma_wait3A_765] : memref<78x128xi32, #tpu.memory_space<vmem>> -> memref<1x128xi32, #tpu.memory_space<vmem>>
      %dma_wait3A_767 = tpu.memref_squeeze %dma_wait3A_766 : memref<1x128xi32, #tpu.memory_space<vmem>> -> memref<128xi32, #tpu.memory_space<vmem>>
      %dma_wait3A_768 = arith.constant 0 : i32
      %dma_wait3A_769 = arith.constant 0 : i32
      %dma_wait3A_770 = tpu.memref_slice %arg11[%dma_wait3A_768, %dma_wait3A_769] : memref<10240x32xf32, #tpu.memory_space<vmem_shared>> -> memref<10240x32xf32, #tpu.memory_space<vmem_shared>>
      tpu.wait_indirect_dma semaphore(%arg35 : memref<!tpu.dma_semaphore, #tpu.memory_space<semaphore_mem>>) src(%dma_wait3A_764 : memref<128x32xf32, #tpu.memory_space<vmem>>) dst(%dma_wait3A_770 : memref<10240x32xf32, #tpu.memory_space<vmem_shared>>)
      %add3A_771 = arith.constant 1 : i32
      %add3A_772 = arith.addi %scan3A_178, %add3A_771 : i32
      %mul3A_773 = arith.constant 13 : i32
      %mul3A_774 = arith.muli %add3A_772, %mul3A_773 : i32
      %add3A_775 = arith.constant 10 : i32
      %add3A_776 = arith.addi %mul3A_774, %add3A_775 : i32
      %lt3A_777 = arith.constant 78 : i32
      %lt3A_778 = arith.cmpi slt, %add3A_776, %lt3A_777 : i32
      %convert_element_type3A_779 = arith.extui %lt3A_778 : i1 to i32
      %cond3A_780 = arith.constant 0 : i32
      %cond3A_781 = arith.cmpi ne, %convert_element_type3A_779, %cond3A_780 : i32
      scf.if %cond3A_781 {
        %dma_start3A_828 = arith.constant 10 : i32
        %dma_start3A_829 = arith.constant 0 : i32
        %dma_start3A_830 = arith.constant 0 : i32
        %dma_start3A_831 = tpu.memref_slice %arg10[%dma_start3A_828, %dma_start3A_829, %dma_start3A_830] : memref<13x128x32xf32, #tpu.memory_space<vmem>> -> memref<1x128x32xf32, #tpu.memory_space<vmem>>
        %dma_start3A_832 = tpu.memref_squeeze %dma_start3A_831 : memref<1x128x32xf32, #tpu.memory_space<vmem>> -> memref<128x32xf32, #tpu.memory_space<vmem>>
        %dma_start3A_833 = arith.constant 0 : i32
        %dma_start3A_834 = tpu.memref_slice %arg6[%add3A_776, %dma_start3A_833] : memref<78x128xi32, #tpu.memory_space<vmem>> -> memref<1x128xi32, #tpu.memory_space<vmem>>
        %dma_start3A_835 = tpu.memref_squeeze %dma_start3A_834 : memref<1x128xi32, #tpu.memory_space<vmem>> -> memref<128xi32, #tpu.memory_space<vmem>>
        %dma_start3A_836 = arith.constant 0 : i32
        %dma_start3A_837 = arith.constant 0 : i32
        %dma_start3A_838 = tpu.memref_slice %arg2[%dma_start3A_836, %dma_start3A_837] : memref<10000x32xf32, #tpu.memory_space<hbm>> -> memref<10000x32xf32, #tpu.memory_space<hbm>>
        tpu.enqueue_indirect_dma source(%dma_start3A_838 : memref<10000x32xf32, #tpu.memory_space<hbm>>) target(%dma_start3A_832 : memref<128x32xf32, #tpu.memory_space<vmem>>) offsets(%dma_start3A_835 : memref<128xi32, #tpu.memory_space<vmem>>) semaphore(%arg22 : memref<!tpu.dma_semaphore, #tpu.memory_space<semaphore_mem>>)
      } else {
      }
      %dma_wait3A_782 = arith.constant 11 : i32
      %dma_wait3A_783 = arith.constant 0 : i32
      %dma_wait3A_784 = arith.constant 0 : i32
      %dma_wait3A_785 = arith.constant 0 : i32
      %dma_wait3A_786 = tpu.memref_slice %arg10[%dma_wait3A_782, %dma_wait3A_784, %dma_wait3A_785] : memref<13x128x32xf32, #tpu.memory_space<vmem>> -> memref<1x128x32xf32, #tpu.memory_space<vmem>>
      %dma_wait3A_787 = tpu.memref_squeeze %dma_wait3A_786 : memref<1x128x32xf32, #tpu.memory_space<vmem>> -> memref<128x32xf32, #tpu.memory_space<vmem>>
      %dma_wait3A_788 = arith.constant 0 : i32
      %dma_wait3A_789 = tpu.memref_slice %arg7[%dma_wait3A_783, %dma_wait3A_788] : memref<78x128xi32, #tpu.memory_space<vmem>> -> memref<1x128xi32, #tpu.memory_space<vmem>>
      %dma_wait3A_790 = tpu.memref_squeeze %dma_wait3A_789 : memref<1x128xi32, #tpu.memory_space<vmem>> -> memref<128xi32, #tpu.memory_space<vmem>>
      %dma_wait3A_791 = arith.constant 0 : i32
      %dma_wait3A_792 = arith.constant 0 : i32
      %dma_wait3A_793 = tpu.memref_slice %arg11[%dma_wait3A_791, %dma_wait3A_792] : memref<10240x32xf32, #tpu.memory_space<vmem_shared>> -> memref<10240x32xf32, #tpu.memory_space<vmem_shared>>
      tpu.wait_indirect_dma semaphore(%arg36 : memref<!tpu.dma_semaphore, #tpu.memory_space<semaphore_mem>>) src(%dma_wait3A_787 : memref<128x32xf32, #tpu.memory_space<vmem>>) dst(%dma_wait3A_793 : memref<10240x32xf32, #tpu.memory_space<vmem_shared>>)
      %add3A_794 = arith.constant 1 : i32
      %add3A_795 = arith.addi %scan3A_178, %add3A_794 : i32
      %mul3A_796 = arith.constant 13 : i32
      %mul3A_797 = arith.muli %add3A_795, %mul3A_796 : i32
      %add3A_798 = arith.constant 11 : i32
      %add3A_799 = arith.addi %mul3A_797, %add3A_798 : i32
      %lt3A_800 = arith.constant 78 : i32
      %lt3A_801 = arith.cmpi slt, %add3A_799, %lt3A_800 : i32
      %convert_element_type3A_802 = arith.extui %lt3A_801 : i1 to i32
      %cond3A_803 = arith.constant 0 : i32
      %cond3A_804 = arith.cmpi ne, %convert_element_type3A_802, %cond3A_803 : i32
      scf.if %cond3A_804 {
        %dma_start3A_828 = arith.constant 11 : i32
        %dma_start3A_829 = arith.constant 0 : i32
        %dma_start3A_830 = arith.constant 0 : i32
        %dma_start3A_831 = tpu.memref_slice %arg10[%dma_start3A_828, %dma_start3A_829, %dma_start3A_830] : memref<13x128x32xf32, #tpu.memory_space<vmem>> -> memref<1x128x32xf32, #tpu.memory_space<vmem>>
        %dma_start3A_832 = tpu.memref_squeeze %dma_start3A_831 : memref<1x128x32xf32, #tpu.memory_space<vmem>> -> memref<128x32xf32, #tpu.memory_space<vmem>>
        %dma_start3A_833 = arith.constant 0 : i32
        %dma_start3A_834 = tpu.memref_slice %arg6[%add3A_799, %dma_start3A_833] : memref<78x128xi32, #tpu.memory_space<vmem>> -> memref<1x128xi32, #tpu.memory_space<vmem>>
        %dma_start3A_835 = tpu.memref_squeeze %dma_start3A_834 : memref<1x128xi32, #tpu.memory_space<vmem>> -> memref<128xi32, #tpu.memory_space<vmem>>
        %dma_start3A_836 = arith.constant 0 : i32
        %dma_start3A_837 = arith.constant 0 : i32
        %dma_start3A_838 = tpu.memref_slice %arg2[%dma_start3A_836, %dma_start3A_837] : memref<10000x32xf32, #tpu.memory_space<hbm>> -> memref<10000x32xf32, #tpu.memory_space<hbm>>
        tpu.enqueue_indirect_dma source(%dma_start3A_838 : memref<10000x32xf32, #tpu.memory_space<hbm>>) target(%dma_start3A_832 : memref<128x32xf32, #tpu.memory_space<vmem>>) offsets(%dma_start3A_835 : memref<128xi32, #tpu.memory_space<vmem>>) semaphore(%arg23 : memref<!tpu.dma_semaphore, #tpu.memory_space<semaphore_mem>>)
      } else {
      }
      %dma_wait3A_805 = arith.constant 12 : i32
      %dma_wait3A_806 = arith.constant 0 : i32
      %dma_wait3A_807 = arith.constant 0 : i32
      %dma_wait3A_808 = arith.constant 0 : i32
      %dma_wait3A_809 = tpu.memref_slice %arg10[%dma_wait3A_805, %dma_wait3A_807, %dma_wait3A_808] : memref<13x128x32xf32, #tpu.memory_space<vmem>> -> memref<1x128x32xf32, #tpu.memory_space<vmem>>
      %dma_wait3A_810 = tpu.memref_squeeze %dma_wait3A_809 : memref<1x128x32xf32, #tpu.memory_space<vmem>> -> memref<128x32xf32, #tpu.memory_space<vmem>>
      %dma_wait3A_811 = arith.constant 0 : i32
      %dma_wait3A_812 = tpu.memref_slice %arg7[%dma_wait3A_806, %dma_wait3A_811] : memref<78x128xi32, #tpu.memory_space<vmem>> -> memref<1x128xi32, #tpu.memory_space<vmem>>
      %dma_wait3A_813 = tpu.memref_squeeze %dma_wait3A_812 : memref<1x128xi32, #tpu.memory_space<vmem>> -> memref<128xi32, #tpu.memory_space<vmem>>
      %dma_wait3A_814 = arith.constant 0 : i32
      %dma_wait3A_815 = arith.constant 0 : i32
      %dma_wait3A_816 = tpu.memref_slice %arg11[%dma_wait3A_814, %dma_wait3A_815] : memref<10240x32xf32, #tpu.memory_space<vmem_shared>> -> memref<10240x32xf32, #tpu.memory_space<vmem_shared>>
      tpu.wait_indirect_dma semaphore(%arg37 : memref<!tpu.dma_semaphore, #tpu.memory_space<semaphore_mem>>) src(%dma_wait3A_810 : memref<128x32xf32, #tpu.memory_space<vmem>>) dst(%dma_wait3A_816 : memref<10240x32xf32, #tpu.memory_space<vmem_shared>>)
      %add3A_817 = arith.constant 1 : i32
      %add3A_818 = arith.addi %scan3A_178, %add3A_817 : i32
      %mul3A_819 = arith.constant 13 : i32
      %mul3A_820 = arith.muli %add3A_818, %mul3A_819 : i32
      %add3A_821 = arith.constant 12 : i32
      %add3A_822 = arith.addi %mul3A_820, %add3A_821 : i32
      %lt3A_823 = arith.constant 78 : i32
      %lt3A_824 = arith.cmpi slt, %add3A_822, %lt3A_823 : i32
      %convert_element_type3A_825 = arith.extui %lt3A_824 : i1 to i32
      %cond3A_826 = arith.constant 0 : i32
      %cond3A_827 = arith.cmpi ne, %convert_element_type3A_825, %cond3A_826 : i32
      scf.if %cond3A_827 {
        %dma_start3A_828 = arith.constant 12 : i32
        %dma_start3A_829 = arith.constant 0 : i32
        %dma_start3A_830 = arith.constant 0 : i32
        %dma_start3A_831 = tpu.memref_slice %arg10[%dma_start3A_828, %dma_start3A_829, %dma_start3A_830] : memref<13x128x32xf32, #tpu.memory_space<vmem>> -> memref<1x128x32xf32, #tpu.memory_space<vmem>>
        %dma_start3A_832 = tpu.memref_squeeze %dma_start3A_831 : memref<1x128x32xf32, #tpu.memory_space<vmem>> -> memref<128x32xf32, #tpu.memory_space<vmem>>
        %dma_start3A_833 = arith.constant 0 : i32
        %dma_start3A_834 = tpu.memref_slice %arg6[%add3A_822, %dma_start3A_833] : memref<78x128xi32, #tpu.memory_space<vmem>> -> memref<1x128xi32, #tpu.memory_space<vmem>>
        %dma_start3A_835 = tpu.memref_squeeze %dma_start3A_834 : memref<1x128xi32, #tpu.memory_space<vmem>> -> memref<128xi32, #tpu.memory_space<vmem>>
        %dma_start3A_836 = arith.constant 0 : i32
        %dma_start3A_837 = arith.constant 0 : i32
        %dma_start3A_838 = tpu.memref_slice %arg2[%dma_start3A_836, %dma_start3A_837] : memref<10000x32xf32, #tpu.memory_space<hbm>> -> memref<10000x32xf32, #tpu.memory_space<hbm>>
        tpu.enqueue_indirect_dma source(%dma_start3A_838 : memref<10000x32xf32, #tpu.memory_space<hbm>>) target(%dma_start3A_832 : memref<128x32xf32, #tpu.memory_space<vmem>>) offsets(%dma_start3A_835 : memref<128xi32, #tpu.memory_space<vmem>>) semaphore(%arg24 : memref<!tpu.dma_semaphore, #tpu.memory_space<semaphore_mem>>)
      } else {
      }
    }
    %scan3A_169 = arith.constant 6 : i32
    %lt3A_170 = arith.constant 4 : i32
    %lt3A_171 = arith.cmpi slt, %add3A, %lt3A_170 : i32
    %convert_element_type3A_172 = arith.extui %lt3A_171 : i1 to i32
    %cond3A_173 = arith.constant 0 : i32
    %cond3A_174 = arith.cmpi ne, %convert_element_type3A_172, %cond3A_173 : i32
    scf.if %cond3A_174 {
      %dma_start3A_178 = arith.constant 0 : i32
      %dma_start3A_179 = arith.constant 0 : i32
      %dma_start3A_180 = arith.constant 0 : i32
      %dma_start3A_181 = arith.constant 0 : i32
      %dma_start3A_182 = tpu.memref_slice %arg10[%dma_start3A_179, %dma_start3A_180, %dma_start3A_181] : memref<13x128x32xf32, #tpu.memory_space<vmem>> -> memref<1x128x32xf32, #tpu.memory_space<vmem>>
      %dma_start3A_183 = tpu.memref_squeeze %dma_start3A_182 : memref<1x128x32xf32, #tpu.memory_space<vmem>> -> memref<128x32xf32, #tpu.memory_space<vmem>>
      %dma_start3A_184 = arith.constant 0 : i32
      %dma_start3A_185 = tpu.memref_slice %arg8[%dma_start3A_178, %dma_start3A_184] : memref<1x128xi32, #tpu.memory_space<vmem>> -> memref<1x128xi32, #tpu.memory_space<vmem>>
      %dma_start3A_186 = tpu.memref_squeeze %dma_start3A_185 : memref<1x128xi32, #tpu.memory_space<vmem>> -> memref<128xi32, #tpu.memory_space<vmem>>
      %dma_start3A_187 = arith.constant 0 : i32
      %dma_start3A_188 = arith.constant 0 : i32
      %dma_start3A_189 = tpu.memref_slice %arg2[%dma_start3A_187, %dma_start3A_188] : memref<10000x32xf32, #tpu.memory_space<hbm>> -> memref<10000x32xf32, #tpu.memory_space<hbm>>
      tpu.enqueue_indirect_dma source(%dma_start3A_189 : memref<10000x32xf32, #tpu.memory_space<hbm>>) target(%dma_start3A_183 : memref<128x32xf32, #tpu.memory_space<vmem>>) offsets(%dma_start3A_186 : memref<128xi32, #tpu.memory_space<vmem>>) semaphore(%arg12 : memref<!tpu.dma_semaphore, #tpu.memory_space<semaphore_mem>>)
      %dma_wait3A = arith.constant 0 : i32
      %dma_wait3A_190 = arith.constant 0 : i32
      %dma_wait3A_191 = arith.constant 0 : i32
      %dma_wait3A_192 = arith.constant 0 : i32
      %dma_wait3A_193 = tpu.memref_slice %arg10[%dma_wait3A_190, %dma_wait3A_191, %dma_wait3A_192] : memref<13x128x32xf32, #tpu.memory_space<vmem>> -> memref<1x128x32xf32, #tpu.memory_space<vmem>>
      %dma_wait3A_194 = tpu.memref_squeeze %dma_wait3A_193 : memref<1x128x32xf32, #tpu.memory_space<vmem>> -> memref<128x32xf32, #tpu.memory_space<vmem>>
      %dma_wait3A_195 = arith.constant 0 : i32
      %dma_wait3A_196 = tpu.memref_slice %arg6[%dma_wait3A, %dma_wait3A_195] : memref<78x128xi32, #tpu.memory_space<vmem>> -> memref<1x128xi32, #tpu.memory_space<vmem>>
      %dma_wait3A_197 = tpu.memref_squeeze %dma_wait3A_196 : memref<1x128xi32, #tpu.memory_space<vmem>> -> memref<128xi32, #tpu.memory_space<vmem>>
      %dma_wait3A_198 = arith.constant 0 : i32
      %dma_wait3A_199 = arith.constant 0 : i32
      %dma_wait3A_200 = tpu.memref_slice %arg2[%dma_wait3A_198, %dma_wait3A_199] : memref<10000x32xf32, #tpu.memory_space<hbm>> -> memref<10000x32xf32, #tpu.memory_space<hbm>>
      tpu.wait_indirect_dma semaphore(%arg12 : memref<!tpu.dma_semaphore, #tpu.memory_space<semaphore_mem>>) src(%dma_wait3A_200 : memref<10000x32xf32, #tpu.memory_space<hbm>>) dst(%dma_wait3A_194 : memref<128x32xf32, #tpu.memory_space<vmem>>)
      %dma_start3A_201 = arith.constant 0 : i32
      %dma_start3A_202 = arith.constant 0 : i32
      %dma_start3A_203 = arith.constant 0 : i32
      %dma_start3A_204 = arith.constant 0 : i32
      %dma_start3A_205 = tpu.memref_slice %arg10[%dma_start3A_201, %dma_start3A_203, %dma_start3A_204] : memref<13x128x32xf32, #tpu.memory_space<vmem>> -> memref<1x128x32xf32, #tpu.memory_space<vmem>>
      %dma_start3A_206 = tpu.memref_squeeze %dma_start3A_205 : memref<1x128x32xf32, #tpu.memory_space<vmem>> -> memref<128x32xf32, #tpu.memory_space<vmem>>
      %dma_start3A_207 = arith.constant 0 : i32
      %dma_start3A_208 = tpu.memref_slice %arg9[%dma_start3A_202, %dma_start3A_207] : memref<1x128xi32, #tpu.memory_space<vmem>> -> memref<1x128xi32, #tpu.memory_space<vmem>>
      %dma_start3A_209 = tpu.memref_squeeze %dma_start3A_208 : memref<1x128xi32, #tpu.memory_space<vmem>> -> memref<128xi32, #tpu.memory_space<vmem>>
      %dma_start3A_210 = arith.constant 0 : i32
      %dma_start3A_211 = arith.constant 0 : i32
      %dma_start3A_212 = tpu.memref_slice %arg11[%dma_start3A_210, %dma_start3A_211] : memref<10240x32xf32, #tpu.memory_space<vmem_shared>> -> memref<10240x32xf32, #tpu.memory_space<vmem_shared>>
      tpu.enqueue_indirect_dma source(%dma_start3A_206 : memref<128x32xf32, #tpu.memory_space<vmem>>) target(%dma_start3A_212 : memref<10240x32xf32, #tpu.memory_space<vmem_shared>>) offsets(%dma_start3A_209 : memref<128xi32, #tpu.memory_space<vmem>>) semaphore(%arg25 : memref<!tpu.dma_semaphore, #tpu.memory_space<semaphore_mem>>) {add = true}
      %dma_wait3A_213 = arith.constant 0 : i32
      %dma_wait3A_214 = arith.constant 0 : i32
      %dma_wait3A_215 = arith.constant 0 : i32
      %dma_wait3A_216 = arith.constant 0 : i32
      %dma_wait3A_217 = tpu.memref_slice %arg10[%dma_wait3A_213, %dma_wait3A_215, %dma_wait3A_216] : memref<13x128x32xf32, #tpu.memory_space<vmem>> -> memref<1x128x32xf32, #tpu.memory_space<vmem>>
      %dma_wait3A_218 = tpu.memref_squeeze %dma_wait3A_217 : memref<1x128x32xf32, #tpu.memory_space<vmem>> -> memref<128x32xf32, #tpu.memory_space<vmem>>
      %dma_wait3A_219 = arith.constant 0 : i32
      %dma_wait3A_220 = tpu.memref_slice %arg7[%dma_wait3A_214, %dma_wait3A_219] : memref<78x128xi32, #tpu.memory_space<vmem>> -> memref<1x128xi32, #tpu.memory_space<vmem>>
      %dma_wait3A_221 = tpu.memref_squeeze %dma_wait3A_220 : memref<1x128xi32, #tpu.memory_space<vmem>> -> memref<128xi32, #tpu.memory_space<vmem>>
      %dma_wait3A_222 = arith.constant 0 : i32
      %dma_wait3A_223 = arith.constant 0 : i32
      %dma_wait3A_224 = tpu.memref_slice %arg11[%dma_wait3A_222, %dma_wait3A_223] : memref<10240x32xf32, #tpu.memory_space<vmem_shared>> -> memref<10240x32xf32, #tpu.memory_space<vmem_shared>>
      tpu.wait_indirect_dma semaphore(%arg25 : memref<!tpu.dma_semaphore, #tpu.memory_space<semaphore_mem>>) src(%dma_wait3A_218 : memref<128x32xf32, #tpu.memory_space<vmem>>) dst(%dma_wait3A_224 : memref<10240x32xf32, #tpu.memory_space<vmem_shared>>)
    } else {
    }
    %barrier3A_175 = arith.constant 0 : index
    tpu.barrier barrier_id(%barrier3A_175)
    %mul3A_176 = arith.constant 64 : i32
    %mul3A_177 = arith.muli %arg0, %mul3A_176 : i32
    "tpu.region"() ({
      %run_scoped3A_178 = tpu.sem_alloc : memref<!tpu.dma_semaphore, #tpu.memory_space<semaphore_mem>>
      %dma_start3A_179 = tpu.memref_slice %arg5[%mul3A_2, %mul3A_177] : memref<10240x128xf32, #tpu.memory_space<hbm>> -> memref<640x32xf32, #tpu.memory_space<hbm>>
      %dma_start3A_180 = arith.constant 0 : i32
      %dma_start3A_181 = tpu.memref_slice %arg11[%mul3A_2, %dma_start3A_180] : memref<10240x32xf32, #tpu.memory_space<vmem_shared>> -> memref<640x32xf32, #tpu.memory_space<vmem_shared>>
      tpu.enqueue_dma source(%dma_start3A_181 : memref<640x32xf32, #tpu.memory_space<vmem_shared>>) target(%dma_start3A_179 : memref<640x32xf32, #tpu.memory_space<hbm>>) target_semaphore(%run_scoped3A_178 : memref<!tpu.dma_semaphore, #tpu.memory_space<semaphore_mem>>)
      %dma_wait3A = tpu.memref_slice %arg5[%mul3A_2, %mul3A_177] : memref<10240x128xf32, #tpu.memory_space<hbm>> -> memref<640x32xf32, #tpu.memory_space<hbm>>
      %dma_wait3A_182 = arith.constant 0 : i32
      %dma_wait3A_183 = tpu.memref_slice %arg11[%mul3A_2, %dma_wait3A_182] : memref<10240x32xf32, #tpu.memory_space<vmem_shared>> -> memref<640x32xf32, #tpu.memory_space<vmem_shared>>
      tpu.wait_dma2 semaphore(%run_scoped3A_178 : memref<!tpu.dma_semaphore, #tpu.memory_space<semaphore_mem>>) src(%dma_wait3A_183 : memref<640x32xf32, #tpu.memory_space<vmem_shared>>) dst(%dma_wait3A : memref<640x32xf32, #tpu.memory_space<hbm>>)
      tpu.yield
    }) : () -> ()
    return
  }
}

module attributes {stable_mosaic.version = 14 : i64} {
  func.func @_proj_body(%arg0: i32, %arg1: memref<5000x128xf32, #tpu.memory_space<vmem>>, %arg2: memref<128x40xf32, #tpu.memory_space<vmem>>, %arg3: memref<128x32xf32, #tpu.memory_space<vmem>>, %arg4: memref<1x40xf32, #tpu.memory_space<vmem>>, %arg5: memref<1x32xf32, #tpu.memory_space<vmem>>, %arg6: memref<5000x40xf32, #tpu.memory_space<vmem>>, %arg7: memref<5000x32xf32, #tpu.memory_space<vmem>>) attributes {dimension_semantics = [#tpu.dimension_semantics<arbitrary>], iteration_bounds = array<i64: 2>, scalar_prefetch = 0 : i64, scratch_operands = 0 : i64, tpu.core_type = #tpu.core_type<tc>, window_params = [{transform_indices = @transform_0, window_bounds = array<i64: 5000, 128>}, {pipeline_mode = #tpu.pipeline_mode<synchronous>, transform_indices = @transform_1, window_bounds = array<i64: 128, 40>}, {pipeline_mode = #tpu.pipeline_mode<synchronous>, transform_indices = @transform_2, window_bounds = array<i64: 128, 32>}, {pipeline_mode = #tpu.pipeline_mode<synchronous>, transform_indices = @transform_3, window_bounds = array<i64: 1, 40>}, {pipeline_mode = #tpu.pipeline_mode<synchronous>, transform_indices = @transform_4, window_bounds = array<i64: 1, 32>}, {transform_indices = @transform_5, window_bounds = array<i64: 5000, 40>}, {transform_indices = @transform_6, window_bounds = array<i64: 5000, 32>}]} {
    %get3A = arith.constant 0 : index
    %get3A_0 = arith.constant 0 : index
    %get3A_1 = vector.load %arg1[%get3A, %get3A_0] : memref<5000x128xf32, #tpu.memory_space<vmem>>, vector<5000x128xf32>
    %get3A_2 = arith.constant 0 : index
    %get3A_3 = arith.constant 0 : index
    %get3A_4 = vector.load %arg2[%get3A_2, %get3A_3] : memref<128x40xf32, #tpu.memory_space<vmem>>, vector<128x40xf32>
    %dot_general3A = arith.constant dense<0.000000e+00> : vector<5000x40xf32>
    %dot_general3A_5 = tpu.matmul %get3A_1, %get3A_4, %dot_general3A {dimension_numbers = #tpu.dot_dimension_numbers<[1], [0], [0], [1], [0, 0, 1, 1], [], []>, transpose_lhs_hint = false} : vector<5000x128xf32>, vector<128x40xf32>, vector<5000x40xf32> -> vector<5000x40xf32>
    %get3A_6 = arith.constant 0 : index
    %get3A_7 = arith.constant 0 : index
    %get3A_8 = vector.load %arg4[%get3A_6, %get3A_7] : memref<1x40xf32, #tpu.memory_space<vmem>>, vector<1x40xf32>
    %add3A = vector.broadcast %get3A_8 : vector<1x40xf32> to vector<5000x40xf32>
    %add3A_9 = arith.addf %dot_general3A_5, %add3A : vector<5000x40xf32>
    %swap3A = arith.constant 0 : index
    %swap3A_10 = arith.constant 0 : index
    %swap3A_11 = vector.load %arg6[%swap3A, %swap3A_10] : memref<5000x40xf32, #tpu.memory_space<vmem>>, vector<5000x40xf32>
    tpu.vector_store %arg6[%swap3A, %swap3A_10], %add3A_9 {strides = array<i32>} : memref<5000x40xf32, #tpu.memory_space<vmem>>, vector<5000x40xf32>,
    %get3A_12 = arith.constant 0 : index
    %get3A_13 = arith.constant 0 : index
    %get3A_14 = vector.load %arg3[%get3A_12, %get3A_13] : memref<128x32xf32, #tpu.memory_space<vmem>>, vector<128x32xf32>
    %dot_general3A_15 = arith.constant dense<0.000000e+00> : vector<5000x32xf32>
    %dot_general3A_16 = tpu.matmul %get3A_1, %get3A_14, %dot_general3A_15 {dimension_numbers = #tpu.dot_dimension_numbers<[1], [0], [0], [1], [0, 0, 1, 1], [], []>, transpose_lhs_hint = false} : vector<5000x128xf32>, vector<128x32xf32>, vector<5000x32xf32> -> vector<5000x32xf32>
    %get3A_17 = arith.constant 0 : index
    %get3A_18 = arith.constant 0 : index
    %get3A_19 = vector.load %arg5[%get3A_17, %get3A_18] : memref<1x32xf32, #tpu.memory_space<vmem>>, vector<1x32xf32>
    %add3A_20 = vector.broadcast %get3A_19 : vector<1x32xf32> to vector<5000x32xf32>
    %add3A_21 = arith.addf %dot_general3A_16, %add3A_20 : vector<5000x32xf32>
    %swap3A_22 = arith.constant 0 : index
    %swap3A_23 = arith.constant 0 : index
    %swap3A_24 = vector.load %arg7[%swap3A_22, %swap3A_23] : memref<5000x32xf32, #tpu.memory_space<vmem>>, vector<5000x32xf32>
    tpu.vector_store %arg7[%swap3A_22, %swap3A_23], %add3A_21 {strides = array<i32>} : memref<5000x32xf32, #tpu.memory_space<vmem>>, vector<5000x32xf32>,
    return
  }
  func.func @transform_0(%arg0: i32) -> (i32, i32) {
    %c0_i32 = arith.constant 0 : i32
    %c0_i32_0 = arith.constant 0 : i32
    return %arg0, %c0_i32 : i32, i32
  }
  func.func @transform_1(%arg0: i32) -> (i32, i32) {
    %c0_i32 = arith.constant 0 : i32
    %c0_i32_0 = arith.constant 0 : i32
    %c0_i32_1 = arith.constant 0 : i32
    return %c0_i32, %c0_i32_0 : i32, i32
  }
  func.func @transform_2(%arg0: i32) -> (i32, i32) {
    %c0_i32 = arith.constant 0 : i32
    %c0_i32_0 = arith.constant 0 : i32
    %c0_i32_1 = arith.constant 0 : i32
    return %c0_i32, %c0_i32_0 : i32, i32
  }
  func.func @transform_3(%arg0: i32) -> (i32, i32) {
    %c0_i32 = arith.constant 0 : i32
    %c0_i32_0 = arith.constant 0 : i32
    %c0_i32_1 = arith.constant 0 : i32
    return %c0_i32, %c0_i32_0 : i32, i32
  }
  func.func @transform_4(%arg0: i32) -> (i32, i32) {
    %c0_i32 = arith.constant 0 : i32
    %c0_i32_0 = arith.constant 0 : i32
    %c0_i32_1 = arith.constant 0 : i32
    return %c0_i32, %c0_i32_0 : i32, i32
  }
  func.func @transform_5(%arg0: i32) -> (i32, i32) {
    %c0_i32 = arith.constant 0 : i32
    %c0_i32_0 = arith.constant 0 : i32
    return %arg0, %c0_i32 : i32, i32
  }
  func.func @transform_6(%arg0: i32) -> (i32, i32) {
    %c0_i32 = arith.constant 0 : i32
    %c0_i32_0 = arith.constant 0 : i32
    return %arg0, %c0_i32 : i32, i32
  }
}

module attributes {stable_mosaic.version = 14 : i64} {
  func.func @_mid_body(%arg0: i32, %arg1: memref<5000x128xf32, #tpu.memory_space<vmem>>, %arg2: memref<5000x32xf32, #tpu.memory_space<vmem>>, %arg3: memref<32x32xf32, #tpu.memory_space<vmem>>, %arg4: memref<32x40xf32, #tpu.memory_space<vmem>>, %arg5: memref<1x40xf32, #tpu.memory_space<vmem>>, %arg6: memref<5000x32xf32, #tpu.memory_space<vmem>>, %arg7: memref<5000x40xf32, #tpu.memory_space<vmem>>) attributes {dimension_semantics = [#tpu.dimension_semantics<arbitrary>], iteration_bounds = array<i64: 2>, scalar_prefetch = 0 : i64, scratch_operands = 0 : i64, tpu.core_type = #tpu.core_type<tc>, window_params = [{transform_indices = @transform_0, window_bounds = array<i64: 5000, 128>}, {transform_indices = @transform_1, window_bounds = array<i64: 5000, 32>}, {pipeline_mode = #tpu.pipeline_mode<synchronous>, transform_indices = @transform_2, window_bounds = array<i64: 32, 32>}, {pipeline_mode = #tpu.pipeline_mode<synchronous>, transform_indices = @transform_3, window_bounds = array<i64: 32, 40>}, {pipeline_mode = #tpu.pipeline_mode<synchronous>, transform_indices = @transform_4, window_bounds = array<i64: 1, 40>}, {transform_indices = @transform_5, window_bounds = array<i64: 5000, 32>}, {transform_indices = @transform_6, window_bounds = array<i64: 5000, 40>}]} {
    %get3A = arith.constant 0 : index
    %get3A_0 = arith.constant 0 : index
    %get3A_1 = vector.load %arg1[%get3A, %get3A_0] : memref<5000x128xf32, #tpu.memory_space<vmem>>, vector<5000x40xf32>
    %get3A_2 = arith.constant 0 : index
    %get3A_3 = arith.constant 64 : index
    %get3A_4 = vector.load %arg1[%get3A_2, %get3A_3] : memref<5000x128xf32, #tpu.memory_space<vmem>>, vector<5000x40xf32>
    %add3A = arith.addf %get3A_1, %get3A_4 : vector<5000x40xf32>
    %slice3A = vector.extract_strided_slice %add3A {offsets = [0, 32], sizes = [5000, 1], strides = [1, 1]} : vector<5000x40xf32> to vector<5000x1xf32>
    %max3A = arith.constant 1.000000e+00 : f32
    %max3A_5 = vector.broadcast %max3A : f32 to vector<5000x1xf32>
    %max3A_6 = arith.maximumf %slice3A, %max3A_5 : vector<5000x1xf32>
    %slice3A_7 = vector.extract_strided_slice %add3A {offsets = [0, 0], sizes = [5000, 32], strides = [1, 1]} : vector<5000x40xf32> to vector<5000x32xf32>
    %div3A = vector.broadcast %max3A_6 : vector<5000x1xf32> to vector<5000x32xf32>
    %div3A_8 = arith.divf %slice3A_7, %div3A : vector<5000x32xf32>
    %get3A_9 = arith.constant 0 : index
    %get3A_10 = arith.constant 0 : index
    %get3A_11 = vector.load %arg2[%get3A_9, %get3A_10] : memref<5000x32xf32, #tpu.memory_space<vmem>>, vector<5000x32xf32>
    %add3A_12 = arith.addf %div3A_8, %get3A_11 : vector<5000x32xf32>
    %max3A_13 = arith.constant 0.000000e+00 : f32
    %max3A_14 = vector.broadcast %max3A_13 : f32 to vector<5000x32xf32>
    %max3A_15 = arith.maximumf %add3A_12, %max3A_14 : vector<5000x32xf32>
    %get3A_16 = arith.constant 0 : index
    %get3A_17 = arith.constant 0 : index
    %get3A_18 = vector.load %arg3[%get3A_16, %get3A_17] : memref<32x32xf32, #tpu.memory_space<vmem>>, vector<32x32xf32>
    %dot_general3A = arith.constant dense<0.000000e+00> : vector<5000x32xf32>
    %dot_general3A_19 = tpu.matmul %max3A_15, %get3A_18, %dot_general3A {dimension_numbers = #tpu.dot_dimension_numbers<[1], [0], [0], [1], [0, 0, 1, 1], [], []>, transpose_lhs_hint = false} : vector<5000x32xf32>, vector<32x32xf32>, vector<5000x32xf32> -> vector<5000x32xf32>
    %swap3A = arith.constant 0 : index
    %swap3A_20 = arith.constant 0 : index
    %swap3A_21 = vector.load %arg6[%swap3A, %swap3A_20] : memref<5000x32xf32, #tpu.memory_space<vmem>>, vector<5000x32xf32>
    tpu.vector_store %arg6[%swap3A, %swap3A_20], %dot_general3A_19 {strides = array<i32>} : memref<5000x32xf32, #tpu.memory_space<vmem>>, vector<5000x32xf32>,
    %get3A_22 = arith.constant 0 : index
    %get3A_23 = arith.constant 0 : index
    %get3A_24 = vector.load %arg4[%get3A_22, %get3A_23] : memref<32x40xf32, #tpu.memory_space<vmem>>, vector<32x40xf32>
    %dot_general3A_25 = arith.constant dense<0.000000e+00> : vector<5000x40xf32>
    %dot_general3A_26 = tpu.matmul %max3A_15, %get3A_24, %dot_general3A_25 {dimension_numbers = #tpu.dot_dimension_numbers<[1], [0], [0], [1], [0, 0, 1, 1], [], []>, transpose_lhs_hint = false} : vector<5000x32xf32>, vector<32x40xf32>, vector<5000x40xf32> -> vector<5000x40xf32>
    %get3A_27 = arith.constant 0 : index
    %get3A_28 = arith.constant 0 : index
    %get3A_29 = vector.load %arg5[%get3A_27, %get3A_28] : memref<1x40xf32, #tpu.memory_space<vmem>>, vector<1x40xf32>
    %add3A_30 = vector.broadcast %get3A_29 : vector<1x40xf32> to vector<5000x40xf32>
    %add3A_31 = arith.addf %dot_general3A_26, %add3A_30 : vector<5000x40xf32>
    %iota3A = tpu.iota {dimensions = array<i32: 1>} : vector<5000x40xi32>
    %eq3A = arith.constant 32 : i32
    %eq3A_32 = vector.broadcast %eq3A : i32 to vector<5000x40xi32>
    %eq3A_33 = arith.cmpi eq, %iota3A, %eq3A_32 : vector<5000x40xi32>
    %broadcast_in_dim3A = vector.shape_cast %max3A_6 : vector<5000x1xf32> to vector<5000x1xf32>
    %broadcast_in_dim3A_34 = vector.broadcast %broadcast_in_dim3A : vector<5000x1xf32> to vector<5000x40xf32>
    %select_n3A = arith.select %eq3A_33, %broadcast_in_dim3A_34, %add3A_31 : vector<5000x40xi1>, vector<5000x40xf32>
    %swap3A_35 = arith.constant 0 : index
    %swap3A_36 = arith.constant 0 : index
    %swap3A_37 = vector.load %arg7[%swap3A_35, %swap3A_36] : memref<5000x40xf32, #tpu.memory_space<vmem>>, vector<5000x40xf32>
    tpu.vector_store %arg7[%swap3A_35, %swap3A_36], %select_n3A {strides = array<i32>} : memref<5000x40xf32, #tpu.memory_space<vmem>>, vector<5000x40xf32>,
    return
  }
  func.func @transform_0(%arg0: i32) -> (i32, i32) {
    %c0_i32 = arith.constant 0 : i32
    %c0_i32_0 = arith.constant 0 : i32
    return %arg0, %c0_i32 : i32, i32
  }
  func.func @transform_1(%arg0: i32) -> (i32, i32) {
    %c0_i32 = arith.constant 0 : i32
    %c0_i32_0 = arith.constant 0 : i32
    return %arg0, %c0_i32 : i32, i32
  }
  func.func @transform_2(%arg0: i32) -> (i32, i32) {
    %c0_i32 = arith.constant 0 : i32
    %c0_i32_0 = arith.constant 0 : i32
    %c0_i32_1 = arith.constant 0 : i32
    return %c0_i32, %c0_i32_0 : i32, i32
  }
  func.func @transform_3(%arg0: i32) -> (i32, i32) {
    %c0_i32 = arith.constant 0 : i32
    %c0_i32_0 = arith.constant 0 : i32
    %c0_i32_1 = arith.constant 0 : i32
    return %c0_i32, %c0_i32_0 : i32, i32
  }
  func.func @transform_4(%arg0: i32) -> (i32, i32) {
    %c0_i32 = arith.constant 0 : i32
    %c0_i32_0 = arith.constant 0 : i32
    %c0_i32_1 = arith.constant 0 : i32
    return %c0_i32, %c0_i32_0 : i32, i32
  }
  func.func @transform_5(%arg0: i32) -> (i32, i32) {
    %c0_i32 = arith.constant 0 : i32
    %c0_i32_0 = arith.constant 0 : i32
    return %arg0, %c0_i32 : i32, i32
  }
  func.func @transform_6(%arg0: i32) -> (i32, i32) {
    %c0_i32 = arith.constant 0 : i32
    %c0_i32_0 = arith.constant 0 : i32
    return %arg0, %c0_i32 : i32, i32
  }
}

module attributes {stable_mosaic.version = 14 : i64} {
  func.func @_fin_body(%arg0: i32, %arg1: memref<5000x128xf32, #tpu.memory_space<vmem>>, %arg2: memref<5000x40xf32, #tpu.memory_space<vmem>>, %arg3: memref<32x1xf32, #tpu.memory_space<vmem>>, %arg4: memref<1x1xf32, #tpu.memory_space<vmem>>, %arg5: memref<5000x1xf32, #tpu.memory_space<vmem>>) attributes {dimension_semantics = [#tpu.dimension_semantics<arbitrary>], iteration_bounds = array<i64: 2>, scalar_prefetch = 0 : i64, scratch_operands = 0 : i64, tpu.core_type = #tpu.core_type<tc>, window_params = [{transform_indices = @transform_0, window_bounds = array<i64: 5000, 128>}, {transform_indices = @transform_1, window_bounds = array<i64: 5000, 40>}, {pipeline_mode = #tpu.pipeline_mode<synchronous>, transform_indices = @transform_2, window_bounds = array<i64: 32, 1>}, {pipeline_mode = #tpu.pipeline_mode<synchronous>, transform_indices = @transform_3, window_bounds = array<i64: 1, 1>}, {transform_indices = @transform_4, window_bounds = array<i64: 5000, 1>}]} {
    %get3A = arith.constant 0 : index
    %get3A_0 = arith.constant 0 : index
    %get3A_1 = vector.load %arg1[%get3A, %get3A_0] : memref<5000x128xf32, #tpu.memory_space<vmem>>, vector<5000x32xf32>
    %get3A_2 = arith.constant 0 : index
    %get3A_3 = arith.constant 64 : index
    %get3A_4 = vector.load %arg1[%get3A_2, %get3A_3] : memref<5000x128xf32, #tpu.memory_space<vmem>>, vector<5000x32xf32>
    %add3A = arith.addf %get3A_1, %get3A_4 : vector<5000x32xf32>
    %get3A_5 = arith.constant 0 : index
    %get3A_6 = arith.constant 32 : index
    %get3A_7 = vector.load %arg2[%get3A_5, %get3A_6] : memref<5000x40xf32, #tpu.memory_space<vmem>>, vector<5000x1xf32>
    %div3A = vector.broadcast %get3A_7 : vector<5000x1xf32> to vector<5000x32xf32>
    %div3A_8 = arith.divf %add3A, %div3A : vector<5000x32xf32>
    %get3A_9 = arith.constant 0 : index
    %get3A_10 = arith.constant 0 : index
    %get3A_11 = vector.load %arg2[%get3A_9, %get3A_10] : memref<5000x40xf32, #tpu.memory_space<vmem>>, vector<5000x32xf32>
    %add3A_12 = arith.addf %div3A_8, %get3A_11 : vector<5000x32xf32>
    %get3A_13 = arith.constant 0 : index
    %get3A_14 = arith.constant 0 : index
    %get3A_15 = vector.load %arg3[%get3A_13, %get3A_14] : memref<32x1xf32, #tpu.memory_space<vmem>>, vector<32x1xf32>
    %dot_general3A = arith.constant dense<0.000000e+00> : vector<5000x1xf32>
    %dot_general3A_16 = tpu.matmul %add3A_12, %get3A_15, %dot_general3A {dimension_numbers = #tpu.dot_dimension_numbers<[1], [0], [0], [1], [0, 0, 1, 1], [], []>, transpose_lhs_hint = false} : vector<5000x32xf32>, vector<32x1xf32>, vector<5000x1xf32> -> vector<5000x1xf32>
    %get3A_17 = arith.constant 0 : index
    %get3A_18 = arith.constant 0 : index
    %get3A_19 = vector.load %arg4[%get3A_17, %get3A_18] : memref<1x1xf32, #tpu.memory_space<vmem>>, vector<1x1xf32>
    %add3A_20 = vector.broadcast %get3A_19 : vector<1x1xf32> to vector<5000x1xf32>
    %add3A_21 = arith.addf %dot_general3A_16, %add3A_20 : vector<5000x1xf32>
    %logistic3A = arith.negf %add3A_21 : vector<5000x1xf32>
    %logistic3A_22 = math.exp %logistic3A : vector<5000x1xf32>
    %logistic3A_23 = arith.constant 1.000000e+00 : f32
    %logistic3A_24 = vector.broadcast %logistic3A_23 : f32 to vector<5000x1xf32>
    %logistic3A_25 = arith.addf %logistic3A_24, %logistic3A_22 : vector<5000x1xf32>
    %logistic3A_26 = arith.divf %logistic3A_24, %logistic3A_25 : vector<5000x1xf32>
    %swap3A = arith.constant 0 : index
    %swap3A_27 = arith.constant 0 : index
    %swap3A_28 = vector.load %arg5[%swap3A, %swap3A_27] : memref<5000x1xf32, #tpu.memory_space<vmem>>, vector<5000x1xf32>
    tpu.vector_store %arg5[%swap3A, %swap3A_27], %logistic3A_26 {strides = array<i32>} : memref<5000x1xf32, #tpu.memory_space<vmem>>, vector<5000x1xf32>,
    return
  }
  func.func @transform_0(%arg0: i32) -> (i32, i32) {
    %c0_i32 = arith.constant 0 : i32
    %c0_i32_0 = arith.constant 0 : i32
    return %arg0, %c0_i32 : i32, i32
  }
  func.func @transform_1(%arg0: i32) -> (i32, i32) {
    %c0_i32 = arith.constant 0 : i32
    %c0_i32_0 = arith.constant 0 : i32
    return %arg0, %c0_i32 : i32, i32
  }
  func.func @transform_2(%arg0: i32) -> (i32, i32) {
    %c0_i32 = arith.constant 0 : i32
    %c0_i32_0 = arith.constant 0 : i32
    %c0_i32_1 = arith.constant 0 : i32
    return %c0_i32, %c0_i32_0 : i32, i32
  }
  func.func @transform_3(%arg0: i32) -> (i32, i32) {
    %c0_i32 = arith.constant 0 : i32
    %c0_i32_0 = arith.constant 0 : i32
    %c0_i32_1 = arith.constant 0 : i32
    return %c0_i32, %c0_i32_0 : i32, i32
  }
  func.func @transform_4(%arg0: i32) -> (i32, i32) {
    %c0_i32 = arith.constant 0 : i32
    %c0_i32_0 = arith.constant 0 : i32
    return %arg0, %c0_i32 : i32, i32
  }
}

</mosaic_0001>

<sc_bundles>
// kernel: kernel.10.cloned.1.call-start
scs
__scs_entry_jumppad:
0x0: {  	(pc) =	sbr.rel $0x88, $3  }
0x1: {  	(tag) =	ssettag $0x0;
	lr =	simm.s32 $0x1  }
0x2: {  	[smem:$0x3F97] =	sst lr;
	_ =	strace $0xD0000000  }
0x3: {  	_ = 	snop  }
0x4: {  	_ = 	snop  }
0x5: {  	_ = 	snop  }
0x6: {  	_ = 	snop  }
0x7: {  	_ = 	snop  }
__scs_overlays_trampoline_lowered:
0x8: {  	[smem:$0x3FA6] =	sst s0  }
0x9: {  	[smem:$0x3FA7] =	sst s1  }
0xa: {  	[smem:$0x3FA8] =	sst s2  }
0xb: {  	[smem:$0x3FA9] =	sst s3  }
0xc: {  	[smem:$0x3FAA] =	sst s4  }
0xd: {  	[smem:$0x3FAB] =	sst s5  }
0xe: {  	[smem:$0x3FAC] =	sst s6  }
0xf: {  	[smem:$0x3FAD] =	sst s7  }
0x10: {  	[smem:$0x3FAE] =	sst s8  }
0x11: {  	[smem:$0x3FAF] =	sst s9;
	s0 =	simm.s32 @!p0 $0x0  }
0x12: {  	s1 =	sld [smem:$0x3F95];
	s0 =	simm.s32 @p0 $0x1  }
0x13: {  	[smem:$0x3FB0] =	sst s0;
	s0 =	simm.s32 @!p1 $0x0  }
0x14: {  	s2 =	sld [smem:$0x3F94];
	s0 =	simm.s32 @p1 $0x1  }
0x15: {  	[smem:$0x3FB1] =	sst s0;
	s0 =	simm.s32 @!p2 $0x0  }
0x16: {  	s3 =	sld [smem:$0x3FDB];
	s0 =	simm.s32 @p2 $0x1  }
0x17: {  	s4 =	simm.s32 $0x1BF5;
	[smem:$0x3FB3] =	sst s0  }
0x18: {  	s0 =	sld [smem:$0x3F96];
	_ =	swait.ge [sflag:s4], $0x0  }
0x19: {  	s7 =	sld [smem:$0x3F97]  }
0x1a: {  	s8 =	sadd.s32 $0xFFFFE003, lr  }
0x1b: {  	s9 =	sadd.s32 $0xFFFFFEF7, lr;
	s5 =	simm.s32 $0xFFFFFFFF;
	p2 =	slt.u32 s8, $0xFFFFF086  }
0x1c: {  	p1 =	slt.u32 s9, $0xF7A;
	s5 =	simm.s32 @!p2 $0x0  }
0x1d: {  	s5 =	simm.s32 @p1 $0x1;
	p0 =	seq.s32 s7, s2  }
0x1e: {  	s7 =	smul.u32 @!p0 $0xF7A, s2;
	p2 =	seq.s32 @!p0 s5, $0x0  }
0x1f: {  	s9 =	smul.u32 $0xF7A, s1;
	s8 =	simm.s32 @!p0 $0x1BF5;
	p2 =	por !p2, p0  }
0x20: {  	[sflag:s8] =	ssyncset.s32 @!p0 $0xFFFFF086;
	s6 =	sadd.s32 @!p0 s3, s7;
	s7 =	simm.s32 @!p0 $0x108  }
0x21: {  	s3 =	sadd.s32 s3, s9;
	s6 =	sadd.s32 @!p0 $0x88, s6;
	s7 =	simm.s32 @p2 $0x1082  }
0x22: {  	[simem:s7], [sflag:s8] =	dma.local @!p0 [hbm:s6], $0xF7A  }
0x23: {  	s9 =	sor.u32 $0xD0000000, s2;
	s6 =	simm.s32 $0x108;
	_ =	swait.ge @!p0 [sflag:s8], $0x0  }
0x24: {  	s3 =	sadd.s32 $0x88, s3;
	s6 =	simm.s32 @!p1 $0x1082;
	[sflag:s4] =	ssyncset.s32 $0xFFFFF086  }
0x25: {  	[simem:s6], [sflag:s4] =	dma.local [hbm:s3], $0xF7A  }
0x26: {  	[smem:$0x3F97] =	sst s1;
	(tag) =	ssettag s2;
	_ =	strace s9  }
0x27: {  	s1 =	sld [smem:$0x3FA7]  }
0x28: {  	s2 =	sld [smem:$0x3FA8]  }
0x29: {  	s4 =	sld [smem:$0x3FAA]  }
0x2a: {  	p0 =	seq.s32 s5, $0x0;
	s5 =	sld [smem:$0x3FAB]  }
0x2b: {  	s6 =	sld [smem:$0x3FAC]  }
0x2c: {  	s7 =	sld [smem:$0x3FAD]  }
0x2d: {  	s3 =	simm.s32 $0x108;
	s8 =	sld [smem:$0x3FAE]  }
0x2e: {  	s3 =	simm.s32 @!p0 $0x1082;
	s9 =	sld [smem:$0x3FAF]  }
0x2f: {  	lr =	sadd.s32 s0, s3;
	s0 =	sld [smem:$0x3FA6]  }
0x30: {  	s3 =	sld [smem:$0x3FA9]  }
0x31: {  	[smem:$0x3FB2] =	sst s10  }
0x32: {  	s10 =	sld [smem:$0x3FB0];
	_ =	sdelay $0x3  }
0x33: {  	p0 =	seq.s32 s10, $0x1;
	s10 =	sld [smem:$0x3FB2];
	_ =	sdelay $0x3  }
0x34: {  	[smem:$0x3FB2] =	sst s10  }
0x35: {  	s10 =	sld [smem:$0x3FB1];
	_ =	sdelay $0x3  }
0x36: {  	p1 =	seq.s32 s10, $0x1;
	s10 =	sld [smem:$0x3FB2];
	_ =	sdelay $0x3  }
0x37: {  	[smem:$0x3FB2] =	sst s10  }
0x38: {  	s10 =	sld [smem:$0x3FB3]  }
0x39: {  	_ = 	snop;
	(pc) =	sbr.ind lr, $3  }
0x3a: {  	_ = 	snop  }
0x3b: {  	_ = 	snop  }
0x3c: {  	p2 =	seq.s32 s10, $0x1;
	s10 =	sld [smem:$0x3FB2]  }
0x3d: {  	_ =	shalt  }
0x3e: {  	_ =	shalt  }
0x3f: {  	_ =	shalt  }
0x40: {  	_ =	shalt  }
0x41: {  	_ =	shalt  }
0x42: {  	_ =	shalt  }
0x43: {  	_ =	shalt  }
0x44: {  	_ =	shalt  }
0x45: {  	_ =	shalt  }
0x46: {  	_ =	shalt  }
0x47: {  	_ =	shalt  }
0x48: {  	_ =	shalt  }
0x49: {  	_ =	shalt  }
0x4a: {  	_ =	shalt  }
0x4b: {  	_ =	shalt  }
0x4c: {  	_ =	shalt  }
0x4d: {  	_ =	shalt  }
0x4e: {  	_ =	shalt  }
0x4f: {  	_ =	shalt  }
0x50: {  	_ =	shalt  }
0x51: {  	_ =	shalt  }
0x52: {  	_ =	shalt  }
0x53: {  	_ =	shalt  }
0x54: {  	_ =	shalt  }
0x55: {  	_ =	shalt  }
0x56: {  	_ =	shalt  }
0x57: {  	_ =	shalt  }
0x58: {  	_ =	shalt  }
0x59: {  	_ =	shalt  }
0x5a: {  	_ =	shalt  }
0x5b: {  	_ =	shalt  }
0x5c: {  	_ =	shalt  }
0x5d: {  	_ =	shalt  }
0x5e: {  	_ =	shalt  }
0x5f: {  	_ =	shalt  }
0x60: {  	_ =	shalt  }
0x61: {  	_ =	shalt  }
0x62: {  	_ =	shalt  }
0x63: {  	_ =	shalt  }
0x64: {  	_ =	shalt  }
0x65: {  	_ =	shalt  }
0x66: {  	_ =	shalt  }
0x67: {  	_ =	shalt  }
0x68: {  	_ =	shalt  }
0x69: {  	_ =	shalt  }
0x6a: {  	_ =	shalt  }
0x6b: {  	_ =	shalt  }
0x6c: {  	_ =	shalt  }
0x6d: {  	_ =	shalt  }
0x6e: {  	_ =	shalt  }
0x6f: {  	_ =	shalt  }
0x70: {  	_ =	shalt  }
0x71: {  	_ =	shalt  }
0x72: {  	_ =	shalt  }
0x73: {  	_ =	shalt  }
0x74: {  	_ =	shalt  }
0x75: {  	_ =	shalt  }
0x76: {  	_ =	shalt  }
0x77: {  	_ =	shalt  }
0x78: {  	_ =	shalt  }
0x79: {  	_ =	shalt  }
0x7a: {  	_ =	shalt  }
0x7b: {  	_ =	shalt  }
0x7c: {  	_ =	shalt  }
0x7d: {  	_ =	shalt  }
0x7e: {  	_ =	shalt  }
0x7f: {  	_ =	shalt  }
0x80: {  	_ =	shalt  }
0x81: {  	_ =	shalt  }
0x82: {  	_ =	shalt  }
0x83: {  	_ =	shalt  }
0x84: {  	_ =	shalt  }
0x85: {  	_ =	shalt  }
0x86: {  	_ =	shalt  }
0x87: {  	_ =	shalt  }
.Lfunc_end0:
.L_simem_size_0:
called_computation.1_lowered:
.L_overlay_start_0:
0x88: {  	s2 =	sld [smem:$0x3FD9]  }
0x89: {  	s3 =	sld [smem:$0x3FFE];
	_ =	sdelay $0x1  }
0x8a: {  	s1 =	srdreg.scid  }
0x8b: {  	s0 =	sand.u32 $0x1, s1  }
0x8c: {  	s16 =	sshll.u32 s0, $0xA;
	s2 =	sadd.s32 s3, s2  }
0x8d: {  	s2 =	sadd.s32 s2, s16  }
0x8e: {  	[smem:$0x3FBE] =	sst s2  }
0x8f: {  	_ = 	snop  }
0x90: {  	(tm) =	ssettm $0x1  }
0x91: {  	s17 =	sld [smem:$0x3FFB];
	_ =	sdelay $0x3  }
0x92: {  	_ =	strace s17  }
0x93: {  	s2 =	sld [smem:$0x3FFC];
	_ =	sdelay $0x3  }
0x94: {  	_ =	strace s2  }
0x95: {  	s2 =	sld [smem:$0x3FFD];
	_ =	sdelay $0x3  }
0x96: {  	_ =	strace s2  }
0x97: {  	_ =	strace $0x8FFFFFFF  }
0x98: {  	s18 =	sld [smem:$0x3FDB];
	_ =	sdelay $0x1  }
0x99: {  	s19 =	simm.s32 $_scs_section_size  }
0x9a: {  	s4 =	simm.s32 $_size__tile_overlayer_lowered;
	s5 =	simm.s32 $_tile_overlayer_lowered  }
0x9b: {  	s22 =	simm.s32 $0x1BFF;
	s21 =	sshll.u32 s5, $0x1;
	s2 =	sadd.s32 s19, s18  }
0x9c: {  	s6 =	simm.s32 $0x0;
	s20 =	sshll.u32 s4, $0x1;
	s4 =	sadd.s32 s21, s2  }
0x9d: {  	[timem:s6], [sflag:s22] =	dma.local [hbm:s4], s20  }
0x9e: {  	_ =	swait.ge [sflag:s22], s20  }
0x9f: {  	s3 =	ssub.s32 $0x0, s20;
	[sflag:s22] =	ssyncset.done $0x0  }
0xa0: {  	[sflag:s22] =	ssyncadd.s32 s3;
	_ =	sdelay $0x1  }
0xa1: {  	s23 =	simm.s32 $0x1B8B  }
0xa2: {  	_ =	swait.ge [sflag:s23], $0x1  }
0xa3: {  	[sflag:s23] =	ssyncset.done $0x0  }
0xa4: {  	s25 =	simm.s32 $0x1B8E;
	s24 =	sld [smem:$0x3FFE];
	[sflag:s23] =	ssyncadd.s32 $0xFFFFFFFF  }
0xa5: {  	s26 =	simm.s32 $execute0_lowered;
	[smem:$0x3FD2] =	sst s25  }
0xa6: {  	s4 =	sshll.u32 s26, $0x1;
	_ =	strace $0x80000049;
	[dreg:$0x1] =	wrdreg $0xFFFFFFFF  }
0xa7: {  	s28 =	simm.s32 $_size_execute0_lowered;
	s2 =	sadd.s32 s2, s4;
	[dreg:$0x0] =	wrdreg $0x0  }
0xa8: {  	s4 =	sshll.u32 s28, $0x1;
	[dreg:$0x2] =	wrdreg s2  }
0xa9: {  	[dreg:$0x3] =	wrdreg s4  }
0xaa: {  	[dreg:$0x4] =	wrdreg $0xC0  }
0xab: {  	_ =	task [dreg:s6], $0x5FFFF  }
0xac: {  	[dreg:$0x1] =	wrdreg $0xFFFFFFFF  }
0xad: {  	[dreg:$0x0] =	wrdreg $0x60  }
0xae: {  	[dreg:$0x2] =	wrdreg s24  }
0xaf: {  	[dreg:$0x3] =	wrdreg $0x11F000  }
0xb0: {  	[dreg:$0x4] =	wrdreg $0x9  }
0xb1: {  	_ =	task.clear_ibuf [dreg:s6], $0x5FFFF;
	_ =	strace $0x90000049  }
0xb2: {  	s29 =	simm.s32 $0x9;
	_ =	strace $0x8000004B  }
0xb3: {  	_ =	swait.ge [sflag:s29], $0x1  }
0xb4: {  	[sflag:s29] =	ssyncadd.s32 $0xFFFFFFFF  }
0xb5: {  	_ =	strace $0x9000004B  }
0xb6: {  	_ =	sfence  }
0xb7: {  	s30 =	sld [smem:$0x0];
	_ =	sdelay $0x2  }
0xb8: {  	s31 =	sshll.u32 s1, $0xD;
	s1 =	sshrl.u32 s1, $0x2  }
0xb9: {  	s3 =	sand.u32 $0x4000, s31;
	s1 =	sadd.s32 s1, s30  }
0xba: {  	s0 =	sor.u32 s3, s0;
	s1 =	sshll.u32 s1, $0x11  }
0xbb: {  	s0 =	sor.u32 s1, s0  }
0xbc: {  	s0 =	sadd.s32 $0x8F2B, s0  }
0xbd: {  	[sflag:s0] =	ssyncadd.remote.s32 $0x1  }
0xbe: {  	_ =	sfence.sel $0xFFFF  }
0xbf: {  	[dreg:$0x0] =	wrdreg $0xFFFFFFFF;
	(pc) =	sbr.abs _section_cstart, $3  }
0xc0: {  	[dreg:$0x1] =	wrdreg $0xFFFFFFFF  }
0xc1: {  	_ =	task.clear_ibuf [dreg:s6], $0x2FFFF;
	_ =	strace $0x9FFFFFFF  }
0xc2: {  	(tm) =	ssettm $0x7FFFFFFF  }
0xc3: {  	_ =	shalt  }
tec
execute0_lowered:
.L_overlay_start_1:
0x0: {  	(tag) =	ssettag $0x1  }
0x1: {  	s0 =	rddreg [dreg:$0x0]  }
0x2: {  	s1 =	rddreg [dreg:$0x1];
	s2 =	simm.s32 $0x0  }
0x3: {  	s11 =	stileid.u32;
	s3 =	srdreg.scid;
	s16 =	simm.s32 $0x80  }
0x4: {  	s17 =	simm.s32 $0x10;
	s29 =	simm.s32 $0x16;
	s31 =	simm.s32 $0x17  }
0x5: {  	s19 =	simm.s32 $0x19;
	s15 =	simm.s32 $0x7F00;
	s30 =	simm.s32 $0xBF00  }
0x6: {  	s12 =	simm.s32 $0xCF00;
	s14 =	simm.s32 $0x1;
	s18 =	simm.s32 $0x4  }
0x7: {  	[smem:$0x7FF] =	sst s2;
	s4 =	sadd.s32 $0x1A00, s0;
	s20 =	smul.u32 $0x5000, s11  }
0x8: {  	s5 =	sadd.s32 $0xDE00, s0;
	s3 =	sand.u32 $0x1, s3;
	s6 =	smul.u32 $0x14000, s11  }
0x9: {  	s9 =	sshll.u32 s11, $0x1;
	s25 =	sshll.u32 s11, $0x6;
	p0 =	sgt.u32 s11, $0x1  }
0xa: {  	s11 =	simm.s32 $0xAF00;
	_ =	strace $0x8000004A;
	s8 =	sshll.u32 s3, $0x6  }
0xb: {  	s21 =	ssub.s32 $0x2, s3;
	s3 =	sor.u32 s3, s9;
	s9 =	simm.s32 $0x8F00  }
0xc: {  	s7 =	sshrl.u32 s20, $0x3;
	s6 =	sor.u32 s8, s6;
	s22 =	sshrl.u32 s21, $0x1  }
0xd: {  	s10 =	smul.u32 $0x2700, s3;
	s2 =	sadd.s32 s20, s1;
	s3 =	sshll.u32 s3, $0x4  }
0xe: {  	s8 =	sor.u32 $0x1C1B, s25;
	s20 =	simm.s32 $0x12;
	s25 =	simm.s32 $0x4F00  }
0xf: {  	s6 =	sshrl.u32 s6, $0x3;
	s7 =	sadd.s32 s7, s0;
	s23 =	ssub.s32 s21, s22  }
0x10: {  	s3 =	sadd.s32 s3, s5;
	s28 =	sshrl.u32 s2, $0x3;
	s22 =	simm.s32 $0x13  }
0x11: {  	s2 =	simm.s32 $0x18;
	[dreg:$0x5] =	wrdreg s8;
	s0 =	sadd.s32 s6, s0  }
0x12: {  	s7 =	sadd.s32 $0x21800, s7;
	s24 =	sshrl.u32 s10, $0x3;
	[dreg:$0xb] =	wrdreg s28  }
0x13: {  	s26 =	smax.u32 s23, $0x1;
	s23 =	simm.s32 $0x1A;
	[dreg:$0x3] =	wrdreg s7  }
0x14: {  	s10 =	simm.s32 $0x9F00;
	s7 =	sadd.s32 s5, s24;
	[dreg:$0xa] =	wrdreg s26  }
.Ltmp0:
0x15: {  	s5 =	sadd.s32 $0x9C00, s3;
	[dreg:$0x4] =	wrdreg s7;
	(pc) =	sbr.rel .LBB2_1-.Ltmp0, $4  }
0x16: {  	s6 =	simm.s32 $0xDF00;
	s3 =	sadd.s32 $0x13840, s3;
	[dreg:$0x7] =	wrdreg s5  }
0x17: {  	s0 =	sadd.s32 $0x2B800, s0;
	s24 =	simm.s32 $0x14;
	[dreg:$0x8] =	wrdreg s3  }
0x18: {  	s26 =	simm.s32 $0x15;
	s7 =	sadd.s32 $0x9C40, s7;
	[dreg:$0x9] =	wrdreg s0  }
0x19: {  	s3 =	simm.s32 $0x0;
	[dreg:$0x6] =	wrdreg s7;
	s7 =	simm.s32 $0xFF00  }
.LBB2_3:
0x1a: {  	s0 =	simm.s32 $0xF  }
0x1b: {  	_ =	swait.ge [sflag:s0], $0x1000  }
0x1c: {  	[sflag:s0] =	ssyncset.done $0x0  }
0x1d: {  	[sflag:s0] =	ssyncadd.s32 $0xFFFFF000  }
0x1e: {  	_ =	swait.ge [sflag:s17], $0x1000  }
0x1f: {  	[sflag:s17] =	ssyncset.done $0x0  }
0x20: {  	s28 =	simm.s32 $0x11;
	[sflag:s17] =	ssyncadd.s32 $0xFFFFF000  }
0x21: {  	_ =	swait.ge [sflag:s28], $0x1000  }
0x22: {  	[sflag:s28] =	ssyncset.done $0x0  }
0x23: {  	[sflag:s28] =	ssyncadd.s32 $0xFFFFF000  }
0x24: {  	_ =	swait.ge [sflag:s20], $0x1000  }
0x25: {  	[sflag:s20] =	ssyncset.done $0x0  }
0x26: {  	[sflag:s20] =	ssyncadd.s32 $0xFFFFF000  }
0x27: {  	_ =	swait.ge [sflag:s22], $0x1000  }
0x28: {  	[sflag:s22] =	ssyncset.done $0x0  }
0x29: {  	[sflag:s22] =	ssyncadd.s32 $0xFFFFF000  }
0x2a: {  	_ =	swait.ge [sflag:s24], $0x1000  }
0x2b: {  	[sflag:s24] =	ssyncset.done $0x0  }
0x2c: {  	[sflag:s24] =	ssyncadd.s32 $0xFFFFF000  }
0x2d: {  	_ =	swait.ge [sflag:s26], $0x1000  }
0x2e: {  	[sflag:s26] =	ssyncset.done $0x0  }
0x2f: {  	[sflag:s26] =	ssyncadd.s32 $0xFFFFF000  }
0x30: {  	_ =	swait.ge [sflag:s29], $0x1000  }
0x31: {  	[sflag:s29] =	ssyncset.done $0x0  }
0x32: {  	[sflag:s29] =	ssyncadd.s32 $0xFFFFF000  }
0x33: {  	_ =	swait.ge [sflag:s31], $0x1000  }
0x34: {  	[sflag:s31] =	ssyncset.done $0x0  }
0x35: {  	[sflag:s31] =	ssyncadd.s32 $0xFFFFF000  }
0x36: {  	_ =	swait.ge [sflag:s2], $0x1000  }
0x37: {  	[sflag:s2] =	ssyncset.done $0x0  }
0x38: {  	[sflag:s2] =	ssyncadd.s32 $0xFFFFF000  }
0x39: {  	_ =	swait.ge [sflag:s19], $0x1000  }
0x3a: {  	[sflag:s19] =	ssyncset.done $0x0  }
0x3b: {  	[sflag:s19] =	ssyncadd.s32 $0xFFFFF000  }
0x3c: {  	_ =	swait.ge [sflag:s23], $0x1000  }
0x3d: {  	[sflag:s23] =	ssyncset.done $0x0  }
0x3e: {  	[sflag:s23] =	ssyncadd.s32 $0xFFFFF000  }
.LBB2_5:
0x3f: {  	s0 =	simm.s32 @!p0 $0x80;
	s21 =	simm.s32 @!p0 $0x4E00;
	s28 =	simm.s32 @!p0 $0x4F00  }
0x40: {  	[tilespmem:s28], [sflag:$0x1] =	stream.indirect.gather @!p0 [hbm4b:s4+s0], $0x20, s21, s0, $0xb8;
	[tilespmem:$0x16F00] =	vst v63  }
0x41: {  	s21 =	simm.s32 @!p0 $0x1  }
0x42: {  	_ =	swait.ge @!p0 [sflag:s21], $0x1000  }
0x43: {  	[sflag:s21] =	ssyncset.done @!p0 $0x0  }
0x44: {  	[sflag:s21] =	ssyncadd.s32 @!p0 $0xFFFFF000;
	s21 =	simm.s32 @!p0 $0x4E80  }
0x45: {  	[spmem:s1] =	stream.indirect.scatter.add.f32 @!p0 [tilespmem:s28], [sflag:$0xE], $0x20, s21, s0, $0xb8;
	[tilespmem:$0x16F00] =	vst v63  }
0x46: {  	s0 =	simm.s32 @!p0 $0xE  }
0x47: {  	_ =	swait.ge @!p0 [sflag:s0], $0x1000  }
0x48: {  	[sflag:s0] =	ssyncset.done @!p0 $0x0  }
0x49: {  	[sflag:s0] =	ssyncadd.s32 @!p0 $0xFFFFF000  }
0x4a: {  	[bflag:$0x0] =	sbarrier.arrive $0xFFFF  }
0x4b: {  	s8 =	rddreg [dreg:$0x5]  }
0x4c: {  	s3 =	rddreg [dreg:$0x9]  }
0x4d: {  	s5 =	simm.s32 $0x1B;
	s28 =	rddreg [dreg:$0xb]  }
0x4e: {  	[hbm:s3@s17], [sflag:s8] =	dma.strided [spmem:s28@s18], $0xA00, s14, $0x4   }
0x4f: {  	_ =	swait.ge [sflag:s5], $0xA00  }
0x50: {  	s3 =	rddreg [dreg:$0xc]  }
0x51: {  	s13 =	rddreg [dreg:$0xa];
	s3 =	sadd.s32 $0x1, s3  }
0x52: {  	p1 =	sne.s32 s3, s13  }
.Ltmp1:
0x53: {  	_ = 	snop;
	(pc) =	sbr.rel @!p1 .LBB2_6-.Ltmp1, $3  }
0x54: {  	_ =	sdelay $0x1  }
0x55: {  	s21 =	simm.s32 $0x1B;
	[sflag:s5] =	ssyncset.done $0x0  }
0x56: {  	[sflag:s21] =	ssyncadd.s32 $0xFFFFF600  }
.LBB2_1:
0x57: {  	[dreg:$0xc] =	wrdreg s3  }
0x58: {  	s21 =	simm.s32 $0x1B;
	s0 =	rddreg [dreg:$0x3]  }
0x59: {  	[spmem:s28], [sflag:s8] =	dma.local [hbm:s0], $0xA00  }
0x5a: {  	_ =	swait.ge [sflag:s21], $0xA00  }
0x5b: {  	[sflag:s21] =	ssyncset.done $0x0  }
0x5c: {  	s3 =	simm.s32 $0x0;
	s8 =	rddreg [dreg:$0x4];
	[sflag:s21] =	ssyncadd.s32 $0xFFFFF600  }
0x5d: {  	[tilespmem:s3], [sflag:$0x1B] =	stream.linear.gather [hbm4b:s8+s3], $0x2700, $0x38;
	[tilespmem:$0x16F00] =	vst v63  }
0x5e: {  	_ =	swait.ge [sflag:s21], $0x2700  }
0x5f: {  	[sflag:s21] =	ssyncset.done $0x0  }
0x60: {  	s28 =	simm.s32 $0x2700;
	s13 =	rddreg [dreg:$0x6];
	[sflag:s21] =	ssyncadd.s32 $0xFFFFD900  }
0x61: {  	[tilespmem:s28], [sflag:$0x1B] =	stream.linear.gather [hbm4b:s13+s3], $0x2700, $0x38;
	[tilespmem:$0x16F00] =	vst v63  }
0x62: {  	_ =	swait.ge [sflag:s21], $0x2700  }
0x63: {  	s5 =	simm.s32 @!p0 $0x0;
	[sflag:s21] =	ssyncset.done $0x0  }
0x64: {  	s28 =	simm.s32 @!p0 $0x4E00;
	s0 =	rddreg [dreg:$0x7];
	[sflag:s21] =	ssyncadd.s32 $0xFFFFD900  }
0x65: {  	[tilespmem:s28], [sflag:$0x1B] =	stream.linear.gather @!p0 [hbm4b:s0+s5], $0x80, $0x38;
	[tilespmem:$0x16F00] =	vst v63  }
0x66: {  	s28 =	simm.s32 @!p0 $0x1B  }
0x67: {  	_ =	swait.ge @!p0 [sflag:s28], $0x80  }
0x68: {  	[sflag:s28] =	ssyncset.done @!p0 $0x0  }
0x69: {  	s0 =	simm.s32 @!p0 $0x4E80;
	s21 =	rddreg [dreg:$0x8];
	[sflag:s28] =	ssyncadd.s32 @!p0 $0xFFFFFF80  }
0x6a: {  	[tilespmem:s0], [sflag:$0x1B] =	stream.linear.gather @!p0 [hbm4b:s21+s5], $0x80, $0x38;
	[tilespmem:$0x16F00] =	vst v63  }
0x6b: {  	_ =	swait.ge @!p0 [sflag:s28], $0x80  }
0x6c: {  	[sflag:s28] =	ssyncset.done @!p0 $0x0  }
0x6d: {  	[sflag:s28] =	ssyncadd.s32 @!p0 $0xFFFFFF80  }
0x6e: {  	[bflag:$0x0] =	sbarrier.arrive $0xFFFF  }
0x6f: {  	[tilespmem:s25], [sflag:$0x1] =	stream.indirect.gather [hbm4b:s4+s16], $0x20, s3, s16, $0xb8;
	[tilespmem:$0x16F00] =	vst v63  }
0x70: {  	s5 =	simm.s32 $0x5F00  }
0x71: {  	[tilespmem:s5], [sflag:$0x2] =	stream.indirect.gather [hbm4b:s4+s16], $0x20, s16, s16, $0xb8;
	[tilespmem:$0x16F00] =	vst v63  }
0x72: {  	s8 =	simm.s32 $0x6F00;
	s3 =	simm.s32 $0x100  }
0x73: {  	[tilespmem:s8], [sflag:$0x3] =	stream.indirect.gather [hbm4b:s4+s16], $0x20, s3, s16, $0xb8;
	[tilespmem:$0x16F00] =	vst v63  }
0x74: {  	s13 =	simm.s32 $0x180  }
0x75: {  	[tilespmem:s15], [sflag:$0x4] =	stream.indirect.gather [hbm4b:s4+s16], $0x20, s13, s16, $0xb8;
	[tilespmem:$0x16F00] =	vst v63  }
0x76: {  	s21 =	simm.s32 $0x200  }
0x77: {  	[tilespmem:s9], [sflag:$0x5] =	stream.indirect.gather [hbm4b:s4+s16], $0x20, s21, s16, $0xb8;
	[tilespmem:$0x16F00] =	vst v63  }
0x78: {  	s3 =	simm.s32 $0x280  }
0x79: {  	[tilespmem:s10], [sflag:$0x6] =	stream.indirect.gather [hbm4b:s4+s16], $0x20, s3, s16, $0xb8;
	[tilespmem:$0x16F00] =	vst v63  }
0x7a: {  	s13 =	simm.s32 $0x300  }
0x7b: {  	[tilespmem:s11], [sflag:$0x7] =	stream.indirect.gather [hbm4b:s4+s16], $0x20, s13, s16, $0xb8;
	[tilespmem:$0x16F00] =	vst v63  }
0x7c: {  	s21 =	simm.s32 $0x380  }
0x7d: {  	[tilespmem:s30], [sflag:$0x8] =	stream.indirect.gather [hbm4b:s4+s16], $0x20, s21, s16, $0xb8;
	[tilespmem:$0x16F00] =	vst v63  }
0x7e: {  	s3 =	simm.s32 $0x400  }
0x7f: {  	[tilespmem:s12], [sflag:$0x9] =	stream.indirect.gather [hbm4b:s4+s16], $0x20, s3, s16, $0xb8;
	[tilespmem:$0x16F00] =	vst v63  }
0x80: {  	s13 =	simm.s32 $0x480  }
0x81: {  	[tilespmem:s6], [sflag:$0xA] =	stream.indirect.gather [hbm4b:s4+s16], $0x20, s13, s16, $0xb8;
	[tilespmem:$0x16F00] =	vst v63  }
0x82: {  	s21 =	simm.s32 $0x500;
	s3 =	simm.s32 $0xEF00  }
0x83: {  	[tilespmem:s3], [sflag:$0xB] =	stream.indirect.gather [hbm4b:s4+s16], $0x20, s21, s16, $0xb8;
	[tilespmem:$0x16F00] =	vst v63  }
0x84: {  	s13 =	simm.s32 $0x580  }
0x85: {  	[tilespmem:s7], [sflag:$0xC] =	stream.indirect.gather [hbm4b:s4+s16], $0x20, s13, s16, $0xb8;
	[tilespmem:$0x16F00] =	vst v63  }
0x86: {  	s28 =	simm.s32 $0x0;
	s21 =	simm.s32 $0x600;
	s13 =	simm.s32 $0x10F00  }
0x87: {  	[tilespmem:s13], [sflag:$0xD] =	stream.indirect.gather [hbm4b:s4+s16], $0x20, s21, s16, $0xb8;
	[tilespmem:$0x16F00] =	vst v63  }
.LBB2_2:
0x88: {  	s21 =	simm.s32 $0x1  }
0x89: {  	_ =	swait.ge [sflag:s21], $0x1000  }
0x8a: {  	s0 =	sshra.s32 s28, $0x2;
	[sflag:s21] =	ssyncset.done $0x0  }
0x8b: {  	[sflag:s21] =	ssyncadd.s32 $0xFFFFF000;
	s21 =	sadd.s32 $0x2700, s0  }
0x8c: {  	[spmem:s1] =	stream.indirect.scatter.add.f32 [tilespmem:s25], [sflag:$0xE], $0x20, s21, s16, $0xb8;
	[tilespmem:$0x16F00] =	vst v63  }
0x8d: {  	s21 =	simm.s32 $0x2  }
0x8e: {  	_ =	swait.ge [sflag:s21], $0x1000  }
0x8f: {  	[sflag:s21] =	ssyncset.done $0x0  }
0x90: {  	[sflag:s21] =	ssyncadd.s32 $0xFFFFF000;
	s21 =	sadd.s32 $0x2780, s0  }
0x91: {  	[spmem:s1] =	stream.indirect.scatter.add.f32 [tilespmem:s5], [sflag:$0xF], $0x20, s21, s16, $0xb8;
	[tilespmem:$0x16F00] =	vst v63  }
0x92: {  	s21 =	simm.s32 $0x3  }
0x93: {  	_ =	swait.ge [sflag:s21], $0x1000  }
0x94: {  	[sflag:s21] =	ssyncset.done $0x0  }
0x95: {  	[sflag:s21] =	ssyncadd.s32 $0xFFFFF000;
	s21 =	sadd.s32 $0x2800, s0  }
0x96: {  	[spmem:s1] =	stream.indirect.scatter.add.f32 [tilespmem:s8], [sflag:$0x10], $0x20, s21, s16, $0xb8;
	[tilespmem:$0x16F00] =	vst v63  }
0x97: {  	s21 =	simm.s32 $0x4  }
0x98: {  	_ =	swait.ge [sflag:s21], $0x1000  }
0x99: {  	[sflag:s21] =	ssyncset.done $0x0  }
0x9a: {  	[sflag:s21] =	ssyncadd.s32 $0xFFFFF000;
	s21 =	sadd.s32 $0x2880, s0  }
0x9b: {  	[spmem:s1] =	stream.indirect.scatter.add.f32 [tilespmem:s15], [sflag:$0x11], $0x20, s21, s16, $0xb8;
	[tilespmem:$0x16F00] =	vst v63  }
0x9c: {  	s21 =	simm.s32 $0x5  }
0x9d: {  	_ =	swait.ge [sflag:s21], $0x1000  }
0x9e: {  	[sflag:s21] =	ssyncset.done $0x0  }
0x9f: {  	[sflag:s21] =	ssyncadd.s32 $0xFFFFF000;
	s21 =	sadd.s32 $0x2900, s0  }
0xa0: {  	[spmem:s1] =	stream.indirect.scatter.add.f32 [tilespmem:s9], [sflag:$0x12], $0x20, s21, s16, $0xb8;
	[tilespmem:$0x16F00] =	vst v63  }
0xa1: {  	s21 =	simm.s32 $0x6  }
0xa2: {  	_ =	swait.ge [sflag:s21], $0x1000  }
0xa3: {  	[sflag:s21] =	ssyncset.done $0x0  }
0xa4: {  	[sflag:s21] =	ssyncadd.s32 $0xFFFFF000;
	s21 =	sadd.s32 $0x2980, s0  }
0xa5: {  	[spmem:s1] =	stream.indirect.scatter.add.f32 [tilespmem:s10], [sflag:$0x13], $0x20, s21, s16, $0xb8;
	[tilespmem:$0x16F00] =	vst v63  }
0xa6: {  	s21 =	simm.s32 $0x7  }
0xa7: {  	_ =	swait.ge [sflag:s21], $0x1000  }
0xa8: {  	[sflag:s21] =	ssyncset.done $0x0  }
0xa9: {  	[sflag:s21] =	ssyncadd.s32 $0xFFFFF000;
	s21 =	sadd.s32 $0x2A00, s0  }
0xaa: {  	[spmem:s1] =	stream.indirect.scatter.add.f32 [tilespmem:s11], [sflag:$0x14], $0x20, s21, s16, $0xb8;
	[tilespmem:$0x16F00] =	vst v63  }
0xab: {  	s21 =	simm.s32 $0x8  }
0xac: {  	_ =	swait.ge [sflag:s21], $0x1000  }
0xad: {  	[sflag:s21] =	ssyncset.done $0x0  }
0xae: {  	[sflag:s21] =	ssyncadd.s32 $0xFFFFF000;
	s21 =	sadd.s32 $0x2A80, s0  }
0xaf: {  	[spmem:s1] =	stream.indirect.scatter.add.f32 [tilespmem:s30], [sflag:$0x15], $0x20, s21, s16, $0xb8;
	[tilespmem:$0x16F00] =	vst v63  }
0xb0: {  	s21 =	simm.s32 $0x9  }
0xb1: {  	_ =	swait.ge [sflag:s21], $0x1000  }
0xb2: {  	[sflag:s21] =	ssyncset.done $0x0  }
0xb3: {  	[sflag:s21] =	ssyncadd.s32 $0xFFFFF000;
	s21 =	sadd.s32 $0x2B00, s0  }
0xb4: {  	[spmem:s1] =	stream.indirect.scatter.add.f32 [tilespmem:s12], [sflag:$0x16], $0x20, s21, s16, $0xb8;
	[tilespmem:$0x16F00] =	vst v63  }
0xb5: {  	s21 =	simm.s32 $0xA  }
0xb6: {  	_ =	swait.ge [sflag:s21], $0x1000  }
0xb7: {  	[sflag:s21] =	ssyncset.done $0x0  }
0xb8: {  	[sflag:s21] =	ssyncadd.s32 $0xFFFFF000;
	s21 =	sadd.s32 $0x2B80, s0  }
0xb9: {  	[spmem:s1] =	stream.indirect.scatter.add.f32 [tilespmem:s6], [sflag:$0x17], $0x20, s21, s16, $0xb8;
	[tilespmem:$0x16F00] =	vst v63  }
0xba: {  	s21 =	simm.s32 $0xB  }
0xbb: {  	_ =	swait.ge [sflag:s21], $0x1000  }
0xbc: {  	[sflag:s21] =	ssyncset.done $0x0  }
0xbd: {  	[sflag:s21] =	ssyncadd.s32 $0xFFFFF000;
	s21 =	sadd.s32 $0x2C00, s0  }
0xbe: {  	[spmem:s1] =	stream.indirect.scatter.add.f32 [tilespmem:s3], [sflag:$0x18], $0x20, s21, s16, $0xb8;
	[tilespmem:$0x16F00] =	vst v63  }
0xbf: {  	s21 =	simm.s32 $0xC  }
0xc0: {  	_ =	swait.ge [sflag:s21], $0x1000  }
0xc1: {  	[sflag:s21] =	ssyncset.done $0x0  }
0xc2: {  	[sflag:s21] =	ssyncadd.s32 $0xFFFFF000;
	s21 =	sadd.s32 $0x2C80, s0  }
0xc3: {  	[spmem:s1] =	stream.indirect.scatter.add.f32 [tilespmem:s7], [sflag:$0x19], $0x20, s21, s16, $0xb8;
	[tilespmem:$0x16F00] =	vst v63  }
0xc4: {  	s21 =	simm.s32 $0xD  }
0xc5: {  	_ =	swait.ge [sflag:s21], $0x1000  }
0xc6: {  	[sflag:s21] =	ssyncset.done $0x0  }
0xc7: {  	p1 =	sne.s32 s28, $0x8200;
	[sflag:s21] =	ssyncadd.s32 $0xFFFFF000;
	s21 =	sadd.s32 $0x2D00, s0  }
0xc8: {  	[spmem:s1] =	stream.indirect.scatter.add.f32 [tilespmem:s13], [sflag:$0x1A], $0x20, s21, s16, $0xb8;
	[tilespmem:$0x16F00] =	vst v63  }
.Ltmp2:
0xc9: {  	_ = 	snop;
	(pc) =	sbr.rel @!p1 .LBB2_3-.Ltmp2, $4  }
0xca: {  	s21 =	simm.s32 $0xE  }
0xcb: {  	_ =	swait.ge [sflag:s21], $0x1000  }
0xcc: {  	[sflag:s21] =	ssyncset.done $0x0  }
0xcd: {  	[sflag:s21] =	ssyncadd.s32 $0xFFFFF000  }
0xce: {  	s21 =	sadd.s32 $0x680, s0  }
0xcf: {  	[tilespmem:s25], [sflag:$0x1] =	stream.indirect.gather [hbm4b:s4+s16], $0x20, s21, s16, $0xb8;
	[tilespmem:$0x16F00] =	vst v63  }
0xd0: {  	s21 =	simm.s32 $0xF  }
0xd1: {  	_ =	swait.ge [sflag:s21], $0x1000  }
0xd2: {  	[sflag:s21] =	ssyncset.done $0x0  }
0xd3: {  	[sflag:s21] =	ssyncadd.s32 $0xFFFFF000;
	s21 =	sadd.s32 $0x700, s0  }
0xd4: {  	[tilespmem:s5], [sflag:$0x2] =	stream.indirect.gather [hbm4b:s4+s16], $0x20, s21, s16, $0xb8;
	[tilespmem:$0x16F00] =	vst v63  }
0xd5: {  	_ =	swait.ge [sflag:s17], $0x1000  }
0xd6: {  	[sflag:s17] =	ssyncset.done $0x0  }
0xd7: {  	s21 =	sadd.s32 $0x780, s0;
	[sflag:s17] =	ssyncadd.s32 $0xFFFFF000  }
0xd8: {  	[tilespmem:s8], [sflag:$0x3] =	stream.indirect.gather [hbm4b:s4+s16], $0x20, s21, s16, $0xb8;
	[tilespmem:$0x16F00] =	vst v63  }
0xd9: {  	s21 =	simm.s32 $0x11  }
0xda: {  	_ =	swait.ge [sflag:s21], $0x1000  }
0xdb: {  	[sflag:s21] =	ssyncset.done $0x0  }
0xdc: {  	[sflag:s21] =	ssyncadd.s32 $0xFFFFF000;
	s21 =	sadd.s32 $0x800, s0  }
0xdd: {  	[tilespmem:s15], [sflag:$0x4] =	stream.indirect.gather [hbm4b:s4+s16], $0x20, s21, s16, $0xb8;
	[tilespmem:$0x16F00] =	vst v63  }
0xde: {  	_ =	swait.ge [sflag:s20], $0x1000  }
0xdf: {  	[sflag:s20] =	ssyncset.done $0x0  }
0xe0: {  	s21 =	sadd.s32 $0x880, s0;
	[sflag:s20] =	ssyncadd.s32 $0xFFFFF000  }
0xe1: {  	[tilespmem:s9], [sflag:$0x5] =	stream.indirect.gather [hbm4b:s4+s16], $0x20, s21, s16, $0xb8;
	[tilespmem:$0x16F00] =	vst v63  }
0xe2: {  	_ =	swait.ge [sflag:s22], $0x1000  }
0xe3: {  	[sflag:s22] =	ssyncset.done $0x0  }
0xe4: {  	s21 =	sadd.s32 $0x900, s0;
	[sflag:s22] =	ssyncadd.s32 $0xFFFFF000  }
0xe5: {  	[tilespmem:s10], [sflag:$0x6] =	stream.indirect.gather [hbm4b:s4+s16], $0x20, s21, s16, $0xb8;
	[tilespmem:$0x16F00] =	vst v63  }
0xe6: {  	_ =	swait.ge [sflag:s24], $0x1000  }
0xe7: {  	[sflag:s24] =	ssyncset.done $0x0  }
0xe8: {  	s21 =	sadd.s32 $0x980, s0;
	[sflag:s24] =	ssyncadd.s32 $0xFFFFF000  }
0xe9: {  	[tilespmem:s11], [sflag:$0x7] =	stream.indirect.gather [hbm4b:s4+s16], $0x20, s21, s16, $0xb8;
	[tilespmem:$0x16F00] =	vst v63  }
0xea: {  	_ =	swait.ge [sflag:s26], $0x1000  }
0xeb: {  	[sflag:s26] =	ssyncset.done $0x0  }
0xec: {  	s21 =	sadd.s32 $0xA00, s0;
	[sflag:s26] =	ssyncadd.s32 $0xFFFFF000  }
0xed: {  	[tilespmem:s30], [sflag:$0x8] =	stream.indirect.gather [hbm4b:s4+s16], $0x20, s21, s16, $0xb8;
	[tilespmem:$0x16F00] =	vst v63  }
0xee: {  	_ =	swait.ge [sflag:s29], $0x1000  }
0xef: {  	[sflag:s29] =	ssyncset.done $0x0  }
0xf0: {  	s21 =	sadd.s32 $0xA80, s0;
	[sflag:s29] =	ssyncadd.s32 $0xFFFFF000  }
0xf1: {  	[tilespmem:s12], [sflag:$0x9] =	stream.indirect.gather [hbm4b:s4+s16], $0x20, s21, s16, $0xb8;
	[tilespmem:$0x16F00] =	vst v63  }
0xf2: {  	_ =	swait.ge [sflag:s31], $0x1000  }
0xf3: {  	[sflag:s31] =	ssyncset.done $0x0  }
0xf4: {  	s21 =	sadd.s32 $0xB00, s0;
	[sflag:s31] =	ssyncadd.s32 $0xFFFFF000  }
0xf5: {  	[tilespmem:s6], [sflag:$0xA] =	stream.indirect.gather [hbm4b:s4+s16], $0x20, s21, s16, $0xb8;
	[tilespmem:$0x16F00] =	vst v63  }
0xf6: {  	_ =	swait.ge [sflag:s2], $0x1000  }
0xf7: {  	[sflag:s2] =	ssyncset.done $0x0  }
0xf8: {  	s21 =	sadd.s32 $0xB80, s0;
	[sflag:s2] =	ssyncadd.s32 $0xFFFFF000  }
0xf9: {  	[tilespmem:s3], [sflag:$0xB] =	stream.indirect.gather [hbm4b:s4+s16], $0x20, s21, s16, $0xb8;
	[tilespmem:$0x16F00] =	vst v63  }
0xfa: {  	_ =	swait.ge [sflag:s19], $0x1000  }
0xfb: {  	s28 =	sadd.s32 $0x1A00, s28;
	[sflag:s19] =	ssyncset.done $0x0  }
0xfc: {  	p1 =	sne.s32 s28, $0x9C00;
	s21 =	sadd.s32 $0xC00, s0;
	[sflag:s19] =	ssyncadd.s32 $0xFFFFF000  }
0xfd: {  	[tilespmem:s7], [sflag:$0xC] =	stream.indirect.gather [hbm4b:s4+s16], $0x20, s21, s16, $0xb8;
	[tilespmem:$0x16F00] =	vst v63  }
.Ltmp3:
0xfe: {  	_ = 	snop;
	(pc) =	sbr.rel @p1 .LBB2_2-.Ltmp3, $4  }
.Ltmp4:
0xff: {  	_ =	swait.ge [sflag:s23], $0x1000;
	(pc) =	sbr.rel @!p1 .LBB2_5-.Ltmp4, $4  }
0x100: {  	[sflag:s23] =	ssyncset.done $0x0  }
0x101: {  	s13 =	simm.s32 $0x10F00;
	s21 =	sadd.s32 $0xC80, s0;
	[sflag:s23] =	ssyncadd.s32 $0xFFFFF000  }
0x102: {  	[tilespmem:s13], [sflag:$0xD] =	stream.indirect.gather [hbm4b:s4+s16], $0x20, s21, s16, $0xb8;
	[tilespmem:$0x16F00] =	vst v63  }
0x103: {  	_ = 	snop  }
.LBB2_6:
0x104: {  	_ =	sfence.sel $0x180000  }
0x105: {  	[bflag:$0x0] =	sbarrier.arrive $0xFFFF  }
0x106: {  	_ =	strace $0x9000004A  }
0x107: {  	s0 =	stileid.u32;
	[bflag:$0x2] =	sbarrier.arrive $0xFFFF  }
0x108: {  	p0 =	sne.s32 s0, $0x0;
	s0 =	rddreg [dreg:$0x2]  }
0x109: {  	s0 =	sadd.s32 @!p0 $0x100000, s0  }
0x10a: {  	[sflag:s0] =	ssyncadd.tile.s32 @!p0 $0x1;
	_ =	shalt  }
.Lfunc_end2:
_tile_overlayer_lowered:
.L_overlay_start_2:
0x10b: {  	(tag) =	ssettag $0x2  }
0x10c: {  	s0 =	rddreg [dreg:$0x0];
	s2 =	stileid.u32  }
0x10d: {  	s1 =	rddreg [dreg:$0x1];
	p0 =	sne.s32 s2, $0x0  }
0x10e: {  	s3 =	rddreg [dreg:$0x2];
	[bflag:$0x3] =	sbarrier.arrive $0xFFFF;
	s2 =	simm.s32 @!p0 $0x1C1B  }
0x10f: {  	[timem:s3], [sflag:s2] =	dma.local @!p0 [hbm:s0], s1  }
0x110: {  	s0 =	simm.s32 @!p0 $0x1B  }
0x111: {  	_ =	swait.ge @!p0 [sflag:s0], s1  }
0x112: {  	s1 =	ssub.s32 @!p0 $0x0, s1;
	[sflag:s0] =	ssyncset.done @!p0 $0x0  }
0x113: {  	[sflag:s0] =	ssyncadd.s32 @!p0 s1  }
0x114: {  	[bflag:$0x3] =	sbarrier.arrive $0xFFFF  }
0x115: {  	_ =	shalt  }

// kernel: kernel.7.cloned.1.call-start
scs
__scs_entry_jumppad:
0x0: {  	(pc) =	sbr.rel $0x88, $3  }
0x1: {  	(tag) =	ssettag $0x0;
	lr =	simm.s32 $0x1  }
0x2: {  	[smem:$0x3F97] =	sst lr;
	_ =	strace $0xD0000000  }
0x3: {  	_ = 	snop  }
0x4: {  	_ = 	snop  }
0x5: {  	_ = 	snop  }
0x6: {  	_ = 	snop  }
0x7: {  	_ = 	snop  }
__scs_overlays_trampoline_lowered:
0x8: {  	[smem:$0x3FA6] =	sst s0  }
0x9: {  	[smem:$0x3FA7] =	sst s1  }
0xa: {  	[smem:$0x3FA8] =	sst s2  }
0xb: {  	[smem:$0x3FA9] =	sst s3  }
0xc: {  	[smem:$0x3FAA] =	sst s4  }
0xd: {  	[smem:$0x3FAB] =	sst s5  }
0xe: {  	[smem:$0x3FAC] =	sst s6  }
0xf: {  	[smem:$0x3FAD] =	sst s7  }
0x10: {  	[smem:$0x3FAE] =	sst s8  }
0x11: {  	[smem:$0x3FAF] =	sst s9;
	s0 =	simm.s32 @!p0 $0x0  }
0x12: {  	s1 =	sld [smem:$0x3F95];
	s0 =	simm.s32 @p0 $0x1  }
0x13: {  	[smem:$0x3FB0] =	sst s0;
	s0 =	simm.s32 @!p1 $0x0  }
0x14: {  	s2 =	sld [smem:$0x3F94];
	s0 =	simm.s32 @p1 $0x1  }
0x15: {  	[smem:$0x3FB1] =	sst s0;
	s0 =	simm.s32 @!p2 $0x0  }
0x16: {  	s3 =	sld [smem:$0x3FDB];
	s0 =	simm.s32 @p2 $0x1  }
0x17: {  	s4 =	simm.s32 $0x1BF5;
	[smem:$0x3FB3] =	sst s0  }
0x18: {  	s0 =	sld [smem:$0x3F96];
	_ =	swait.ge [sflag:s4], $0x0  }
0x19: {  	s7 =	sld [smem:$0x3F97]  }
0x1a: {  	s8 =	sadd.s32 $0xFFFFE003, lr  }
0x1b: {  	s9 =	sadd.s32 $0xFFFFFEF7, lr;
	s5 =	simm.s32 $0xFFFFFFFF;
	p2 =	slt.u32 s8, $0xFFFFF086  }
0x1c: {  	p1 =	slt.u32 s9, $0xF7A;
	s5 =	simm.s32 @!p2 $0x0  }
0x1d: {  	s5 =	simm.s32 @p1 $0x1;
	p0 =	seq.s32 s7, s2  }
0x1e: {  	s7 =	smul.u32 @!p0 $0xF7A, s2;
	p2 =	seq.s32 @!p0 s5, $0x0  }
0x1f: {  	s9 =	smul.u32 $0xF7A, s1;
	s8 =	simm.s32 @!p0 $0x1BF5;
	p2 =	por !p2, p0  }
0x20: {  	[sflag:s8] =	ssyncset.s32 @!p0 $0xFFFFF086;
	s6 =	sadd.s32 @!p0 s3, s7;
	s7 =	simm.s32 @!p0 $0x108  }
0x21: {  	s3 =	sadd.s32 s3, s9;
	s6 =	sadd.s32 @!p0 $0x88, s6;
	s7 =	simm.s32 @p2 $0x1082  }
0x22: {  	[simem:s7], [sflag:s8] =	dma.local @!p0 [hbm:s6], $0xF7A  }
0x23: {  	s9 =	sor.u32 $0xD0000000, s2;
	s6 =	simm.s32 $0x108;
	_ =	swait.ge @!p0 [sflag:s8], $0x0  }
0x24: {  	s3 =	sadd.s32 $0x88, s3;
	s6 =	simm.s32 @!p1 $0x1082;
	[sflag:s4] =	ssyncset.s32 $0xFFFFF086  }
0x25: {  	[simem:s6], [sflag:s4] =	dma.local [hbm:s3], $0xF7A  }
0x26: {  	[smem:$0x3F97] =	sst s1;
	(tag) =	ssettag s2;
	_ =	strace s9  }
0x27: {  	s1 =	sld [smem:$0x3FA7]  }
0x28: {  	s2 =	sld [smem:$0x3FA8]  }
0x29: {  	s4 =	sld [smem:$0x3FAA]  }
0x2a: {  	p0 =	seq.s32 s5, $0x0;
	s5 =	sld [smem:$0x3FAB]  }
0x2b: {  	s6 =	sld [smem:$0x3FAC]  }
0x2c: {  	s7 =	sld [smem:$0x3FAD]  }
0x2d: {  	s3 =	simm.s32 $0x108;
	s8 =	sld [smem:$0x3FAE]  }
0x2e: {  	s3 =	simm.s32 @!p0 $0x1082;
	s9 =	sld [smem:$0x3FAF]  }
0x2f: {  	lr =	sadd.s32 s0, s3;
	s0 =	sld [smem:$0x3FA6]  }
0x30: {  	s3 =	sld [smem:$0x3FA9]  }
0x31: {  	[smem:$0x3FB2] =	sst s10  }
0x32: {  	s10 =	sld [smem:$0x3FB0];
	_ =	sdelay $0x3  }
0x33: {  	p0 =	seq.s32 s10, $0x1;
	s10 =	sld [smem:$0x3FB2];
	_ =	sdelay $0x3  }
0x34: {  	[smem:$0x3FB2] =	sst s10  }
0x35: {  	s10 =	sld [smem:$0x3FB1];
	_ =	sdelay $0x3  }
0x36: {  	p1 =	seq.s32 s10, $0x1;
	s10 =	sld [smem:$0x3FB2];
	_ =	sdelay $0x3  }
0x37: {  	[smem:$0x3FB2] =	sst s10  }
0x38: {  	s10 =	sld [smem:$0x3FB3]  }
0x39: {  	_ = 	snop;
	(pc) =	sbr.ind lr, $3  }
0x3a: {  	_ = 	snop  }
0x3b: {  	_ = 	snop  }
0x3c: {  	p2 =	seq.s32 s10, $0x1;
	s10 =	sld [smem:$0x3FB2]  }
0x3d: {  	_ =	shalt  }
0x3e: {  	_ =	shalt  }
0x3f: {  	_ =	shalt  }
0x40: {  	_ =	shalt  }
0x41: {  	_ =	shalt  }
0x42: {  	_ =	shalt  }
0x43: {  	_ =	shalt  }
0x44: {  	_ =	shalt  }
0x45: {  	_ =	shalt  }
0x46: {  	_ =	shalt  }
0x47: {  	_ =	shalt  }
0x48: {  	_ =	shalt  }
0x49: {  	_ =	shalt  }
0x4a: {  	_ =	shalt  }
0x4b: {  	_ =	shalt  }
0x4c: {  	_ =	shalt  }
0x4d: {  	_ =	shalt  }
0x4e: {  	_ =	shalt  }
0x4f: {  	_ =	shalt  }
0x50: {  	_ =	shalt  }
0x51: {  	_ =	shalt  }
0x52: {  	_ =	shalt  }
0x53: {  	_ =	shalt  }
0x54: {  	_ =	shalt  }
0x55: {  	_ =	shalt  }
0x56: {  	_ =	shalt  }
0x57: {  	_ =	shalt  }
0x58: {  	_ =	shalt  }
0x59: {  	_ =	shalt  }
0x5a: {  	_ =	shalt  }
0x5b: {  	_ =	shalt  }
0x5c: {  	_ =	shalt  }
0x5d: {  	_ =	shalt  }
0x5e: {  	_ =	shalt  }
0x5f: {  	_ =	shalt  }
0x60: {  	_ =	shalt  }
0x61: {  	_ =	shalt  }
0x62: {  	_ =	shalt  }
0x63: {  	_ =	shalt  }
0x64: {  	_ =	shalt  }
0x65: {  	_ =	shalt  }
0x66: {  	_ =	shalt  }
0x67: {  	_ =	shalt  }
0x68: {  	_ =	shalt  }
0x69: {  	_ =	shalt  }
0x6a: {  	_ =	shalt  }
0x6b: {  	_ =	shalt  }
0x6c: {  	_ =	shalt  }
0x6d: {  	_ =	shalt  }
0x6e: {  	_ =	shalt  }
0x6f: {  	_ =	shalt  }
0x70: {  	_ =	shalt  }
0x71: {  	_ =	shalt  }
0x72: {  	_ =	shalt  }
0x73: {  	_ =	shalt  }
0x74: {  	_ =	shalt  }
0x75: {  	_ =	shalt  }
0x76: {  	_ =	shalt  }
0x77: {  	_ =	shalt  }
0x78: {  	_ =	shalt  }
0x79: {  	_ =	shalt  }
0x7a: {  	_ =	shalt  }
0x7b: {  	_ =	shalt  }
0x7c: {  	_ =	shalt  }
0x7d: {  	_ =	shalt  }
0x7e: {  	_ =	shalt  }
0x7f: {  	_ =	shalt  }
0x80: {  	_ =	shalt  }
0x81: {  	_ =	shalt  }
0x82: {  	_ =	shalt  }
0x83: {  	_ =	shalt  }
0x84: {  	_ =	shalt  }
0x85: {  	_ =	shalt  }
0x86: {  	_ =	shalt  }
0x87: {  	_ =	shalt  }
.Lfunc_end0:
.L_simem_size_0:
called_computation_lowered:
.L_overlay_start_0:
0x88: {  	s2 =	sld [smem:$0x3FD9]  }
0x89: {  	s3 =	sld [smem:$0x3FFE];
	_ =	sdelay $0x1  }
0x8a: {  	s1 =	srdreg.scid  }
0x8b: {  	s0 =	sand.u32 $0x1, s1  }
0x8c: {  	s16 =	sshll.u32 s0, $0xA;
	s2 =	sadd.s32 s3, s2  }
0x8d: {  	s2 =	sadd.s32 s2, s16  }
0x8e: {  	[smem:$0x3FBE] =	sst s2  }
0x8f: {  	_ = 	snop  }
0x90: {  	(tm) =	ssettm $0x1  }
0x91: {  	s17 =	sld [smem:$0x3FFB];
	_ =	sdelay $0x3  }
0x92: {  	_ =	strace s17  }
0x93: {  	s2 =	sld [smem:$0x3FFC];
	_ =	sdelay $0x3  }
0x94: {  	_ =	strace s2  }
0x95: {  	s2 =	sld [smem:$0x3FFD];
	_ =	sdelay $0x3  }
0x96: {  	_ =	strace s2  }
0x97: {  	_ =	strace $0x8FFFFFFF  }
0x98: {  	s18 =	sld [smem:$0x3FDB];
	_ =	sdelay $0x1  }
0x99: {  	s19 =	simm.s32 $_scs_section_size  }
0x9a: {  	s4 =	simm.s32 $_size__tile_overlayer_lowered;
	s5 =	simm.s32 $_tile_overlayer_lowered  }
0x9b: {  	s22 =	simm.s32 $0x1BFF;
	s21 =	sshll.u32 s5, $0x1;
	s2 =	sadd.s32 s19, s18  }
0x9c: {  	s6 =	simm.s32 $0x0;
	s20 =	sshll.u32 s4, $0x1;
	s4 =	sadd.s32 s21, s2  }
0x9d: {  	[timem:s6], [sflag:s22] =	dma.local [hbm:s4], s20  }
0x9e: {  	_ =	swait.ge [sflag:s22], s20  }
0x9f: {  	s3 =	ssub.s32 $0x0, s20;
	[sflag:s22] =	ssyncset.done $0x0  }
0xa0: {  	[sflag:s22] =	ssyncadd.s32 s3;
	_ =	sdelay $0x1  }
0xa1: {  	s23 =	simm.s32 $0x1B8B  }
0xa2: {  	_ =	swait.ge [sflag:s23], $0x1  }
0xa3: {  	[sflag:s23] =	ssyncset.done $0x0  }
0xa4: {  	s25 =	simm.s32 $0x1B8E;
	s24 =	sld [smem:$0x3FFE];
	[sflag:s23] =	ssyncadd.s32 $0xFFFFFFFF  }
0xa5: {  	s26 =	simm.s32 $execute0_lowered;
	[smem:$0x3FD2] =	sst s25  }
0xa6: {  	s4 =	sshll.u32 s26, $0x1;
	_ =	strace $0x80000046;
	[dreg:$0x1] =	wrdreg $0xFFFFFFFF  }
0xa7: {  	s28 =	simm.s32 $_size_execute0_lowered;
	s2 =	sadd.s32 s2, s4;
	[dreg:$0x0] =	wrdreg $0x0  }
0xa8: {  	s4 =	sshll.u32 s28, $0x1;
	[dreg:$0x2] =	wrdreg s2  }
0xa9: {  	[dreg:$0x3] =	wrdreg s4  }
0xaa: {  	[dreg:$0x4] =	wrdreg $0xC0  }
0xab: {  	_ =	task [dreg:s6], $0x5FFFF  }
0xac: {  	[dreg:$0x1] =	wrdreg $0xFFFFFFFF  }
0xad: {  	[dreg:$0x0] =	wrdreg $0x60  }
0xae: {  	[dreg:$0x2] =	wrdreg s24  }
0xaf: {  	[dreg:$0x3] =	wrdreg $0x153000  }
0xb0: {  	[dreg:$0x4] =	wrdreg $0x9  }
0xb1: {  	_ =	task.clear_ibuf [dreg:s6], $0x5FFFF;
	_ =	strace $0x90000046  }
0xb2: {  	s29 =	simm.s32 $0x9;
	_ =	strace $0x80000048  }
0xb3: {  	_ =	swait.ge [sflag:s29], $0x1  }
0xb4: {  	[sflag:s29] =	ssyncadd.s32 $0xFFFFFFFF  }
0xb5: {  	_ =	strace $0x90000048  }
0xb6: {  	_ =	sfence  }
0xb7: {  	s30 =	sld [smem:$0x0];
	_ =	sdelay $0x2  }
0xb8: {  	s31 =	sshll.u32 s1, $0xD;
	s1 =	sshrl.u32 s1, $0x2  }
0xb9: {  	s3 =	sand.u32 $0x4000, s31;
	s1 =	sadd.s32 s1, s30  }
0xba: {  	s0 =	sor.u32 s3, s0;
	s1 =	sshll.u32 s1, $0x11  }
0xbb: {  	s0 =	sor.u32 s1, s0  }
0xbc: {  	s0 =	sadd.s32 $0x8F2B, s0  }
0xbd: {  	[sflag:s0] =	ssyncadd.remote.s32 $0x1  }
0xbe: {  	_ =	sfence.sel $0xFFFF  }
0xbf: {  	[dreg:$0x0] =	wrdreg $0xFFFFFFFF;
	(pc) =	sbr.abs _section_cstart, $3  }
0xc0: {  	[dreg:$0x1] =	wrdreg $0xFFFFFFFF  }
0xc1: {  	_ =	task.clear_ibuf [dreg:s6], $0x2FFFF;
	_ =	strace $0x9FFFFFFF  }
0xc2: {  	(tm) =	ssettm $0x7FFFFFFF  }
0xc3: {  	_ =	shalt  }
tec
execute0_lowered:
.L_overlay_start_1:
0x0: {  	(tag) =	ssettag $0x1  }
0x1: {  	s0 =	rddreg [dreg:$0x0]  }
0x2: {  	s1 =	rddreg [dreg:$0x1];
	s2 =	simm.s32 $0x0  }
0x3: {  	s11 =	stileid.u32;
	s3 =	srdreg.scid;
	s16 =	simm.s32 $0x80  }
0x4: {  	s17 =	simm.s32 $0x10;
	s29 =	simm.s32 $0x16;
	s31 =	simm.s32 $0x17  }
0x5: {  	s19 =	simm.s32 $0x19;
	s30 =	simm.s32 $0x6300;
	s15 =	simm.s32 $0x8B00  }
0x6: {  	s12 =	simm.s32 $0xDB00;
	s14 =	simm.s32 $0x1;
	s18 =	simm.s32 $0x5  }
0x7: {  	[smem:$0x7FF] =	sst s2;
	s4 =	sadd.s32 $0x1A00, s0;
	s20 =	smul.u32 $0x6400, s11  }
0x8: {  	s5 =	sadd.s32 $0xDE00, s0;
	s3 =	sand.u32 $0x1, s3;
	s6 =	smul.u32 $0x14000, s11  }
0x9: {  	s9 =	sshll.u32 s11, $0x1;
	s25 =	sshll.u32 s11, $0x6;
	p0 =	sgt.u32 s11, $0x1  }
0xa: {  	s11 =	simm.s32 $0xC700;
	_ =	strace $0x80000047;
	s8 =	sshll.u32 s3, $0x6  }
0xb: {  	s21 =	ssub.s32 $0x2, s3;
	s3 =	sor.u32 s3, s9;
	s9 =	simm.s32 $0x9F00  }
0xc: {  	s7 =	sshrl.u32 s20, $0x3;
	s6 =	sor.u32 s8, s6;
	s22 =	sshrl.u32 s21, $0x1  }
0xd: {  	s10 =	smul.u32 $0x2700, s3;
	s2 =	sadd.s32 s20, s1;
	s3 =	sshll.u32 s3, $0x4  }
0xe: {  	s8 =	sor.u32 $0x1C1B, s25;
	s20 =	simm.s32 $0x12;
	s25 =	simm.s32 $0x4F00  }
0xf: {  	s6 =	sshrl.u32 s6, $0x3;
	s7 =	sadd.s32 s7, s0;
	s23 =	ssub.s32 s21, s22  }
0x10: {  	s3 =	sadd.s32 s3, s5;
	s28 =	sshrl.u32 s2, $0x3;
	s22 =	simm.s32 $0x13  }
0x11: {  	s2 =	simm.s32 $0x18;
	[dreg:$0x5] =	wrdreg s8;
	s0 =	sadd.s32 s6, s0  }
0x12: {  	s7 =	sadd.s32 $0x21800, s7;
	s24 =	sshrl.u32 s10, $0x3;
	[dreg:$0xb] =	wrdreg s28  }
0x13: {  	s26 =	smax.u32 s23, $0x1;
	s23 =	simm.s32 $0x1A;
	[dreg:$0x3] =	wrdreg s7  }
0x14: {  	s10 =	simm.s32 $0xB300;
	s7 =	sadd.s32 s5, s24;
	[dreg:$0xa] =	wrdreg s26  }
.Ltmp0:
0x15: {  	s5 =	sadd.s32 $0x9C00, s3;
	[dreg:$0x4] =	wrdreg s7;
	(pc) =	sbr.rel .LBB2_1-.Ltmp0, $4  }
0x16: {  	s6 =	simm.s32 $0x10300;
	s3 =	sadd.s32 $0x13840, s3;
	[dreg:$0x7] =	wrdreg s5  }
0x17: {  	s0 =	sadd.s32 $0x2E000, s0;
	s24 =	simm.s32 $0x14;
	[dreg:$0x8] =	wrdreg s3  }
0x18: {  	s26 =	simm.s32 $0x15;
	s7 =	sadd.s32 $0x9C40, s7;
	[dreg:$0x9] =	wrdreg s0  }
0x19: {  	s3 =	simm.s32 $0x0;
	[dreg:$0x6] =	wrdreg s7;
	s7 =	simm.s32 $0x12B00  }
.LBB2_3:
0x1a: {  	s0 =	simm.s32 $0xF  }
0x1b: {  	_ =	swait.ge [sflag:s0], $0x1400  }
0x1c: {  	[sflag:s0] =	ssyncset.done $0x0  }
0x1d: {  	[sflag:s0] =	ssyncadd.s32 $0xFFFFEC00  }
0x1e: {  	_ =	swait.ge [sflag:s17], $0x1400  }
0x1f: {  	[sflag:s17] =	ssyncset.done $0x0  }
0x20: {  	s28 =	simm.s32 $0x11;
	[sflag:s17] =	ssyncadd.s32 $0xFFFFEC00  }
0x21: {  	_ =	swait.ge [sflag:s28], $0x1400  }
0x22: {  	[sflag:s28] =	ssyncset.done $0x0  }
0x23: {  	[sflag:s28] =	ssyncadd.s32 $0xFFFFEC00  }
0x24: {  	_ =	swait.ge [sflag:s20], $0x1400  }
0x25: {  	[sflag:s20] =	ssyncset.done $0x0  }
0x26: {  	[sflag:s20] =	ssyncadd.s32 $0xFFFFEC00  }
0x27: {  	_ =	swait.ge [sflag:s22], $0x1400  }
0x28: {  	[sflag:s22] =	ssyncset.done $0x0  }
0x29: {  	[sflag:s22] =	ssyncadd.s32 $0xFFFFEC00  }
0x2a: {  	_ =	swait.ge [sflag:s24], $0x1400  }
0x2b: {  	[sflag:s24] =	ssyncset.done $0x0  }
0x2c: {  	[sflag:s24] =	ssyncadd.s32 $0xFFFFEC00  }
0x2d: {  	_ =	swait.ge [sflag:s26], $0x1400  }
0x2e: {  	[sflag:s26] =	ssyncset.done $0x0  }
0x2f: {  	[sflag:s26] =	ssyncadd.s32 $0xFFFFEC00  }
0x30: {  	_ =	swait.ge [sflag:s29], $0x1400  }
0x31: {  	[sflag:s29] =	ssyncset.done $0x0  }
0x32: {  	[sflag:s29] =	ssyncadd.s32 $0xFFFFEC00  }
0x33: {  	_ =	swait.ge [sflag:s31], $0x1400  }
0x34: {  	[sflag:s31] =	ssyncset.done $0x0  }
0x35: {  	[sflag:s31] =	ssyncadd.s32 $0xFFFFEC00  }
0x36: {  	_ =	swait.ge [sflag:s2], $0x1400  }
0x37: {  	[sflag:s2] =	ssyncset.done $0x0  }
0x38: {  	[sflag:s2] =	ssyncadd.s32 $0xFFFFEC00  }
0x39: {  	_ =	swait.ge [sflag:s19], $0x1400  }
0x3a: {  	[sflag:s19] =	ssyncset.done $0x0  }
0x3b: {  	[sflag:s19] =	ssyncadd.s32 $0xFFFFEC00  }
0x3c: {  	_ =	swait.ge [sflag:s23], $0x1400  }
0x3d: {  	[sflag:s23] =	ssyncset.done $0x0  }
0x3e: {  	[sflag:s23] =	ssyncadd.s32 $0xFFFFEC00  }
.LBB2_5:
0x3f: {  	s0 =	simm.s32 @!p0 $0x80;
	s21 =	simm.s32 @!p0 $0x4E00;
	s28 =	simm.s32 @!p0 $0x4F00  }
0x40: {  	[tilespmem:s28], [sflag:$0x1] =	stream.indirect.gather @!p0 [hbm4b:s4+s0], $0x28, s21, s0, $0xb8;
	[tilespmem:$0x1B700] =	vst v63  }
0x41: {  	s21 =	simm.s32 @!p0 $0x1  }
0x42: {  	_ =	swait.ge @!p0 [sflag:s21], $0x1400  }
0x43: {  	[sflag:s21] =	ssyncset.done @!p0 $0x0  }
0x44: {  	[sflag:s21] =	ssyncadd.s32 @!p0 $0xFFFFEC00;
	s21 =	simm.s32 @!p0 $0x4E80  }
0x45: {  	[spmem:s1] =	stream.indirect.scatter.add.f32 @!p0 [tilespmem:s28], [sflag:$0xE], $0x28, s21, s0, $0xb8;
	[tilespmem:$0x1B700] =	vst v63  }
0x46: {  	s0 =	simm.s32 @!p0 $0xE  }
0x47: {  	_ =	swait.ge @!p0 [sflag:s0], $0x1400  }
0x48: {  	[sflag:s0] =	ssyncset.done @!p0 $0x0  }
0x49: {  	[sflag:s0] =	ssyncadd.s32 @!p0 $0xFFFFEC00  }
0x4a: {  	[bflag:$0x0] =	sbarrier.arrive $0xFFFF  }
0x4b: {  	s8 =	rddreg [dreg:$0x5]  }
0x4c: {  	s3 =	rddreg [dreg:$0x9]  }
0x4d: {  	s5 =	simm.s32 $0x1B;
	s28 =	rddreg [dreg:$0xb]  }
0x4e: {  	[hbm:s3@s17], [sflag:s8] =	dma.strided [spmem:s28@s18], $0xC80, s14, $0x5   }
0x4f: {  	_ =	swait.ge [sflag:s5], $0xC80  }
0x50: {  	s3 =	rddreg [dreg:$0xc]  }
0x51: {  	s13 =	rddreg [dreg:$0xa];
	s3 =	sadd.s32 $0x1, s3  }
0x52: {  	p1 =	sne.s32 s3, s13  }
.Ltmp1:
0x53: {  	_ = 	snop;
	(pc) =	sbr.rel @!p1 .LBB2_6-.Ltmp1, $3  }
0x54: {  	_ =	sdelay $0x1  }
0x55: {  	s21 =	simm.s32 $0x1B;
	[sflag:s5] =	ssyncset.done $0x0  }
0x56: {  	[sflag:s21] =	ssyncadd.s32 $0xFFFFF380  }
.LBB2_1:
0x57: {  	[dreg:$0xc] =	wrdreg s3  }
0x58: {  	s21 =	simm.s32 $0x1B;
	s0 =	rddreg [dreg:$0x3]  }
0x59: {  	[spmem:s28], [sflag:s8] =	dma.local [hbm:s0], $0xC80  }
0x5a: {  	_ =	swait.ge [sflag:s21], $0xC80  }
0x5b: {  	[sflag:s21] =	ssyncset.done $0x0  }
0x5c: {  	s13 =	simm.s32 $0x0;
	s5 =	rddreg [dreg:$0x4];
	[sflag:s21] =	ssyncadd.s32 $0xFFFFF380  }
0x5d: {  	[tilespmem:s13], [sflag:$0x1B] =	stream.linear.gather [hbm4b:s5+s13], $0x2700, $0x38;
	[tilespmem:$0x1B700] =	vst v63  }
0x5e: {  	_ =	swait.ge [sflag:s21], $0x2700  }
0x5f: {  	[sflag:s21] =	ssyncset.done $0x0  }
0x60: {  	s28 =	simm.s32 $0x2700;
	s8 =	rddreg [dreg:$0x6];
	[sflag:s21] =	ssyncadd.s32 $0xFFFFD900  }
0x61: {  	[tilespmem:s28], [sflag:$0x1B] =	stream.linear.gather [hbm4b:s8+s13], $0x2700, $0x38;
	[tilespmem:$0x1B700] =	vst v63  }
0x62: {  	_ =	swait.ge [sflag:s21], $0x2700  }
0x63: {  	s5 =	simm.s32 @!p0 $0x0;
	[sflag:s21] =	ssyncset.done $0x0  }
0x64: {  	s28 =	simm.s32 @!p0 $0x4E00;
	s0 =	rddreg [dreg:$0x7];
	[sflag:s21] =	ssyncadd.s32 $0xFFFFD900  }
0x65: {  	[tilespmem:s28], [sflag:$0x1B] =	stream.linear.gather @!p0 [hbm4b:s0+s5], $0x80, $0x38;
	[tilespmem:$0x1B700] =	vst v63  }
0x66: {  	s28 =	simm.s32 @!p0 $0x1B  }
0x67: {  	_ =	swait.ge @!p0 [sflag:s28], $0x80  }
0x68: {  	[sflag:s28] =	ssyncset.done @!p0 $0x0  }
0x69: {  	s0 =	simm.s32 @!p0 $0x4E80;
	s21 =	rddreg [dreg:$0x8];
	[sflag:s28] =	ssyncadd.s32 @!p0 $0xFFFFFF80  }
0x6a: {  	[tilespmem:s0], [sflag:$0x1B] =	stream.linear.gather @!p0 [hbm4b:s21+s5], $0x80, $0x38;
	[tilespmem:$0x1B700] =	vst v63  }
0x6b: {  	_ =	swait.ge @!p0 [sflag:s28], $0x80  }
0x6c: {  	[sflag:s28] =	ssyncset.done @!p0 $0x0  }
0x6d: {  	[sflag:s28] =	ssyncadd.s32 @!p0 $0xFFFFFF80  }
0x6e: {  	[bflag:$0x0] =	sbarrier.arrive $0xFFFF  }
0x6f: {  	[tilespmem:s25], [sflag:$0x1] =	stream.indirect.gather [hbm4b:s4+s16], $0x28, s13, s16, $0xb8;
	[tilespmem:$0x1B700] =	vst v63  }
0x70: {  	_ = 	snop  }
0x71: {  	[tilespmem:s30], [sflag:$0x2] =	stream.indirect.gather [hbm4b:s4+s16], $0x28, s16, s16, $0xb8;
	[tilespmem:$0x1B700] =	vst v63  }
0x72: {  	s8 =	simm.s32 $0x7700;
	s13 =	simm.s32 $0x100  }
0x73: {  	[tilespmem:s8], [sflag:$0x3] =	stream.indirect.gather [hbm4b:s4+s16], $0x28, s13, s16, $0xb8;
	[tilespmem:$0x1B700] =	vst v63  }
0x74: {  	s21 =	simm.s32 $0x180  }
0x75: {  	[tilespmem:s15], [sflag:$0x4] =	stream.indirect.gather [hbm4b:s4+s16], $0x28, s21, s16, $0xb8;
	[tilespmem:$0x1B700] =	vst v63  }
0x76: {  	s3 =	simm.s32 $0x200  }
0x77: {  	[tilespmem:s9], [sflag:$0x5] =	stream.indirect.gather [hbm4b:s4+s16], $0x28, s3, s16, $0xb8;
	[tilespmem:$0x1B700] =	vst v63  }
0x78: {  	s5 =	simm.s32 $0x280  }
0x79: {  	[tilespmem:s10], [sflag:$0x6] =	stream.indirect.gather [hbm4b:s4+s16], $0x28, s5, s16, $0xb8;
	[tilespmem:$0x1B700] =	vst v63  }
0x7a: {  	s13 =	simm.s32 $0x300  }
0x7b: {  	[tilespmem:s11], [sflag:$0x7] =	stream.indirect.gather [hbm4b:s4+s16], $0x28, s13, s16, $0xb8;
	[tilespmem:$0x1B700] =	vst v63  }
0x7c: {  	s21 =	simm.s32 $0x380  }
0x7d: {  	[tilespmem:s12], [sflag:$0x8] =	stream.indirect.gather [hbm4b:s4+s16], $0x28, s21, s16, $0xb8;
	[tilespmem:$0x1B700] =	vst v63  }
0x7e: {  	s3 =	simm.s32 $0x400;
	s5 =	simm.s32 $0xEF00  }
0x7f: {  	[tilespmem:s5], [sflag:$0x9] =	stream.indirect.gather [hbm4b:s4+s16], $0x28, s3, s16, $0xb8;
	[tilespmem:$0x1B700] =	vst v63  }
0x80: {  	s13 =	simm.s32 $0x480  }
0x81: {  	[tilespmem:s6], [sflag:$0xA] =	stream.indirect.gather [hbm4b:s4+s16], $0x28, s13, s16, $0xb8;
	[tilespmem:$0x1B700] =	vst v63  }
0x82: {  	s21 =	simm.s32 $0x500;
	s3 =	simm.s32 $0x11700  }
0x83: {  	[tilespmem:s3], [sflag:$0xB] =	stream.indirect.gather [hbm4b:s4+s16], $0x28, s21, s16, $0xb8;
	[tilespmem:$0x1B700] =	vst v63  }
0x84: {  	s13 =	simm.s32 $0x580  }
0x85: {  	[tilespmem:s7], [sflag:$0xC] =	stream.indirect.gather [hbm4b:s4+s16], $0x28, s13, s16, $0xb8;
	[tilespmem:$0x1B700] =	vst v63  }
0x86: {  	s28 =	simm.s32 $0x0;
	s21 =	simm.s32 $0x600;
	s13 =	simm.s32 $0x13F00  }
0x87: {  	[tilespmem:s13], [sflag:$0xD] =	stream.indirect.gather [hbm4b:s4+s16], $0x28, s21, s16, $0xb8;
	[tilespmem:$0x1B700] =	vst v63  }
.LBB2_2:
0x88: {  	s21 =	simm.s32 $0x1  }
0x89: {  	_ =	swait.ge [sflag:s21], $0x1400  }
0x8a: {  	s0 =	sshra.s32 s28, $0x2;
	[sflag:s21] =	ssyncset.done $0x0  }
0x8b: {  	[sflag:s21] =	ssyncadd.s32 $0xFFFFEC00;
	s21 =	sadd.s32 $0x2700, s0  }
0x8c: {  	[spmem:s1] =	stream.indirect.scatter.add.f32 [tilespmem:s25], [sflag:$0xE], $0x28, s21, s16, $0xb8;
	[tilespmem:$0x1B700] =	vst v63  }
0x8d: {  	s21 =	simm.s32 $0x2  }
0x8e: {  	_ =	swait.ge [sflag:s21], $0x1400  }
0x8f: {  	[sflag:s21] =	ssyncset.done $0x0  }
0x90: {  	[sflag:s21] =	ssyncadd.s32 $0xFFFFEC00;
	s21 =	sadd.s32 $0x2780, s0  }
0x91: {  	[spmem:s1] =	stream.indirect.scatter.add.f32 [tilespmem:s30], [sflag:$0xF], $0x28, s21, s16, $0xb8;
	[tilespmem:$0x1B700] =	vst v63  }
0x92: {  	s21 =	simm.s32 $0x3  }
0x93: {  	_ =	swait.ge [sflag:s21], $0x1400  }
0x94: {  	[sflag:s21] =	ssyncset.done $0x0  }
0x95: {  	[sflag:s21] =	ssyncadd.s32 $0xFFFFEC00;
	s21 =	sadd.s32 $0x2800, s0  }
0x96: {  	[spmem:s1] =	stream.indirect.scatter.add.f32 [tilespmem:s8], [sflag:$0x10], $0x28, s21, s16, $0xb8;
	[tilespmem:$0x1B700] =	vst v63  }
0x97: {  	s21 =	simm.s32 $0x4  }
0x98: {  	_ =	swait.ge [sflag:s21], $0x1400  }
0x99: {  	[sflag:s21] =	ssyncset.done $0x0  }
0x9a: {  	[sflag:s21] =	ssyncadd.s32 $0xFFFFEC00;
	s21 =	sadd.s32 $0x2880, s0  }
0x9b: {  	[spmem:s1] =	stream.indirect.scatter.add.f32 [tilespmem:s15], [sflag:$0x11], $0x28, s21, s16, $0xb8;
	[tilespmem:$0x1B700] =	vst v63  }
0x9c: {  	s21 =	simm.s32 $0x5  }
0x9d: {  	_ =	swait.ge [sflag:s21], $0x1400  }
0x9e: {  	[sflag:s21] =	ssyncset.done $0x0  }
0x9f: {  	[sflag:s21] =	ssyncadd.s32 $0xFFFFEC00;
	s21 =	sadd.s32 $0x2900, s0  }
0xa0: {  	[spmem:s1] =	stream.indirect.scatter.add.f32 [tilespmem:s9], [sflag:$0x12], $0x28, s21, s16, $0xb8;
	[tilespmem:$0x1B700] =	vst v63  }
0xa1: {  	s21 =	simm.s32 $0x6  }
0xa2: {  	_ =	swait.ge [sflag:s21], $0x1400  }
0xa3: {  	[sflag:s21] =	ssyncset.done $0x0  }
0xa4: {  	[sflag:s21] =	ssyncadd.s32 $0xFFFFEC00;
	s21 =	sadd.s32 $0x2980, s0  }
0xa5: {  	[spmem:s1] =	stream.indirect.scatter.add.f32 [tilespmem:s10], [sflag:$0x13], $0x28, s21, s16, $0xb8;
	[tilespmem:$0x1B700] =	vst v63  }
0xa6: {  	s21 =	simm.s32 $0x7  }
0xa7: {  	_ =	swait.ge [sflag:s21], $0x1400  }
0xa8: {  	[sflag:s21] =	ssyncset.done $0x0  }
0xa9: {  	[sflag:s21] =	ssyncadd.s32 $0xFFFFEC00;
	s21 =	sadd.s32 $0x2A00, s0  }
0xaa: {  	[spmem:s1] =	stream.indirect.scatter.add.f32 [tilespmem:s11], [sflag:$0x14], $0x28, s21, s16, $0xb8;
	[tilespmem:$0x1B700] =	vst v63  }
0xab: {  	s21 =	simm.s32 $0x8  }
0xac: {  	_ =	swait.ge [sflag:s21], $0x1400  }
0xad: {  	[sflag:s21] =	ssyncset.done $0x0  }
0xae: {  	[sflag:s21] =	ssyncadd.s32 $0xFFFFEC00;
	s21 =	sadd.s32 $0x2A80, s0  }
0xaf: {  	[spmem:s1] =	stream.indirect.scatter.add.f32 [tilespmem:s12], [sflag:$0x15], $0x28, s21, s16, $0xb8;
	[tilespmem:$0x1B700] =	vst v63  }
0xb0: {  	s21 =	simm.s32 $0x9  }
0xb1: {  	_ =	swait.ge [sflag:s21], $0x1400  }
0xb2: {  	[sflag:s21] =	ssyncset.done $0x0  }
0xb3: {  	[sflag:s21] =	ssyncadd.s32 $0xFFFFEC00;
	s21 =	sadd.s32 $0x2B00, s0  }
0xb4: {  	[spmem:s1] =	stream.indirect.scatter.add.f32 [tilespmem:s5], [sflag:$0x16], $0x28, s21, s16, $0xb8;
	[tilespmem:$0x1B700] =	vst v63  }
0xb5: {  	s21 =	simm.s32 $0xA  }
0xb6: {  	_ =	swait.ge [sflag:s21], $0x1400  }
0xb7: {  	[sflag:s21] =	ssyncset.done $0x0  }
0xb8: {  	[sflag:s21] =	ssyncadd.s32 $0xFFFFEC00;
	s21 =	sadd.s32 $0x2B80, s0  }
0xb9: {  	[spmem:s1] =	stream.indirect.scatter.add.f32 [tilespmem:s6], [sflag:$0x17], $0x28, s21, s16, $0xb8;
	[tilespmem:$0x1B700] =	vst v63  }
0xba: {  	s21 =	simm.s32 $0xB  }
0xbb: {  	_ =	swait.ge [sflag:s21], $0x1400  }
0xbc: {  	[sflag:s21] =	ssyncset.done $0x0  }
0xbd: {  	[sflag:s21] =	ssyncadd.s32 $0xFFFFEC00;
	s21 =	sadd.s32 $0x2C00, s0  }
0xbe: {  	[spmem:s1] =	stream.indirect.scatter.add.f32 [tilespmem:s3], [sflag:$0x18], $0x28, s21, s16, $0xb8;
	[tilespmem:$0x1B700] =	vst v63  }
0xbf: {  	s21 =	simm.s32 $0xC  }
0xc0: {  	_ =	swait.ge [sflag:s21], $0x1400  }
0xc1: {  	[sflag:s21] =	ssyncset.done $0x0  }
0xc2: {  	[sflag:s21] =	ssyncadd.s32 $0xFFFFEC00;
	s21 =	sadd.s32 $0x2C80, s0  }
0xc3: {  	[spmem:s1] =	stream.indirect.scatter.add.f32 [tilespmem:s7], [sflag:$0x19], $0x28, s21, s16, $0xb8;
	[tilespmem:$0x1B700] =	vst v63  }
0xc4: {  	s21 =	simm.s32 $0xD  }
0xc5: {  	_ =	swait.ge [sflag:s21], $0x1400  }
0xc6: {  	[sflag:s21] =	ssyncset.done $0x0  }
0xc7: {  	p1 =	sne.s32 s28, $0x8200;
	[sflag:s21] =	ssyncadd.s32 $0xFFFFEC00;
	s21 =	sadd.s32 $0x2D00, s0  }
0xc8: {  	[spmem:s1] =	stream.indirect.scatter.add.f32 [tilespmem:s13], [sflag:$0x1A], $0x28, s21, s16, $0xb8;
	[tilespmem:$0x1B700] =	vst v63  }
.Ltmp2:
0xc9: {  	_ = 	snop;
	(pc) =	sbr.rel @!p1 .LBB2_3-.Ltmp2, $4  }
0xca: {  	s21 =	simm.s32 $0xE  }
0xcb: {  	_ =	swait.ge [sflag:s21], $0x1400  }
0xcc: {  	[sflag:s21] =	ssyncset.done $0x0  }
0xcd: {  	[sflag:s21] =	ssyncadd.s32 $0xFFFFEC00  }
0xce: {  	s21 =	sadd.s32 $0x680, s0  }
0xcf: {  	[tilespmem:s25], [sflag:$0x1] =	stream.indirect.gather [hbm4b:s4+s16], $0x28, s21, s16, $0xb8;
	[tilespmem:$0x1B700] =	vst v63  }
0xd0: {  	s21 =	simm.s32 $0xF  }
0xd1: {  	_ =	swait.ge [sflag:s21], $0x1400  }
0xd2: {  	[sflag:s21] =	ssyncset.done $0x0  }
0xd3: {  	[sflag:s21] =	ssyncadd.s32 $0xFFFFEC00;
	s21 =	sadd.s32 $0x700, s0  }
0xd4: {  	[tilespmem:s30], [sflag:$0x2] =	stream.indirect.gather [hbm4b:s4+s16], $0x28, s21, s16, $0xb8;
	[tilespmem:$0x1B700] =	vst v63  }
0xd5: {  	_ =	swait.ge [sflag:s17], $0x1400  }
0xd6: {  	[sflag:s17] =	ssyncset.done $0x0  }
0xd7: {  	s21 =	sadd.s32 $0x780, s0;
	[sflag:s17] =	ssyncadd.s32 $0xFFFFEC00  }
0xd8: {  	[tilespmem:s8], [sflag:$0x3] =	stream.indirect.gather [hbm4b:s4+s16], $0x28, s21, s16, $0xb8;
	[tilespmem:$0x1B700] =	vst v63  }
0xd9: {  	s21 =	simm.s32 $0x11  }
0xda: {  	_ =	swait.ge [sflag:s21], $0x1400  }
0xdb: {  	[sflag:s21] =	ssyncset.done $0x0  }
0xdc: {  	[sflag:s21] =	ssyncadd.s32 $0xFFFFEC00;
	s21 =	sadd.s32 $0x800, s0  }
0xdd: {  	[tilespmem:s15], [sflag:$0x4] =	stream.indirect.gather [hbm4b:s4+s16], $0x28, s21, s16, $0xb8;
	[tilespmem:$0x1B700] =	vst v63  }
0xde: {  	_ =	swait.ge [sflag:s20], $0x1400  }
0xdf: {  	[sflag:s20] =	ssyncset.done $0x0  }
0xe0: {  	s21 =	sadd.s32 $0x880, s0;
	[sflag:s20] =	ssyncadd.s32 $0xFFFFEC00  }
0xe1: {  	[tilespmem:s9], [sflag:$0x5] =	stream.indirect.gather [hbm4b:s4+s16], $0x28, s21, s16, $0xb8;
	[tilespmem:$0x1B700] =	vst v63  }
0xe2: {  	_ =	swait.ge [sflag:s22], $0x1400  }
0xe3: {  	[sflag:s22] =	ssyncset.done $0x0  }
0xe4: {  	s21 =	sadd.s32 $0x900, s0;
	[sflag:s22] =	ssyncadd.s32 $0xFFFFEC00  }
0xe5: {  	[tilespmem:s10], [sflag:$0x6] =	stream.indirect.gather [hbm4b:s4+s16], $0x28, s21, s16, $0xb8;
	[tilespmem:$0x1B700] =	vst v63  }
0xe6: {  	_ =	swait.ge [sflag:s24], $0x1400  }
0xe7: {  	[sflag:s24] =	ssyncset.done $0x0  }
0xe8: {  	s21 =	sadd.s32 $0x980, s0;
	[sflag:s24] =	ssyncadd.s32 $0xFFFFEC00  }
0xe9: {  	[tilespmem:s11], [sflag:$0x7] =	stream.indirect.gather [hbm4b:s4+s16], $0x28, s21, s16, $0xb8;
	[tilespmem:$0x1B700] =	vst v63  }
0xea: {  	_ =	swait.ge [sflag:s26], $0x1400  }
0xeb: {  	[sflag:s26] =	ssyncset.done $0x0  }
0xec: {  	s21 =	sadd.s32 $0xA00, s0;
	[sflag:s26] =	ssyncadd.s32 $0xFFFFEC00  }
0xed: {  	[tilespmem:s12], [sflag:$0x8] =	stream.indirect.gather [hbm4b:s4+s16], $0x28, s21, s16, $0xb8;
	[tilespmem:$0x1B700] =	vst v63  }
0xee: {  	_ =	swait.ge [sflag:s29], $0x1400  }
0xef: {  	[sflag:s29] =	ssyncset.done $0x0  }
0xf0: {  	s21 =	sadd.s32 $0xA80, s0;
	[sflag:s29] =	ssyncadd.s32 $0xFFFFEC00  }
0xf1: {  	[tilespmem:s5], [sflag:$0x9] =	stream.indirect.gather [hbm4b:s4+s16], $0x28, s21, s16, $0xb8;
	[tilespmem:$0x1B700] =	vst v63  }
0xf2: {  	_ =	swait.ge [sflag:s31], $0x1400  }
0xf3: {  	[sflag:s31] =	ssyncset.done $0x0  }
0xf4: {  	s21 =	sadd.s32 $0xB00, s0;
	[sflag:s31] =	ssyncadd.s32 $0xFFFFEC00  }
0xf5: {  	[tilespmem:s6], [sflag:$0xA] =	stream.indirect.gather [hbm4b:s4+s16], $0x28, s21, s16, $0xb8;
	[tilespmem:$0x1B700] =	vst v63  }
0xf6: {  	_ =	swait.ge [sflag:s2], $0x1400  }
0xf7: {  	[sflag:s2] =	ssyncset.done $0x0  }
0xf8: {  	s21 =	sadd.s32 $0xB80, s0;
	[sflag:s2] =	ssyncadd.s32 $0xFFFFEC00  }
0xf9: {  	[tilespmem:s3], [sflag:$0xB] =	stream.indirect.gather [hbm4b:s4+s16], $0x28, s21, s16, $0xb8;
	[tilespmem:$0x1B700] =	vst v63  }
0xfa: {  	_ =	swait.ge [sflag:s19], $0x1400  }
0xfb: {  	s28 =	sadd.s32 $0x1A00, s28;
	[sflag:s19] =	ssyncset.done $0x0  }
0xfc: {  	p1 =	sne.s32 s28, $0x9C00;
	s21 =	sadd.s32 $0xC00, s0;
	[sflag:s19] =	ssyncadd.s32 $0xFFFFEC00  }
0xfd: {  	[tilespmem:s7], [sflag:$0xC] =	stream.indirect.gather [hbm4b:s4+s16], $0x28, s21, s16, $0xb8;
	[tilespmem:$0x1B700] =	vst v63  }
.Ltmp3:
0xfe: {  	_ = 	snop;
	(pc) =	sbr.rel @p1 .LBB2_2-.Ltmp3, $4  }
.Ltmp4:
0xff: {  	_ =	swait.ge [sflag:s23], $0x1400;
	(pc) =	sbr.rel @!p1 .LBB2_5-.Ltmp4, $4  }
0x100: {  	[sflag:s23] =	ssyncset.done $0x0  }
0x101: {  	s13 =	simm.s32 $0x13F00;
	s21 =	sadd.s32 $0xC80, s0;
	[sflag:s23] =	ssyncadd.s32 $0xFFFFEC00  }
0x102: {  	[tilespmem:s13], [sflag:$0xD] =	stream.indirect.gather [hbm4b:s4+s16], $0x28, s21, s16, $0xb8;
	[tilespmem:$0x1B700] =	vst v63  }
0x103: {  	_ = 	snop  }
.LBB2_6:
0x104: {  	_ =	sfence.sel $0x180000  }
0x105: {  	[bflag:$0x0] =	sbarrier.arrive $0xFFFF  }
0x106: {  	_ =	strace $0x90000047  }
0x107: {  	s0 =	stileid.u32;
	[bflag:$0x2] =	sbarrier.arrive $0xFFFF  }
0x108: {  	p0 =	sne.s32 s0, $0x0;
	s0 =	rddreg [dreg:$0x2]  }
0x109: {  	s0 =	sadd.s32 @!p0 $0x100000, s0  }
0x10a: {  	[sflag:s0] =	ssyncadd.tile.s32 @!p0 $0x1;
	_ =	shalt  }
.Lfunc_end2:
_tile_overlayer_lowered:
.L_overlay_start_2:
0x10b: {  	(tag) =	ssettag $0x2  }
0x10c: {  	s0 =	rddreg [dreg:$0x0];
	s2 =	stileid.u32  }
0x10d: {  	s1 =	rddreg [dreg:$0x1];
	p0 =	sne.s32 s2, $0x0  }
0x10e: {  	s3 =	rddreg [dreg:$0x2];
	[bflag:$0x3] =	sbarrier.arrive $0xFFFF;
	s2 =	simm.s32 @!p0 $0x1C1B  }
0x10f: {  	[timem:s3], [sflag:s2] =	dma.local @!p0 [hbm:s0], s1  }
0x110: {  	s0 =	simm.s32 @!p0 $0x1B  }
0x111: {  	_ =	swait.ge @!p0 [sflag:s0], s1  }
0x112: {  	s1 =	ssub.s32 @!p0 $0x0, s1;
	[sflag:s0] =	ssyncset.done @!p0 $0x0  }
0x113: {  	[sflag:s0] =	ssyncadd.s32 @!p0 s1  }
0x114: {  	[bflag:$0x3] =	sbarrier.arrive $0xFFFF  }
0x115: {  	_ =	shalt  }

</sc_bundles>
